<compile_context>
chip_gen: v7x
topology: tpu7x:2x2x1
jax: 0.10.2.dev20260603
libtpu: 0.0.44.dev20260713+nightly
codegen_flags: <defaults>
</compile_context>

<pallas_src>
import functools

import jax
import jax.numpy as jnp
from jax import lax
from jax.experimental import pallas as pl
from jax.experimental.pallas import tpu as pltpu
from jax.experimental.pallas import tpu_sc as plsc

_TOP_K = 32
_B = 32
_N = 4096
_D = 768
_B_SC = 2
_B_TC = _B - _B_SC
_NTILES = 32
_TPB = _NTILES // _B_SC
_RPT = _N // _TPB
_CH = 64
_LANE = 16
_GT = _B_SC * _TOP_K // _LANE
_GPB = _TOP_K // _LANE


def _topk_kernel(alpha_ref, wts_ref, tki_ref, tkw_ref):
    a = alpha_ref[:]
    b, n = a.shape
    iota = lax.broadcasted_iota(jnp.int32, (b, n), 1)
    kiota = lax.broadcasted_iota(jnp.int32, (b, _TOP_K), 1)
    neg = jnp.float32(-jnp.inf)

    def body(k, carry):
        a, wnum, ind, s, ki, kv = carry
        m = jnp.max(a, axis=1, keepdims=True)
        idx = jnp.min(jnp.where(a == m, iota, n), axis=1, keepdims=True)
        onehot = iota == idx
        wnum = wnum + jnp.where(onehot, m, 0.0)
        ind = ind + jnp.where(onehot, 1.0, 0.0)
        s = s + m
        ksel = kiota == k
        ki = ki + jnp.where(ksel, idx, 0)
        kv = kv + jnp.where(ksel, m, 0.0)
        a = jnp.where(onehot, neg, a)
        return a, wnum, ind, s, ki, kv

    zeros = jnp.zeros_like(a)
    s0 = jnp.zeros((b, 1), jnp.float32)
    ki0 = jnp.zeros((b, _TOP_K), jnp.int32)
    kv0 = jnp.zeros((b, _TOP_K), jnp.float32)
    _, wnum, ind, s, ki, kv = lax.fori_loop(
        0, _TOP_K, body, (a, zeros, zeros, s0, ki0, kv0))
    wts_ref[:, 0, :] = jnp.ones_like(a)
    wts_ref[:, 1, :] = alpha_ref[:]
    wts_ref[:, 2, :] = wnum / (s + 1e-8)
    wts_ref[:, 3, :] = ind
    tki_ref[:] = ki
    tkw_ref[:] = kv / (s + 1e-8)


def _stream_kernel(wts_ref, f_ref, acc_ref):
    i = pl.program_id(0)
    nb = pl.program_id(1)
    w = wts_ref[i].astype(jnp.bfloat16)
    part = jnp.dot(w, f_ref[0].astype(jnp.bfloat16),
                   preferred_element_type=jnp.float32)

    @pl.when(nb == 0)
    def _():
        acc_ref[0] = part

    @pl.when(nb != 0)
    def _():
        acc_ref[0] += part


def _sc_sums_kernel(f_hbm, alpha_hbm, out_hbm, rowbuf, wbuf, accbuf):
    c = lax.axis_index("c")
    s = lax.axis_index("s")
    wid = s * 2 + c
    b = _B_TC + wid // _TPB
    n0 = (wid % _TPB) * _RPT

    pltpu.sync_copy(alpha_hbm.at[b, pl.ds(n0, _RPT)], wbuf)

    zero16 = jnp.zeros((_LANE,), jnp.float32)
    for rrow in range(2):
        for cc in range(_D // _LANE):
            accbuf[rrow, pl.ds(cc * _LANE, _LANE)] = zero16

    npanel = _D // 128

    def chunk_body(ch, carry):
        pltpu.sync_copy(f_hbm.at[b, pl.ds(n0 + ch * _CH, _CH), :], rowbuf)
        for p in range(npanel):
            col0 = p * 128

            def row_body(r, regs, col0=col0, ch=ch):
                wa = plsc.load_gather(
                    wbuf, [jnp.full((_LANE,), ch * _CH + r, jnp.int32)])
                out0 = []
                out1 = []
                for cc in range(8):
                    fv = rowbuf[r, pl.ds(col0 + cc * _LANE, _LANE)]
                    out0.append(regs[0][cc] + fv)
                    out1.append(regs[1][cc] + wa * fv)
                return (tuple(out0), tuple(out1))

            z8 = tuple(zero16 for _ in range(8))
            regs = lax.fori_loop(0, _CH, row_body, (z8, z8))
            for k in range(2):
                for cc in range(8):
                    sl = pl.ds(col0 + cc * _LANE, _LANE)
                    accbuf[k, sl] = accbuf[k, sl] + regs[k][cc]
        return carry

    lax.fori_loop(0, _RPT // _CH, chunk_body, 0)
    pltpu.sync_copy(accbuf, out_hbm.at[wid])


def _sc_topk_kernel(f_hbm, tki_hbm, tkw_hbm, out_hbm, idxbuf, wtbuf, rowbuf,
                    accbuf, sem):
    c = lax.axis_index("c")
    s = lax.axis_index("s")
    wid = s * 2 + c

    @pl.when(wid < _GT)
    def _():
        b = _B_TC + wid // _GPB
        k0 = (wid % _GPB) * _LANE
        pltpu.sync_copy(tki_hbm.at[b, pl.ds(k0, _LANE)], idxbuf)
        pltpu.sync_copy(tkw_hbm.at[b, pl.ds(k0, _LANE)], wtbuf)
        pltpu.async_copy(f_hbm.at[b].at[idxbuf], rowbuf, sem).wait()

        zero16 = jnp.zeros((_LANE,), jnp.float32)
        for rrow in range(2):
            for cc in range(_D // _LANE):
                accbuf[rrow, pl.ds(cc * _LANE, _LANE)] = zero16

        npanel = _D // 128
        for p in range(npanel):
            col0 = p * 128

            def row_body(r, regs, col0=col0):
                ww = plsc.load_gather(
                    wtbuf, [jnp.full((_LANE,), r, jnp.int32)])
                out0 = []
                out1 = []
                for cc in range(8):
                    fv = rowbuf[r, pl.ds(col0 + cc * _LANE, _LANE)]
                    out0.append(regs[0][cc] + ww * fv)
                    out1.append(regs[1][cc] + fv)
                return (tuple(out0), tuple(out1))

            z8 = tuple(jnp.zeros((_LANE,), jnp.float32) for _ in range(8))
            regs = lax.fori_loop(0, _LANE, row_body, (z8, z8))
            for k in range(2):
                for cc in range(8):
                    sl = pl.ds(col0 + cc * _LANE, _LANE)
                    accbuf[k, sl] = accbuf[k, sl] + regs[k][cc]

        pltpu.sync_copy(accbuf, out_hbm.at[wid])


_sc_sums = functools.partial(
    pl.kernel,
    out_type=jax.ShapeDtypeStruct((_NTILES, 2, _D), jnp.float32),
    mesh=plsc.VectorSubcoreMesh(core_axis_name="c", subcore_axis_name="s"),
    scratch_types=[
        pltpu.VMEM((_CH, _D), jnp.float32),
        pltpu.VMEM((_RPT,), jnp.float32),
        pltpu.VMEM((2, _D), jnp.float32),
    ],
    compiler_params=pltpu.CompilerParams(needs_layout_passes=False),
)(_sc_sums_kernel)

_sc_topk = functools.partial(
    pl.kernel,
    out_type=jax.ShapeDtypeStruct((_GT, 2, _D), jnp.float32),
    mesh=plsc.VectorSubcoreMesh(core_axis_name="c", subcore_axis_name="s"),
    scratch_types=[
        pltpu.VMEM((_LANE,), jnp.int32),
        pltpu.VMEM((_LANE,), jnp.float32),
        pltpu.VMEM((_LANE, _D), jnp.float32),
        pltpu.VMEM((2, _D), jnp.float32),
        pltpu.SemaphoreType.DMA,
    ],
    compiler_params=pltpu.CompilerParams(needs_layout_passes=False),
)(_sc_topk_kernel)


def _finish_kernel(acc_ref, sc1_ref, sc2_ref, wts_ref, wv_ref, bv_ref,
                   f1w_ref, f1b_ref, f2w_ref, f2b_ref, out_ref):
    a01 = jnp.sum(sc1_ref[:].reshape(_B_SC, _TPB, 2, _D), axis=1)
    a23 = jnp.sum(sc2_ref[:].reshape(_B_SC, _GPB, 2, _D), axis=1)
    acc_sc = jnp.concatenate([a01, a23], axis=1)
    acc = jnp.concatenate([acc_ref[:], acc_sc], axis=0)
    b = acc.shape[0]
    n = wts_ref.shape[2]
    p = jnp.dot(acc.reshape(b * 4, -1), wv_ref[:],
                preferred_element_type=jnp.float32).reshape(b, 4, -1)
    bv = bv_ref[:]
    sum_alpha = jnp.sum(wts_ref[:, 1, :], axis=1, keepdims=True)
    sum_w = jnp.sum(wts_ref[:, 2, :], axis=1, keepdims=True)
    s_all = p[:, 0, :] + jnp.float32(n) * bv
    broad = p[:, 1, :] + sum_alpha * bv
    focus = p[:, 2, :] + sum_w * bv
    s_top = p[:, 3, :] + jnp.float32(_TOP_K) * bv
    periph = (s_all - s_top) * jnp.float32(1.0 / (n - _TOP_K))
    concat = jnp.concatenate([focus, broad, periph], axis=-1)
    h = jnp.dot(concat, f1w_ref[:], preferred_element_type=jnp.float32) + f1b_ref[:]
    h = 0.5 * h * (1.0 + lax.erf(h * jnp.float32(0.7071067811865476)))
    out_ref[:] = jnp.dot(h, f2w_ref[:], preferred_element_type=jnp.float32) + f2b_ref[:]


def kernel(F_patches, alpha, Wv_w, Wv_b, f1_w, f1_b, f2_w, f2_b, step):
    b, n, d = F_patches.shape
    wv = lax.dynamic_index_in_dim(Wv_w, step, 0, keepdims=False)
    bv = lax.dynamic_index_in_dim(Wv_b, step, 0, keepdims=False)

    sc1 = _sc_sums(F_patches, alpha)

    wts, tki, tkw = pl.pallas_call(
        _topk_kernel,
        out_shape=[jax.ShapeDtypeStruct((b, 4, n), jnp.float32),
                   jax.ShapeDtypeStruct((b, _TOP_K), jnp.int32),
                   jax.ShapeDtypeStruct((b, _TOP_K), jnp.float32)],
    )(alpha)

    sc2 = _sc_topk(F_patches, tki, tkw)

    acc = pl.pallas_call(
        _stream_kernel,
        grid=(_B_TC, 1),
        in_specs=[
            pl.BlockSpec((b, 4, n), lambda i, j: (0, 0, 0)),
            pl.BlockSpec((1, n, d), lambda i, j: (i, j, 0)),
        ],
        out_specs=pl.BlockSpec((1, 4, d), lambda i, j: (i, 0, 0)),
        out_shape=jax.ShapeDtypeStruct((_B_TC, 4, d), jnp.float32),
    )(wts, F_patches)

    out = pl.pallas_call(
        _finish_kernel,
        out_shape=jax.ShapeDtypeStruct((b, d), jnp.float32),
    )(acc, sc1, sc2, wts, wv, bv, f1_w, f1_b, f2_w, f2_b)
    return out

# --- scband reference (transcript-rebuilt; emitter-appended) ---
"""Pipeline reference for scband-glimpse-extractor-79439715106821 (READ-ONLY COPY).

The authoritative reference and input builder live on the scoring server;
editing this copy changes nothing except your own understanding.
"""

import jax, jax.numpy as jnp
import numpy as np

B, N, D, D_V, T, TOP_K, STEP = 32, 4096, 768, 128, 5, 32, 2


def setup_inputs(seed: int = 0) -> dict:
    key = jax.random.key(seed)
    ks = jax.random.split(key, 8)
    F_patches = jax.random.normal(ks[0], (B, N, D), dtype=jnp.float32)
    alpha = jax.random.uniform(ks[1], (B, N), dtype=jnp.float32)
    Wv_w = jax.random.normal(ks[2], (T, D, D_V), dtype=jnp.float32) * 0.02
    Wv_b = jnp.zeros((T, D_V), dtype=jnp.float32)
    f1_w = jax.random.normal(ks[3], (D_V * 3, D_V * 2), dtype=jnp.float32) * 0.02
    f1_b = jnp.zeros((D_V * 2,), dtype=jnp.float32)
    f2_w = jax.random.normal(ks[4], (D_V * 2, D), dtype=jnp.float32) * 0.02
    f2_b = jnp.zeros((D,), dtype=jnp.float32)
    return {"F_patches": F_patches, "alpha": alpha, "Wv_w": Wv_w, "Wv_b": Wv_b,
            "f1_w": f1_w, "f1_b": f1_b, "f2_w": f2_w, "f2_b": f2_b, "step": STEP}


def reference(F_patches, alpha, Wv_w, Wv_b, f1_w, f1_b, f2_w, f2_b, step):
    b, n, _ = F_patches.shape
    # per-step value projection
    V = jnp.einsum('bnd,de->bne', F_patches, Wv_w[step]) + Wv_b[step]
    # top-k focus
    topk_vals, topk_idx = jax.lax.top_k(alpha, TOP_K)
    topk_weights = topk_vals / (jnp.sum(topk_vals, axis=-1, keepdims=True) + 1e-08)
    V_topk = jnp.take_along_axis(V, topk_idx[..., None], axis=1)
    focus = jnp.sum(V_topk * topk_weights[..., None], axis=1)
    # broad context
    broad = jnp.sum(V * alpha[..., None], axis=1)
    # peripheral: mean of non-top-k patches (scatter-overwrite mask)
    mask = jnp.ones((b, n), dtype=V.dtype)
    rows = jnp.arange(b)[:, None]
    mask = mask.at[rows, topk_idx].set(0.0)
    n_periph = jnp.clip(jnp.sum(mask, axis=-1, keepdims=True), 1.0, None)
    peripheral = jnp.sum(V * mask[..., None], axis=1) / n_periph
    concat = jnp.concatenate([focus, broad, peripheral], axis=-1)
    h = jax.nn.gelu(concat @ f1_w + f1_b, approximate=False)
    glimpse = h @ f2_w + f2_b
    return glimpse

if __name__ == "__main__":
    import jax
    _d = setup_inputs()
    print(jax.jit(kernel)(*tuple(_d.values())))

</pallas_src>

<mosaic_0001>
#map = affine_map<(d0, d1) -> (0, 0, 0)>
#map1 = affine_map<(d0, d1) -> (0, 0)>
module attributes {stable_mosaic.version = 14 : i64} {
  func.func @_sc_sums_kernel(%arg0: i32, %arg1: i32, %arg2: memref<32x4096x768xf32, #tpu.memory_space<hbm>>, %arg3: memref<32x4096xf32, #tpu.memory_space<hbm>>, %arg4: memref<32x2x768xf32, #tpu.memory_space<hbm>>, %arg5: memref<64x768xf32, #tpu.memory_space<vmem>>, %arg6: memref<256xf32, #tpu.memory_space<vmem>>, %arg7: memref<2x768xf32, #tpu.memory_space<vmem>>) attributes {dimension_semantics = [#tpu.dimension_semantics<core_parallel>, #tpu.dimension_semantics<subcore_parallel>], iteration_bounds = array<i64: 2, 16>, scalar_prefetch = 0 : i64, scratch_operands = 3 : i64, tpu.core_type = #tpu.core_type<sc_vector_subcore>, window_params = [{transform_indices = #map}, {transform_indices = #map1}, {transform_indices = #map}]} {
    %mul3A = arith.constant 2 : i32
    %mul3A_0 = arith.muli %arg1, %mul3A : i32
    %add3A = arith.addi %mul3A_0, %arg0 : i32
    %jit3A = arith.constant 16 : i32
    %div3A = arith.divsi %add3A, %jit3A : i32
    %sign3A = arith.constant 0 : i32
    %sign3A_1 = arith.cmpi sgt, %add3A, %sign3A : i32
    %sign3A_2 = arith.extui %sign3A_1 : i1 to i32
    %sign3A_3 = arith.constant 0 : i32
    %sign3A_4 = arith.cmpi slt, %add3A, %sign3A_3 : i32
    %sign3A_5 = arith.extui %sign3A_4 : i1 to i32
    %sign3A_6 = arith.subi %sign3A_2, %sign3A_5 : i32
    %sign3A_7 = arith.constant 0 : i32
    %sign3A_8 = arith.cmpi sgt, %jit3A, %sign3A_7 : i32
    %sign3A_9 = arith.extui %sign3A_8 : i1 to i32
    %sign3A_10 = arith.constant 0 : i32
    %sign3A_11 = arith.cmpi slt, %jit3A, %sign3A_10 : i32
    %sign3A_12 = arith.extui %sign3A_11 : i1 to i32
    %sign3A_13 = arith.subi %sign3A_9, %sign3A_12 : i32
    %ne3A = arith.cmpi ne, %sign3A_6, %sign3A_13 : i32
    %rem3A = arith.remsi %add3A, %jit3A : i32
    %ne3A_14 = arith.constant 0 : i32
    %ne3A_15 = arith.cmpi ne, %rem3A, %ne3A_14 : i32
    %and3A = arith.andi %ne3A, %ne3A_15 : i1
    %sub3A = arith.constant 1 : i32
    %sub3A_16 = arith.subi %div3A, %sub3A : i32
    %select_n3A = arith.select %and3A, %sub3A_16, %div3A : i32
    %add3A_17 = arith.constant 30 : i32
    %add3A_18 = arith.addi %add3A_17, %select_n3A : i32
    %jit3A_19 = arith.constant 16 : i32
    %eq3A = arith.constant 0 : i32
    %eq3A_20 = arith.cmpi eq, %jit3A_19, %eq3A : i32
    %jit3A_21 = arith.constant 1 : i32
    %select_n3A_22 = arith.select %eq3A_20, %jit3A_21, %jit3A_19 : i32
    %rem3A_23 = arith.remsi %add3A, %select_n3A_22 : i32
    %ne3A_24 = arith.constant 0 : i32
    %ne3A_25 = arith.cmpi ne, %rem3A_23, %ne3A_24 : i32
    %lt3A = arith.constant 0 : i32
    %lt3A_26 = arith.cmpi slt, %rem3A_23, %lt3A : i32
    %lt3A_27 = arith.constant 0 : i32
    %lt3A_28 = arith.cmpi slt, %select_n3A_22, %lt3A_27 : i32
    %ne3A_29 = arith.xori %lt3A_26, %lt3A_28 : i1
    %and3A_30 = arith.andi %ne3A_29, %ne3A_25 : i1
    %add3A_31 = arith.addi %rem3A_23, %select_n3A_22 : i32
    %select_n3A_32 = arith.select %and3A_30, %add3A_31, %rem3A_23 : i32
    %mul3A_33 = arith.constant 256 : i32
    %mul3A_34 = arith.muli %select_n3A_32, %mul3A_33 : i32
    "tpu.region"() ({
      %run_scoped3A = tpu.sem_alloc : memref<!tpu.dma_semaphore, #tpu.memory_space<semaphore_mem>>
      %dma_start3A = tpu.memref_slice %arg3[%add3A_18, %mul3A_34] : memref<32x4096xf32, #tpu.memory_space<hbm>> -> memref<1x256xf32, #tpu.memory_space<hbm>>
      %dma_start3A_424 = tpu.memref_squeeze %dma_start3A : memref<1x256xf32, #tpu.memory_space<hbm>> -> memref<256xf32, #tpu.memory_space<hbm>>
      %dma_start3A_425 = tpu.memref_slice %arg3[%add3A_18, %mul3A_34] : memref<32x4096xf32, #tpu.memory_space<hbm>> -> memref<1x256xf32, #tpu.memory_space<hbm>>
      %dma_start3A_426 = tpu.memref_squeeze %dma_start3A_425 : memref<1x256xf32, #tpu.memory_space<hbm>> -> memref<256xf32, #tpu.memory_space<hbm>>
      tpu.enqueue_dma source(%dma_start3A_426 : memref<256xf32, #tpu.memory_space<hbm>>) target(%arg6 : memref<256xf32, #tpu.memory_space<vmem>>) target_semaphore(%run_scoped3A : memref<!tpu.dma_semaphore, #tpu.memory_space<semaphore_mem>>)
      %dma_wait3A = tpu.memref_slice %arg3[%add3A_18, %mul3A_34] : memref<32x4096xf32, #tpu.memory_space<hbm>> -> memref<1x256xf32, #tpu.memory_space<hbm>>
      %dma_wait3A_427 = tpu.memref_squeeze %dma_wait3A : memref<1x256xf32, #tpu.memory_space<hbm>> -> memref<256xf32, #tpu.memory_space<hbm>>
      %dma_wait3A_428 = tpu.memref_slice %arg3[%add3A_18, %mul3A_34] : memref<32x4096xf32, #tpu.memory_space<hbm>> -> memref<1x256xf32, #tpu.memory_space<hbm>>
      %dma_wait3A_429 = tpu.memref_squeeze %dma_wait3A_428 : memref<1x256xf32, #tpu.memory_space<hbm>> -> memref<256xf32, #tpu.memory_space<hbm>>
      tpu.wait_dma2 semaphore(%run_scoped3A : memref<!tpu.dma_semaphore, #tpu.memory_space<semaphore_mem>>) src(%dma_wait3A_429 : memref<256xf32, #tpu.memory_space<hbm>>) dst(%arg6 : memref<256xf32, #tpu.memory_space<vmem>>)
      tpu.yield
    }) : () -> ()
    %broadcast_in_dim3A = arith.constant 0.000000e+00 : f32
    %broadcast_in_dim3A_35 = vector.broadcast %broadcast_in_dim3A : f32 to vector<16xf32>
    %swap3A = arith.constant 0 : i32
    %swap3A_36 = arith.index_cast %swap3A : i32 to index
    %swap3A_37 = arith.constant 0 : index
    %swap3A_38 = tpu.vector_load %arg7[%swap3A_36, %swap3A_37] {strides = array<i32>} : memref<2x768xf32, #tpu.memory_space<vmem>>, vector<16xf32>,
    tpu.vector_store %arg7[%swap3A_36, %swap3A_37], %broadcast_in_dim3A_35 {strides = array<i32>} : memref<2x768xf32, #tpu.memory_space<vmem>>, vector<16xf32>,
    %swap3A_39 = arith.constant 0 : i32
    %swap3A_40 = arith.index_cast %swap3A_39 : i32 to index
    %swap3A_41 = arith.constant 16 : index
    %swap3A_42 = tpu.vector_load %arg7[%swap3A_40, %swap3A_41] {strides = array<i32>} : memref<2x768xf32, #tpu.memory_space<vmem>>, vector<16xf32>,
    tpu.vector_store %arg7[%swap3A_40, %swap3A_41], %broadcast_in_dim3A_35 {strides = array<i32>} : memref<2x768xf32, #tpu.memory_space<vmem>>, vector<16xf32>,
    %swap3A_43 = arith.constant 0 : i32
    %swap3A_44 = arith.index_cast %swap3A_43 : i32 to index
    %swap3A_45 = arith.constant 32 : index
    %swap3A_46 = tpu.vector_load %arg7[%swap3A_44, %swap3A_45] {strides = array<i32>} : memref<2x768xf32, #tpu.memory_space<vmem>>, vector<16xf32>,
    tpu.vector_store %arg7[%swap3A_44, %swap3A_45], %broadcast_in_dim3A_35 {strides = array<i32>} : memref<2x768xf32, #tpu.memory_space<vmem>>, vector<16xf32>,
    %swap3A_47 = arith.constant 0 : i32
    %swap3A_48 = arith.index_cast %swap3A_47 : i32 to index
    %swap3A_49 = arith.constant 48 : index
    %swap3A_50 = tpu.vector_load %arg7[%swap3A_48, %swap3A_49] {strides = array<i32>} : memref<2x768xf32, #tpu.memory_space<vmem>>, vector<16xf32>,
    tpu.vector_store %arg7[%swap3A_48, %swap3A_49], %broadcast_in_dim3A_35 {strides = array<i32>} : memref<2x768xf32, #tpu.memory_space<vmem>>, vector<16xf32>,
    %swap3A_51 = arith.constant 0 : i32
    %swap3A_52 = arith.index_cast %swap3A_51 : i32 to index
    %swap3A_53 = arith.constant 64 : index
    %swap3A_54 = tpu.vector_load %arg7[%swap3A_52, %swap3A_53] {strides = array<i32>} : memref<2x768xf32, #tpu.memory_space<vmem>>, vector<16xf32>,
    tpu.vector_store %arg7[%swap3A_52, %swap3A_53], %broadcast_in_dim3A_35 {strides = array<i32>} : memref<2x768xf32, #tpu.memory_space<vmem>>, vector<16xf32>,
    %swap3A_55 = arith.constant 0 : i32
    %swap3A_56 = arith.index_cast %swap3A_55 : i32 to index
    %swap3A_57 = arith.constant 80 : index
    %swap3A_58 = tpu.vector_load %arg7[%swap3A_56, %swap3A_57] {strides = array<i32>} : memref<2x768xf32, #tpu.memory_space<vmem>>, vector<16xf32>,
    tpu.vector_store %arg7[%swap3A_56, %swap3A_57], %broadcast_in_dim3A_35 {strides = array<i32>} : memref<2x768xf32, #tpu.memory_space<vmem>>, vector<16xf32>,
    %swap3A_59 = arith.constant 0 : i32
    %swap3A_60 = arith.index_cast %swap3A_59 : i32 to index
    %swap3A_61 = arith.constant 96 : index
    %swap3A_62 = tpu.vector_load %arg7[%swap3A_60, %swap3A_61] {strides = array<i32>} : memref<2x768xf32, #tpu.memory_space<vmem>>, vector<16xf32>,
    tpu.vector_store %arg7[%swap3A_60, %swap3A_61], %broadcast_in_dim3A_35 {strides = array<i32>} : memref<2x768xf32, #tpu.memory_space<vmem>>, vector<16xf32>,
    %swap3A_63 = arith.constant 0 : i32
    %swap3A_64 = arith.index_cast %swap3A_63 : i32 to index
    %swap3A_65 = arith.constant 112 : index
    %swap3A_66 = tpu.vector_load %arg7[%swap3A_64, %swap3A_65] {strides = array<i32>} : memref<2x768xf32, #tpu.memory_space<vmem>>, vector<16xf32>,
    tpu.vector_store %arg7[%swap3A_64, %swap3A_65], %broadcast_in_dim3A_35 {strides = array<i32>} : memref<2x768xf32, #tpu.memory_space<vmem>>, vector<16xf32>,
    %swap3A_67 = arith.constant 0 : i32
    %swap3A_68 = arith.index_cast %swap3A_67 : i32 to index
    %swap3A_69 = arith.constant 128 : index
    %swap3A_70 = tpu.vector_load %arg7[%swap3A_68, %swap3A_69] {strides = array<i32>} : memref<2x768xf32, #tpu.memory_space<vmem>>, vector<16xf32>,
    tpu.vector_store %arg7[%swap3A_68, %swap3A_69], %broadcast_in_dim3A_35 {strides = array<i32>} : memref<2x768xf32, #tpu.memory_space<vmem>>, vector<16xf32>,
    %swap3A_71 = arith.constant 0 : i32
    %swap3A_72 = arith.index_cast %swap3A_71 : i32 to index
    %swap3A_73 = arith.constant 144 : index
    %swap3A_74 = tpu.vector_load %arg7[%swap3A_72, %swap3A_73] {strides = array<i32>} : memref<2x768xf32, #tpu.memory_space<vmem>>, vector<16xf32>,
    tpu.vector_store %arg7[%swap3A_72, %swap3A_73], %broadcast_in_dim3A_35 {strides = array<i32>} : memref<2x768xf32, #tpu.memory_space<vmem>>, vector<16xf32>,
    %swap3A_75 = arith.constant 0 : i32
    %swap3A_76 = arith.index_cast %swap3A_75 : i32 to index
    %swap3A_77 = arith.constant 160 : index
    %swap3A_78 = tpu.vector_load %arg7[%swap3A_76, %swap3A_77] {strides = array<i32>} : memref<2x768xf32, #tpu.memory_space<vmem>>, vector<16xf32>,
    tpu.vector_store %arg7[%swap3A_76, %swap3A_77], %broadcast_in_dim3A_35 {strides = array<i32>} : memref<2x768xf32, #tpu.memory_space<vmem>>, vector<16xf32>,
    %swap3A_79 = arith.constant 0 : i32
    %swap3A_80 = arith.index_cast %swap3A_79 : i32 to index
    %swap3A_81 = arith.constant 176 : index
    %swap3A_82 = tpu.vector_load %arg7[%swap3A_80, %swap3A_81] {strides = array<i32>} : memref<2x768xf32, #tpu.memory_space<vmem>>, vector<16xf32>,
    tpu.vector_store %arg7[%swap3A_80, %swap3A_81], %broadcast_in_dim3A_35 {strides = array<i32>} : memref<2x768xf32, #tpu.memory_space<vmem>>, vector<16xf32>,
    %swap3A_83 = arith.constant 0 : i32
    %swap3A_84 = arith.index_cast %swap3A_83 : i32 to index
    %swap3A_85 = arith.constant 192 : index
    %swap3A_86 = tpu.vector_load %arg7[%swap3A_84, %swap3A_85] {strides = array<i32>} : memref<2x768xf32, #tpu.memory_space<vmem>>, vector<16xf32>,
    tpu.vector_store %arg7[%swap3A_84, %swap3A_85], %broadcast_in_dim3A_35 {strides = array<i32>} : memref<2x768xf32, #tpu.memory_space<vmem>>, vector<16xf32>,
    %swap3A_87 = arith.constant 0 : i32
    %swap3A_88 = arith.index_cast %swap3A_87 : i32 to index
    %swap3A_89 = arith.constant 208 : index
    %swap3A_90 = tpu.vector_load %arg7[%swap3A_88, %swap3A_89] {strides = array<i32>} : memref<2x768xf32, #tpu.memory_space<vmem>>, vector<16xf32>,
    tpu.vector_store %arg7[%swap3A_88, %swap3A_89], %broadcast_in_dim3A_35 {strides = array<i32>} : memref<2x768xf32, #tpu.memory_space<vmem>>, vector<16xf32>,
    %swap3A_91 = arith.constant 0 : i32
    %swap3A_92 = arith.index_cast %swap3A_91 : i32 to index
    %swap3A_93 = arith.constant 224 : index
    %swap3A_94 = tpu.vector_load %arg7[%swap3A_92, %swap3A_93] {strides = array<i32>} : memref<2x768xf32, #tpu.memory_space<vmem>>, vector<16xf32>,
    tpu.vector_store %arg7[%swap3A_92, %swap3A_93], %broadcast_in_dim3A_35 {strides = array<i32>} : memref<2x768xf32, #tpu.memory_space<vmem>>, vector<16xf32>,
    %swap3A_95 = arith.constant 0 : i32
    %swap3A_96 = arith.index_cast %swap3A_95 : i32 to index
    %swap3A_97 = arith.constant 240 : index
    %swap3A_98 = tpu.vector_load %arg7[%swap3A_96, %swap3A_97] {strides = array<i32>} : memref<2x768xf32, #tpu.memory_space<vmem>>, vector<16xf32>,
    tpu.vector_store %arg7[%swap3A_96, %swap3A_97], %broadcast_in_dim3A_35 {strides = array<i32>} : memref<2x768xf32, #tpu.memory_space<vmem>>, vector<16xf32>,
    %swap3A_99 = arith.constant 0 : i32
    %swap3A_100 = arith.index_cast %swap3A_99 : i32 to index
    %swap3A_101 = arith.constant 256 : index
    %swap3A_102 = tpu.vector_load %arg7[%swap3A_100, %swap3A_101] {strides = array<i32>} : memref<2x768xf32, #tpu.memory_space<vmem>>, vector<16xf32>,
    tpu.vector_store %arg7[%swap3A_100, %swap3A_101], %broadcast_in_dim3A_35 {strides = array<i32>} : memref<2x768xf32, #tpu.memory_space<vmem>>, vector<16xf32>,
    %swap3A_103 = arith.constant 0 : i32
    %swap3A_104 = arith.index_cast %swap3A_103 : i32 to index
    %swap3A_105 = arith.constant 272 : index
    %swap3A_106 = tpu.vector_load %arg7[%swap3A_104, %swap3A_105] {strides = array<i32>} : memref<2x768xf32, #tpu.memory_space<vmem>>, vector<16xf32>,
    tpu.vector_store %arg7[%swap3A_104, %swap3A_105], %broadcast_in_dim3A_35 {strides = array<i32>} : memref<2x768xf32, #tpu.memory_space<vmem>>, vector<16xf32>,
    %swap3A_107 = arith.constant 0 : i32
    %swap3A_108 = arith.index_cast %swap3A_107 : i32 to index
    %swap3A_109 = arith.constant 288 : index
    %swap3A_110 = tpu.vector_load %arg7[%swap3A_108, %swap3A_109] {strides = array<i32>} : memref<2x768xf32, #tpu.memory_space<vmem>>, vector<16xf32>,
    tpu.vector_store %arg7[%swap3A_108, %swap3A_109], %broadcast_in_dim3A_35 {strides = array<i32>} : memref<2x768xf32, #tpu.memory_space<vmem>>, vector<16xf32>,
    %swap3A_111 = arith.constant 0 : i32
    %swap3A_112 = arith.index_cast %swap3A_111 : i32 to index
    %swap3A_113 = arith.constant 304 : index
    %swap3A_114 = tpu.vector_load %arg7[%swap3A_112, %swap3A_113] {strides = array<i32>} : memref<2x768xf32, #tpu.memory_space<vmem>>, vector<16xf32>,
    tpu.vector_store %arg7[%swap3A_112, %swap3A_113], %broadcast_in_dim3A_35 {strides = array<i32>} : memref<2x768xf32, #tpu.memory_space<vmem>>, vector<16xf32>,
    %swap3A_115 = arith.constant 0 : i32
    %swap3A_116 = arith.index_cast %swap3A_115 : i32 to index
    %swap3A_117 = arith.constant 320 : index
    %swap3A_118 = tpu.vector_load %arg7[%swap3A_116, %swap3A_117] {strides = array<i32>} : memref<2x768xf32, #tpu.memory_space<vmem>>, vector<16xf32>,
    tpu.vector_store %arg7[%swap3A_116, %swap3A_117], %broadcast_in_dim3A_35 {strides = array<i32>} : memref<2x768xf32, #tpu.memory_space<vmem>>, vector<16xf32>,
    %swap3A_119 = arith.constant 0 : i32
    %swap3A_120 = arith.index_cast %swap3A_119 : i32 to index
    %swap3A_121 = arith.constant 336 : index
    %swap3A_122 = tpu.vector_load %arg7[%swap3A_120, %swap3A_121] {strides = array<i32>} : memref<2x768xf32, #tpu.memory_space<vmem>>, vector<16xf32>,
    tpu.vector_store %arg7[%swap3A_120, %swap3A_121], %broadcast_in_dim3A_35 {strides = array<i32>} : memref<2x768xf32, #tpu.memory_space<vmem>>, vector<16xf32>,
    %swap3A_123 = arith.constant 0 : i32
    %swap3A_124 = arith.index_cast %swap3A_123 : i32 to index
    %swap3A_125 = arith.constant 352 : index
    %swap3A_126 = tpu.vector_load %arg7[%swap3A_124, %swap3A_125] {strides = array<i32>} : memref<2x768xf32, #tpu.memory_space<vmem>>, vector<16xf32>,
    tpu.vector_store %arg7[%swap3A_124, %swap3A_125], %broadcast_in_dim3A_35 {strides = array<i32>} : memref<2x768xf32, #tpu.memory_space<vmem>>, vector<16xf32>,
    %swap3A_127 = arith.constant 0 : i32
    %swap3A_128 = arith.index_cast %swap3A_127 : i32 to index
    %swap3A_129 = arith.constant 368 : index
    %swap3A_130 = tpu.vector_load %arg7[%swap3A_128, %swap3A_129] {strides = array<i32>} : memref<2x768xf32, #tpu.memory_space<vmem>>, vector<16xf32>,
    tpu.vector_store %arg7[%swap3A_128, %swap3A_129], %broadcast_in_dim3A_35 {strides = array<i32>} : memref<2x768xf32, #tpu.memory_space<vmem>>, vector<16xf32>,
    %swap3A_131 = arith.constant 0 : i32
    %swap3A_132 = arith.index_cast %swap3A_131 : i32 to index
    %swap3A_133 = arith.constant 384 : index
    %swap3A_134 = tpu.vector_load %arg7[%swap3A_132, %swap3A_133] {strides = array<i32>} : memref<2x768xf32, #tpu.memory_space<vmem>>, vector<16xf32>,
    tpu.vector_store %arg7[%swap3A_132, %swap3A_133], %broadcast_in_dim3A_35 {strides = array<i32>} : memref<2x768xf32, #tpu.memory_space<vmem>>, vector<16xf32>,
    %swap3A_135 = arith.constant 0 : i32
    %swap3A_136 = arith.index_cast %swap3A_135 : i32 to index
    %swap3A_137 = arith.constant 400 : index
    %swap3A_138 = tpu.vector_load %arg7[%swap3A_136, %swap3A_137] {strides = array<i32>} : memref<2x768xf32, #tpu.memory_space<vmem>>, vector<16xf32>,
    tpu.vector_store %arg7[%swap3A_136, %swap3A_137], %broadcast_in_dim3A_35 {strides = array<i32>} : memref<2x768xf32, #tpu.memory_space<vmem>>, vector<16xf32>,
    %swap3A_139 = arith.constant 0 : i32
    %swap3A_140 = arith.index_cast %swap3A_139 : i32 to index
    %swap3A_141 = arith.constant 416 : index
    %swap3A_142 = tpu.vector_load %arg7[%swap3A_140, %swap3A_141] {strides = array<i32>} : memref<2x768xf32, #tpu.memory_space<vmem>>, vector<16xf32>,
    tpu.vector_store %arg7[%swap3A_140, %swap3A_141], %broadcast_in_dim3A_35 {strides = array<i32>} : memref<2x768xf32, #tpu.memory_space<vmem>>, vector<16xf32>,
    %swap3A_143 = arith.constant 0 : i32
    %swap3A_144 = arith.index_cast %swap3A_143 : i32 to index
    %swap3A_145 = arith.constant 432 : index
    %swap3A_146 = tpu.vector_load %arg7[%swap3A_144, %swap3A_145] {strides = array<i32>} : memref<2x768xf32, #tpu.memory_space<vmem>>, vector<16xf32>,
    tpu.vector_store %arg7[%swap3A_144, %swap3A_145], %broadcast_in_dim3A_35 {strides = array<i32>} : memref<2x768xf32, #tpu.memory_space<vmem>>, vector<16xf32>,
    %swap3A_147 = arith.constant 0 : i32
    %swap3A_148 = arith.index_cast %swap3A_147 : i32 to index
    %swap3A_149 = arith.constant 448 : index
    %swap3A_150 = tpu.vector_load %arg7[%swap3A_148, %swap3A_149] {strides = array<i32>} : memref<2x768xf32, #tpu.memory_space<vmem>>, vector<16xf32>,
    tpu.vector_store %arg7[%swap3A_148, %swap3A_149], %broadcast_in_dim3A_35 {strides = array<i32>} : memref<2x768xf32, #tpu.memory_space<vmem>>, vector<16xf32>,
    %swap3A_151 = arith.constant 0 : i32
    %swap3A_152 = arith.index_cast %swap3A_151 : i32 to index
    %swap3A_153 = arith.constant 464 : index
    %swap3A_154 = tpu.vector_load %arg7[%swap3A_152, %swap3A_153] {strides = array<i32>} : memref<2x768xf32, #tpu.memory_space<vmem>>, vector<16xf32>,
    tpu.vector_store %arg7[%swap3A_152, %swap3A_153], %broadcast_in_dim3A_35 {strides = array<i32>} : memref<2x768xf32, #tpu.memory_space<vmem>>, vector<16xf32>,
    %swap3A_155 = arith.constant 0 : i32
    %swap3A_156 = arith.index_cast %swap3A_155 : i32 to index
    %swap3A_157 = arith.constant 480 : index
    %swap3A_158 = tpu.vector_load %arg7[%swap3A_156, %swap3A_157] {strides = array<i32>} : memref<2x768xf32, #tpu.memory_space<vmem>>, vector<16xf32>,
    tpu.vector_store %arg7[%swap3A_156, %swap3A_157], %broadcast_in_dim3A_35 {strides = array<i32>} : memref<2x768xf32, #tpu.memory_space<vmem>>, vector<16xf32>,
    %swap3A_159 = arith.constant 0 : i32
    %swap3A_160 = arith.index_cast %swap3A_159 : i32 to index
    %swap3A_161 = arith.constant 496 : index
    %swap3A_162 = tpu.vector_load %arg7[%swap3A_160, %swap3A_161] {strides = array<i32>} : memref<2x768xf32, #tpu.memory_space<vmem>>, vector<16xf32>,
    tpu.vector_store %arg7[%swap3A_160, %swap3A_161], %broadcast_in_dim3A_35 {strides = array<i32>} : memref<2x768xf32, #tpu.memory_space<vmem>>, vector<16xf32>,
    %swap3A_163 = arith.constant 0 : i32
    %swap3A_164 = arith.index_cast %swap3A_163 : i32 to index
    %swap3A_165 = arith.constant 512 : index
    %swap3A_166 = tpu.vector_load %arg7[%swap3A_164, %swap3A_165] {strides = array<i32>} : memref<2x768xf32, #tpu.memory_space<vmem>>, vector<16xf32>,
    tpu.vector_store %arg7[%swap3A_164, %swap3A_165], %broadcast_in_dim3A_35 {strides = array<i32>} : memref<2x768xf32, #tpu.memory_space<vmem>>, vector<16xf32>,
    %swap3A_167 = arith.constant 0 : i32
    %swap3A_168 = arith.index_cast %swap3A_167 : i32 to index
    %swap3A_169 = arith.constant 528 : index
    %swap3A_170 = tpu.vector_load %arg7[%swap3A_168, %swap3A_169] {strides = array<i32>} : memref<2x768xf32, #tpu.memory_space<vmem>>, vector<16xf32>,
    tpu.vector_store %arg7[%swap3A_168, %swap3A_169], %broadcast_in_dim3A_35 {strides = array<i32>} : memref<2x768xf32, #tpu.memory_space<vmem>>, vector<16xf32>,
    %swap3A_171 = arith.constant 0 : i32
    %swap3A_172 = arith.index_cast %swap3A_171 : i32 to index
    %swap3A_173 = arith.constant 544 : index
    %swap3A_174 = tpu.vector_load %arg7[%swap3A_172, %swap3A_173] {strides = array<i32>} : memref<2x768xf32, #tpu.memory_space<vmem>>, vector<16xf32>,
    tpu.vector_store %arg7[%swap3A_172, %swap3A_173], %broadcast_in_dim3A_35 {strides = array<i32>} : memref<2x768xf32, #tpu.memory_space<vmem>>, vector<16xf32>,
    %swap3A_175 = arith.constant 0 : i32
    %swap3A_176 = arith.index_cast %swap3A_175 : i32 to index
    %swap3A_177 = arith.constant 560 : index
    %swap3A_178 = tpu.vector_load %arg7[%swap3A_176, %swap3A_177] {strides = array<i32>} : memref<2x768xf32, #tpu.memory_space<vmem>>, vector<16xf32>,
    tpu.vector_store %arg7[%swap3A_176, %swap3A_177], %broadcast_in_dim3A_35 {strides = array<i32>} : memref<2x768xf32, #tpu.memory_space<vmem>>, vector<16xf32>,
    %swap3A_179 = arith.constant 0 : i32
    %swap3A_180 = arith.index_cast %swap3A_179 : i32 to index
    %swap3A_181 = arith.constant 576 : index
    %swap3A_182 = tpu.vector_load %arg7[%swap3A_180, %swap3A_181] {strides = array<i32>} : memref<2x768xf32, #tpu.memory_space<vmem>>, vector<16xf32>,
    tpu.vector_store %arg7[%swap3A_180, %swap3A_181], %broadcast_in_dim3A_35 {strides = array<i32>} : memref<2x768xf32, #tpu.memory_space<vmem>>, vector<16xf32>,
    %swap3A_183 = arith.constant 0 : i32
    %swap3A_184 = arith.index_cast %swap3A_183 : i32 to index
    %swap3A_185 = arith.constant 592 : index
    %swap3A_186 = tpu.vector_load %arg7[%swap3A_184, %swap3A_185] {strides = array<i32>} : memref<2x768xf32, #tpu.memory_space<vmem>>, vector<16xf32>,
    tpu.vector_store %arg7[%swap3A_184, %swap3A_185], %broadcast_in_dim3A_35 {strides = array<i32>} : memref<2x768xf32, #tpu.memory_space<vmem>>, vector<16xf32>,
    %swap3A_187 = arith.constant 0 : i32
    %swap3A_188 = arith.index_cast %swap3A_187 : i32 to index
    %swap3A_189 = arith.constant 608 : index
    %swap3A_190 = tpu.vector_load %arg7[%swap3A_188, %swap3A_189] {strides = array<i32>} : memref<2x768xf32, #tpu.memory_space<vmem>>, vector<16xf32>,
    tpu.vector_store %arg7[%swap3A_188, %swap3A_189], %broadcast_in_dim3A_35 {strides = array<i32>} : memref<2x768xf32, #tpu.memory_space<vmem>>, vector<16xf32>,
    %swap3A_191 = arith.constant 0 : i32
    %swap3A_192 = arith.index_cast %swap3A_191 : i32 to index
    %swap3A_193 = arith.constant 624 : index
    %swap3A_194 = tpu.vector_load %arg7[%swap3A_192, %swap3A_193] {strides = array<i32>} : memref<2x768xf32, #tpu.memory_space<vmem>>, vector<16xf32>,
    tpu.vector_store %arg7[%swap3A_192, %swap3A_193], %broadcast_in_dim3A_35 {strides = array<i32>} : memref<2x768xf32, #tpu.memory_space<vmem>>, vector<16xf32>,
    %swap3A_195 = arith.constant 0 : i32
    %swap3A_196 = arith.index_cast %swap3A_195 : i32 to index
    %swap3A_197 = arith.constant 640 : index
    %swap3A_198 = tpu.vector_load %arg7[%swap3A_196, %swap3A_197] {strides = array<i32>} : memref<2x768xf32, #tpu.memory_space<vmem>>, vector<16xf32>,
    tpu.vector_store %arg7[%swap3A_196, %swap3A_197], %broadcast_in_dim3A_35 {strides = array<i32>} : memref<2x768xf32, #tpu.memory_space<vmem>>, vector<16xf32>,
    %swap3A_199 = arith.constant 0 : i32
    %swap3A_200 = arith.index_cast %swap3A_199 : i32 to index
    %swap3A_201 = arith.constant 656 : index
    %swap3A_202 = tpu.vector_load %arg7[%swap3A_200, %swap3A_201] {strides = array<i32>} : memref<2x768xf32, #tpu.memory_space<vmem>>, vector<16xf32>,
    tpu.vector_store %arg7[%swap3A_200, %swap3A_201], %broadcast_in_dim3A_35 {strides = array<i32>} : memref<2x768xf32, #tpu.memory_space<vmem>>, vector<16xf32>,
    %swap3A_203 = arith.constant 0 : i32
    %swap3A_204 = arith.index_cast %swap3A_203 : i32 to index
    %swap3A_205 = arith.constant 672 : index
    %swap3A_206 = tpu.vector_load %arg7[%swap3A_204, %swap3A_205] {strides = array<i32>} : memref<2x768xf32, #tpu.memory_space<vmem>>, vector<16xf32>,
    tpu.vector_store %arg7[%swap3A_204, %swap3A_205], %broadcast_in_dim3A_35 {strides = array<i32>} : memref<2x768xf32, #tpu.memory_space<vmem>>, vector<16xf32>,
    %swap3A_207 = arith.constant 0 : i32
    %swap3A_208 = arith.index_cast %swap3A_207 : i32 to index
    %swap3A_209 = arith.constant 688 : index
    %swap3A_210 = tpu.vector_load %arg7[%swap3A_208, %swap3A_209] {strides = array<i32>} : memref<2x768xf32, #tpu.memory_space<vmem>>, vector<16xf32>,
    tpu.vector_store %arg7[%swap3A_208, %swap3A_209], %broadcast_in_dim3A_35 {strides = array<i32>} : memref<2x768xf32, #tpu.memory_space<vmem>>, vector<16xf32>,
    %swap3A_211 = arith.constant 0 : i32
    %swap3A_212 = arith.index_cast %swap3A_211 : i32 to index
    %swap3A_213 = arith.constant 704 : index
    %swap3A_214 = tpu.vector_load %arg7[%swap3A_212, %swap3A_213] {strides = array<i32>} : memref<2x768xf32, #tpu.memory_space<vmem>>, vector<16xf32>,
    tpu.vector_store %arg7[%swap3A_212, %swap3A_213], %broadcast_in_dim3A_35 {strides = array<i32>} : memref<2x768xf32, #tpu.memory_space<vmem>>, vector<16xf32>,
    %swap3A_215 = arith.constant 0 : i32
    %swap3A_216 = arith.index_cast %swap3A_215 : i32 to index
    %swap3A_217 = arith.constant 720 : index
    %swap3A_218 = tpu.vector_load %arg7[%swap3A_216, %swap3A_217] {strides = array<i32>} : memref<2x768xf32, #tpu.memory_space<vmem>>, vector<16xf32>,
    tpu.vector_store %arg7[%swap3A_216, %swap3A_217], %broadcast_in_dim3A_35 {strides = array<i32>} : memref<2x768xf32, #tpu.memory_space<vmem>>, vector<16xf32>,
    %swap3A_219 = arith.constant 0 : i32
    %swap3A_220 = arith.index_cast %swap3A_219 : i32 to index
    %swap3A_221 = arith.constant 736 : index
    %swap3A_222 = tpu.vector_load %arg7[%swap3A_220, %swap3A_221] {strides = array<i32>} : memref<2x768xf32, #tpu.memory_space<vmem>>, vector<16xf32>,
    tpu.vector_store %arg7[%swap3A_220, %swap3A_221], %broadcast_in_dim3A_35 {strides = array<i32>} : memref<2x768xf32, #tpu.memory_space<vmem>>, vector<16xf32>,
    %swap3A_223 = arith.constant 0 : i32
    %swap3A_224 = arith.index_cast %swap3A_223 : i32 to index
    %swap3A_225 = arith.constant 752 : index
    %swap3A_226 = tpu.vector_load %arg7[%swap3A_224, %swap3A_225] {strides = array<i32>} : memref<2x768xf32, #tpu.memory_space<vmem>>, vector<16xf32>,
    tpu.vector_store %arg7[%swap3A_224, %swap3A_225], %broadcast_in_dim3A_35 {strides = array<i32>} : memref<2x768xf32, #tpu.memory_space<vmem>>, vector<16xf32>,
    %swap3A_227 = arith.constant 1 : i32
    %swap3A_228 = arith.index_cast %swap3A_227 : i32 to index
    %swap3A_229 = arith.constant 0 : index
    %swap3A_230 = tpu.vector_load %arg7[%swap3A_228, %swap3A_229] {strides = array<i32>} : memref<2x768xf32, #tpu.memory_space<vmem>>, vector<16xf32>,
    tpu.vector_store %arg7[%swap3A_228, %swap3A_229], %broadcast_in_dim3A_35 {strides = array<i32>} : memref<2x768xf32, #tpu.memory_space<vmem>>, vector<16xf32>,
    %swap3A_231 = arith.constant 1 : i32
    %swap3A_232 = arith.index_cast %swap3A_231 : i32 to index
    %swap3A_233 = arith.constant 16 : index
    %swap3A_234 = tpu.vector_load %arg7[%swap3A_232, %swap3A_233] {strides = array<i32>} : memref<2x768xf32, #tpu.memory_space<vmem>>, vector<16xf32>,
    tpu.vector_store %arg7[%swap3A_232, %swap3A_233], %broadcast_in_dim3A_35 {strides = array<i32>} : memref<2x768xf32, #tpu.memory_space<vmem>>, vector<16xf32>,
    %swap3A_235 = arith.constant 1 : i32
    %swap3A_236 = arith.index_cast %swap3A_235 : i32 to index
    %swap3A_237 = arith.constant 32 : index
    %swap3A_238 = tpu.vector_load %arg7[%swap3A_236, %swap3A_237] {strides = array<i32>} : memref<2x768xf32, #tpu.memory_space<vmem>>, vector<16xf32>,
    tpu.vector_store %arg7[%swap3A_236, %swap3A_237], %broadcast_in_dim3A_35 {strides = array<i32>} : memref<2x768xf32, #tpu.memory_space<vmem>>, vector<16xf32>,
    %swap3A_239 = arith.constant 1 : i32
    %swap3A_240 = arith.index_cast %swap3A_239 : i32 to index
    %swap3A_241 = arith.constant 48 : index
    %swap3A_242 = tpu.vector_load %arg7[%swap3A_240, %swap3A_241] {strides = array<i32>} : memref<2x768xf32, #tpu.memory_space<vmem>>, vector<16xf32>,
    tpu.vector_store %arg7[%swap3A_240, %swap3A_241], %broadcast_in_dim3A_35 {strides = array<i32>} : memref<2x768xf32, #tpu.memory_space<vmem>>, vector<16xf32>,
    %swap3A_243 = arith.constant 1 : i32
    %swap3A_244 = arith.index_cast %swap3A_243 : i32 to index
    %swap3A_245 = arith.constant 64 : index
    %swap3A_246 = tpu.vector_load %arg7[%swap3A_244, %swap3A_245] {strides = array<i32>} : memref<2x768xf32, #tpu.memory_space<vmem>>, vector<16xf32>,
    tpu.vector_store %arg7[%swap3A_244, %swap3A_245], %broadcast_in_dim3A_35 {strides = array<i32>} : memref<2x768xf32, #tpu.memory_space<vmem>>, vector<16xf32>,
    %swap3A_247 = arith.constant 1 : i32
    %swap3A_248 = arith.index_cast %swap3A_247 : i32 to index
    %swap3A_249 = arith.constant 80 : index
    %swap3A_250 = tpu.vector_load %arg7[%swap3A_248, %swap3A_249] {strides = array<i32>} : memref<2x768xf32, #tpu.memory_space<vmem>>, vector<16xf32>,
    tpu.vector_store %arg7[%swap3A_248, %swap3A_249], %broadcast_in_dim3A_35 {strides = array<i32>} : memref<2x768xf32, #tpu.memory_space<vmem>>, vector<16xf32>,
    %swap3A_251 = arith.constant 1 : i32
    %swap3A_252 = arith.index_cast %swap3A_251 : i32 to index
    %swap3A_253 = arith.constant 96 : index
    %swap3A_254 = tpu.vector_load %arg7[%swap3A_252, %swap3A_253] {strides = array<i32>} : memref<2x768xf32, #tpu.memory_space<vmem>>, vector<16xf32>,
    tpu.vector_store %arg7[%swap3A_252, %swap3A_253], %broadcast_in_dim3A_35 {strides = array<i32>} : memref<2x768xf32, #tpu.memory_space<vmem>>, vector<16xf32>,
    %swap3A_255 = arith.constant 1 : i32
    %swap3A_256 = arith.index_cast %swap3A_255 : i32 to index
    %swap3A_257 = arith.constant 112 : index
    %swap3A_258 = tpu.vector_load %arg7[%swap3A_256, %swap3A_257] {strides = array<i32>} : memref<2x768xf32, #tpu.memory_space<vmem>>, vector<16xf32>,
    tpu.vector_store %arg7[%swap3A_256, %swap3A_257], %broadcast_in_dim3A_35 {strides = array<i32>} : memref<2x768xf32, #tpu.memory_space<vmem>>, vector<16xf32>,
    %swap3A_259 = arith.constant 1 : i32
    %swap3A_260 = arith.index_cast %swap3A_259 : i32 to index
    %swap3A_261 = arith.constant 128 : index
    %swap3A_262 = tpu.vector_load %arg7[%swap3A_260, %swap3A_261] {strides = array<i32>} : memref<2x768xf32, #tpu.memory_space<vmem>>, vector<16xf32>,
    tpu.vector_store %arg7[%swap3A_260, %swap3A_261], %broadcast_in_dim3A_35 {strides = array<i32>} : memref<2x768xf32, #tpu.memory_space<vmem>>, vector<16xf32>,
    %swap3A_263 = arith.constant 1 : i32
    %swap3A_264 = arith.index_cast %swap3A_263 : i32 to index
    %swap3A_265 = arith.constant 144 : index
    %swap3A_266 = tpu.vector_load %arg7[%swap3A_264, %swap3A_265] {strides = array<i32>} : memref<2x768xf32, #tpu.memory_space<vmem>>, vector<16xf32>,
    tpu.vector_store %arg7[%swap3A_264, %swap3A_265], %broadcast_in_dim3A_35 {strides = array<i32>} : memref<2x768xf32, #tpu.memory_space<vmem>>, vector<16xf32>,
    %swap3A_267 = arith.constant 1 : i32
    %swap3A_268 = arith.index_cast %swap3A_267 : i32 to index
    %swap3A_269 = arith.constant 160 : index
    %swap3A_270 = tpu.vector_load %arg7[%swap3A_268, %swap3A_269] {strides = array<i32>} : memref<2x768xf32, #tpu.memory_space<vmem>>, vector<16xf32>,
    tpu.vector_store %arg7[%swap3A_268, %swap3A_269], %broadcast_in_dim3A_35 {strides = array<i32>} : memref<2x768xf32, #tpu.memory_space<vmem>>, vector<16xf32>,
    %swap3A_271 = arith.constant 1 : i32
    %swap3A_272 = arith.index_cast %swap3A_271 : i32 to index
    %swap3A_273 = arith.constant 176 : index
    %swap3A_274 = tpu.vector_load %arg7[%swap3A_272, %swap3A_273] {strides = array<i32>} : memref<2x768xf32, #tpu.memory_space<vmem>>, vector<16xf32>,
    tpu.vector_store %arg7[%swap3A_272, %swap3A_273], %broadcast_in_dim3A_35 {strides = array<i32>} : memref<2x768xf32, #tpu.memory_space<vmem>>, vector<16xf32>,
    %swap3A_275 = arith.constant 1 : i32
    %swap3A_276 = arith.index_cast %swap3A_275 : i32 to index
    %swap3A_277 = arith.constant 192 : index
    %swap3A_278 = tpu.vector_load %arg7[%swap3A_276, %swap3A_277] {strides = array<i32>} : memref<2x768xf32, #tpu.memory_space<vmem>>, vector<16xf32>,
    tpu.vector_store %arg7[%swap3A_276, %swap3A_277], %broadcast_in_dim3A_35 {strides = array<i32>} : memref<2x768xf32, #tpu.memory_space<vmem>>, vector<16xf32>,
    %swap3A_279 = arith.constant 1 : i32
    %swap3A_280 = arith.index_cast %swap3A_279 : i32 to index
    %swap3A_281 = arith.constant 208 : index
    %swap3A_282 = tpu.vector_load %arg7[%swap3A_280, %swap3A_281] {strides = array<i32>} : memref<2x768xf32, #tpu.memory_space<vmem>>, vector<16xf32>,
    tpu.vector_store %arg7[%swap3A_280, %swap3A_281], %broadcast_in_dim3A_35 {strides = array<i32>} : memref<2x768xf32, #tpu.memory_space<vmem>>, vector<16xf32>,
    %swap3A_283 = arith.constant 1 : i32
    %swap3A_284 = arith.index_cast %swap3A_283 : i32 to index
    %swap3A_285 = arith.constant 224 : index
    %swap3A_286 = tpu.vector_load %arg7[%swap3A_284, %swap3A_285] {strides = array<i32>} : memref<2x768xf32, #tpu.memory_space<vmem>>, vector<16xf32>,
    tpu.vector_store %arg7[%swap3A_284, %swap3A_285], %broadcast_in_dim3A_35 {strides = array<i32>} : memref<2x768xf32, #tpu.memory_space<vmem>>, vector<16xf32>,
    %swap3A_287 = arith.constant 1 : i32
    %swap3A_288 = arith.index_cast %swap3A_287 : i32 to index
    %swap3A_289 = arith.constant 240 : index
    %swap3A_290 = tpu.vector_load %arg7[%swap3A_288, %swap3A_289] {strides = array<i32>} : memref<2x768xf32, #tpu.memory_space<vmem>>, vector<16xf32>,
    tpu.vector_store %arg7[%swap3A_288, %swap3A_289], %broadcast_in_dim3A_35 {strides = array<i32>} : memref<2x768xf32, #tpu.memory_space<vmem>>, vector<16xf32>,
    %swap3A_291 = arith.constant 1 : i32
    %swap3A_292 = arith.index_cast %swap3A_291 : i32 to index
    %swap3A_293 = arith.constant 256 : index
    %swap3A_294 = tpu.vector_load %arg7[%swap3A_292, %swap3A_293] {strides = array<i32>} : memref<2x768xf32, #tpu.memory_space<vmem>>, vector<16xf32>,
    tpu.vector_store %arg7[%swap3A_292, %swap3A_293], %broadcast_in_dim3A_35 {strides = array<i32>} : memref<2x768xf32, #tpu.memory_space<vmem>>, vector<16xf32>,
    %swap3A_295 = arith.constant 1 : i32
    %swap3A_296 = arith.index_cast %swap3A_295 : i32 to index
    %swap3A_297 = arith.constant 272 : index
    %swap3A_298 = tpu.vector_load %arg7[%swap3A_296, %swap3A_297] {strides = array<i32>} : memref<2x768xf32, #tpu.memory_space<vmem>>, vector<16xf32>,
    tpu.vector_store %arg7[%swap3A_296, %swap3A_297], %broadcast_in_dim3A_35 {strides = array<i32>} : memref<2x768xf32, #tpu.memory_space<vmem>>, vector<16xf32>,
    %swap3A_299 = arith.constant 1 : i32
    %swap3A_300 = arith.index_cast %swap3A_299 : i32 to index
    %swap3A_301 = arith.constant 288 : index
    %swap3A_302 = tpu.vector_load %arg7[%swap3A_300, %swap3A_301] {strides = array<i32>} : memref<2x768xf32, #tpu.memory_space<vmem>>, vector<16xf32>,
    tpu.vector_store %arg7[%swap3A_300, %swap3A_301], %broadcast_in_dim3A_35 {strides = array<i32>} : memref<2x768xf32, #tpu.memory_space<vmem>>, vector<16xf32>,
    %swap3A_303 = arith.constant 1 : i32
    %swap3A_304 = arith.index_cast %swap3A_303 : i32 to index
    %swap3A_305 = arith.constant 304 : index
    %swap3A_306 = tpu.vector_load %arg7[%swap3A_304, %swap3A_305] {strides = array<i32>} : memref<2x768xf32, #tpu.memory_space<vmem>>, vector<16xf32>,
    tpu.vector_store %arg7[%swap3A_304, %swap3A_305], %broadcast_in_dim3A_35 {strides = array<i32>} : memref<2x768xf32, #tpu.memory_space<vmem>>, vector<16xf32>,
    %swap3A_307 = arith.constant 1 : i32
    %swap3A_308 = arith.index_cast %swap3A_307 : i32 to index
    %swap3A_309 = arith.constant 320 : index
    %swap3A_310 = tpu.vector_load %arg7[%swap3A_308, %swap3A_309] {strides = array<i32>} : memref<2x768xf32, #tpu.memory_space<vmem>>, vector<16xf32>,
    tpu.vector_store %arg7[%swap3A_308, %swap3A_309], %broadcast_in_dim3A_35 {strides = array<i32>} : memref<2x768xf32, #tpu.memory_space<vmem>>, vector<16xf32>,
    %swap3A_311 = arith.constant 1 : i32
    %swap3A_312 = arith.index_cast %swap3A_311 : i32 to index
    %swap3A_313 = arith.constant 336 : index
    %swap3A_314 = tpu.vector_load %arg7[%swap3A_312, %swap3A_313] {strides = array<i32>} : memref<2x768xf32, #tpu.memory_space<vmem>>, vector<16xf32>,
    tpu.vector_store %arg7[%swap3A_312, %swap3A_313], %broadcast_in_dim3A_35 {strides = array<i32>} : memref<2x768xf32, #tpu.memory_space<vmem>>, vector<16xf32>,
    %swap3A_315 = arith.constant 1 : i32
    %swap3A_316 = arith.index_cast %swap3A_315 : i32 to index
    %swap3A_317 = arith.constant 352 : index
    %swap3A_318 = tpu.vector_load %arg7[%swap3A_316, %swap3A_317] {strides = array<i32>} : memref<2x768xf32, #tpu.memory_space<vmem>>, vector<16xf32>,
    tpu.vector_store %arg7[%swap3A_316, %swap3A_317], %broadcast_in_dim3A_35 {strides = array<i32>} : memref<2x768xf32, #tpu.memory_space<vmem>>, vector<16xf32>,
    %swap3A_319 = arith.constant 1 : i32
    %swap3A_320 = arith.index_cast %swap3A_319 : i32 to index
    %swap3A_321 = arith.constant 368 : index
    %swap3A_322 = tpu.vector_load %arg7[%swap3A_320, %swap3A_321] {strides = array<i32>} : memref<2x768xf32, #tpu.memory_space<vmem>>, vector<16xf32>,
    tpu.vector_store %arg7[%swap3A_320, %swap3A_321], %broadcast_in_dim3A_35 {strides = array<i32>} : memref<2x768xf32, #tpu.memory_space<vmem>>, vector<16xf32>,
    %swap3A_323 = arith.constant 1 : i32
    %swap3A_324 = arith.index_cast %swap3A_323 : i32 to index
    %swap3A_325 = arith.constant 384 : index
    %swap3A_326 = tpu.vector_load %arg7[%swap3A_324, %swap3A_325] {strides = array<i32>} : memref<2x768xf32, #tpu.memory_space<vmem>>, vector<16xf32>,
    tpu.vector_store %arg7[%swap3A_324, %swap3A_325], %broadcast_in_dim3A_35 {strides = array<i32>} : memref<2x768xf32, #tpu.memory_space<vmem>>, vector<16xf32>,
    %swap3A_327 = arith.constant 1 : i32
    %swap3A_328 = arith.index_cast %swap3A_327 : i32 to index
    %swap3A_329 = arith.constant 400 : index
    %swap3A_330 = tpu.vector_load %arg7[%swap3A_328, %swap3A_329] {strides = array<i32>} : memref<2x768xf32, #tpu.memory_space<vmem>>, vector<16xf32>,
    tpu.vector_store %arg7[%swap3A_328, %swap3A_329], %broadcast_in_dim3A_35 {strides = array<i32>} : memref<2x768xf32, #tpu.memory_space<vmem>>, vector<16xf32>,
    %swap3A_331 = arith.constant 1 : i32
    %swap3A_332 = arith.index_cast %swap3A_331 : i32 to index
    %swap3A_333 = arith.constant 416 : index
    %swap3A_334 = tpu.vector_load %arg7[%swap3A_332, %swap3A_333] {strides = array<i32>} : memref<2x768xf32, #tpu.memory_space<vmem>>, vector<16xf32>,
    tpu.vector_store %arg7[%swap3A_332, %swap3A_333], %broadcast_in_dim3A_35 {strides = array<i32>} : memref<2x768xf32, #tpu.memory_space<vmem>>, vector<16xf32>,
    %swap3A_335 = arith.constant 1 : i32
    %swap3A_336 = arith.index_cast %swap3A_335 : i32 to index
    %swap3A_337 = arith.constant 432 : index
    %swap3A_338 = tpu.vector_load %arg7[%swap3A_336, %swap3A_337] {strides = array<i32>} : memref<2x768xf32, #tpu.memory_space<vmem>>, vector<16xf32>,
    tpu.vector_store %arg7[%swap3A_336, %swap3A_337], %broadcast_in_dim3A_35 {strides = array<i32>} : memref<2x768xf32, #tpu.memory_space<vmem>>, vector<16xf32>,
    %swap3A_339 = arith.constant 1 : i32
    %swap3A_340 = arith.index_cast %swap3A_339 : i32 to index
    %swap3A_341 = arith.constant 448 : index
    %swap3A_342 = tpu.vector_load %arg7[%swap3A_340, %swap3A_341] {strides = array<i32>} : memref<2x768xf32, #tpu.memory_space<vmem>>, vector<16xf32>,
    tpu.vector_store %arg7[%swap3A_340, %swap3A_341], %broadcast_in_dim3A_35 {strides = array<i32>} : memref<2x768xf32, #tpu.memory_space<vmem>>, vector<16xf32>,
    %swap3A_343 = arith.constant 1 : i32
    %swap3A_344 = arith.index_cast %swap3A_343 : i32 to index
    %swap3A_345 = arith.constant 464 : index
    %swap3A_346 = tpu.vector_load %arg7[%swap3A_344, %swap3A_345] {strides = array<i32>} : memref<2x768xf32, #tpu.memory_space<vmem>>, vector<16xf32>,
    tpu.vector_store %arg7[%swap3A_344, %swap3A_345], %broadcast_in_dim3A_35 {strides = array<i32>} : memref<2x768xf32, #tpu.memory_space<vmem>>, vector<16xf32>,
    %swap3A_347 = arith.constant 1 : i32
    %swap3A_348 = arith.index_cast %swap3A_347 : i32 to index
    %swap3A_349 = arith.constant 480 : index
    %swap3A_350 = tpu.vector_load %arg7[%swap3A_348, %swap3A_349] {strides = array<i32>} : memref<2x768xf32, #tpu.memory_space<vmem>>, vector<16xf32>,
    tpu.vector_store %arg7[%swap3A_348, %swap3A_349], %broadcast_in_dim3A_35 {strides = array<i32>} : memref<2x768xf32, #tpu.memory_space<vmem>>, vector<16xf32>,
    %swap3A_351 = arith.constant 1 : i32
    %swap3A_352 = arith.index_cast %swap3A_351 : i32 to index
    %swap3A_353 = arith.constant 496 : index
    %swap3A_354 = tpu.vector_load %arg7[%swap3A_352, %swap3A_353] {strides = array<i32>} : memref<2x768xf32, #tpu.memory_space<vmem>>, vector<16xf32>,
    tpu.vector_store %arg7[%swap3A_352, %swap3A_353], %broadcast_in_dim3A_35 {strides = array<i32>} : memref<2x768xf32, #tpu.memory_space<vmem>>, vector<16xf32>,
    %swap3A_355 = arith.constant 1 : i32
    %swap3A_356 = arith.index_cast %swap3A_355 : i32 to index
    %swap3A_357 = arith.constant 512 : index
    %swap3A_358 = tpu.vector_load %arg7[%swap3A_356, %swap3A_357] {strides = array<i32>} : memref<2x768xf32, #tpu.memory_space<vmem>>, vector<16xf32>,
    tpu.vector_store %arg7[%swap3A_356, %swap3A_357], %broadcast_in_dim3A_35 {strides = array<i32>} : memref<2x768xf32, #tpu.memory_space<vmem>>, vector<16xf32>,
    %swap3A_359 = arith.constant 1 : i32
    %swap3A_360 = arith.index_cast %swap3A_359 : i32 to index
    %swap3A_361 = arith.constant 528 : index
    %swap3A_362 = tpu.vector_load %arg7[%swap3A_360, %swap3A_361] {strides = array<i32>} : memref<2x768xf32, #tpu.memory_space<vmem>>, vector<16xf32>,
    tpu.vector_store %arg7[%swap3A_360, %swap3A_361], %broadcast_in_dim3A_35 {strides = array<i32>} : memref<2x768xf32, #tpu.memory_space<vmem>>, vector<16xf32>,
    %swap3A_363 = arith.constant 1 : i32
    %swap3A_364 = arith.index_cast %swap3A_363 : i32 to index
    %swap3A_365 = arith.constant 544 : index
    %swap3A_366 = tpu.vector_load %arg7[%swap3A_364, %swap3A_365] {strides = array<i32>} : memref<2x768xf32, #tpu.memory_space<vmem>>, vector<16xf32>,
    tpu.vector_store %arg7[%swap3A_364, %swap3A_365], %broadcast_in_dim3A_35 {strides = array<i32>} : memref<2x768xf32, #tpu.memory_space<vmem>>, vector<16xf32>,
    %swap3A_367 = arith.constant 1 : i32
    %swap3A_368 = arith.index_cast %swap3A_367 : i32 to index
    %swap3A_369 = arith.constant 560 : index
    %swap3A_370 = tpu.vector_load %arg7[%swap3A_368, %swap3A_369] {strides = array<i32>} : memref<2x768xf32, #tpu.memory_space<vmem>>, vector<16xf32>,
    tpu.vector_store %arg7[%swap3A_368, %swap3A_369], %broadcast_in_dim3A_35 {strides = array<i32>} : memref<2x768xf32, #tpu.memory_space<vmem>>, vector<16xf32>,
    %swap3A_371 = arith.constant 1 : i32
    %swap3A_372 = arith.index_cast %swap3A_371 : i32 to index
    %swap3A_373 = arith.constant 576 : index
    %swap3A_374 = tpu.vector_load %arg7[%swap3A_372, %swap3A_373] {strides = array<i32>} : memref<2x768xf32, #tpu.memory_space<vmem>>, vector<16xf32>,
    tpu.vector_store %arg7[%swap3A_372, %swap3A_373], %broadcast_in_dim3A_35 {strides = array<i32>} : memref<2x768xf32, #tpu.memory_space<vmem>>, vector<16xf32>,
    %swap3A_375 = arith.constant 1 : i32
    %swap3A_376 = arith.index_cast %swap3A_375 : i32 to index
    %swap3A_377 = arith.constant 592 : index
    %swap3A_378 = tpu.vector_load %arg7[%swap3A_376, %swap3A_377] {strides = array<i32>} : memref<2x768xf32, #tpu.memory_space<vmem>>, vector<16xf32>,
    tpu.vector_store %arg7[%swap3A_376, %swap3A_377], %broadcast_in_dim3A_35 {strides = array<i32>} : memref<2x768xf32, #tpu.memory_space<vmem>>, vector<16xf32>,
    %swap3A_379 = arith.constant 1 : i32
    %swap3A_380 = arith.index_cast %swap3A_379 : i32 to index
    %swap3A_381 = arith.constant 608 : index
    %swap3A_382 = tpu.vector_load %arg7[%swap3A_380, %swap3A_381] {strides = array<i32>} : memref<2x768xf32, #tpu.memory_space<vmem>>, vector<16xf32>,
    tpu.vector_store %arg7[%swap3A_380, %swap3A_381], %broadcast_in_dim3A_35 {strides = array<i32>} : memref<2x768xf32, #tpu.memory_space<vmem>>, vector<16xf32>,
    %swap3A_383 = arith.constant 1 : i32
    %swap3A_384 = arith.index_cast %swap3A_383 : i32 to index
    %swap3A_385 = arith.constant 624 : index
    %swap3A_386 = tpu.vector_load %arg7[%swap3A_384, %swap3A_385] {strides = array<i32>} : memref<2x768xf32, #tpu.memory_space<vmem>>, vector<16xf32>,
    tpu.vector_store %arg7[%swap3A_384, %swap3A_385], %broadcast_in_dim3A_35 {strides = array<i32>} : memref<2x768xf32, #tpu.memory_space<vmem>>, vector<16xf32>,
    %swap3A_387 = arith.constant 1 : i32
    %swap3A_388 = arith.index_cast %swap3A_387 : i32 to index
    %swap3A_389 = arith.constant 640 : index
    %swap3A_390 = tpu.vector_load %arg7[%swap3A_388, %swap3A_389] {strides = array<i32>} : memref<2x768xf32, #tpu.memory_space<vmem>>, vector<16xf32>,
    tpu.vector_store %arg7[%swap3A_388, %swap3A_389], %broadcast_in_dim3A_35 {strides = array<i32>} : memref<2x768xf32, #tpu.memory_space<vmem>>, vector<16xf32>,
    %swap3A_391 = arith.constant 1 : i32
    %swap3A_392 = arith.index_cast %swap3A_391 : i32 to index
    %swap3A_393 = arith.constant 656 : index
    %swap3A_394 = tpu.vector_load %arg7[%swap3A_392, %swap3A_393] {strides = array<i32>} : memref<2x768xf32, #tpu.memory_space<vmem>>, vector<16xf32>,
    tpu.vector_store %arg7[%swap3A_392, %swap3A_393], %broadcast_in_dim3A_35 {strides = array<i32>} : memref<2x768xf32, #tpu.memory_space<vmem>>, vector<16xf32>,
    %swap3A_395 = arith.constant 1 : i32
    %swap3A_396 = arith.index_cast %swap3A_395 : i32 to index
    %swap3A_397 = arith.constant 672 : index
    %swap3A_398 = tpu.vector_load %arg7[%swap3A_396, %swap3A_397] {strides = array<i32>} : memref<2x768xf32, #tpu.memory_space<vmem>>, vector<16xf32>,
    tpu.vector_store %arg7[%swap3A_396, %swap3A_397], %broadcast_in_dim3A_35 {strides = array<i32>} : memref<2x768xf32, #tpu.memory_space<vmem>>, vector<16xf32>,
    %swap3A_399 = arith.constant 1 : i32
    %swap3A_400 = arith.index_cast %swap3A_399 : i32 to index
    %swap3A_401 = arith.constant 688 : index
    %swap3A_402 = tpu.vector_load %arg7[%swap3A_400, %swap3A_401] {strides = array<i32>} : memref<2x768xf32, #tpu.memory_space<vmem>>, vector<16xf32>,
    tpu.vector_store %arg7[%swap3A_400, %swap3A_401], %broadcast_in_dim3A_35 {strides = array<i32>} : memref<2x768xf32, #tpu.memory_space<vmem>>, vector<16xf32>,
    %swap3A_403 = arith.constant 1 : i32
    %swap3A_404 = arith.index_cast %swap3A_403 : i32 to index
    %swap3A_405 = arith.constant 704 : index
    %swap3A_406 = tpu.vector_load %arg7[%swap3A_404, %swap3A_405] {strides = array<i32>} : memref<2x768xf32, #tpu.memory_space<vmem>>, vector<16xf32>,
    tpu.vector_store %arg7[%swap3A_404, %swap3A_405], %broadcast_in_dim3A_35 {strides = array<i32>} : memref<2x768xf32, #tpu.memory_space<vmem>>, vector<16xf32>,
    %swap3A_407 = arith.constant 1 : i32
    %swap3A_408 = arith.index_cast %swap3A_407 : i32 to index
    %swap3A_409 = arith.constant 720 : index
    %swap3A_410 = tpu.vector_load %arg7[%swap3A_408, %swap3A_409] {strides = array<i32>} : memref<2x768xf32, #tpu.memory_space<vmem>>, vector<16xf32>,
    tpu.vector_store %arg7[%swap3A_408, %swap3A_409], %broadcast_in_dim3A_35 {strides = array<i32>} : memref<2x768xf32, #tpu.memory_space<vmem>>, vector<16xf32>,
    %swap3A_411 = arith.constant 1 : i32
    %swap3A_412 = arith.index_cast %swap3A_411 : i32 to index
    %swap3A_413 = arith.constant 736 : index
    %swap3A_414 = tpu.vector_load %arg7[%swap3A_412, %swap3A_413] {strides = array<i32>} : memref<2x768xf32, #tpu.memory_space<vmem>>, vector<16xf32>,
    tpu.vector_store %arg7[%swap3A_412, %swap3A_413], %broadcast_in_dim3A_35 {strides = array<i32>} : memref<2x768xf32, #tpu.memory_space<vmem>>, vector<16xf32>,
    %swap3A_415 = arith.constant 1 : i32
    %swap3A_416 = arith.index_cast %swap3A_415 : i32 to index
    %swap3A_417 = arith.constant 752 : index
    %swap3A_418 = tpu.vector_load %arg7[%swap3A_416, %swap3A_417] {strides = array<i32>} : memref<2x768xf32, #tpu.memory_space<vmem>>, vector<16xf32>,
    tpu.vector_store %arg7[%swap3A_416, %swap3A_417], %broadcast_in_dim3A_35 {strides = array<i32>} : memref<2x768xf32, #tpu.memory_space<vmem>>, vector<16xf32>,
    %scan3A = arith.constant 0 : i32
    %scan3A_419 = arith.constant 0 : i32
    %scan3A_420 = arith.constant 4 : i32
    %scan3A_421 = arith.addi %scan3A_419, %scan3A_420 : i32
    %scan3A_422 = arith.constant 1 : i32
    scf.for %scan3A_424 = %scan3A_419 to %scan3A_421 step %scan3A_422  : i32 {
      %mul3A_425 = arith.constant 64 : i32
      %mul3A_426 = arith.muli %scan3A_424, %mul3A_425 : i32
      %add3A_427 = arith.addi %mul3A_34, %mul3A_426 : i32
      "tpu.region"() ({
        %run_scoped3A = tpu.sem_alloc : memref<!tpu.dma_semaphore, #tpu.memory_space<semaphore_mem>>
        %dma_start3A = arith.constant 0 : i32
        %dma_start3A_1327 = tpu.memref_slice %arg2[%add3A_18, %add3A_427, %dma_start3A] : memref<32x4096x768xf32, #tpu.memory_space<hbm>> -> memref<1x64x768xf32, #tpu.memory_space<hbm>>
        %dma_start3A_1328 = tpu.memref_squeeze %dma_start3A_1327 : memref<1x64x768xf32, #tpu.memory_space<hbm>> -> memref<64x768xf32, #tpu.memory_space<hbm>>
        %dma_start3A_1329 = arith.constant 0 : i32
        %dma_start3A_1330 = tpu.memref_slice %arg2[%add3A_18, %add3A_427, %dma_start3A_1329] : memref<32x4096x768xf32, #tpu.memory_space<hbm>> -> memref<1x64x768xf32, #tpu.memory_space<hbm>>
        %dma_start3A_1331 = tpu.memref_squeeze %dma_start3A_1330 : memref<1x64x768xf32, #tpu.memory_space<hbm>> -> memref<64x768xf32, #tpu.memory_space<hbm>>
        tpu.enqueue_dma source(%dma_start3A_1331 : memref<64x768xf32, #tpu.memory_space<hbm>>) target(%arg5 : memref<64x768xf32, #tpu.memory_space<vmem>>) target_semaphore(%run_scoped3A : memref<!tpu.dma_semaphore, #tpu.memory_space<semaphore_mem>>)
        %dma_wait3A = arith.constant 0 : i32
        %dma_wait3A_1332 = tpu.memref_slice %arg2[%add3A_18, %add3A_427, %dma_wait3A] : memref<32x4096x768xf32, #tpu.memory_space<hbm>> -> memref<1x64x768xf32, #tpu.memory_space<hbm>>
        %dma_wait3A_1333 = tpu.memref_squeeze %dma_wait3A_1332 : memref<1x64x768xf32, #tpu.memory_space<hbm>> -> memref<64x768xf32, #tpu.memory_space<hbm>>
        %dma_wait3A_1334 = arith.constant 0 : i32
        %dma_wait3A_1335 = tpu.memref_slice %arg2[%add3A_18, %add3A_427, %dma_wait3A_1334] : memref<32x4096x768xf32, #tpu.memory_space<hbm>> -> memref<1x64x768xf32, #tpu.memory_space<hbm>>
        %dma_wait3A_1336 = tpu.memref_squeeze %dma_wait3A_1335 : memref<1x64x768xf32, #tpu.memory_space<hbm>> -> memref<64x768xf32, #tpu.memory_space<hbm>>
        tpu.wait_dma2 semaphore(%run_scoped3A : memref<!tpu.dma_semaphore, #tpu.memory_space<semaphore_mem>>) src(%dma_wait3A_1336 : memref<64x768xf32, #tpu.memory_space<hbm>>) dst(%arg5 : memref<64x768xf32, #tpu.memory_space<vmem>>)
        tpu.yield
      }) : () -> ()
      %scan3A_428 = arith.constant 0 : i32
      %scan3A_429 = arith.constant 64 : i32
      %scan3A_430 = arith.addi %scan3A_428, %scan3A_429 : i32
      %scan3A_431 = arith.constant 1 : i32
      %scan3A_432:16 = scf.for %scan3A_1327 = %scan3A_428 to %scan3A_430 step %scan3A_431 iter_args(%scan3A_1328 = %broadcast_in_dim3A_35, %scan3A_1329 = %broadcast_in_dim3A_35, %scan3A_1330 = %broadcast_in_dim3A_35, %scan3A_1331 = %broadcast_in_dim3A_35, %scan3A_1332 = %broadcast_in_dim3A_35, %scan3A_1333 = %broadcast_in_dim3A_35, %scan3A_1334 = %broadcast_in_dim3A_35, %scan3A_1335 = %broadcast_in_dim3A_35, %scan3A_1336 = %broadcast_in_dim3A_35, %scan3A_1337 = %broadcast_in_dim3A_35, %scan3A_1338 = %broadcast_in_dim3A_35, %scan3A_1339 = %broadcast_in_dim3A_35, %scan3A_1340 = %broadcast_in_dim3A_35, %scan3A_1341 = %broadcast_in_dim3A_35, %scan3A_1342 = %broadcast_in_dim3A_35, %scan3A_1343 = %broadcast_in_dim3A_35) -> (vector<16xf32>, vector<16xf32>, vector<16xf32>, vector<16xf32>, vector<16xf32>, vector<16xf32>, vector<16xf32>, vector<16xf32>, vector<16xf32>, vector<16xf32>, vector<16xf32>, vector<16xf32>, vector<16xf32>, vector<16xf32>, vector<16xf32>, vector<16xf32>)  : i32 {
        %mul3A_1344 = arith.constant 64 : i32
        %mul3A_1345 = arith.muli %scan3A_424, %mul3A_1344 : i32
        %add3A_1346 = arith.addi %mul3A_1345, %scan3A_1327 : i32
        %broadcast_in_dim3A_1347 = vector.broadcast %add3A_1346 : i32 to vector<16xi32>
        %gather3A = tpu.vector_load_idx %arg6[%broadcast_in_dim3A_1347] : memref<256xf32, #tpu.memory_space<vmem>>[vector<16xi32>], vector<16xf32>,
        %get3A_1348 = arith.index_cast %scan3A_1327 : i32 to index
        %get3A_1349 = arith.constant 0 : index
        %get3A_1350 = tpu.vector_load %arg5[%get3A_1348, %get3A_1349] {strides = array<i32>} : memref<64x768xf32, #tpu.memory_space<vmem>>, vector<16xf32>,
        %add3A_1351 = arith.addf %scan3A_1328, %get3A_1350 : vector<16xf32>
        %mul3A_1352 = arith.mulf %gather3A, %get3A_1350 : vector<16xf32>
        %add3A_1353 = arith.addf %scan3A_1336, %mul3A_1352 : vector<16xf32>
        %get3A_1354 = arith.index_cast %scan3A_1327 : i32 to index
        %get3A_1355 = arith.constant 16 : index
        %get3A_1356 = tpu.vector_load %arg5[%get3A_1354, %get3A_1355] {strides = array<i32>} : memref<64x768xf32, #tpu.memory_space<vmem>>, vector<16xf32>,
        %add3A_1357 = arith.addf %scan3A_1329, %get3A_1356 : vector<16xf32>
        %mul3A_1358 = arith.mulf %gather3A, %get3A_1356 : vector<16xf32>
        %add3A_1359 = arith.addf %scan3A_1337, %mul3A_1358 : vector<16xf32>
        %get3A_1360 = arith.index_cast %scan3A_1327 : i32 to index
        %get3A_1361 = arith.constant 32 : index
        %get3A_1362 = tpu.vector_load %arg5[%get3A_1360, %get3A_1361] {strides = array<i32>} : memref<64x768xf32, #tpu.memory_space<vmem>>, vector<16xf32>,
        %add3A_1363 = arith.addf %scan3A_1330, %get3A_1362 : vector<16xf32>
        %mul3A_1364 = arith.mulf %gather3A, %get3A_1362 : vector<16xf32>
        %add3A_1365 = arith.addf %scan3A_1338, %mul3A_1364 : vector<16xf32>
        %get3A_1366 = arith.index_cast %scan3A_1327 : i32 to index
        %get3A_1367 = arith.constant 48 : index
        %get3A_1368 = tpu.vector_load %arg5[%get3A_1366, %get3A_1367] {strides = array<i32>} : memref<64x768xf32, #tpu.memory_space<vmem>>, vector<16xf32>,
        %add3A_1369 = arith.addf %scan3A_1331, %get3A_1368 : vector<16xf32>
        %mul3A_1370 = arith.mulf %gather3A, %get3A_1368 : vector<16xf32>
        %add3A_1371 = arith.addf %scan3A_1339, %mul3A_1370 : vector<16xf32>
        %get3A_1372 = arith.index_cast %scan3A_1327 : i32 to index
        %get3A_1373 = arith.constant 64 : index
        %get3A_1374 = tpu.vector_load %arg5[%get3A_1372, %get3A_1373] {strides = array<i32>} : memref<64x768xf32, #tpu.memory_space<vmem>>, vector<16xf32>,
        %add3A_1375 = arith.addf %scan3A_1332, %get3A_1374 : vector<16xf32>
        %mul3A_1376 = arith.mulf %gather3A, %get3A_1374 : vector<16xf32>
        %add3A_1377 = arith.addf %scan3A_1340, %mul3A_1376 : vector<16xf32>
        %get3A_1378 = arith.index_cast %scan3A_1327 : i32 to index
        %get3A_1379 = arith.constant 80 : index
        %get3A_1380 = tpu.vector_load %arg5[%get3A_1378, %get3A_1379] {strides = array<i32>} : memref<64x768xf32, #tpu.memory_space<vmem>>, vector<16xf32>,
        %add3A_1381 = arith.addf %scan3A_1333, %get3A_1380 : vector<16xf32>
        %mul3A_1382 = arith.mulf %gather3A, %get3A_1380 : vector<16xf32>
        %add3A_1383 = arith.addf %scan3A_1341, %mul3A_1382 : vector<16xf32>
        %get3A_1384 = arith.index_cast %scan3A_1327 : i32 to index
        %get3A_1385 = arith.constant 96 : index
        %get3A_1386 = tpu.vector_load %arg5[%get3A_1384, %get3A_1385] {strides = array<i32>} : memref<64x768xf32, #tpu.memory_space<vmem>>, vector<16xf32>,
        %add3A_1387 = arith.addf %scan3A_1334, %get3A_1386 : vector<16xf32>
        %mul3A_1388 = arith.mulf %gather3A, %get3A_1386 : vector<16xf32>
        %add3A_1389 = arith.addf %scan3A_1342, %mul3A_1388 : vector<16xf32>
        %get3A_1390 = arith.index_cast %scan3A_1327 : i32 to index
        %get3A_1391 = arith.constant 112 : index
        %get3A_1392 = tpu.vector_load %arg5[%get3A_1390, %get3A_1391] {strides = array<i32>} : memref<64x768xf32, #tpu.memory_space<vmem>>, vector<16xf32>,
        %add3A_1393 = arith.addf %scan3A_1335, %get3A_1392 : vector<16xf32>
        %mul3A_1394 = arith.mulf %gather3A, %get3A_1392 : vector<16xf32>
        %add3A_1395 = arith.addf %scan3A_1343, %mul3A_1394 : vector<16xf32>
        scf.yield %add3A_1351, %add3A_1357, %add3A_1363, %add3A_1369, %add3A_1375, %add3A_1381, %add3A_1387, %add3A_1393, %add3A_1353, %add3A_1359, %add3A_1365, %add3A_1371, %add3A_1377, %add3A_1383, %add3A_1389, %add3A_1395 : vector<16xf32>, vector<16xf32>, vector<16xf32>, vector<16xf32>, vector<16xf32>, vector<16xf32>, vector<16xf32>, vector<16xf32>, vector<16xf32>, vector<16xf32>, vector<16xf32>, vector<16xf32>, vector<16xf32>, vector<16xf32>, vector<16xf32>, vector<16xf32>
      }
      %scan3A_433 = arith.constant 64 : i32
      %get3A = arith.constant 0 : i32
      %get3A_434 = arith.index_cast %get3A : i32 to index
      %get3A_435 = arith.constant 0 : index
      %get3A_436 = tpu.vector_load %arg7[%get3A_434, %get3A_435] {strides = array<i32>} : memref<2x768xf32, #tpu.memory_space<vmem>>, vector<16xf32>,
      %add3A_437 = arith.addf %get3A_436, %scan3A_432#0 : vector<16xf32>
      %swap3A_438 = arith.constant 0 : i32
      %swap3A_439 = arith.index_cast %swap3A_438 : i32 to index
      %swap3A_440 = arith.constant 0 : index
      %swap3A_441 = tpu.vector_load %arg7[%swap3A_439, %swap3A_440] {strides = array<i32>} : memref<2x768xf32, #tpu.memory_space<vmem>>, vector<16xf32>,
      tpu.vector_store %arg7[%swap3A_439, %swap3A_440], %add3A_437 {strides = array<i32>} : memref<2x768xf32, #tpu.memory_space<vmem>>, vector<16xf32>,
      %get3A_442 = arith.constant 0 : i32
      %get3A_443 = arith.index_cast %get3A_442 : i32 to index
      %get3A_444 = arith.constant 16 : index
      %get3A_445 = tpu.vector_load %arg7[%get3A_443, %get3A_444] {strides = array<i32>} : memref<2x768xf32, #tpu.memory_space<vmem>>, vector<16xf32>,
      %add3A_446 = arith.addf %get3A_445, %scan3A_432#1 : vector<16xf32>
      %swap3A_447 = arith.constant 0 : i32
      %swap3A_448 = arith.index_cast %swap3A_447 : i32 to index
      %swap3A_449 = arith.constant 16 : index
      %swap3A_450 = tpu.vector_load %arg7[%swap3A_448, %swap3A_449] {strides = array<i32>} : memref<2x768xf32, #tpu.memory_space<vmem>>, vector<16xf32>,
      tpu.vector_store %arg7[%swap3A_448, %swap3A_449], %add3A_446 {strides = array<i32>} : memref<2x768xf32, #tpu.memory_space<vmem>>, vector<16xf32>,
      %get3A_451 = arith.constant 0 : i32
      %get3A_452 = arith.index_cast %get3A_451 : i32 to index
      %get3A_453 = arith.constant 32 : index
      %get3A_454 = tpu.vector_load %arg7[%get3A_452, %get3A_453] {strides = array<i32>} : memref<2x768xf32, #tpu.memory_space<vmem>>, vector<16xf32>,
      %add3A_455 = arith.addf %get3A_454, %scan3A_432#2 : vector<16xf32>
      %swap3A_456 = arith.constant 0 : i32
      %swap3A_457 = arith.index_cast %swap3A_456 : i32 to index
      %swap3A_458 = arith.constant 32 : index
      %swap3A_459 = tpu.vector_load %arg7[%swap3A_457, %swap3A_458] {strides = array<i32>} : memref<2x768xf32, #tpu.memory_space<vmem>>, vector<16xf32>,
      tpu.vector_store %arg7[%swap3A_457, %swap3A_458], %add3A_455 {strides = array<i32>} : memref<2x768xf32, #tpu.memory_space<vmem>>, vector<16xf32>,
      %get3A_460 = arith.constant 0 : i32
      %get3A_461 = arith.index_cast %get3A_460 : i32 to index
      %get3A_462 = arith.constant 48 : index
      %get3A_463 = tpu.vector_load %arg7[%get3A_461, %get3A_462] {strides = array<i32>} : memref<2x768xf32, #tpu.memory_space<vmem>>, vector<16xf32>,
      %add3A_464 = arith.addf %get3A_463, %scan3A_432#3 : vector<16xf32>
      %swap3A_465 = arith.constant 0 : i32
      %swap3A_466 = arith.index_cast %swap3A_465 : i32 to index
      %swap3A_467 = arith.constant 48 : index
      %swap3A_468 = tpu.vector_load %arg7[%swap3A_466, %swap3A_467] {strides = array<i32>} : memref<2x768xf32, #tpu.memory_space<vmem>>, vector<16xf32>,
      tpu.vector_store %arg7[%swap3A_466, %swap3A_467], %add3A_464 {strides = array<i32>} : memref<2x768xf32, #tpu.memory_space<vmem>>, vector<16xf32>,
      %get3A_469 = arith.constant 0 : i32
      %get3A_470 = arith.index_cast %get3A_469 : i32 to index
      %get3A_471 = arith.constant 64 : index
      %get3A_472 = tpu.vector_load %arg7[%get3A_470, %get3A_471] {strides = array<i32>} : memref<2x768xf32, #tpu.memory_space<vmem>>, vector<16xf32>,
      %add3A_473 = arith.addf %get3A_472, %scan3A_432#4 : vector<16xf32>
      %swap3A_474 = arith.constant 0 : i32
      %swap3A_475 = arith.index_cast %swap3A_474 : i32 to index
      %swap3A_476 = arith.constant 64 : index
      %swap3A_477 = tpu.vector_load %arg7[%swap3A_475, %swap3A_476] {strides = array<i32>} : memref<2x768xf32, #tpu.memory_space<vmem>>, vector<16xf32>,
      tpu.vector_store %arg7[%swap3A_475, %swap3A_476], %add3A_473 {strides = array<i32>} : memref<2x768xf32, #tpu.memory_space<vmem>>, vector<16xf32>,
      %get3A_478 = arith.constant 0 : i32
      %get3A_479 = arith.index_cast %get3A_478 : i32 to index
      %get3A_480 = arith.constant 80 : index
      %get3A_481 = tpu.vector_load %arg7[%get3A_479, %get3A_480] {strides = array<i32>} : memref<2x768xf32, #tpu.memory_space<vmem>>, vector<16xf32>,
      %add3A_482 = arith.addf %get3A_481, %scan3A_432#5 : vector<16xf32>
      %swap3A_483 = arith.constant 0 : i32
      %swap3A_484 = arith.index_cast %swap3A_483 : i32 to index
      %swap3A_485 = arith.constant 80 : index
      %swap3A_486 = tpu.vector_load %arg7[%swap3A_484, %swap3A_485] {strides = array<i32>} : memref<2x768xf32, #tpu.memory_space<vmem>>, vector<16xf32>,
      tpu.vector_store %arg7[%swap3A_484, %swap3A_485], %add3A_482 {strides = array<i32>} : memref<2x768xf32, #tpu.memory_space<vmem>>, vector<16xf32>,
      %get3A_487 = arith.constant 0 : i32
      %get3A_488 = arith.index_cast %get3A_487 : i32 to index
      %get3A_489 = arith.constant 96 : index
      %get3A_490 = tpu.vector_load %arg7[%get3A_488, %get3A_489] {strides = array<i32>} : memref<2x768xf32, #tpu.memory_space<vmem>>, vector<16xf32>,
      %add3A_491 = arith.addf %get3A_490, %scan3A_432#6 : vector<16xf32>
      %swap3A_492 = arith.constant 0 : i32
      %swap3A_493 = arith.index_cast %swap3A_492 : i32 to index
      %swap3A_494 = arith.constant 96 : index
      %swap3A_495 = tpu.vector_load %arg7[%swap3A_493, %swap3A_494] {strides = array<i32>} : memref<2x768xf32, #tpu.memory_space<vmem>>, vector<16xf32>,
      tpu.vector_store %arg7[%swap3A_493, %swap3A_494], %add3A_491 {strides = array<i32>} : memref<2x768xf32, #tpu.memory_space<vmem>>, vector<16xf32>,
      %get3A_496 = arith.constant 0 : i32
      %get3A_497 = arith.index_cast %get3A_496 : i32 to index
      %get3A_498 = arith.constant 112 : index
      %get3A_499 = tpu.vector_load %arg7[%get3A_497, %get3A_498] {strides = array<i32>} : memref<2x768xf32, #tpu.memory_space<vmem>>, vector<16xf32>,
      %add3A_500 = arith.addf %get3A_499, %scan3A_432#7 : vector<16xf32>
      %swap3A_501 = arith.constant 0 : i32
      %swap3A_502 = arith.index_cast %swap3A_501 : i32 to index
      %swap3A_503 = arith.constant 112 : index
      %swap3A_504 = tpu.vector_load %arg7[%swap3A_502, %swap3A_503] {strides = array<i32>} : memref<2x768xf32, #tpu.memory_space<vmem>>, vector<16xf32>,
      tpu.vector_store %arg7[%swap3A_502, %swap3A_503], %add3A_500 {strides = array<i32>} : memref<2x768xf32, #tpu.memory_space<vmem>>, vector<16xf32>,
      %get3A_505 = arith.constant 1 : i32
      %get3A_506 = arith.index_cast %get3A_505 : i32 to index
      %get3A_507 = arith.constant 0 : index
      %get3A_508 = tpu.vector_load %arg7[%get3A_506, %get3A_507] {strides = array<i32>} : memref<2x768xf32, #tpu.memory_space<vmem>>, vector<16xf32>,
      %add3A_509 = arith.addf %get3A_508, %scan3A_432#8 : vector<16xf32>
      %swap3A_510 = arith.constant 1 : i32
      %swap3A_511 = arith.index_cast %swap3A_510 : i32 to index
      %swap3A_512 = arith.constant 0 : index
      %swap3A_513 = tpu.vector_load %arg7[%swap3A_511, %swap3A_512] {strides = array<i32>} : memref<2x768xf32, #tpu.memory_space<vmem>>, vector<16xf32>,
      tpu.vector_store %arg7[%swap3A_511, %swap3A_512], %add3A_509 {strides = array<i32>} : memref<2x768xf32, #tpu.memory_space<vmem>>, vector<16xf32>,
      %get3A_514 = arith.constant 1 : i32
      %get3A_515 = arith.index_cast %get3A_514 : i32 to index
      %get3A_516 = arith.constant 16 : index
      %get3A_517 = tpu.vector_load %arg7[%get3A_515, %get3A_516] {strides = array<i32>} : memref<2x768xf32, #tpu.memory_space<vmem>>, vector<16xf32>,
      %add3A_518 = arith.addf %get3A_517, %scan3A_432#9 : vector<16xf32>
      %swap3A_519 = arith.constant 1 : i32
      %swap3A_520 = arith.index_cast %swap3A_519 : i32 to index
      %swap3A_521 = arith.constant 16 : index
      %swap3A_522 = tpu.vector_load %arg7[%swap3A_520, %swap3A_521] {strides = array<i32>} : memref<2x768xf32, #tpu.memory_space<vmem>>, vector<16xf32>,
      tpu.vector_store %arg7[%swap3A_520, %swap3A_521], %add3A_518 {strides = array<i32>} : memref<2x768xf32, #tpu.memory_space<vmem>>, vector<16xf32>,
      %get3A_523 = arith.constant 1 : i32
      %get3A_524 = arith.index_cast %get3A_523 : i32 to index
      %get3A_525 = arith.constant 32 : index
      %get3A_526 = tpu.vector_load %arg7[%get3A_524, %get3A_525] {strides = array<i32>} : memref<2x768xf32, #tpu.memory_space<vmem>>, vector<16xf32>,
      %add3A_527 = arith.addf %get3A_526, %scan3A_432#10 : vector<16xf32>
      %swap3A_528 = arith.constant 1 : i32
      %swap3A_529 = arith.index_cast %swap3A_528 : i32 to index
      %swap3A_530 = arith.constant 32 : index
      %swap3A_531 = tpu.vector_load %arg7[%swap3A_529, %swap3A_530] {strides = array<i32>} : memref<2x768xf32, #tpu.memory_space<vmem>>, vector<16xf32>,
      tpu.vector_store %arg7[%swap3A_529, %swap3A_530], %add3A_527 {strides = array<i32>} : memref<2x768xf32, #tpu.memory_space<vmem>>, vector<16xf32>,
      %get3A_532 = arith.constant 1 : i32
      %get3A_533 = arith.index_cast %get3A_532 : i32 to index
      %get3A_534 = arith.constant 48 : index
      %get3A_535 = tpu.vector_load %arg7[%get3A_533, %get3A_534] {strides = array<i32>} : memref<2x768xf32, #tpu.memory_space<vmem>>, vector<16xf32>,
      %add3A_536 = arith.addf %get3A_535, %scan3A_432#11 : vector<16xf32>
      %swap3A_537 = arith.constant 1 : i32
      %swap3A_538 = arith.index_cast %swap3A_537 : i32 to index
      %swap3A_539 = arith.constant 48 : index
      %swap3A_540 = tpu.vector_load %arg7[%swap3A_538, %swap3A_539] {strides = array<i32>} : memref<2x768xf32, #tpu.memory_space<vmem>>, vector<16xf32>,
      tpu.vector_store %arg7[%swap3A_538, %swap3A_539], %add3A_536 {strides = array<i32>} : memref<2x768xf32, #tpu.memory_space<vmem>>, vector<16xf32>,
      %get3A_541 = arith.constant 1 : i32
      %get3A_542 = arith.index_cast %get3A_541 : i32 to index
      %get3A_543 = arith.constant 64 : index
      %get3A_544 = tpu.vector_load %arg7[%get3A_542, %get3A_543] {strides = array<i32>} : memref<2x768xf32, #tpu.memory_space<vmem>>, vector<16xf32>,
      %add3A_545 = arith.addf %get3A_544, %scan3A_432#12 : vector<16xf32>
      %swap3A_546 = arith.constant 1 : i32
      %swap3A_547 = arith.index_cast %swap3A_546 : i32 to index
      %swap3A_548 = arith.constant 64 : index
      %swap3A_549 = tpu.vector_load %arg7[%swap3A_547, %swap3A_548] {strides = array<i32>} : memref<2x768xf32, #tpu.memory_space<vmem>>, vector<16xf32>,
      tpu.vector_store %arg7[%swap3A_547, %swap3A_548], %add3A_545 {strides = array<i32>} : memref<2x768xf32, #tpu.memory_space<vmem>>, vector<16xf32>,
      %get3A_550 = arith.constant 1 : i32
      %get3A_551 = arith.index_cast %get3A_550 : i32 to index
      %get3A_552 = arith.constant 80 : index
      %get3A_553 = tpu.vector_load %arg7[%get3A_551, %get3A_552] {strides = array<i32>} : memref<2x768xf32, #tpu.memory_space<vmem>>, vector<16xf32>,
      %add3A_554 = arith.addf %get3A_553, %scan3A_432#13 : vector<16xf32>
      %swap3A_555 = arith.constant 1 : i32
      %swap3A_556 = arith.index_cast %swap3A_555 : i32 to index
      %swap3A_557 = arith.constant 80 : index
      %swap3A_558 = tpu.vector_load %arg7[%swap3A_556, %swap3A_557] {strides = array<i32>} : memref<2x768xf32, #tpu.memory_space<vmem>>, vector<16xf32>,
      tpu.vector_store %arg7[%swap3A_556, %swap3A_557], %add3A_554 {strides = array<i32>} : memref<2x768xf32, #tpu.memory_space<vmem>>, vector<16xf32>,
      %get3A_559 = arith.constant 1 : i32
      %get3A_560 = arith.index_cast %get3A_559 : i32 to index
      %get3A_561 = arith.constant 96 : index
      %get3A_562 = tpu.vector_load %arg7[%get3A_560, %get3A_561] {strides = array<i32>} : memref<2x768xf32, #tpu.memory_space<vmem>>, vector<16xf32>,
      %add3A_563 = arith.addf %get3A_562, %scan3A_432#14 : vector<16xf32>
      %swap3A_564 = arith.constant 1 : i32
      %swap3A_565 = arith.index_cast %swap3A_564 : i32 to index
      %swap3A_566 = arith.constant 96 : index
      %swap3A_567 = tpu.vector_load %arg7[%swap3A_565, %swap3A_566] {strides = array<i32>} : memref<2x768xf32, #tpu.memory_space<vmem>>, vector<16xf32>,
      tpu.vector_store %arg7[%swap3A_565, %swap3A_566], %add3A_563 {strides = array<i32>} : memref<2x768xf32, #tpu.memory_space<vmem>>, vector<16xf32>,
      %get3A_568 = arith.constant 1 : i32
      %get3A_569 = arith.index_cast %get3A_568 : i32 to index
      %get3A_570 = arith.constant 112 : index
      %get3A_571 = tpu.vector_load %arg7[%get3A_569, %get3A_570] {strides = array<i32>} : memref<2x768xf32, #tpu.memory_space<vmem>>, vector<16xf32>,
      %add3A_572 = arith.addf %get3A_571, %scan3A_432#15 : vector<16xf32>
      %swap3A_573 = arith.constant 1 : i32
      %swap3A_574 = arith.index_cast %swap3A_573 : i32 to index
      %swap3A_575 = arith.constant 112 : index
      %swap3A_576 = tpu.vector_load %arg7[%swap3A_574, %swap3A_575] {strides = array<i32>} : memref<2x768xf32, #tpu.memory_space<vmem>>, vector<16xf32>,
      tpu.vector_store %arg7[%swap3A_574, %swap3A_575], %add3A_572 {strides = array<i32>} : memref<2x768xf32, #tpu.memory_space<vmem>>, vector<16xf32>,
      %scan3A_577 = arith.constant 0 : i32
      %scan3A_578 = arith.constant 64 : i32
      %scan3A_579 = arith.addi %scan3A_577, %scan3A_578 : i32
      %scan3A_580 = arith.constant 1 : i32
      %scan3A_581:16 = scf.for %scan3A_1327 = %scan3A_577 to %scan3A_579 step %scan3A_580 iter_args(%scan3A_1328 = %broadcast_in_dim3A_35, %scan3A_1329 = %broadcast_in_dim3A_35, %scan3A_1330 = %broadcast_in_dim3A_35, %scan3A_1331 = %broadcast_in_dim3A_35, %scan3A_1332 = %broadcast_in_dim3A_35, %scan3A_1333 = %broadcast_in_dim3A_35, %scan3A_1334 = %broadcast_in_dim3A_35, %scan3A_1335 = %broadcast_in_dim3A_35, %scan3A_1336 = %broadcast_in_dim3A_35, %scan3A_1337 = %broadcast_in_dim3A_35, %scan3A_1338 = %broadcast_in_dim3A_35, %scan3A_1339 = %broadcast_in_dim3A_35, %scan3A_1340 = %broadcast_in_dim3A_35, %scan3A_1341 = %broadcast_in_dim3A_35, %scan3A_1342 = %broadcast_in_dim3A_35, %scan3A_1343 = %broadcast_in_dim3A_35) -> (vector<16xf32>, vector<16xf32>, vector<16xf32>, vector<16xf32>, vector<16xf32>, vector<16xf32>, vector<16xf32>, vector<16xf32>, vector<16xf32>, vector<16xf32>, vector<16xf32>, vector<16xf32>, vector<16xf32>, vector<16xf32>, vector<16xf32>, vector<16xf32>)  : i32 {
        %mul3A_1344 = arith.constant 64 : i32
        %mul3A_1345 = arith.muli %scan3A_424, %mul3A_1344 : i32
        %add3A_1346 = arith.addi %mul3A_1345, %scan3A_1327 : i32
        %broadcast_in_dim3A_1347 = vector.broadcast %add3A_1346 : i32 to vector<16xi32>
        %gather3A = tpu.vector_load_idx %arg6[%broadcast_in_dim3A_1347] : memref<256xf32, #tpu.memory_space<vmem>>[vector<16xi32>], vector<16xf32>,
        %get3A_1348 = arith.index_cast %scan3A_1327 : i32 to index
        %get3A_1349 = arith.constant 128 : index
        %get3A_1350 = tpu.vector_load %arg5[%get3A_1348, %get3A_1349] {strides = array<i32>} : memref<64x768xf32, #tpu.memory_space<vmem>>, vector<16xf32>,
        %add3A_1351 = arith.addf %scan3A_1328, %get3A_1350 : vector<16xf32>
        %mul3A_1352 = arith.mulf %gather3A, %get3A_1350 : vector<16xf32>
        %add3A_1353 = arith.addf %scan3A_1336, %mul3A_1352 : vector<16xf32>
        %get3A_1354 = arith.index_cast %scan3A_1327 : i32 to index
        %get3A_1355 = arith.constant 144 : index
        %get3A_1356 = tpu.vector_load %arg5[%get3A_1354, %get3A_1355] {strides = array<i32>} : memref<64x768xf32, #tpu.memory_space<vmem>>, vector<16xf32>,
        %add3A_1357 = arith.addf %scan3A_1329, %get3A_1356 : vector<16xf32>
        %mul3A_1358 = arith.mulf %gather3A, %get3A_1356 : vector<16xf32>
        %add3A_1359 = arith.addf %scan3A_1337, %mul3A_1358 : vector<16xf32>
        %get3A_1360 = arith.index_cast %scan3A_1327 : i32 to index
        %get3A_1361 = arith.constant 160 : index
        %get3A_1362 = tpu.vector_load %arg5[%get3A_1360, %get3A_1361] {strides = array<i32>} : memref<64x768xf32, #tpu.memory_space<vmem>>, vector<16xf32>,
        %add3A_1363 = arith.addf %scan3A_1330, %get3A_1362 : vector<16xf32>
        %mul3A_1364 = arith.mulf %gather3A, %get3A_1362 : vector<16xf32>
        %add3A_1365 = arith.addf %scan3A_1338, %mul3A_1364 : vector<16xf32>
        %get3A_1366 = arith.index_cast %scan3A_1327 : i32 to index
        %get3A_1367 = arith.constant 176 : index
        %get3A_1368 = tpu.vector_load %arg5[%get3A_1366, %get3A_1367] {strides = array<i32>} : memref<64x768xf32, #tpu.memory_space<vmem>>, vector<16xf32>,
        %add3A_1369 = arith.addf %scan3A_1331, %get3A_1368 : vector<16xf32>
        %mul3A_1370 = arith.mulf %gather3A, %get3A_1368 : vector<16xf32>
        %add3A_1371 = arith.addf %scan3A_1339, %mul3A_1370 : vector<16xf32>
        %get3A_1372 = arith.index_cast %scan3A_1327 : i32 to index
        %get3A_1373 = arith.constant 192 : index
        %get3A_1374 = tpu.vector_load %arg5[%get3A_1372, %get3A_1373] {strides = array<i32>} : memref<64x768xf32, #tpu.memory_space<vmem>>, vector<16xf32>,
        %add3A_1375 = arith.addf %scan3A_1332, %get3A_1374 : vector<16xf32>
        %mul3A_1376 = arith.mulf %gather3A, %get3A_1374 : vector<16xf32>
        %add3A_1377 = arith.addf %scan3A_1340, %mul3A_1376 : vector<16xf32>
        %get3A_1378 = arith.index_cast %scan3A_1327 : i32 to index
        %get3A_1379 = arith.constant 208 : index
        %get3A_1380 = tpu.vector_load %arg5[%get3A_1378, %get3A_1379] {strides = array<i32>} : memref<64x768xf32, #tpu.memory_space<vmem>>, vector<16xf32>,
        %add3A_1381 = arith.addf %scan3A_1333, %get3A_1380 : vector<16xf32>
        %mul3A_1382 = arith.mulf %gather3A, %get3A_1380 : vector<16xf32>
        %add3A_1383 = arith.addf %scan3A_1341, %mul3A_1382 : vector<16xf32>
        %get3A_1384 = arith.index_cast %scan3A_1327 : i32 to index
        %get3A_1385 = arith.constant 224 : index
        %get3A_1386 = tpu.vector_load %arg5[%get3A_1384, %get3A_1385] {strides = array<i32>} : memref<64x768xf32, #tpu.memory_space<vmem>>, vector<16xf32>,
        %add3A_1387 = arith.addf %scan3A_1334, %get3A_1386 : vector<16xf32>
        %mul3A_1388 = arith.mulf %gather3A, %get3A_1386 : vector<16xf32>
        %add3A_1389 = arith.addf %scan3A_1342, %mul3A_1388 : vector<16xf32>
        %get3A_1390 = arith.index_cast %scan3A_1327 : i32 to index
        %get3A_1391 = arith.constant 240 : index
        %get3A_1392 = tpu.vector_load %arg5[%get3A_1390, %get3A_1391] {strides = array<i32>} : memref<64x768xf32, #tpu.memory_space<vmem>>, vector<16xf32>,
        %add3A_1393 = arith.addf %scan3A_1335, %get3A_1392 : vector<16xf32>
        %mul3A_1394 = arith.mulf %gather3A, %get3A_1392 : vector<16xf32>
        %add3A_1395 = arith.addf %scan3A_1343, %mul3A_1394 : vector<16xf32>
        scf.yield %add3A_1351, %add3A_1357, %add3A_1363, %add3A_1369, %add3A_1375, %add3A_1381, %add3A_1387, %add3A_1393, %add3A_1353, %add3A_1359, %add3A_1365, %add3A_1371, %add3A_1377, %add3A_1383, %add3A_1389, %add3A_1395 : vector<16xf32>, vector<16xf32>, vector<16xf32>, vector<16xf32>, vector<16xf32>, vector<16xf32>, vector<16xf32>, vector<16xf32>, vector<16xf32>, vector<16xf32>, vector<16xf32>, vector<16xf32>, vector<16xf32>, vector<16xf32>, vector<16xf32>, vector<16xf32>
      }
      %scan3A_582 = arith.constant 64 : i32
      %get3A_583 = arith.constant 0 : i32
      %get3A_584 = arith.index_cast %get3A_583 : i32 to index
      %get3A_585 = arith.constant 128 : index
      %get3A_586 = tpu.vector_load %arg7[%get3A_584, %get3A_585] {strides = array<i32>} : memref<2x768xf32, #tpu.memory_space<vmem>>, vector<16xf32>,
      %add3A_587 = arith.addf %get3A_586, %scan3A_581#0 : vector<16xf32>
      %swap3A_588 = arith.constant 0 : i32
      %swap3A_589 = arith.index_cast %swap3A_588 : i32 to index
      %swap3A_590 = arith.constant 128 : index
      %swap3A_591 = tpu.vector_load %arg7[%swap3A_589, %swap3A_590] {strides = array<i32>} : memref<2x768xf32, #tpu.memory_space<vmem>>, vector<16xf32>,
      tpu.vector_store %arg7[%swap3A_589, %swap3A_590], %add3A_587 {strides = array<i32>} : memref<2x768xf32, #tpu.memory_space<vmem>>, vector<16xf32>,
      %get3A_592 = arith.constant 0 : i32
      %get3A_593 = arith.index_cast %get3A_592 : i32 to index
      %get3A_594 = arith.constant 144 : index
      %get3A_595 = tpu.vector_load %arg7[%get3A_593, %get3A_594] {strides = array<i32>} : memref<2x768xf32, #tpu.memory_space<vmem>>, vector<16xf32>,
      %add3A_596 = arith.addf %get3A_595, %scan3A_581#1 : vector<16xf32>
      %swap3A_597 = arith.constant 0 : i32
      %swap3A_598 = arith.index_cast %swap3A_597 : i32 to index
      %swap3A_599 = arith.constant 144 : index
      %swap3A_600 = tpu.vector_load %arg7[%swap3A_598, %swap3A_599] {strides = array<i32>} : memref<2x768xf32, #tpu.memory_space<vmem>>, vector<16xf32>,
      tpu.vector_store %arg7[%swap3A_598, %swap3A_599], %add3A_596 {strides = array<i32>} : memref<2x768xf32, #tpu.memory_space<vmem>>, vector<16xf32>,
      %get3A_601 = arith.constant 0 : i32
      %get3A_602 = arith.index_cast %get3A_601 : i32 to index
      %get3A_603 = arith.constant 160 : index
      %get3A_604 = tpu.vector_load %arg7[%get3A_602, %get3A_603] {strides = array<i32>} : memref<2x768xf32, #tpu.memory_space<vmem>>, vector<16xf32>,
      %add3A_605 = arith.addf %get3A_604, %scan3A_581#2 : vector<16xf32>
      %swap3A_606 = arith.constant 0 : i32
      %swap3A_607 = arith.index_cast %swap3A_606 : i32 to index
      %swap3A_608 = arith.constant 160 : index
      %swap3A_609 = tpu.vector_load %arg7[%swap3A_607, %swap3A_608] {strides = array<i32>} : memref<2x768xf32, #tpu.memory_space<vmem>>, vector<16xf32>,
      tpu.vector_store %arg7[%swap3A_607, %swap3A_608], %add3A_605 {strides = array<i32>} : memref<2x768xf32, #tpu.memory_space<vmem>>, vector<16xf32>,
      %get3A_610 = arith.constant 0 : i32
      %get3A_611 = arith.index_cast %get3A_610 : i32 to index
      %get3A_612 = arith.constant 176 : index
      %get3A_613 = tpu.vector_load %arg7[%get3A_611, %get3A_612] {strides = array<i32>} : memref<2x768xf32, #tpu.memory_space<vmem>>, vector<16xf32>,
      %add3A_614 = arith.addf %get3A_613, %scan3A_581#3 : vector<16xf32>
      %swap3A_615 = arith.constant 0 : i32
      %swap3A_616 = arith.index_cast %swap3A_615 : i32 to index
      %swap3A_617 = arith.constant 176 : index
      %swap3A_618 = tpu.vector_load %arg7[%swap3A_616, %swap3A_617] {strides = array<i32>} : memref<2x768xf32, #tpu.memory_space<vmem>>, vector<16xf32>,
      tpu.vector_store %arg7[%swap3A_616, %swap3A_617], %add3A_614 {strides = array<i32>} : memref<2x768xf32, #tpu.memory_space<vmem>>, vector<16xf32>,
      %get3A_619 = arith.constant 0 : i32
      %get3A_620 = arith.index_cast %get3A_619 : i32 to index
      %get3A_621 = arith.constant 192 : index
      %get3A_622 = tpu.vector_load %arg7[%get3A_620, %get3A_621] {strides = array<i32>} : memref<2x768xf32, #tpu.memory_space<vmem>>, vector<16xf32>,
      %add3A_623 = arith.addf %get3A_622, %scan3A_581#4 : vector<16xf32>
      %swap3A_624 = arith.constant 0 : i32
      %swap3A_625 = arith.index_cast %swap3A_624 : i32 to index
      %swap3A_626 = arith.constant 192 : index
      %swap3A_627 = tpu.vector_load %arg7[%swap3A_625, %swap3A_626] {strides = array<i32>} : memref<2x768xf32, #tpu.memory_space<vmem>>, vector<16xf32>,
      tpu.vector_store %arg7[%swap3A_625, %swap3A_626], %add3A_623 {strides = array<i32>} : memref<2x768xf32, #tpu.memory_space<vmem>>, vector<16xf32>,
      %get3A_628 = arith.constant 0 : i32
      %get3A_629 = arith.index_cast %get3A_628 : i32 to index
      %get3A_630 = arith.constant 208 : index
      %get3A_631 = tpu.vector_load %arg7[%get3A_629, %get3A_630] {strides = array<i32>} : memref<2x768xf32, #tpu.memory_space<vmem>>, vector<16xf32>,
      %add3A_632 = arith.addf %get3A_631, %scan3A_581#5 : vector<16xf32>
      %swap3A_633 = arith.constant 0 : i32
      %swap3A_634 = arith.index_cast %swap3A_633 : i32 to index
      %swap3A_635 = arith.constant 208 : index
      %swap3A_636 = tpu.vector_load %arg7[%swap3A_634, %swap3A_635] {strides = array<i32>} : memref<2x768xf32, #tpu.memory_space<vmem>>, vector<16xf32>,
      tpu.vector_store %arg7[%swap3A_634, %swap3A_635], %add3A_632 {strides = array<i32>} : memref<2x768xf32, #tpu.memory_space<vmem>>, vector<16xf32>,
      %get3A_637 = arith.constant 0 : i32
      %get3A_638 = arith.index_cast %get3A_637 : i32 to index
      %get3A_639 = arith.constant 224 : index
      %get3A_640 = tpu.vector_load %arg7[%get3A_638, %get3A_639] {strides = array<i32>} : memref<2x768xf32, #tpu.memory_space<vmem>>, vector<16xf32>,
      %add3A_641 = arith.addf %get3A_640, %scan3A_581#6 : vector<16xf32>
      %swap3A_642 = arith.constant 0 : i32
      %swap3A_643 = arith.index_cast %swap3A_642 : i32 to index
      %swap3A_644 = arith.constant 224 : index
      %swap3A_645 = tpu.vector_load %arg7[%swap3A_643, %swap3A_644] {strides = array<i32>} : memref<2x768xf32, #tpu.memory_space<vmem>>, vector<16xf32>,
      tpu.vector_store %arg7[%swap3A_643, %swap3A_644], %add3A_641 {strides = array<i32>} : memref<2x768xf32, #tpu.memory_space<vmem>>, vector<16xf32>,
      %get3A_646 = arith.constant 0 : i32
      %get3A_647 = arith.index_cast %get3A_646 : i32 to index
      %get3A_648 = arith.constant 240 : index
      %get3A_649 = tpu.vector_load %arg7[%get3A_647, %get3A_648] {strides = array<i32>} : memref<2x768xf32, #tpu.memory_space<vmem>>, vector<16xf32>,
      %add3A_650 = arith.addf %get3A_649, %scan3A_581#7 : vector<16xf32>
      %swap3A_651 = arith.constant 0 : i32
      %swap3A_652 = arith.index_cast %swap3A_651 : i32 to index
      %swap3A_653 = arith.constant 240 : index
      %swap3A_654 = tpu.vector_load %arg7[%swap3A_652, %swap3A_653] {strides = array<i32>} : memref<2x768xf32, #tpu.memory_space<vmem>>, vector<16xf32>,
      tpu.vector_store %arg7[%swap3A_652, %swap3A_653], %add3A_650 {strides = array<i32>} : memref<2x768xf32, #tpu.memory_space<vmem>>, vector<16xf32>,
      %get3A_655 = arith.constant 1 : i32
      %get3A_656 = arith.index_cast %get3A_655 : i32 to index
      %get3A_657 = arith.constant 128 : index
      %get3A_658 = tpu.vector_load %arg7[%get3A_656, %get3A_657] {strides = array<i32>} : memref<2x768xf32, #tpu.memory_space<vmem>>, vector<16xf32>,
      %add3A_659 = arith.addf %get3A_658, %scan3A_581#8 : vector<16xf32>
      %swap3A_660 = arith.constant 1 : i32
      %swap3A_661 = arith.index_cast %swap3A_660 : i32 to index
      %swap3A_662 = arith.constant 128 : index
      %swap3A_663 = tpu.vector_load %arg7[%swap3A_661, %swap3A_662] {strides = array<i32>} : memref<2x768xf32, #tpu.memory_space<vmem>>, vector<16xf32>,
      tpu.vector_store %arg7[%swap3A_661, %swap3A_662], %add3A_659 {strides = array<i32>} : memref<2x768xf32, #tpu.memory_space<vmem>>, vector<16xf32>,
      %get3A_664 = arith.constant 1 : i32
      %get3A_665 = arith.index_cast %get3A_664 : i32 to index
      %get3A_666 = arith.constant 144 : index
      %get3A_667 = tpu.vector_load %arg7[%get3A_665, %get3A_666] {strides = array<i32>} : memref<2x768xf32, #tpu.memory_space<vmem>>, vector<16xf32>,
      %add3A_668 = arith.addf %get3A_667, %scan3A_581#9 : vector<16xf32>
      %swap3A_669 = arith.constant 1 : i32
      %swap3A_670 = arith.index_cast %swap3A_669 : i32 to index
      %swap3A_671 = arith.constant 144 : index
      %swap3A_672 = tpu.vector_load %arg7[%swap3A_670, %swap3A_671] {strides = array<i32>} : memref<2x768xf32, #tpu.memory_space<vmem>>, vector<16xf32>,
      tpu.vector_store %arg7[%swap3A_670, %swap3A_671], %add3A_668 {strides = array<i32>} : memref<2x768xf32, #tpu.memory_space<vmem>>, vector<16xf32>,
      %get3A_673 = arith.constant 1 : i32
      %get3A_674 = arith.index_cast %get3A_673 : i32 to index
      %get3A_675 = arith.constant 160 : index
      %get3A_676 = tpu.vector_load %arg7[%get3A_674, %get3A_675] {strides = array<i32>} : memref<2x768xf32, #tpu.memory_space<vmem>>, vector<16xf32>,
      %add3A_677 = arith.addf %get3A_676, %scan3A_581#10 : vector<16xf32>
      %swap3A_678 = arith.constant 1 : i32
      %swap3A_679 = arith.index_cast %swap3A_678 : i32 to index
      %swap3A_680 = arith.constant 160 : index
      %swap3A_681 = tpu.vector_load %arg7[%swap3A_679, %swap3A_680] {strides = array<i32>} : memref<2x768xf32, #tpu.memory_space<vmem>>, vector<16xf32>,
      tpu.vector_store %arg7[%swap3A_679, %swap3A_680], %add3A_677 {strides = array<i32>} : memref<2x768xf32, #tpu.memory_space<vmem>>, vector<16xf32>,
      %get3A_682 = arith.constant 1 : i32
      %get3A_683 = arith.index_cast %get3A_682 : i32 to index
      %get3A_684 = arith.constant 176 : index
      %get3A_685 = tpu.vector_load %arg7[%get3A_683, %get3A_684] {strides = array<i32>} : memref<2x768xf32, #tpu.memory_space<vmem>>, vector<16xf32>,
      %add3A_686 = arith.addf %get3A_685, %scan3A_581#11 : vector<16xf32>
      %swap3A_687 = arith.constant 1 : i32
      %swap3A_688 = arith.index_cast %swap3A_687 : i32 to index
      %swap3A_689 = arith.constant 176 : index
      %swap3A_690 = tpu.vector_load %arg7[%swap3A_688, %swap3A_689] {strides = array<i32>} : memref<2x768xf32, #tpu.memory_space<vmem>>, vector<16xf32>,
      tpu.vector_store %arg7[%swap3A_688, %swap3A_689], %add3A_686 {strides = array<i32>} : memref<2x768xf32, #tpu.memory_space<vmem>>, vector<16xf32>,
      %get3A_691 = arith.constant 1 : i32
      %get3A_692 = arith.index_cast %get3A_691 : i32 to index
      %get3A_693 = arith.constant 192 : index
      %get3A_694 = tpu.vector_load %arg7[%get3A_692, %get3A_693] {strides = array<i32>} : memref<2x768xf32, #tpu.memory_space<vmem>>, vector<16xf32>,
      %add3A_695 = arith.addf %get3A_694, %scan3A_581#12 : vector<16xf32>
      %swap3A_696 = arith.constant 1 : i32
      %swap3A_697 = arith.index_cast %swap3A_696 : i32 to index
      %swap3A_698 = arith.constant 192 : index
      %swap3A_699 = tpu.vector_load %arg7[%swap3A_697, %swap3A_698] {strides = array<i32>} : memref<2x768xf32, #tpu.memory_space<vmem>>, vector<16xf32>,
      tpu.vector_store %arg7[%swap3A_697, %swap3A_698], %add3A_695 {strides = array<i32>} : memref<2x768xf32, #tpu.memory_space<vmem>>, vector<16xf32>,
      %get3A_700 = arith.constant 1 : i32
      %get3A_701 = arith.index_cast %get3A_700 : i32 to index
      %get3A_702 = arith.constant 208 : index
      %get3A_703 = tpu.vector_load %arg7[%get3A_701, %get3A_702] {strides = array<i32>} : memref<2x768xf32, #tpu.memory_space<vmem>>, vector<16xf32>,
      %add3A_704 = arith.addf %get3A_703, %scan3A_581#13 : vector<16xf32>
      %swap3A_705 = arith.constant 1 : i32
      %swap3A_706 = arith.index_cast %swap3A_705 : i32 to index
      %swap3A_707 = arith.constant 208 : index
      %swap3A_708 = tpu.vector_load %arg7[%swap3A_706, %swap3A_707] {strides = array<i32>} : memref<2x768xf32, #tpu.memory_space<vmem>>, vector<16xf32>,
      tpu.vector_store %arg7[%swap3A_706, %swap3A_707], %add3A_704 {strides = array<i32>} : memref<2x768xf32, #tpu.memory_space<vmem>>, vector<16xf32>,
      %get3A_709 = arith.constant 1 : i32
      %get3A_710 = arith.index_cast %get3A_709 : i32 to index
      %get3A_711 = arith.constant 224 : index
      %get3A_712 = tpu.vector_load %arg7[%get3A_710, %get3A_711] {strides = array<i32>} : memref<2x768xf32, #tpu.memory_space<vmem>>, vector<16xf32>,
      %add3A_713 = arith.addf %get3A_712, %scan3A_581#14 : vector<16xf32>
      %swap3A_714 = arith.constant 1 : i32
      %swap3A_715 = arith.index_cast %swap3A_714 : i32 to index
      %swap3A_716 = arith.constant 224 : index
      %swap3A_717 = tpu.vector_load %arg7[%swap3A_715, %swap3A_716] {strides = array<i32>} : memref<2x768xf32, #tpu.memory_space<vmem>>, vector<16xf32>,
      tpu.vector_store %arg7[%swap3A_715, %swap3A_716], %add3A_713 {strides = array<i32>} : memref<2x768xf32, #tpu.memory_space<vmem>>, vector<16xf32>,
      %get3A_718 = arith.constant 1 : i32
      %get3A_719 = arith.index_cast %get3A_718 : i32 to index
      %get3A_720 = arith.constant 240 : index
      %get3A_721 = tpu.vector_load %arg7[%get3A_719, %get3A_720] {strides = array<i32>} : memref<2x768xf32, #tpu.memory_space<vmem>>, vector<16xf32>,
      %add3A_722 = arith.addf %get3A_721, %scan3A_581#15 : vector<16xf32>
      %swap3A_723 = arith.constant 1 : i32
      %swap3A_724 = arith.index_cast %swap3A_723 : i32 to index
      %swap3A_725 = arith.constant 240 : index
      %swap3A_726 = tpu.vector_load %arg7[%swap3A_724, %swap3A_725] {strides = array<i32>} : memref<2x768xf32, #tpu.memory_space<vmem>>, vector<16xf32>,
      tpu.vector_store %arg7[%swap3A_724, %swap3A_725], %add3A_722 {strides = array<i32>} : memref<2x768xf32, #tpu.memory_space<vmem>>, vector<16xf32>,
      %scan3A_727 = arith.constant 0 : i32
      %scan3A_728 = arith.constant 64 : i32
      %scan3A_729 = arith.addi %scan3A_727, %scan3A_728 : i32
      %scan3A_730 = arith.constant 1 : i32
      %scan3A_731:16 = scf.for %scan3A_1327 = %scan3A_727 to %scan3A_729 step %scan3A_730 iter_args(%scan3A_1328 = %broadcast_in_dim3A_35, %scan3A_1329 = %broadcast_in_dim3A_35, %scan3A_1330 = %broadcast_in_dim3A_35, %scan3A_1331 = %broadcast_in_dim3A_35, %scan3A_1332 = %broadcast_in_dim3A_35, %scan3A_1333 = %broadcast_in_dim3A_35, %scan3A_1334 = %broadcast_in_dim3A_35, %scan3A_1335 = %broadcast_in_dim3A_35, %scan3A_1336 = %broadcast_in_dim3A_35, %scan3A_1337 = %broadcast_in_dim3A_35, %scan3A_1338 = %broadcast_in_dim3A_35, %scan3A_1339 = %broadcast_in_dim3A_35, %scan3A_1340 = %broadcast_in_dim3A_35, %scan3A_1341 = %broadcast_in_dim3A_35, %scan3A_1342 = %broadcast_in_dim3A_35, %scan3A_1343 = %broadcast_in_dim3A_35) -> (vector<16xf32>, vector<16xf32>, vector<16xf32>, vector<16xf32>, vector<16xf32>, vector<16xf32>, vector<16xf32>, vector<16xf32>, vector<16xf32>, vector<16xf32>, vector<16xf32>, vector<16xf32>, vector<16xf32>, vector<16xf32>, vector<16xf32>, vector<16xf32>)  : i32 {
        %mul3A_1344 = arith.constant 64 : i32
        %mul3A_1345 = arith.muli %scan3A_424, %mul3A_1344 : i32
        %add3A_1346 = arith.addi %mul3A_1345, %scan3A_1327 : i32
        %broadcast_in_dim3A_1347 = vector.broadcast %add3A_1346 : i32 to vector<16xi32>
        %gather3A = tpu.vector_load_idx %arg6[%broadcast_in_dim3A_1347] : memref<256xf32, #tpu.memory_space<vmem>>[vector<16xi32>], vector<16xf32>,
        %get3A_1348 = arith.index_cast %scan3A_1327 : i32 to index
        %get3A_1349 = arith.constant 256 : index
        %get3A_1350 = tpu.vector_load %arg5[%get3A_1348, %get3A_1349] {strides = array<i32>} : memref<64x768xf32, #tpu.memory_space<vmem>>, vector<16xf32>,
        %add3A_1351 = arith.addf %scan3A_1328, %get3A_1350 : vector<16xf32>
        %mul3A_1352 = arith.mulf %gather3A, %get3A_1350 : vector<16xf32>
        %add3A_1353 = arith.addf %scan3A_1336, %mul3A_1352 : vector<16xf32>
        %get3A_1354 = arith.index_cast %scan3A_1327 : i32 to index
        %get3A_1355 = arith.constant 272 : index
        %get3A_1356 = tpu.vector_load %arg5[%get3A_1354, %get3A_1355] {strides = array<i32>} : memref<64x768xf32, #tpu.memory_space<vmem>>, vector<16xf32>,
        %add3A_1357 = arith.addf %scan3A_1329, %get3A_1356 : vector<16xf32>
        %mul3A_1358 = arith.mulf %gather3A, %get3A_1356 : vector<16xf32>
        %add3A_1359 = arith.addf %scan3A_1337, %mul3A_1358 : vector<16xf32>
        %get3A_1360 = arith.index_cast %scan3A_1327 : i32 to index
        %get3A_1361 = arith.constant 288 : index
        %get3A_1362 = tpu.vector_load %arg5[%get3A_1360, %get3A_1361] {strides = array<i32>} : memref<64x768xf32, #tpu.memory_space<vmem>>, vector<16xf32>,
        %add3A_1363 = arith.addf %scan3A_1330, %get3A_1362 : vector<16xf32>
        %mul3A_1364 = arith.mulf %gather3A, %get3A_1362 : vector<16xf32>
        %add3A_1365 = arith.addf %scan3A_1338, %mul3A_1364 : vector<16xf32>
        %get3A_1366 = arith.index_cast %scan3A_1327 : i32 to index
        %get3A_1367 = arith.constant 304 : index
        %get3A_1368 = tpu.vector_load %arg5[%get3A_1366, %get3A_1367] {strides = array<i32>} : memref<64x768xf32, #tpu.memory_space<vmem>>, vector<16xf32>,
        %add3A_1369 = arith.addf %scan3A_1331, %get3A_1368 : vector<16xf32>
        %mul3A_1370 = arith.mulf %gather3A, %get3A_1368 : vector<16xf32>
        %add3A_1371 = arith.addf %scan3A_1339, %mul3A_1370 : vector<16xf32>
        %get3A_1372 = arith.index_cast %scan3A_1327 : i32 to index
        %get3A_1373 = arith.constant 320 : index
        %get3A_1374 = tpu.vector_load %arg5[%get3A_1372, %get3A_1373] {strides = array<i32>} : memref<64x768xf32, #tpu.memory_space<vmem>>, vector<16xf32>,
        %add3A_1375 = arith.addf %scan3A_1332, %get3A_1374 : vector<16xf32>
        %mul3A_1376 = arith.mulf %gather3A, %get3A_1374 : vector<16xf32>
        %add3A_1377 = arith.addf %scan3A_1340, %mul3A_1376 : vector<16xf32>
        %get3A_1378 = arith.index_cast %scan3A_1327 : i32 to index
        %get3A_1379 = arith.constant 336 : index
        %get3A_1380 = tpu.vector_load %arg5[%get3A_1378, %get3A_1379] {strides = array<i32>} : memref<64x768xf32, #tpu.memory_space<vmem>>, vector<16xf32>,
        %add3A_1381 = arith.addf %scan3A_1333, %get3A_1380 : vector<16xf32>
        %mul3A_1382 = arith.mulf %gather3A, %get3A_1380 : vector<16xf32>
        %add3A_1383 = arith.addf %scan3A_1341, %mul3A_1382 : vector<16xf32>
        %get3A_1384 = arith.index_cast %scan3A_1327 : i32 to index
        %get3A_1385 = arith.constant 352 : index
        %get3A_1386 = tpu.vector_load %arg5[%get3A_1384, %get3A_1385] {strides = array<i32>} : memref<64x768xf32, #tpu.memory_space<vmem>>, vector<16xf32>,
        %add3A_1387 = arith.addf %scan3A_1334, %get3A_1386 : vector<16xf32>
        %mul3A_1388 = arith.mulf %gather3A, %get3A_1386 : vector<16xf32>
        %add3A_1389 = arith.addf %scan3A_1342, %mul3A_1388 : vector<16xf32>
        %get3A_1390 = arith.index_cast %scan3A_1327 : i32 to index
        %get3A_1391 = arith.constant 368 : index
        %get3A_1392 = tpu.vector_load %arg5[%get3A_1390, %get3A_1391] {strides = array<i32>} : memref<64x768xf32, #tpu.memory_space<vmem>>, vector<16xf32>,
        %add3A_1393 = arith.addf %scan3A_1335, %get3A_1392 : vector<16xf32>
        %mul3A_1394 = arith.mulf %gather3A, %get3A_1392 : vector<16xf32>
        %add3A_1395 = arith.addf %scan3A_1343, %mul3A_1394 : vector<16xf32>
        scf.yield %add3A_1351, %add3A_1357, %add3A_1363, %add3A_1369, %add3A_1375, %add3A_1381, %add3A_1387, %add3A_1393, %add3A_1353, %add3A_1359, %add3A_1365, %add3A_1371, %add3A_1377, %add3A_1383, %add3A_1389, %add3A_1395 : vector<16xf32>, vector<16xf32>, vector<16xf32>, vector<16xf32>, vector<16xf32>, vector<16xf32>, vector<16xf32>, vector<16xf32>, vector<16xf32>, vector<16xf32>, vector<16xf32>, vector<16xf32>, vector<16xf32>, vector<16xf32>, vector<16xf32>, vector<16xf32>
      }
      %scan3A_732 = arith.constant 64 : i32
      %get3A_733 = arith.constant 0 : i32
      %get3A_734 = arith.index_cast %get3A_733 : i32 to index
      %get3A_735 = arith.constant 256 : index
      %get3A_736 = tpu.vector_load %arg7[%get3A_734, %get3A_735] {strides = array<i32>} : memref<2x768xf32, #tpu.memory_space<vmem>>, vector<16xf32>,
      %add3A_737 = arith.addf %get3A_736, %scan3A_731#0 : vector<16xf32>
      %swap3A_738 = arith.constant 0 : i32
      %swap3A_739 = arith.index_cast %swap3A_738 : i32 to index
      %swap3A_740 = arith.constant 256 : index
      %swap3A_741 = tpu.vector_load %arg7[%swap3A_739, %swap3A_740] {strides = array<i32>} : memref<2x768xf32, #tpu.memory_space<vmem>>, vector<16xf32>,
      tpu.vector_store %arg7[%swap3A_739, %swap3A_740], %add3A_737 {strides = array<i32>} : memref<2x768xf32, #tpu.memory_space<vmem>>, vector<16xf32>,
      %get3A_742 = arith.constant 0 : i32
      %get3A_743 = arith.index_cast %get3A_742 : i32 to index
      %get3A_744 = arith.constant 272 : index
      %get3A_745 = tpu.vector_load %arg7[%get3A_743, %get3A_744] {strides = array<i32>} : memref<2x768xf32, #tpu.memory_space<vmem>>, vector<16xf32>,
      %add3A_746 = arith.addf %get3A_745, %scan3A_731#1 : vector<16xf32>
      %swap3A_747 = arith.constant 0 : i32
      %swap3A_748 = arith.index_cast %swap3A_747 : i32 to index
      %swap3A_749 = arith.constant 272 : index
      %swap3A_750 = tpu.vector_load %arg7[%swap3A_748, %swap3A_749] {strides = array<i32>} : memref<2x768xf32, #tpu.memory_space<vmem>>, vector<16xf32>,
      tpu.vector_store %arg7[%swap3A_748, %swap3A_749], %add3A_746 {strides = array<i32>} : memref<2x768xf32, #tpu.memory_space<vmem>>, vector<16xf32>,
      %get3A_751 = arith.constant 0 : i32
      %get3A_752 = arith.index_cast %get3A_751 : i32 to index
      %get3A_753 = arith.constant 288 : index
      %get3A_754 = tpu.vector_load %arg7[%get3A_752, %get3A_753] {strides = array<i32>} : memref<2x768xf32, #tpu.memory_space<vmem>>, vector<16xf32>,
      %add3A_755 = arith.addf %get3A_754, %scan3A_731#2 : vector<16xf32>
      %swap3A_756 = arith.constant 0 : i32
      %swap3A_757 = arith.index_cast %swap3A_756 : i32 to index
      %swap3A_758 = arith.constant 288 : index
      %swap3A_759 = tpu.vector_load %arg7[%swap3A_757, %swap3A_758] {strides = array<i32>} : memref<2x768xf32, #tpu.memory_space<vmem>>, vector<16xf32>,
      tpu.vector_store %arg7[%swap3A_757, %swap3A_758], %add3A_755 {strides = array<i32>} : memref<2x768xf32, #tpu.memory_space<vmem>>, vector<16xf32>,
      %get3A_760 = arith.constant 0 : i32
      %get3A_761 = arith.index_cast %get3A_760 : i32 to index
      %get3A_762 = arith.constant 304 : index
      %get3A_763 = tpu.vector_load %arg7[%get3A_761, %get3A_762] {strides = array<i32>} : memref<2x768xf32, #tpu.memory_space<vmem>>, vector<16xf32>,
      %add3A_764 = arith.addf %get3A_763, %scan3A_731#3 : vector<16xf32>
      %swap3A_765 = arith.constant 0 : i32
      %swap3A_766 = arith.index_cast %swap3A_765 : i32 to index
      %swap3A_767 = arith.constant 304 : index
      %swap3A_768 = tpu.vector_load %arg7[%swap3A_766, %swap3A_767] {strides = array<i32>} : memref<2x768xf32, #tpu.memory_space<vmem>>, vector<16xf32>,
      tpu.vector_store %arg7[%swap3A_766, %swap3A_767], %add3A_764 {strides = array<i32>} : memref<2x768xf32, #tpu.memory_space<vmem>>, vector<16xf32>,
      %get3A_769 = arith.constant 0 : i32
      %get3A_770 = arith.index_cast %get3A_769 : i32 to index
      %get3A_771 = arith.constant 320 : index
      %get3A_772 = tpu.vector_load %arg7[%get3A_770, %get3A_771] {strides = array<i32>} : memref<2x768xf32, #tpu.memory_space<vmem>>, vector<16xf32>,
      %add3A_773 = arith.addf %get3A_772, %scan3A_731#4 : vector<16xf32>
      %swap3A_774 = arith.constant 0 : i32
      %swap3A_775 = arith.index_cast %swap3A_774 : i32 to index
      %swap3A_776 = arith.constant 320 : index
      %swap3A_777 = tpu.vector_load %arg7[%swap3A_775, %swap3A_776] {strides = array<i32>} : memref<2x768xf32, #tpu.memory_space<vmem>>, vector<16xf32>,
      tpu.vector_store %arg7[%swap3A_775, %swap3A_776], %add3A_773 {strides = array<i32>} : memref<2x768xf32, #tpu.memory_space<vmem>>, vector<16xf32>,
      %get3A_778 = arith.constant 0 : i32
      %get3A_779 = arith.index_cast %get3A_778 : i32 to index
      %get3A_780 = arith.constant 336 : index
      %get3A_781 = tpu.vector_load %arg7[%get3A_779, %get3A_780] {strides = array<i32>} : memref<2x768xf32, #tpu.memory_space<vmem>>, vector<16xf32>,
      %add3A_782 = arith.addf %get3A_781, %scan3A_731#5 : vector<16xf32>
      %swap3A_783 = arith.constant 0 : i32
      %swap3A_784 = arith.index_cast %swap3A_783 : i32 to index
      %swap3A_785 = arith.constant 336 : index
      %swap3A_786 = tpu.vector_load %arg7[%swap3A_784, %swap3A_785] {strides = array<i32>} : memref<2x768xf32, #tpu.memory_space<vmem>>, vector<16xf32>,
      tpu.vector_store %arg7[%swap3A_784, %swap3A_785], %add3A_782 {strides = array<i32>} : memref<2x768xf32, #tpu.memory_space<vmem>>, vector<16xf32>,
      %get3A_787 = arith.constant 0 : i32
      %get3A_788 = arith.index_cast %get3A_787 : i32 to index
      %get3A_789 = arith.constant 352 : index
      %get3A_790 = tpu.vector_load %arg7[%get3A_788, %get3A_789] {strides = array<i32>} : memref<2x768xf32, #tpu.memory_space<vmem>>, vector<16xf32>,
      %add3A_791 = arith.addf %get3A_790, %scan3A_731#6 : vector<16xf32>
      %swap3A_792 = arith.constant 0 : i32
      %swap3A_793 = arith.index_cast %swap3A_792 : i32 to index
      %swap3A_794 = arith.constant 352 : index
      %swap3A_795 = tpu.vector_load %arg7[%swap3A_793, %swap3A_794] {strides = array<i32>} : memref<2x768xf32, #tpu.memory_space<vmem>>, vector<16xf32>,
      tpu.vector_store %arg7[%swap3A_793, %swap3A_794], %add3A_791 {strides = array<i32>} : memref<2x768xf32, #tpu.memory_space<vmem>>, vector<16xf32>,
      %get3A_796 = arith.constant 0 : i32
      %get3A_797 = arith.index_cast %get3A_796 : i32 to index
      %get3A_798 = arith.constant 368 : index
      %get3A_799 = tpu.vector_load %arg7[%get3A_797, %get3A_798] {strides = array<i32>} : memref<2x768xf32, #tpu.memory_space<vmem>>, vector<16xf32>,
      %add3A_800 = arith.addf %get3A_799, %scan3A_731#7 : vector<16xf32>
      %swap3A_801 = arith.constant 0 : i32
      %swap3A_802 = arith.index_cast %swap3A_801 : i32 to index
      %swap3A_803 = arith.constant 368 : index
      %swap3A_804 = tpu.vector_load %arg7[%swap3A_802, %swap3A_803] {strides = array<i32>} : memref<2x768xf32, #tpu.memory_space<vmem>>, vector<16xf32>,
      tpu.vector_store %arg7[%swap3A_802, %swap3A_803], %add3A_800 {strides = array<i32>} : memref<2x768xf32, #tpu.memory_space<vmem>>, vector<16xf32>,
      %get3A_805 = arith.constant 1 : i32
      %get3A_806 = arith.index_cast %get3A_805 : i32 to index
      %get3A_807 = arith.constant 256 : index
      %get3A_808 = tpu.vector_load %arg7[%get3A_806, %get3A_807] {strides = array<i32>} : memref<2x768xf32, #tpu.memory_space<vmem>>, vector<16xf32>,
      %add3A_809 = arith.addf %get3A_808, %scan3A_731#8 : vector<16xf32>
      %swap3A_810 = arith.constant 1 : i32
      %swap3A_811 = arith.index_cast %swap3A_810 : i32 to index
      %swap3A_812 = arith.constant 256 : index
      %swap3A_813 = tpu.vector_load %arg7[%swap3A_811, %swap3A_812] {strides = array<i32>} : memref<2x768xf32, #tpu.memory_space<vmem>>, vector<16xf32>,
      tpu.vector_store %arg7[%swap3A_811, %swap3A_812], %add3A_809 {strides = array<i32>} : memref<2x768xf32, #tpu.memory_space<vmem>>, vector<16xf32>,
      %get3A_814 = arith.constant 1 : i32
      %get3A_815 = arith.index_cast %get3A_814 : i32 to index
      %get3A_816 = arith.constant 272 : index
      %get3A_817 = tpu.vector_load %arg7[%get3A_815, %get3A_816] {strides = array<i32>} : memref<2x768xf32, #tpu.memory_space<vmem>>, vector<16xf32>,
      %add3A_818 = arith.addf %get3A_817, %scan3A_731#9 : vector<16xf32>
      %swap3A_819 = arith.constant 1 : i32
      %swap3A_820 = arith.index_cast %swap3A_819 : i32 to index
      %swap3A_821 = arith.constant 272 : index
      %swap3A_822 = tpu.vector_load %arg7[%swap3A_820, %swap3A_821] {strides = array<i32>} : memref<2x768xf32, #tpu.memory_space<vmem>>, vector<16xf32>,
      tpu.vector_store %arg7[%swap3A_820, %swap3A_821], %add3A_818 {strides = array<i32>} : memref<2x768xf32, #tpu.memory_space<vmem>>, vector<16xf32>,
      %get3A_823 = arith.constant 1 : i32
      %get3A_824 = arith.index_cast %get3A_823 : i32 to index
      %get3A_825 = arith.constant 288 : index
      %get3A_826 = tpu.vector_load %arg7[%get3A_824, %get3A_825] {strides = array<i32>} : memref<2x768xf32, #tpu.memory_space<vmem>>, vector<16xf32>,
      %add3A_827 = arith.addf %get3A_826, %scan3A_731#10 : vector<16xf32>
      %swap3A_828 = arith.constant 1 : i32
      %swap3A_829 = arith.index_cast %swap3A_828 : i32 to index
      %swap3A_830 = arith.constant 288 : index
      %swap3A_831 = tpu.vector_load %arg7[%swap3A_829, %swap3A_830] {strides = array<i32>} : memref<2x768xf32, #tpu.memory_space<vmem>>, vector<16xf32>,
      tpu.vector_store %arg7[%swap3A_829, %swap3A_830], %add3A_827 {strides = array<i32>} : memref<2x768xf32, #tpu.memory_space<vmem>>, vector<16xf32>,
      %get3A_832 = arith.constant 1 : i32
      %get3A_833 = arith.index_cast %get3A_832 : i32 to index
      %get3A_834 = arith.constant 304 : index
      %get3A_835 = tpu.vector_load %arg7[%get3A_833, %get3A_834] {strides = array<i32>} : memref<2x768xf32, #tpu.memory_space<vmem>>, vector<16xf32>,
      %add3A_836 = arith.addf %get3A_835, %scan3A_731#11 : vector<16xf32>
      %swap3A_837 = arith.constant 1 : i32
      %swap3A_838 = arith.index_cast %swap3A_837 : i32 to index
      %swap3A_839 = arith.constant 304 : index
      %swap3A_840 = tpu.vector_load %arg7[%swap3A_838, %swap3A_839] {strides = array<i32>} : memref<2x768xf32, #tpu.memory_space<vmem>>, vector<16xf32>,
      tpu.vector_store %arg7[%swap3A_838, %swap3A_839], %add3A_836 {strides = array<i32>} : memref<2x768xf32, #tpu.memory_space<vmem>>, vector<16xf32>,
      %get3A_841 = arith.constant 1 : i32
      %get3A_842 = arith.index_cast %get3A_841 : i32 to index
      %get3A_843 = arith.constant 320 : index
      %get3A_844 = tpu.vector_load %arg7[%get3A_842, %get3A_843] {strides = array<i32>} : memref<2x768xf32, #tpu.memory_space<vmem>>, vector<16xf32>,
      %add3A_845 = arith.addf %get3A_844, %scan3A_731#12 : vector<16xf32>
      %swap3A_846 = arith.constant 1 : i32
      %swap3A_847 = arith.index_cast %swap3A_846 : i32 to index
      %swap3A_848 = arith.constant 320 : index
      %swap3A_849 = tpu.vector_load %arg7[%swap3A_847, %swap3A_848] {strides = array<i32>} : memref<2x768xf32, #tpu.memory_space<vmem>>, vector<16xf32>,
      tpu.vector_store %arg7[%swap3A_847, %swap3A_848], %add3A_845 {strides = array<i32>} : memref<2x768xf32, #tpu.memory_space<vmem>>, vector<16xf32>,
      %get3A_850 = arith.constant 1 : i32
      %get3A_851 = arith.index_cast %get3A_850 : i32 to index
      %get3A_852 = arith.constant 336 : index
      %get3A_853 = tpu.vector_load %arg7[%get3A_851, %get3A_852] {strides = array<i32>} : memref<2x768xf32, #tpu.memory_space<vmem>>, vector<16xf32>,
      %add3A_854 = arith.addf %get3A_853, %scan3A_731#13 : vector<16xf32>
      %swap3A_855 = arith.constant 1 : i32
      %swap3A_856 = arith.index_cast %swap3A_855 : i32 to index
      %swap3A_857 = arith.constant 336 : index
      %swap3A_858 = tpu.vector_load %arg7[%swap3A_856, %swap3A_857] {strides = array<i32>} : memref<2x768xf32, #tpu.memory_space<vmem>>, vector<16xf32>,
      tpu.vector_store %arg7[%swap3A_856, %swap3A_857], %add3A_854 {strides = array<i32>} : memref<2x768xf32, #tpu.memory_space<vmem>>, vector<16xf32>,
      %get3A_859 = arith.constant 1 : i32
      %get3A_860 = arith.index_cast %get3A_859 : i32 to index
      %get3A_861 = arith.constant 352 : index
      %get3A_862 = tpu.vector_load %arg7[%get3A_860, %get3A_861] {strides = array<i32>} : memref<2x768xf32, #tpu.memory_space<vmem>>, vector<16xf32>,
      %add3A_863 = arith.addf %get3A_862, %scan3A_731#14 : vector<16xf32>
      %swap3A_864 = arith.constant 1 : i32
      %swap3A_865 = arith.index_cast %swap3A_864 : i32 to index
      %swap3A_866 = arith.constant 352 : index
      %swap3A_867 = tpu.vector_load %arg7[%swap3A_865, %swap3A_866] {strides = array<i32>} : memref<2x768xf32, #tpu.memory_space<vmem>>, vector<16xf32>,
      tpu.vector_store %arg7[%swap3A_865, %swap3A_866], %add3A_863 {strides = array<i32>} : memref<2x768xf32, #tpu.memory_space<vmem>>, vector<16xf32>,
      %get3A_868 = arith.constant 1 : i32
      %get3A_869 = arith.index_cast %get3A_868 : i32 to index
      %get3A_870 = arith.constant 368 : index
      %get3A_871 = tpu.vector_load %arg7[%get3A_869, %get3A_870] {strides = array<i32>} : memref<2x768xf32, #tpu.memory_space<vmem>>, vector<16xf32>,
      %add3A_872 = arith.addf %get3A_871, %scan3A_731#15 : vector<16xf32>
      %swap3A_873 = arith.constant 1 : i32
      %swap3A_874 = arith.index_cast %swap3A_873 : i32 to index
      %swap3A_875 = arith.constant 368 : index
      %swap3A_876 = tpu.vector_load %arg7[%swap3A_874, %swap3A_875] {strides = array<i32>} : memref<2x768xf32, #tpu.memory_space<vmem>>, vector<16xf32>,
      tpu.vector_store %arg7[%swap3A_874, %swap3A_875], %add3A_872 {strides = array<i32>} : memref<2x768xf32, #tpu.memory_space<vmem>>, vector<16xf32>,
      %scan3A_877 = arith.constant 0 : i32
      %scan3A_878 = arith.constant 64 : i32
      %scan3A_879 = arith.addi %scan3A_877, %scan3A_878 : i32
      %scan3A_880 = arith.constant 1 : i32
      %scan3A_881:16 = scf.for %scan3A_1327 = %scan3A_877 to %scan3A_879 step %scan3A_880 iter_args(%scan3A_1328 = %broadcast_in_dim3A_35, %scan3A_1329 = %broadcast_in_dim3A_35, %scan3A_1330 = %broadcast_in_dim3A_35, %scan3A_1331 = %broadcast_in_dim3A_35, %scan3A_1332 = %broadcast_in_dim3A_35, %scan3A_1333 = %broadcast_in_dim3A_35, %scan3A_1334 = %broadcast_in_dim3A_35, %scan3A_1335 = %broadcast_in_dim3A_35, %scan3A_1336 = %broadcast_in_dim3A_35, %scan3A_1337 = %broadcast_in_dim3A_35, %scan3A_1338 = %broadcast_in_dim3A_35, %scan3A_1339 = %broadcast_in_dim3A_35, %scan3A_1340 = %broadcast_in_dim3A_35, %scan3A_1341 = %broadcast_in_dim3A_35, %scan3A_1342 = %broadcast_in_dim3A_35, %scan3A_1343 = %broadcast_in_dim3A_35) -> (vector<16xf32>, vector<16xf32>, vector<16xf32>, vector<16xf32>, vector<16xf32>, vector<16xf32>, vector<16xf32>, vector<16xf32>, vector<16xf32>, vector<16xf32>, vector<16xf32>, vector<16xf32>, vector<16xf32>, vector<16xf32>, vector<16xf32>, vector<16xf32>)  : i32 {
        %mul3A_1344 = arith.constant 64 : i32
        %mul3A_1345 = arith.muli %scan3A_424, %mul3A_1344 : i32
        %add3A_1346 = arith.addi %mul3A_1345, %scan3A_1327 : i32
        %broadcast_in_dim3A_1347 = vector.broadcast %add3A_1346 : i32 to vector<16xi32>
        %gather3A = tpu.vector_load_idx %arg6[%broadcast_in_dim3A_1347] : memref<256xf32, #tpu.memory_space<vmem>>[vector<16xi32>], vector<16xf32>,
        %get3A_1348 = arith.index_cast %scan3A_1327 : i32 to index
        %get3A_1349 = arith.constant 384 : index
        %get3A_1350 = tpu.vector_load %arg5[%get3A_1348, %get3A_1349] {strides = array<i32>} : memref<64x768xf32, #tpu.memory_space<vmem>>, vector<16xf32>,
        %add3A_1351 = arith.addf %scan3A_1328, %get3A_1350 : vector<16xf32>
        %mul3A_1352 = arith.mulf %gather3A, %get3A_1350 : vector<16xf32>
        %add3A_1353 = arith.addf %scan3A_1336, %mul3A_1352 : vector<16xf32>
        %get3A_1354 = arith.index_cast %scan3A_1327 : i32 to index
        %get3A_1355 = arith.constant 400 : index
        %get3A_1356 = tpu.vector_load %arg5[%get3A_1354, %get3A_1355] {strides = array<i32>} : memref<64x768xf32, #tpu.memory_space<vmem>>, vector<16xf32>,
        %add3A_1357 = arith.addf %scan3A_1329, %get3A_1356 : vector<16xf32>
        %mul3A_1358 = arith.mulf %gather3A, %get3A_1356 : vector<16xf32>
        %add3A_1359 = arith.addf %scan3A_1337, %mul3A_1358 : vector<16xf32>
        %get3A_1360 = arith.index_cast %scan3A_1327 : i32 to index
        %get3A_1361 = arith.constant 416 : index
        %get3A_1362 = tpu.vector_load %arg5[%get3A_1360, %get3A_1361] {strides = array<i32>} : memref<64x768xf32, #tpu.memory_space<vmem>>, vector<16xf32>,
        %add3A_1363 = arith.addf %scan3A_1330, %get3A_1362 : vector<16xf32>
        %mul3A_1364 = arith.mulf %gather3A, %get3A_1362 : vector<16xf32>
        %add3A_1365 = arith.addf %scan3A_1338, %mul3A_1364 : vector<16xf32>
        %get3A_1366 = arith.index_cast %scan3A_1327 : i32 to index
        %get3A_1367 = arith.constant 432 : index
        %get3A_1368 = tpu.vector_load %arg5[%get3A_1366, %get3A_1367] {strides = array<i32>} : memref<64x768xf32, #tpu.memory_space<vmem>>, vector<16xf32>,
        %add3A_1369 = arith.addf %scan3A_1331, %get3A_1368 : vector<16xf32>
        %mul3A_1370 = arith.mulf %gather3A, %get3A_1368 : vector<16xf32>
        %add3A_1371 = arith.addf %scan3A_1339, %mul3A_1370 : vector<16xf32>
        %get3A_1372 = arith.index_cast %scan3A_1327 : i32 to index
        %get3A_1373 = arith.constant 448 : index
        %get3A_1374 = tpu.vector_load %arg5[%get3A_1372, %get3A_1373] {strides = array<i32>} : memref<64x768xf32, #tpu.memory_space<vmem>>, vector<16xf32>,
        %add3A_1375 = arith.addf %scan3A_1332, %get3A_1374 : vector<16xf32>
        %mul3A_1376 = arith.mulf %gather3A, %get3A_1374 : vector<16xf32>
        %add3A_1377 = arith.addf %scan3A_1340, %mul3A_1376 : vector<16xf32>
        %get3A_1378 = arith.index_cast %scan3A_1327 : i32 to index
        %get3A_1379 = arith.constant 464 : index
        %get3A_1380 = tpu.vector_load %arg5[%get3A_1378, %get3A_1379] {strides = array<i32>} : memref<64x768xf32, #tpu.memory_space<vmem>>, vector<16xf32>,
        %add3A_1381 = arith.addf %scan3A_1333, %get3A_1380 : vector<16xf32>
        %mul3A_1382 = arith.mulf %gather3A, %get3A_1380 : vector<16xf32>
        %add3A_1383 = arith.addf %scan3A_1341, %mul3A_1382 : vector<16xf32>
        %get3A_1384 = arith.index_cast %scan3A_1327 : i32 to index
        %get3A_1385 = arith.constant 480 : index
        %get3A_1386 = tpu.vector_load %arg5[%get3A_1384, %get3A_1385] {strides = array<i32>} : memref<64x768xf32, #tpu.memory_space<vmem>>, vector<16xf32>,
        %add3A_1387 = arith.addf %scan3A_1334, %get3A_1386 : vector<16xf32>
        %mul3A_1388 = arith.mulf %gather3A, %get3A_1386 : vector<16xf32>
        %add3A_1389 = arith.addf %scan3A_1342, %mul3A_1388 : vector<16xf32>
        %get3A_1390 = arith.index_cast %scan3A_1327 : i32 to index
        %get3A_1391 = arith.constant 496 : index
        %get3A_1392 = tpu.vector_load %arg5[%get3A_1390, %get3A_1391] {strides = array<i32>} : memref<64x768xf32, #tpu.memory_space<vmem>>, vector<16xf32>,
        %add3A_1393 = arith.addf %scan3A_1335, %get3A_1392 : vector<16xf32>
        %mul3A_1394 = arith.mulf %gather3A, %get3A_1392 : vector<16xf32>
        %add3A_1395 = arith.addf %scan3A_1343, %mul3A_1394 : vector<16xf32>
        scf.yield %add3A_1351, %add3A_1357, %add3A_1363, %add3A_1369, %add3A_1375, %add3A_1381, %add3A_1387, %add3A_1393, %add3A_1353, %add3A_1359, %add3A_1365, %add3A_1371, %add3A_1377, %add3A_1383, %add3A_1389, %add3A_1395 : vector<16xf32>, vector<16xf32>, vector<16xf32>, vector<16xf32>, vector<16xf32>, vector<16xf32>, vector<16xf32>, vector<16xf32>, vector<16xf32>, vector<16xf32>, vector<16xf32>, vector<16xf32>, vector<16xf32>, vector<16xf32>, vector<16xf32>, vector<16xf32>
      }
      %scan3A_882 = arith.constant 64 : i32
      %get3A_883 = arith.constant 0 : i32
      %get3A_884 = arith.index_cast %get3A_883 : i32 to index
      %get3A_885 = arith.constant 384 : index
      %get3A_886 = tpu.vector_load %arg7[%get3A_884, %get3A_885] {strides = array<i32>} : memref<2x768xf32, #tpu.memory_space<vmem>>, vector<16xf32>,
      %add3A_887 = arith.addf %get3A_886, %scan3A_881#0 : vector<16xf32>
      %swap3A_888 = arith.constant 0 : i32
      %swap3A_889 = arith.index_cast %swap3A_888 : i32 to index
      %swap3A_890 = arith.constant 384 : index
      %swap3A_891 = tpu.vector_load %arg7[%swap3A_889, %swap3A_890] {strides = array<i32>} : memref<2x768xf32, #tpu.memory_space<vmem>>, vector<16xf32>,
      tpu.vector_store %arg7[%swap3A_889, %swap3A_890], %add3A_887 {strides = array<i32>} : memref<2x768xf32, #tpu.memory_space<vmem>>, vector<16xf32>,
      %get3A_892 = arith.constant 0 : i32
      %get3A_893 = arith.index_cast %get3A_892 : i32 to index
      %get3A_894 = arith.constant 400 : index
      %get3A_895 = tpu.vector_load %arg7[%get3A_893, %get3A_894] {strides = array<i32>} : memref<2x768xf32, #tpu.memory_space<vmem>>, vector<16xf32>,
      %add3A_896 = arith.addf %get3A_895, %scan3A_881#1 : vector<16xf32>
      %swap3A_897 = arith.constant 0 : i32
      %swap3A_898 = arith.index_cast %swap3A_897 : i32 to index
      %swap3A_899 = arith.constant 400 : index
      %swap3A_900 = tpu.vector_load %arg7[%swap3A_898, %swap3A_899] {strides = array<i32>} : memref<2x768xf32, #tpu.memory_space<vmem>>, vector<16xf32>,
      tpu.vector_store %arg7[%swap3A_898, %swap3A_899], %add3A_896 {strides = array<i32>} : memref<2x768xf32, #tpu.memory_space<vmem>>, vector<16xf32>,
      %get3A_901 = arith.constant 0 : i32
      %get3A_902 = arith.index_cast %get3A_901 : i32 to index
      %get3A_903 = arith.constant 416 : index
      %get3A_904 = tpu.vector_load %arg7[%get3A_902, %get3A_903] {strides = array<i32>} : memref<2x768xf32, #tpu.memory_space<vmem>>, vector<16xf32>,
      %add3A_905 = arith.addf %get3A_904, %scan3A_881#2 : vector<16xf32>
      %swap3A_906 = arith.constant 0 : i32
      %swap3A_907 = arith.index_cast %swap3A_906 : i32 to index
      %swap3A_908 = arith.constant 416 : index
      %swap3A_909 = tpu.vector_load %arg7[%swap3A_907, %swap3A_908] {strides = array<i32>} : memref<2x768xf32, #tpu.memory_space<vmem>>, vector<16xf32>,
      tpu.vector_store %arg7[%swap3A_907, %swap3A_908], %add3A_905 {strides = array<i32>} : memref<2x768xf32, #tpu.memory_space<vmem>>, vector<16xf32>,
      %get3A_910 = arith.constant 0 : i32
      %get3A_911 = arith.index_cast %get3A_910 : i32 to index
      %get3A_912 = arith.constant 432 : index
      %get3A_913 = tpu.vector_load %arg7[%get3A_911, %get3A_912] {strides = array<i32>} : memref<2x768xf32, #tpu.memory_space<vmem>>, vector<16xf32>,
      %add3A_914 = arith.addf %get3A_913, %scan3A_881#3 : vector<16xf32>
      %swap3A_915 = arith.constant 0 : i32
      %swap3A_916 = arith.index_cast %swap3A_915 : i32 to index
      %swap3A_917 = arith.constant 432 : index
      %swap3A_918 = tpu.vector_load %arg7[%swap3A_916, %swap3A_917] {strides = array<i32>} : memref<2x768xf32, #tpu.memory_space<vmem>>, vector<16xf32>,
      tpu.vector_store %arg7[%swap3A_916, %swap3A_917], %add3A_914 {strides = array<i32>} : memref<2x768xf32, #tpu.memory_space<vmem>>, vector<16xf32>,
      %get3A_919 = arith.constant 0 : i32
      %get3A_920 = arith.index_cast %get3A_919 : i32 to index
      %get3A_921 = arith.constant 448 : index
      %get3A_922 = tpu.vector_load %arg7[%get3A_920, %get3A_921] {strides = array<i32>} : memref<2x768xf32, #tpu.memory_space<vmem>>, vector<16xf32>,
      %add3A_923 = arith.addf %get3A_922, %scan3A_881#4 : vector<16xf32>
      %swap3A_924 = arith.constant 0 : i32
      %swap3A_925 = arith.index_cast %swap3A_924 : i32 to index
      %swap3A_926 = arith.constant 448 : index
      %swap3A_927 = tpu.vector_load %arg7[%swap3A_925, %swap3A_926] {strides = array<i32>} : memref<2x768xf32, #tpu.memory_space<vmem>>, vector<16xf32>,
      tpu.vector_store %arg7[%swap3A_925, %swap3A_926], %add3A_923 {strides = array<i32>} : memref<2x768xf32, #tpu.memory_space<vmem>>, vector<16xf32>,
      %get3A_928 = arith.constant 0 : i32
      %get3A_929 = arith.index_cast %get3A_928 : i32 to index
      %get3A_930 = arith.constant 464 : index
      %get3A_931 = tpu.vector_load %arg7[%get3A_929, %get3A_930] {strides = array<i32>} : memref<2x768xf32, #tpu.memory_space<vmem>>, vector<16xf32>,
      %add3A_932 = arith.addf %get3A_931, %scan3A_881#5 : vector<16xf32>
      %swap3A_933 = arith.constant 0 : i32
      %swap3A_934 = arith.index_cast %swap3A_933 : i32 to index
      %swap3A_935 = arith.constant 464 : index
      %swap3A_936 = tpu.vector_load %arg7[%swap3A_934, %swap3A_935] {strides = array<i32>} : memref<2x768xf32, #tpu.memory_space<vmem>>, vector<16xf32>,
      tpu.vector_store %arg7[%swap3A_934, %swap3A_935], %add3A_932 {strides = array<i32>} : memref<2x768xf32, #tpu.memory_space<vmem>>, vector<16xf32>,
      %get3A_937 = arith.constant 0 : i32
      %get3A_938 = arith.index_cast %get3A_937 : i32 to index
      %get3A_939 = arith.constant 480 : index
      %get3A_940 = tpu.vector_load %arg7[%get3A_938, %get3A_939] {strides = array<i32>} : memref<2x768xf32, #tpu.memory_space<vmem>>, vector<16xf32>,
      %add3A_941 = arith.addf %get3A_940, %scan3A_881#6 : vector<16xf32>
      %swap3A_942 = arith.constant 0 : i32
      %swap3A_943 = arith.index_cast %swap3A_942 : i32 to index
      %swap3A_944 = arith.constant 480 : index
      %swap3A_945 = tpu.vector_load %arg7[%swap3A_943, %swap3A_944] {strides = array<i32>} : memref<2x768xf32, #tpu.memory_space<vmem>>, vector<16xf32>,
      tpu.vector_store %arg7[%swap3A_943, %swap3A_944], %add3A_941 {strides = array<i32>} : memref<2x768xf32, #tpu.memory_space<vmem>>, vector<16xf32>,
      %get3A_946 = arith.constant 0 : i32
      %get3A_947 = arith.index_cast %get3A_946 : i32 to index
      %get3A_948 = arith.constant 496 : index
      %get3A_949 = tpu.vector_load %arg7[%get3A_947, %get3A_948] {strides = array<i32>} : memref<2x768xf32, #tpu.memory_space<vmem>>, vector<16xf32>,
      %add3A_950 = arith.addf %get3A_949, %scan3A_881#7 : vector<16xf32>
      %swap3A_951 = arith.constant 0 : i32
      %swap3A_952 = arith.index_cast %swap3A_951 : i32 to index
      %swap3A_953 = arith.constant 496 : index
      %swap3A_954 = tpu.vector_load %arg7[%swap3A_952, %swap3A_953] {strides = array<i32>} : memref<2x768xf32, #tpu.memory_space<vmem>>, vector<16xf32>,
      tpu.vector_store %arg7[%swap3A_952, %swap3A_953], %add3A_950 {strides = array<i32>} : memref<2x768xf32, #tpu.memory_space<vmem>>, vector<16xf32>,
      %get3A_955 = arith.constant 1 : i32
      %get3A_956 = arith.index_cast %get3A_955 : i32 to index
      %get3A_957 = arith.constant 384 : index
      %get3A_958 = tpu.vector_load %arg7[%get3A_956, %get3A_957] {strides = array<i32>} : memref<2x768xf32, #tpu.memory_space<vmem>>, vector<16xf32>,
      %add3A_959 = arith.addf %get3A_958, %scan3A_881#8 : vector<16xf32>
      %swap3A_960 = arith.constant 1 : i32
      %swap3A_961 = arith.index_cast %swap3A_960 : i32 to index
      %swap3A_962 = arith.constant 384 : index
      %swap3A_963 = tpu.vector_load %arg7[%swap3A_961, %swap3A_962] {strides = array<i32>} : memref<2x768xf32, #tpu.memory_space<vmem>>, vector<16xf32>,
      tpu.vector_store %arg7[%swap3A_961, %swap3A_962], %add3A_959 {strides = array<i32>} : memref<2x768xf32, #tpu.memory_space<vmem>>, vector<16xf32>,
      %get3A_964 = arith.constant 1 : i32
      %get3A_965 = arith.index_cast %get3A_964 : i32 to index
      %get3A_966 = arith.constant 400 : index
      %get3A_967 = tpu.vector_load %arg7[%get3A_965, %get3A_966] {strides = array<i32>} : memref<2x768xf32, #tpu.memory_space<vmem>>, vector<16xf32>,
      %add3A_968 = arith.addf %get3A_967, %scan3A_881#9 : vector<16xf32>
      %swap3A_969 = arith.constant 1 : i32
      %swap3A_970 = arith.index_cast %swap3A_969 : i32 to index
      %swap3A_971 = arith.constant 400 : index
      %swap3A_972 = tpu.vector_load %arg7[%swap3A_970, %swap3A_971] {strides = array<i32>} : memref<2x768xf32, #tpu.memory_space<vmem>>, vector<16xf32>,
      tpu.vector_store %arg7[%swap3A_970, %swap3A_971], %add3A_968 {strides = array<i32>} : memref<2x768xf32, #tpu.memory_space<vmem>>, vector<16xf32>,
      %get3A_973 = arith.constant 1 : i32
      %get3A_974 = arith.index_cast %get3A_973 : i32 to index
      %get3A_975 = arith.constant 416 : index
      %get3A_976 = tpu.vector_load %arg7[%get3A_974, %get3A_975] {strides = array<i32>} : memref<2x768xf32, #tpu.memory_space<vmem>>, vector<16xf32>,
      %add3A_977 = arith.addf %get3A_976, %scan3A_881#10 : vector<16xf32>
      %swap3A_978 = arith.constant 1 : i32
      %swap3A_979 = arith.index_cast %swap3A_978 : i32 to index
      %swap3A_980 = arith.constant 416 : index
      %swap3A_981 = tpu.vector_load %arg7[%swap3A_979, %swap3A_980] {strides = array<i32>} : memref<2x768xf32, #tpu.memory_space<vmem>>, vector<16xf32>,
      tpu.vector_store %arg7[%swap3A_979, %swap3A_980], %add3A_977 {strides = array<i32>} : memref<2x768xf32, #tpu.memory_space<vmem>>, vector<16xf32>,
      %get3A_982 = arith.constant 1 : i32
      %get3A_983 = arith.index_cast %get3A_982 : i32 to index
      %get3A_984 = arith.constant 432 : index
      %get3A_985 = tpu.vector_load %arg7[%get3A_983, %get3A_984] {strides = array<i32>} : memref<2x768xf32, #tpu.memory_space<vmem>>, vector<16xf32>,
      %add3A_986 = arith.addf %get3A_985, %scan3A_881#11 : vector<16xf32>
      %swap3A_987 = arith.constant 1 : i32
      %swap3A_988 = arith.index_cast %swap3A_987 : i32 to index
      %swap3A_989 = arith.constant 432 : index
      %swap3A_990 = tpu.vector_load %arg7[%swap3A_988, %swap3A_989] {strides = array<i32>} : memref<2x768xf32, #tpu.memory_space<vmem>>, vector<16xf32>,
      tpu.vector_store %arg7[%swap3A_988, %swap3A_989], %add3A_986 {strides = array<i32>} : memref<2x768xf32, #tpu.memory_space<vmem>>, vector<16xf32>,
      %get3A_991 = arith.constant 1 : i32
      %get3A_992 = arith.index_cast %get3A_991 : i32 to index
      %get3A_993 = arith.constant 448 : index
      %get3A_994 = tpu.vector_load %arg7[%get3A_992, %get3A_993] {strides = array<i32>} : memref<2x768xf32, #tpu.memory_space<vmem>>, vector<16xf32>,
      %add3A_995 = arith.addf %get3A_994, %scan3A_881#12 : vector<16xf32>
      %swap3A_996 = arith.constant 1 : i32
      %swap3A_997 = arith.index_cast %swap3A_996 : i32 to index
      %swap3A_998 = arith.constant 448 : index
      %swap3A_999 = tpu.vector_load %arg7[%swap3A_997, %swap3A_998] {strides = array<i32>} : memref<2x768xf32, #tpu.memory_space<vmem>>, vector<16xf32>,
      tpu.vector_store %arg7[%swap3A_997, %swap3A_998], %add3A_995 {strides = array<i32>} : memref<2x768xf32, #tpu.memory_space<vmem>>, vector<16xf32>,
      %get3A_1000 = arith.constant 1 : i32
      %get3A_1001 = arith.index_cast %get3A_1000 : i32 to index
      %get3A_1002 = arith.constant 464 : index
      %get3A_1003 = tpu.vector_load %arg7[%get3A_1001, %get3A_1002] {strides = array<i32>} : memref<2x768xf32, #tpu.memory_space<vmem>>, vector<16xf32>,
      %add3A_1004 = arith.addf %get3A_1003, %scan3A_881#13 : vector<16xf32>
      %swap3A_1005 = arith.constant 1 : i32
      %swap3A_1006 = arith.index_cast %swap3A_1005 : i32 to index
      %swap3A_1007 = arith.constant 464 : index
      %swap3A_1008 = tpu.vector_load %arg7[%swap3A_1006, %swap3A_1007] {strides = array<i32>} : memref<2x768xf32, #tpu.memory_space<vmem>>, vector<16xf32>,
      tpu.vector_store %arg7[%swap3A_1006, %swap3A_1007], %add3A_1004 {strides = array<i32>} : memref<2x768xf32, #tpu.memory_space<vmem>>, vector<16xf32>,
      %get3A_1009 = arith.constant 1 : i32
      %get3A_1010 = arith.index_cast %get3A_1009 : i32 to index
      %get3A_1011 = arith.constant 480 : index
      %get3A_1012 = tpu.vector_load %arg7[%get3A_1010, %get3A_1011] {strides = array<i32>} : memref<2x768xf32, #tpu.memory_space<vmem>>, vector<16xf32>,
      %add3A_1013 = arith.addf %get3A_1012, %scan3A_881#14 : vector<16xf32>
      %swap3A_1014 = arith.constant 1 : i32
      %swap3A_1015 = arith.index_cast %swap3A_1014 : i32 to index
      %swap3A_1016 = arith.constant 480 : index
      %swap3A_1017 = tpu.vector_load %arg7[%swap3A_1015, %swap3A_1016] {strides = array<i32>} : memref<2x768xf32, #tpu.memory_space<vmem>>, vector<16xf32>,
      tpu.vector_store %arg7[%swap3A_1015, %swap3A_1016], %add3A_1013 {strides = array<i32>} : memref<2x768xf32, #tpu.memory_space<vmem>>, vector<16xf32>,
      %get3A_1018 = arith.constant 1 : i32
      %get3A_1019 = arith.index_cast %get3A_1018 : i32 to index
      %get3A_1020 = arith.constant 496 : index
      %get3A_1021 = tpu.vector_load %arg7[%get3A_1019, %get3A_1020] {strides = array<i32>} : memref<2x768xf32, #tpu.memory_space<vmem>>, vector<16xf32>,
      %add3A_1022 = arith.addf %get3A_1021, %scan3A_881#15 : vector<16xf32>
      %swap3A_1023 = arith.constant 1 : i32
      %swap3A_1024 = arith.index_cast %swap3A_1023 : i32 to index
      %swap3A_1025 = arith.constant 496 : index
      %swap3A_1026 = tpu.vector_load %arg7[%swap3A_1024, %swap3A_1025] {strides = array<i32>} : memref<2x768xf32, #tpu.memory_space<vmem>>, vector<16xf32>,
      tpu.vector_store %arg7[%swap3A_1024, %swap3A_1025], %add3A_1022 {strides = array<i32>} : memref<2x768xf32, #tpu.memory_space<vmem>>, vector<16xf32>,
      %scan3A_1027 = arith.constant 0 : i32
      %scan3A_1028 = arith.constant 64 : i32
      %scan3A_1029 = arith.addi %scan3A_1027, %scan3A_1028 : i32
      %scan3A_1030 = arith.constant 1 : i32
      %scan3A_1031:16 = scf.for %scan3A_1327 = %scan3A_1027 to %scan3A_1029 step %scan3A_1030 iter_args(%scan3A_1328 = %broadcast_in_dim3A_35, %scan3A_1329 = %broadcast_in_dim3A_35, %scan3A_1330 = %broadcast_in_dim3A_35, %scan3A_1331 = %broadcast_in_dim3A_35, %scan3A_1332 = %broadcast_in_dim3A_35, %scan3A_1333 = %broadcast_in_dim3A_35, %scan3A_1334 = %broadcast_in_dim3A_35, %scan3A_1335 = %broadcast_in_dim3A_35, %scan3A_1336 = %broadcast_in_dim3A_35, %scan3A_1337 = %broadcast_in_dim3A_35, %scan3A_1338 = %broadcast_in_dim3A_35, %scan3A_1339 = %broadcast_in_dim3A_35, %scan3A_1340 = %broadcast_in_dim3A_35, %scan3A_1341 = %broadcast_in_dim3A_35, %scan3A_1342 = %broadcast_in_dim3A_35, %scan3A_1343 = %broadcast_in_dim3A_35) -> (vector<16xf32>, vector<16xf32>, vector<16xf32>, vector<16xf32>, vector<16xf32>, vector<16xf32>, vector<16xf32>, vector<16xf32>, vector<16xf32>, vector<16xf32>, vector<16xf32>, vector<16xf32>, vector<16xf32>, vector<16xf32>, vector<16xf32>, vector<16xf32>)  : i32 {
        %mul3A_1344 = arith.constant 64 : i32
        %mul3A_1345 = arith.muli %scan3A_424, %mul3A_1344 : i32
        %add3A_1346 = arith.addi %mul3A_1345, %scan3A_1327 : i32
        %broadcast_in_dim3A_1347 = vector.broadcast %add3A_1346 : i32 to vector<16xi32>
        %gather3A = tpu.vector_load_idx %arg6[%broadcast_in_dim3A_1347] : memref<256xf32, #tpu.memory_space<vmem>>[vector<16xi32>], vector<16xf32>,
        %get3A_1348 = arith.index_cast %scan3A_1327 : i32 to index
        %get3A_1349 = arith.constant 512 : index
        %get3A_1350 = tpu.vector_load %arg5[%get3A_1348, %get3A_1349] {strides = array<i32>} : memref<64x768xf32, #tpu.memory_space<vmem>>, vector<16xf32>,
        %add3A_1351 = arith.addf %scan3A_1328, %get3A_1350 : vector<16xf32>
        %mul3A_1352 = arith.mulf %gather3A, %get3A_1350 : vector<16xf32>
        %add3A_1353 = arith.addf %scan3A_1336, %mul3A_1352 : vector<16xf32>
        %get3A_1354 = arith.index_cast %scan3A_1327 : i32 to index
        %get3A_1355 = arith.constant 528 : index
        %get3A_1356 = tpu.vector_load %arg5[%get3A_1354, %get3A_1355] {strides = array<i32>} : memref<64x768xf32, #tpu.memory_space<vmem>>, vector<16xf32>,
        %add3A_1357 = arith.addf %scan3A_1329, %get3A_1356 : vector<16xf32>
        %mul3A_1358 = arith.mulf %gather3A, %get3A_1356 : vector<16xf32>
        %add3A_1359 = arith.addf %scan3A_1337, %mul3A_1358 : vector<16xf32>
        %get3A_1360 = arith.index_cast %scan3A_1327 : i32 to index
        %get3A_1361 = arith.constant 544 : index
        %get3A_1362 = tpu.vector_load %arg5[%get3A_1360, %get3A_1361] {strides = array<i32>} : memref<64x768xf32, #tpu.memory_space<vmem>>, vector<16xf32>,
        %add3A_1363 = arith.addf %scan3A_1330, %get3A_1362 : vector<16xf32>
        %mul3A_1364 = arith.mulf %gather3A, %get3A_1362 : vector<16xf32>
        %add3A_1365 = arith.addf %scan3A_1338, %mul3A_1364 : vector<16xf32>
        %get3A_1366 = arith.index_cast %scan3A_1327 : i32 to index
        %get3A_1367 = arith.constant 560 : index
        %get3A_1368 = tpu.vector_load %arg5[%get3A_1366, %get3A_1367] {strides = array<i32>} : memref<64x768xf32, #tpu.memory_space<vmem>>, vector<16xf32>,
        %add3A_1369 = arith.addf %scan3A_1331, %get3A_1368 : vector<16xf32>
        %mul3A_1370 = arith.mulf %gather3A, %get3A_1368 : vector<16xf32>
        %add3A_1371 = arith.addf %scan3A_1339, %mul3A_1370 : vector<16xf32>
        %get3A_1372 = arith.index_cast %scan3A_1327 : i32 to index
        %get3A_1373 = arith.constant 576 : index
        %get3A_1374 = tpu.vector_load %arg5[%get3A_1372, %get3A_1373] {strides = array<i32>} : memref<64x768xf32, #tpu.memory_space<vmem>>, vector<16xf32>,
        %add3A_1375 = arith.addf %scan3A_1332, %get3A_1374 : vector<16xf32>
        %mul3A_1376 = arith.mulf %gather3A, %get3A_1374 : vector<16xf32>
        %add3A_1377 = arith.addf %scan3A_1340, %mul3A_1376 : vector<16xf32>
        %get3A_1378 = arith.index_cast %scan3A_1327 : i32 to index
        %get3A_1379 = arith.constant 592 : index
        %get3A_1380 = tpu.vector_load %arg5[%get3A_1378, %get3A_1379] {strides = array<i32>} : memref<64x768xf32, #tpu.memory_space<vmem>>, vector<16xf32>,
        %add3A_1381 = arith.addf %scan3A_1333, %get3A_1380 : vector<16xf32>
        %mul3A_1382 = arith.mulf %gather3A, %get3A_1380 : vector<16xf32>
        %add3A_1383 = arith.addf %scan3A_1341, %mul3A_1382 : vector<16xf32>
        %get3A_1384 = arith.index_cast %scan3A_1327 : i32 to index
        %get3A_1385 = arith.constant 608 : index
        %get3A_1386 = tpu.vector_load %arg5[%get3A_1384, %get3A_1385] {strides = array<i32>} : memref<64x768xf32, #tpu.memory_space<vmem>>, vector<16xf32>,
        %add3A_1387 = arith.addf %scan3A_1334, %get3A_1386 : vector<16xf32>
        %mul3A_1388 = arith.mulf %gather3A, %get3A_1386 : vector<16xf32>
        %add3A_1389 = arith.addf %scan3A_1342, %mul3A_1388 : vector<16xf32>
        %get3A_1390 = arith.index_cast %scan3A_1327 : i32 to index
        %get3A_1391 = arith.constant 624 : index
        %get3A_1392 = tpu.vector_load %arg5[%get3A_1390, %get3A_1391] {strides = array<i32>} : memref<64x768xf32, #tpu.memory_space<vmem>>, vector<16xf32>,
        %add3A_1393 = arith.addf %scan3A_1335, %get3A_1392 : vector<16xf32>
        %mul3A_1394 = arith.mulf %gather3A, %get3A_1392 : vector<16xf32>
        %add3A_1395 = arith.addf %scan3A_1343, %mul3A_1394 : vector<16xf32>
        scf.yield %add3A_1351, %add3A_1357, %add3A_1363, %add3A_1369, %add3A_1375, %add3A_1381, %add3A_1387, %add3A_1393, %add3A_1353, %add3A_1359, %add3A_1365, %add3A_1371, %add3A_1377, %add3A_1383, %add3A_1389, %add3A_1395 : vector<16xf32>, vector<16xf32>, vector<16xf32>, vector<16xf32>, vector<16xf32>, vector<16xf32>, vector<16xf32>, vector<16xf32>, vector<16xf32>, vector<16xf32>, vector<16xf32>, vector<16xf32>, vector<16xf32>, vector<16xf32>, vector<16xf32>, vector<16xf32>
      }
      %scan3A_1032 = arith.constant 64 : i32
      %get3A_1033 = arith.constant 0 : i32
      %get3A_1034 = arith.index_cast %get3A_1033 : i32 to index
      %get3A_1035 = arith.constant 512 : index
      %get3A_1036 = tpu.vector_load %arg7[%get3A_1034, %get3A_1035] {strides = array<i32>} : memref<2x768xf32, #tpu.memory_space<vmem>>, vector<16xf32>,
      %add3A_1037 = arith.addf %get3A_1036, %scan3A_1031#0 : vector<16xf32>
      %swap3A_1038 = arith.constant 0 : i32
      %swap3A_1039 = arith.index_cast %swap3A_1038 : i32 to index
      %swap3A_1040 = arith.constant 512 : index
      %swap3A_1041 = tpu.vector_load %arg7[%swap3A_1039, %swap3A_1040] {strides = array<i32>} : memref<2x768xf32, #tpu.memory_space<vmem>>, vector<16xf32>,
      tpu.vector_store %arg7[%swap3A_1039, %swap3A_1040], %add3A_1037 {strides = array<i32>} : memref<2x768xf32, #tpu.memory_space<vmem>>, vector<16xf32>,
      %get3A_1042 = arith.constant 0 : i32
      %get3A_1043 = arith.index_cast %get3A_1042 : i32 to index
      %get3A_1044 = arith.constant 528 : index
      %get3A_1045 = tpu.vector_load %arg7[%get3A_1043, %get3A_1044] {strides = array<i32>} : memref<2x768xf32, #tpu.memory_space<vmem>>, vector<16xf32>,
      %add3A_1046 = arith.addf %get3A_1045, %scan3A_1031#1 : vector<16xf32>
      %swap3A_1047 = arith.constant 0 : i32
      %swap3A_1048 = arith.index_cast %swap3A_1047 : i32 to index
      %swap3A_1049 = arith.constant 528 : index
      %swap3A_1050 = tpu.vector_load %arg7[%swap3A_1048, %swap3A_1049] {strides = array<i32>} : memref<2x768xf32, #tpu.memory_space<vmem>>, vector<16xf32>,
      tpu.vector_store %arg7[%swap3A_1048, %swap3A_1049], %add3A_1046 {strides = array<i32>} : memref<2x768xf32, #tpu.memory_space<vmem>>, vector<16xf32>,
      %get3A_1051 = arith.constant 0 : i32
      %get3A_1052 = arith.index_cast %get3A_1051 : i32 to index
      %get3A_1053 = arith.constant 544 : index
      %get3A_1054 = tpu.vector_load %arg7[%get3A_1052, %get3A_1053] {strides = array<i32>} : memref<2x768xf32, #tpu.memory_space<vmem>>, vector<16xf32>,
      %add3A_1055 = arith.addf %get3A_1054, %scan3A_1031#2 : vector<16xf32>
      %swap3A_1056 = arith.constant 0 : i32
      %swap3A_1057 = arith.index_cast %swap3A_1056 : i32 to index
      %swap3A_1058 = arith.constant 544 : index
      %swap3A_1059 = tpu.vector_load %arg7[%swap3A_1057, %swap3A_1058] {strides = array<i32>} : memref<2x768xf32, #tpu.memory_space<vmem>>, vector<16xf32>,
      tpu.vector_store %arg7[%swap3A_1057, %swap3A_1058], %add3A_1055 {strides = array<i32>} : memref<2x768xf32, #tpu.memory_space<vmem>>, vector<16xf32>,
      %get3A_1060 = arith.constant 0 : i32
      %get3A_1061 = arith.index_cast %get3A_1060 : i32 to index
      %get3A_1062 = arith.constant 560 : index
      %get3A_1063 = tpu.vector_load %arg7[%get3A_1061, %get3A_1062] {strides = array<i32>} : memref<2x768xf32, #tpu.memory_space<vmem>>, vector<16xf32>,
      %add3A_1064 = arith.addf %get3A_1063, %scan3A_1031#3 : vector<16xf32>
      %swap3A_1065 = arith.constant 0 : i32
      %swap3A_1066 = arith.index_cast %swap3A_1065 : i32 to index
      %swap3A_1067 = arith.constant 560 : index
      %swap3A_1068 = tpu.vector_load %arg7[%swap3A_1066, %swap3A_1067] {strides = array<i32>} : memref<2x768xf32, #tpu.memory_space<vmem>>, vector<16xf32>,
      tpu.vector_store %arg7[%swap3A_1066, %swap3A_1067], %add3A_1064 {strides = array<i32>} : memref<2x768xf32, #tpu.memory_space<vmem>>, vector<16xf32>,
      %get3A_1069 = arith.constant 0 : i32
      %get3A_1070 = arith.index_cast %get3A_1069 : i32 to index
      %get3A_1071 = arith.constant 576 : index
      %get3A_1072 = tpu.vector_load %arg7[%get3A_1070, %get3A_1071] {strides = array<i32>} : memref<2x768xf32, #tpu.memory_space<vmem>>, vector<16xf32>,
      %add3A_1073 = arith.addf %get3A_1072, %scan3A_1031#4 : vector<16xf32>
      %swap3A_1074 = arith.constant 0 : i32
      %swap3A_1075 = arith.index_cast %swap3A_1074 : i32 to index
      %swap3A_1076 = arith.constant 576 : index
      %swap3A_1077 = tpu.vector_load %arg7[%swap3A_1075, %swap3A_1076] {strides = array<i32>} : memref<2x768xf32, #tpu.memory_space<vmem>>, vector<16xf32>,
      tpu.vector_store %arg7[%swap3A_1075, %swap3A_1076], %add3A_1073 {strides = array<i32>} : memref<2x768xf32, #tpu.memory_space<vmem>>, vector<16xf32>,
      %get3A_1078 = arith.constant 0 : i32
      %get3A_1079 = arith.index_cast %get3A_1078 : i32 to index
      %get3A_1080 = arith.constant 592 : index
      %get3A_1081 = tpu.vector_load %arg7[%get3A_1079, %get3A_1080] {strides = array<i32>} : memref<2x768xf32, #tpu.memory_space<vmem>>, vector<16xf32>,
      %add3A_1082 = arith.addf %get3A_1081, %scan3A_1031#5 : vector<16xf32>
      %swap3A_1083 = arith.constant 0 : i32
      %swap3A_1084 = arith.index_cast %swap3A_1083 : i32 to index
      %swap3A_1085 = arith.constant 592 : index
      %swap3A_1086 = tpu.vector_load %arg7[%swap3A_1084, %swap3A_1085] {strides = array<i32>} : memref<2x768xf32, #tpu.memory_space<vmem>>, vector<16xf32>,
      tpu.vector_store %arg7[%swap3A_1084, %swap3A_1085], %add3A_1082 {strides = array<i32>} : memref<2x768xf32, #tpu.memory_space<vmem>>, vector<16xf32>,
      %get3A_1087 = arith.constant 0 : i32
      %get3A_1088 = arith.index_cast %get3A_1087 : i32 to index
      %get3A_1089 = arith.constant 608 : index
      %get3A_1090 = tpu.vector_load %arg7[%get3A_1088, %get3A_1089] {strides = array<i32>} : memref<2x768xf32, #tpu.memory_space<vmem>>, vector<16xf32>,
      %add3A_1091 = arith.addf %get3A_1090, %scan3A_1031#6 : vector<16xf32>
      %swap3A_1092 = arith.constant 0 : i32
      %swap3A_1093 = arith.index_cast %swap3A_1092 : i32 to index
      %swap3A_1094 = arith.constant 608 : index
      %swap3A_1095 = tpu.vector_load %arg7[%swap3A_1093, %swap3A_1094] {strides = array<i32>} : memref<2x768xf32, #tpu.memory_space<vmem>>, vector<16xf32>,
      tpu.vector_store %arg7[%swap3A_1093, %swap3A_1094], %add3A_1091 {strides = array<i32>} : memref<2x768xf32, #tpu.memory_space<vmem>>, vector<16xf32>,
      %get3A_1096 = arith.constant 0 : i32
      %get3A_1097 = arith.index_cast %get3A_1096 : i32 to index
      %get3A_1098 = arith.constant 624 : index
      %get3A_1099 = tpu.vector_load %arg7[%get3A_1097, %get3A_1098] {strides = array<i32>} : memref<2x768xf32, #tpu.memory_space<vmem>>, vector<16xf32>,
      %add3A_1100 = arith.addf %get3A_1099, %scan3A_1031#7 : vector<16xf32>
      %swap3A_1101 = arith.constant 0 : i32
      %swap3A_1102 = arith.index_cast %swap3A_1101 : i32 to index
      %swap3A_1103 = arith.constant 624 : index
      %swap3A_1104 = tpu.vector_load %arg7[%swap3A_1102, %swap3A_1103] {strides = array<i32>} : memref<2x768xf32, #tpu.memory_space<vmem>>, vector<16xf32>,
      tpu.vector_store %arg7[%swap3A_1102, %swap3A_1103], %add3A_1100 {strides = array<i32>} : memref<2x768xf32, #tpu.memory_space<vmem>>, vector<16xf32>,
      %get3A_1105 = arith.constant 1 : i32
      %get3A_1106 = arith.index_cast %get3A_1105 : i32 to index
      %get3A_1107 = arith.constant 512 : index
      %get3A_1108 = tpu.vector_load %arg7[%get3A_1106, %get3A_1107] {strides = array<i32>} : memref<2x768xf32, #tpu.memory_space<vmem>>, vector<16xf32>,
      %add3A_1109 = arith.addf %get3A_1108, %scan3A_1031#8 : vector<16xf32>
      %swap3A_1110 = arith.constant 1 : i32
      %swap3A_1111 = arith.index_cast %swap3A_1110 : i32 to index
      %swap3A_1112 = arith.constant 512 : index
      %swap3A_1113 = tpu.vector_load %arg7[%swap3A_1111, %swap3A_1112] {strides = array<i32>} : memref<2x768xf32, #tpu.memory_space<vmem>>, vector<16xf32>,
      tpu.vector_store %arg7[%swap3A_1111, %swap3A_1112], %add3A_1109 {strides = array<i32>} : memref<2x768xf32, #tpu.memory_space<vmem>>, vector<16xf32>,
      %get3A_1114 = arith.constant 1 : i32
      %get3A_1115 = arith.index_cast %get3A_1114 : i32 to index
      %get3A_1116 = arith.constant 528 : index
      %get3A_1117 = tpu.vector_load %arg7[%get3A_1115, %get3A_1116] {strides = array<i32>} : memref<2x768xf32, #tpu.memory_space<vmem>>, vector<16xf32>,
      %add3A_1118 = arith.addf %get3A_1117, %scan3A_1031#9 : vector<16xf32>
      %swap3A_1119 = arith.constant 1 : i32
      %swap3A_1120 = arith.index_cast %swap3A_1119 : i32 to index
      %swap3A_1121 = arith.constant 528 : index
      %swap3A_1122 = tpu.vector_load %arg7[%swap3A_1120, %swap3A_1121] {strides = array<i32>} : memref<2x768xf32, #tpu.memory_space<vmem>>, vector<16xf32>,
      tpu.vector_store %arg7[%swap3A_1120, %swap3A_1121], %add3A_1118 {strides = array<i32>} : memref<2x768xf32, #tpu.memory_space<vmem>>, vector<16xf32>,
      %get3A_1123 = arith.constant 1 : i32
      %get3A_1124 = arith.index_cast %get3A_1123 : i32 to index
      %get3A_1125 = arith.constant 544 : index
      %get3A_1126 = tpu.vector_load %arg7[%get3A_1124, %get3A_1125] {strides = array<i32>} : memref<2x768xf32, #tpu.memory_space<vmem>>, vector<16xf32>,
      %add3A_1127 = arith.addf %get3A_1126, %scan3A_1031#10 : vector<16xf32>
      %swap3A_1128 = arith.constant 1 : i32
      %swap3A_1129 = arith.index_cast %swap3A_1128 : i32 to index
      %swap3A_1130 = arith.constant 544 : index
      %swap3A_1131 = tpu.vector_load %arg7[%swap3A_1129, %swap3A_1130] {strides = array<i32>} : memref<2x768xf32, #tpu.memory_space<vmem>>, vector<16xf32>,
      tpu.vector_store %arg7[%swap3A_1129, %swap3A_1130], %add3A_1127 {strides = array<i32>} : memref<2x768xf32, #tpu.memory_space<vmem>>, vector<16xf32>,
      %get3A_1132 = arith.constant 1 : i32
      %get3A_1133 = arith.index_cast %get3A_1132 : i32 to index
      %get3A_1134 = arith.constant 560 : index
      %get3A_1135 = tpu.vector_load %arg7[%get3A_1133, %get3A_1134] {strides = array<i32>} : memref<2x768xf32, #tpu.memory_space<vmem>>, vector<16xf32>,
      %add3A_1136 = arith.addf %get3A_1135, %scan3A_1031#11 : vector<16xf32>
      %swap3A_1137 = arith.constant 1 : i32
      %swap3A_1138 = arith.index_cast %swap3A_1137 : i32 to index
      %swap3A_1139 = arith.constant 560 : index
      %swap3A_1140 = tpu.vector_load %arg7[%swap3A_1138, %swap3A_1139] {strides = array<i32>} : memref<2x768xf32, #tpu.memory_space<vmem>>, vector<16xf32>,
      tpu.vector_store %arg7[%swap3A_1138, %swap3A_1139], %add3A_1136 {strides = array<i32>} : memref<2x768xf32, #tpu.memory_space<vmem>>, vector<16xf32>,
      %get3A_1141 = arith.constant 1 : i32
      %get3A_1142 = arith.index_cast %get3A_1141 : i32 to index
      %get3A_1143 = arith.constant 576 : index
      %get3A_1144 = tpu.vector_load %arg7[%get3A_1142, %get3A_1143] {strides = array<i32>} : memref<2x768xf32, #tpu.memory_space<vmem>>, vector<16xf32>,
      %add3A_1145 = arith.addf %get3A_1144, %scan3A_1031#12 : vector<16xf32>
      %swap3A_1146 = arith.constant 1 : i32
      %swap3A_1147 = arith.index_cast %swap3A_1146 : i32 to index
      %swap3A_1148 = arith.constant 576 : index
      %swap3A_1149 = tpu.vector_load %arg7[%swap3A_1147, %swap3A_1148] {strides = array<i32>} : memref<2x768xf32, #tpu.memory_space<vmem>>, vector<16xf32>,
      tpu.vector_store %arg7[%swap3A_1147, %swap3A_1148], %add3A_1145 {strides = array<i32>} : memref<2x768xf32, #tpu.memory_space<vmem>>, vector<16xf32>,
      %get3A_1150 = arith.constant 1 : i32
      %get3A_1151 = arith.index_cast %get3A_1150 : i32 to index
      %get3A_1152 = arith.constant 592 : index
      %get3A_1153 = tpu.vector_load %arg7[%get3A_1151, %get3A_1152] {strides = array<i32>} : memref<2x768xf32, #tpu.memory_space<vmem>>, vector<16xf32>,
      %add3A_1154 = arith.addf %get3A_1153, %scan3A_1031#13 : vector<16xf32>
      %swap3A_1155 = arith.constant 1 : i32
      %swap3A_1156 = arith.index_cast %swap3A_1155 : i32 to index
      %swap3A_1157 = arith.constant 592 : index
      %swap3A_1158 = tpu.vector_load %arg7[%swap3A_1156, %swap3A_1157] {strides = array<i32>} : memref<2x768xf32, #tpu.memory_space<vmem>>, vector<16xf32>,
      tpu.vector_store %arg7[%swap3A_1156, %swap3A_1157], %add3A_1154 {strides = array<i32>} : memref<2x768xf32, #tpu.memory_space<vmem>>, vector<16xf32>,
      %get3A_1159 = arith.constant 1 : i32
      %get3A_1160 = arith.index_cast %get3A_1159 : i32 to index
      %get3A_1161 = arith.constant 608 : index
      %get3A_1162 = tpu.vector_load %arg7[%get3A_1160, %get3A_1161] {strides = array<i32>} : memref<2x768xf32, #tpu.memory_space<vmem>>, vector<16xf32>,
      %add3A_1163 = arith.addf %get3A_1162, %scan3A_1031#14 : vector<16xf32>
      %swap3A_1164 = arith.constant 1 : i32
      %swap3A_1165 = arith.index_cast %swap3A_1164 : i32 to index
      %swap3A_1166 = arith.constant 608 : index
      %swap3A_1167 = tpu.vector_load %arg7[%swap3A_1165, %swap3A_1166] {strides = array<i32>} : memref<2x768xf32, #tpu.memory_space<vmem>>, vector<16xf32>,
      tpu.vector_store %arg7[%swap3A_1165, %swap3A_1166], %add3A_1163 {strides = array<i32>} : memref<2x768xf32, #tpu.memory_space<vmem>>, vector<16xf32>,
      %get3A_1168 = arith.constant 1 : i32
      %get3A_1169 = arith.index_cast %get3A_1168 : i32 to index
      %get3A_1170 = arith.constant 624 : index
      %get3A_1171 = tpu.vector_load %arg7[%get3A_1169, %get3A_1170] {strides = array<i32>} : memref<2x768xf32, #tpu.memory_space<vmem>>, vector<16xf32>,
      %add3A_1172 = arith.addf %get3A_1171, %scan3A_1031#15 : vector<16xf32>
      %swap3A_1173 = arith.constant 1 : i32
      %swap3A_1174 = arith.index_cast %swap3A_1173 : i32 to index
      %swap3A_1175 = arith.constant 624 : index
      %swap3A_1176 = tpu.vector_load %arg7[%swap3A_1174, %swap3A_1175] {strides = array<i32>} : memref<2x768xf32, #tpu.memory_space<vmem>>, vector<16xf32>,
      tpu.vector_store %arg7[%swap3A_1174, %swap3A_1175], %add3A_1172 {strides = array<i32>} : memref<2x768xf32, #tpu.memory_space<vmem>>, vector<16xf32>,
      %scan3A_1177 = arith.constant 0 : i32
      %scan3A_1178 = arith.constant 64 : i32
      %scan3A_1179 = arith.addi %scan3A_1177, %scan3A_1178 : i32
      %scan3A_1180 = arith.constant 1 : i32
      %scan3A_1181:16 = scf.for %scan3A_1327 = %scan3A_1177 to %scan3A_1179 step %scan3A_1180 iter_args(%scan3A_1328 = %broadcast_in_dim3A_35, %scan3A_1329 = %broadcast_in_dim3A_35, %scan3A_1330 = %broadcast_in_dim3A_35, %scan3A_1331 = %broadcast_in_dim3A_35, %scan3A_1332 = %broadcast_in_dim3A_35, %scan3A_1333 = %broadcast_in_dim3A_35, %scan3A_1334 = %broadcast_in_dim3A_35, %scan3A_1335 = %broadcast_in_dim3A_35, %scan3A_1336 = %broadcast_in_dim3A_35, %scan3A_1337 = %broadcast_in_dim3A_35, %scan3A_1338 = %broadcast_in_dim3A_35, %scan3A_1339 = %broadcast_in_dim3A_35, %scan3A_1340 = %broadcast_in_dim3A_35, %scan3A_1341 = %broadcast_in_dim3A_35, %scan3A_1342 = %broadcast_in_dim3A_35, %scan3A_1343 = %broadcast_in_dim3A_35) -> (vector<16xf32>, vector<16xf32>, vector<16xf32>, vector<16xf32>, vector<16xf32>, vector<16xf32>, vector<16xf32>, vector<16xf32>, vector<16xf32>, vector<16xf32>, vector<16xf32>, vector<16xf32>, vector<16xf32>, vector<16xf32>, vector<16xf32>, vector<16xf32>)  : i32 {
        %mul3A_1344 = arith.constant 64 : i32
        %mul3A_1345 = arith.muli %scan3A_424, %mul3A_1344 : i32
        %add3A_1346 = arith.addi %mul3A_1345, %scan3A_1327 : i32
        %broadcast_in_dim3A_1347 = vector.broadcast %add3A_1346 : i32 to vector<16xi32>
        %gather3A = tpu.vector_load_idx %arg6[%broadcast_in_dim3A_1347] : memref<256xf32, #tpu.memory_space<vmem>>[vector<16xi32>], vector<16xf32>,
        %get3A_1348 = arith.index_cast %scan3A_1327 : i32 to index
        %get3A_1349 = arith.constant 640 : index
        %get3A_1350 = tpu.vector_load %arg5[%get3A_1348, %get3A_1349] {strides = array<i32>} : memref<64x768xf32, #tpu.memory_space<vmem>>, vector<16xf32>,
        %add3A_1351 = arith.addf %scan3A_1328, %get3A_1350 : vector<16xf32>
        %mul3A_1352 = arith.mulf %gather3A, %get3A_1350 : vector<16xf32>
        %add3A_1353 = arith.addf %scan3A_1336, %mul3A_1352 : vector<16xf32>
        %get3A_1354 = arith.index_cast %scan3A_1327 : i32 to index
        %get3A_1355 = arith.constant 656 : index
        %get3A_1356 = tpu.vector_load %arg5[%get3A_1354, %get3A_1355] {strides = array<i32>} : memref<64x768xf32, #tpu.memory_space<vmem>>, vector<16xf32>,
        %add3A_1357 = arith.addf %scan3A_1329, %get3A_1356 : vector<16xf32>
        %mul3A_1358 = arith.mulf %gather3A, %get3A_1356 : vector<16xf32>
        %add3A_1359 = arith.addf %scan3A_1337, %mul3A_1358 : vector<16xf32>
        %get3A_1360 = arith.index_cast %scan3A_1327 : i32 to index
        %get3A_1361 = arith.constant 672 : index
        %get3A_1362 = tpu.vector_load %arg5[%get3A_1360, %get3A_1361] {strides = array<i32>} : memref<64x768xf32, #tpu.memory_space<vmem>>, vector<16xf32>,
        %add3A_1363 = arith.addf %scan3A_1330, %get3A_1362 : vector<16xf32>
        %mul3A_1364 = arith.mulf %gather3A, %get3A_1362 : vector<16xf32>
        %add3A_1365 = arith.addf %scan3A_1338, %mul3A_1364 : vector<16xf32>
        %get3A_1366 = arith.index_cast %scan3A_1327 : i32 to index
        %get3A_1367 = arith.constant 688 : index
        %get3A_1368 = tpu.vector_load %arg5[%get3A_1366, %get3A_1367] {strides = array<i32>} : memref<64x768xf32, #tpu.memory_space<vmem>>, vector<16xf32>,
        %add3A_1369 = arith.addf %scan3A_1331, %get3A_1368 : vector<16xf32>
        %mul3A_1370 = arith.mulf %gather3A, %get3A_1368 : vector<16xf32>
        %add3A_1371 = arith.addf %scan3A_1339, %mul3A_1370 : vector<16xf32>
        %get3A_1372 = arith.index_cast %scan3A_1327 : i32 to index
        %get3A_1373 = arith.constant 704 : index
        %get3A_1374 = tpu.vector_load %arg5[%get3A_1372, %get3A_1373] {strides = array<i32>} : memref<64x768xf32, #tpu.memory_space<vmem>>, vector<16xf32>,
        %add3A_1375 = arith.addf %scan3A_1332, %get3A_1374 : vector<16xf32>
        %mul3A_1376 = arith.mulf %gather3A, %get3A_1374 : vector<16xf32>
        %add3A_1377 = arith.addf %scan3A_1340, %mul3A_1376 : vector<16xf32>
        %get3A_1378 = arith.index_cast %scan3A_1327 : i32 to index
        %get3A_1379 = arith.constant 720 : index
        %get3A_1380 = tpu.vector_load %arg5[%get3A_1378, %get3A_1379] {strides = array<i32>} : memref<64x768xf32, #tpu.memory_space<vmem>>, vector<16xf32>,
        %add3A_1381 = arith.addf %scan3A_1333, %get3A_1380 : vector<16xf32>
        %mul3A_1382 = arith.mulf %gather3A, %get3A_1380 : vector<16xf32>
        %add3A_1383 = arith.addf %scan3A_1341, %mul3A_1382 : vector<16xf32>
        %get3A_1384 = arith.index_cast %scan3A_1327 : i32 to index
        %get3A_1385 = arith.constant 736 : index
        %get3A_1386 = tpu.vector_load %arg5[%get3A_1384, %get3A_1385] {strides = array<i32>} : memref<64x768xf32, #tpu.memory_space<vmem>>, vector<16xf32>,
        %add3A_1387 = arith.addf %scan3A_1334, %get3A_1386 : vector<16xf32>
        %mul3A_1388 = arith.mulf %gather3A, %get3A_1386 : vector<16xf32>
        %add3A_1389 = arith.addf %scan3A_1342, %mul3A_1388 : vector<16xf32>
        %get3A_1390 = arith.index_cast %scan3A_1327 : i32 to index
        %get3A_1391 = arith.constant 752 : index
        %get3A_1392 = tpu.vector_load %arg5[%get3A_1390, %get3A_1391] {strides = array<i32>} : memref<64x768xf32, #tpu.memory_space<vmem>>, vector<16xf32>,
        %add3A_1393 = arith.addf %scan3A_1335, %get3A_1392 : vector<16xf32>
        %mul3A_1394 = arith.mulf %gather3A, %get3A_1392 : vector<16xf32>
        %add3A_1395 = arith.addf %scan3A_1343, %mul3A_1394 : vector<16xf32>
        scf.yield %add3A_1351, %add3A_1357, %add3A_1363, %add3A_1369, %add3A_1375, %add3A_1381, %add3A_1387, %add3A_1393, %add3A_1353, %add3A_1359, %add3A_1365, %add3A_1371, %add3A_1377, %add3A_1383, %add3A_1389, %add3A_1395 : vector<16xf32>, vector<16xf32>, vector<16xf32>, vector<16xf32>, vector<16xf32>, vector<16xf32>, vector<16xf32>, vector<16xf32>, vector<16xf32>, vector<16xf32>, vector<16xf32>, vector<16xf32>, vector<16xf32>, vector<16xf32>, vector<16xf32>, vector<16xf32>
      }
      %scan3A_1182 = arith.constant 64 : i32
      %get3A_1183 = arith.constant 0 : i32
      %get3A_1184 = arith.index_cast %get3A_1183 : i32 to index
      %get3A_1185 = arith.constant 640 : index
      %get3A_1186 = tpu.vector_load %arg7[%get3A_1184, %get3A_1185] {strides = array<i32>} : memref<2x768xf32, #tpu.memory_space<vmem>>, vector<16xf32>,
      %add3A_1187 = arith.addf %get3A_1186, %scan3A_1181#0 : vector<16xf32>
      %swap3A_1188 = arith.constant 0 : i32
      %swap3A_1189 = arith.index_cast %swap3A_1188 : i32 to index
      %swap3A_1190 = arith.constant 640 : index
      %swap3A_1191 = tpu.vector_load %arg7[%swap3A_1189, %swap3A_1190] {strides = array<i32>} : memref<2x768xf32, #tpu.memory_space<vmem>>, vector<16xf32>,
      tpu.vector_store %arg7[%swap3A_1189, %swap3A_1190], %add3A_1187 {strides = array<i32>} : memref<2x768xf32, #tpu.memory_space<vmem>>, vector<16xf32>,
      %get3A_1192 = arith.constant 0 : i32
      %get3A_1193 = arith.index_cast %get3A_1192 : i32 to index
      %get3A_1194 = arith.constant 656 : index
      %get3A_1195 = tpu.vector_load %arg7[%get3A_1193, %get3A_1194] {strides = array<i32>} : memref<2x768xf32, #tpu.memory_space<vmem>>, vector<16xf32>,
      %add3A_1196 = arith.addf %get3A_1195, %scan3A_1181#1 : vector<16xf32>
      %swap3A_1197 = arith.constant 0 : i32
      %swap3A_1198 = arith.index_cast %swap3A_1197 : i32 to index
      %swap3A_1199 = arith.constant 656 : index
      %swap3A_1200 = tpu.vector_load %arg7[%swap3A_1198, %swap3A_1199] {strides = array<i32>} : memref<2x768xf32, #tpu.memory_space<vmem>>, vector<16xf32>,
      tpu.vector_store %arg7[%swap3A_1198, %swap3A_1199], %add3A_1196 {strides = array<i32>} : memref<2x768xf32, #tpu.memory_space<vmem>>, vector<16xf32>,
      %get3A_1201 = arith.constant 0 : i32
      %get3A_1202 = arith.index_cast %get3A_1201 : i32 to index
      %get3A_1203 = arith.constant 672 : index
      %get3A_1204 = tpu.vector_load %arg7[%get3A_1202, %get3A_1203] {strides = array<i32>} : memref<2x768xf32, #tpu.memory_space<vmem>>, vector<16xf32>,
      %add3A_1205 = arith.addf %get3A_1204, %scan3A_1181#2 : vector<16xf32>
      %swap3A_1206 = arith.constant 0 : i32
      %swap3A_1207 = arith.index_cast %swap3A_1206 : i32 to index
      %swap3A_1208 = arith.constant 672 : index
      %swap3A_1209 = tpu.vector_load %arg7[%swap3A_1207, %swap3A_1208] {strides = array<i32>} : memref<2x768xf32, #tpu.memory_space<vmem>>, vector<16xf32>,
      tpu.vector_store %arg7[%swap3A_1207, %swap3A_1208], %add3A_1205 {strides = array<i32>} : memref<2x768xf32, #tpu.memory_space<vmem>>, vector<16xf32>,
      %get3A_1210 = arith.constant 0 : i32
      %get3A_1211 = arith.index_cast %get3A_1210 : i32 to index
      %get3A_1212 = arith.constant 688 : index
      %get3A_1213 = tpu.vector_load %arg7[%get3A_1211, %get3A_1212] {strides = array<i32>} : memref<2x768xf32, #tpu.memory_space<vmem>>, vector<16xf32>,
      %add3A_1214 = arith.addf %get3A_1213, %scan3A_1181#3 : vector<16xf32>
      %swap3A_1215 = arith.constant 0 : i32
      %swap3A_1216 = arith.index_cast %swap3A_1215 : i32 to index
      %swap3A_1217 = arith.constant 688 : index
      %swap3A_1218 = tpu.vector_load %arg7[%swap3A_1216, %swap3A_1217] {strides = array<i32>} : memref<2x768xf32, #tpu.memory_space<vmem>>, vector<16xf32>,
      tpu.vector_store %arg7[%swap3A_1216, %swap3A_1217], %add3A_1214 {strides = array<i32>} : memref<2x768xf32, #tpu.memory_space<vmem>>, vector<16xf32>,
      %get3A_1219 = arith.constant 0 : i32
      %get3A_1220 = arith.index_cast %get3A_1219 : i32 to index
      %get3A_1221 = arith.constant 704 : index
      %get3A_1222 = tpu.vector_load %arg7[%get3A_1220, %get3A_1221] {strides = array<i32>} : memref<2x768xf32, #tpu.memory_space<vmem>>, vector<16xf32>,
      %add3A_1223 = arith.addf %get3A_1222, %scan3A_1181#4 : vector<16xf32>
      %swap3A_1224 = arith.constant 0 : i32
      %swap3A_1225 = arith.index_cast %swap3A_1224 : i32 to index
      %swap3A_1226 = arith.constant 704 : index
      %swap3A_1227 = tpu.vector_load %arg7[%swap3A_1225, %swap3A_1226] {strides = array<i32>} : memref<2x768xf32, #tpu.memory_space<vmem>>, vector<16xf32>,
      tpu.vector_store %arg7[%swap3A_1225, %swap3A_1226], %add3A_1223 {strides = array<i32>} : memref<2x768xf32, #tpu.memory_space<vmem>>, vector<16xf32>,
      %get3A_1228 = arith.constant 0 : i32
      %get3A_1229 = arith.index_cast %get3A_1228 : i32 to index
      %get3A_1230 = arith.constant 720 : index
      %get3A_1231 = tpu.vector_load %arg7[%get3A_1229, %get3A_1230] {strides = array<i32>} : memref<2x768xf32, #tpu.memory_space<vmem>>, vector<16xf32>,
      %add3A_1232 = arith.addf %get3A_1231, %scan3A_1181#5 : vector<16xf32>
      %swap3A_1233 = arith.constant 0 : i32
      %swap3A_1234 = arith.index_cast %swap3A_1233 : i32 to index
      %swap3A_1235 = arith.constant 720 : index
      %swap3A_1236 = tpu.vector_load %arg7[%swap3A_1234, %swap3A_1235] {strides = array<i32>} : memref<2x768xf32, #tpu.memory_space<vmem>>, vector<16xf32>,
      tpu.vector_store %arg7[%swap3A_1234, %swap3A_1235], %add3A_1232 {strides = array<i32>} : memref<2x768xf32, #tpu.memory_space<vmem>>, vector<16xf32>,
      %get3A_1237 = arith.constant 0 : i32
      %get3A_1238 = arith.index_cast %get3A_1237 : i32 to index
      %get3A_1239 = arith.constant 736 : index
      %get3A_1240 = tpu.vector_load %arg7[%get3A_1238, %get3A_1239] {strides = array<i32>} : memref<2x768xf32, #tpu.memory_space<vmem>>, vector<16xf32>,
      %add3A_1241 = arith.addf %get3A_1240, %scan3A_1181#6 : vector<16xf32>
      %swap3A_1242 = arith.constant 0 : i32
      %swap3A_1243 = arith.index_cast %swap3A_1242 : i32 to index
      %swap3A_1244 = arith.constant 736 : index
      %swap3A_1245 = tpu.vector_load %arg7[%swap3A_1243, %swap3A_1244] {strides = array<i32>} : memref<2x768xf32, #tpu.memory_space<vmem>>, vector<16xf32>,
      tpu.vector_store %arg7[%swap3A_1243, %swap3A_1244], %add3A_1241 {strides = array<i32>} : memref<2x768xf32, #tpu.memory_space<vmem>>, vector<16xf32>,
      %get3A_1246 = arith.constant 0 : i32
      %get3A_1247 = arith.index_cast %get3A_1246 : i32 to index
      %get3A_1248 = arith.constant 752 : index
      %get3A_1249 = tpu.vector_load %arg7[%get3A_1247, %get3A_1248] {strides = array<i32>} : memref<2x768xf32, #tpu.memory_space<vmem>>, vector<16xf32>,
      %add3A_1250 = arith.addf %get3A_1249, %scan3A_1181#7 : vector<16xf32>
      %swap3A_1251 = arith.constant 0 : i32
      %swap3A_1252 = arith.index_cast %swap3A_1251 : i32 to index
      %swap3A_1253 = arith.constant 752 : index
      %swap3A_1254 = tpu.vector_load %arg7[%swap3A_1252, %swap3A_1253] {strides = array<i32>} : memref<2x768xf32, #tpu.memory_space<vmem>>, vector<16xf32>,
      tpu.vector_store %arg7[%swap3A_1252, %swap3A_1253], %add3A_1250 {strides = array<i32>} : memref<2x768xf32, #tpu.memory_space<vmem>>, vector<16xf32>,
      %get3A_1255 = arith.constant 1 : i32
      %get3A_1256 = arith.index_cast %get3A_1255 : i32 to index
      %get3A_1257 = arith.constant 640 : index
      %get3A_1258 = tpu.vector_load %arg7[%get3A_1256, %get3A_1257] {strides = array<i32>} : memref<2x768xf32, #tpu.memory_space<vmem>>, vector<16xf32>,
      %add3A_1259 = arith.addf %get3A_1258, %scan3A_1181#8 : vector<16xf32>
      %swap3A_1260 = arith.constant 1 : i32
      %swap3A_1261 = arith.index_cast %swap3A_1260 : i32 to index
      %swap3A_1262 = arith.constant 640 : index
      %swap3A_1263 = tpu.vector_load %arg7[%swap3A_1261, %swap3A_1262] {strides = array<i32>} : memref<2x768xf32, #tpu.memory_space<vmem>>, vector<16xf32>,
      tpu.vector_store %arg7[%swap3A_1261, %swap3A_1262], %add3A_1259 {strides = array<i32>} : memref<2x768xf32, #tpu.memory_space<vmem>>, vector<16xf32>,
      %get3A_1264 = arith.constant 1 : i32
      %get3A_1265 = arith.index_cast %get3A_1264 : i32 to index
      %get3A_1266 = arith.constant 656 : index
      %get3A_1267 = tpu.vector_load %arg7[%get3A_1265, %get3A_1266] {strides = array<i32>} : memref<2x768xf32, #tpu.memory_space<vmem>>, vector<16xf32>,
      %add3A_1268 = arith.addf %get3A_1267, %scan3A_1181#9 : vector<16xf32>
      %swap3A_1269 = arith.constant 1 : i32
      %swap3A_1270 = arith.index_cast %swap3A_1269 : i32 to index
      %swap3A_1271 = arith.constant 656 : index
      %swap3A_1272 = tpu.vector_load %arg7[%swap3A_1270, %swap3A_1271] {strides = array<i32>} : memref<2x768xf32, #tpu.memory_space<vmem>>, vector<16xf32>,
      tpu.vector_store %arg7[%swap3A_1270, %swap3A_1271], %add3A_1268 {strides = array<i32>} : memref<2x768xf32, #tpu.memory_space<vmem>>, vector<16xf32>,
      %get3A_1273 = arith.constant 1 : i32
      %get3A_1274 = arith.index_cast %get3A_1273 : i32 to index
      %get3A_1275 = arith.constant 672 : index
      %get3A_1276 = tpu.vector_load %arg7[%get3A_1274, %get3A_1275] {strides = array<i32>} : memref<2x768xf32, #tpu.memory_space<vmem>>, vector<16xf32>,
      %add3A_1277 = arith.addf %get3A_1276, %scan3A_1181#10 : vector<16xf32>
      %swap3A_1278 = arith.constant 1 : i32
      %swap3A_1279 = arith.index_cast %swap3A_1278 : i32 to index
      %swap3A_1280 = arith.constant 672 : index
      %swap3A_1281 = tpu.vector_load %arg7[%swap3A_1279, %swap3A_1280] {strides = array<i32>} : memref<2x768xf32, #tpu.memory_space<vmem>>, vector<16xf32>,
      tpu.vector_store %arg7[%swap3A_1279, %swap3A_1280], %add3A_1277 {strides = array<i32>} : memref<2x768xf32, #tpu.memory_space<vmem>>, vector<16xf32>,
      %get3A_1282 = arith.constant 1 : i32
      %get3A_1283 = arith.index_cast %get3A_1282 : i32 to index
      %get3A_1284 = arith.constant 688 : index
      %get3A_1285 = tpu.vector_load %arg7[%get3A_1283, %get3A_1284] {strides = array<i32>} : memref<2x768xf32, #tpu.memory_space<vmem>>, vector<16xf32>,
      %add3A_1286 = arith.addf %get3A_1285, %scan3A_1181#11 : vector<16xf32>
      %swap3A_1287 = arith.constant 1 : i32
      %swap3A_1288 = arith.index_cast %swap3A_1287 : i32 to index
      %swap3A_1289 = arith.constant 688 : index
      %swap3A_1290 = tpu.vector_load %arg7[%swap3A_1288, %swap3A_1289] {strides = array<i32>} : memref<2x768xf32, #tpu.memory_space<vmem>>, vector<16xf32>,
      tpu.vector_store %arg7[%swap3A_1288, %swap3A_1289], %add3A_1286 {strides = array<i32>} : memref<2x768xf32, #tpu.memory_space<vmem>>, vector<16xf32>,
      %get3A_1291 = arith.constant 1 : i32
      %get3A_1292 = arith.index_cast %get3A_1291 : i32 to index
      %get3A_1293 = arith.constant 704 : index
      %get3A_1294 = tpu.vector_load %arg7[%get3A_1292, %get3A_1293] {strides = array<i32>} : memref<2x768xf32, #tpu.memory_space<vmem>>, vector<16xf32>,
      %add3A_1295 = arith.addf %get3A_1294, %scan3A_1181#12 : vector<16xf32>
      %swap3A_1296 = arith.constant 1 : i32
      %swap3A_1297 = arith.index_cast %swap3A_1296 : i32 to index
      %swap3A_1298 = arith.constant 704 : index
      %swap3A_1299 = tpu.vector_load %arg7[%swap3A_1297, %swap3A_1298] {strides = array<i32>} : memref<2x768xf32, #tpu.memory_space<vmem>>, vector<16xf32>,
      tpu.vector_store %arg7[%swap3A_1297, %swap3A_1298], %add3A_1295 {strides = array<i32>} : memref<2x768xf32, #tpu.memory_space<vmem>>, vector<16xf32>,
      %get3A_1300 = arith.constant 1 : i32
      %get3A_1301 = arith.index_cast %get3A_1300 : i32 to index
      %get3A_1302 = arith.constant 720 : index
      %get3A_1303 = tpu.vector_load %arg7[%get3A_1301, %get3A_1302] {strides = array<i32>} : memref<2x768xf32, #tpu.memory_space<vmem>>, vector<16xf32>,
      %add3A_1304 = arith.addf %get3A_1303, %scan3A_1181#13 : vector<16xf32>
      %swap3A_1305 = arith.constant 1 : i32
      %swap3A_1306 = arith.index_cast %swap3A_1305 : i32 to index
      %swap3A_1307 = arith.constant 720 : index
      %swap3A_1308 = tpu.vector_load %arg7[%swap3A_1306, %swap3A_1307] {strides = array<i32>} : memref<2x768xf32, #tpu.memory_space<vmem>>, vector<16xf32>,
      tpu.vector_store %arg7[%swap3A_1306, %swap3A_1307], %add3A_1304 {strides = array<i32>} : memref<2x768xf32, #tpu.memory_space<vmem>>, vector<16xf32>,
      %get3A_1309 = arith.constant 1 : i32
      %get3A_1310 = arith.index_cast %get3A_1309 : i32 to index
      %get3A_1311 = arith.constant 736 : index
      %get3A_1312 = tpu.vector_load %arg7[%get3A_1310, %get3A_1311] {strides = array<i32>} : memref<2x768xf32, #tpu.memory_space<vmem>>, vector<16xf32>,
      %add3A_1313 = arith.addf %get3A_1312, %scan3A_1181#14 : vector<16xf32>
      %swap3A_1314 = arith.constant 1 : i32
      %swap3A_1315 = arith.index_cast %swap3A_1314 : i32 to index
      %swap3A_1316 = arith.constant 736 : index
      %swap3A_1317 = tpu.vector_load %arg7[%swap3A_1315, %swap3A_1316] {strides = array<i32>} : memref<2x768xf32, #tpu.memory_space<vmem>>, vector<16xf32>,
      tpu.vector_store %arg7[%swap3A_1315, %swap3A_1316], %add3A_1313 {strides = array<i32>} : memref<2x768xf32, #tpu.memory_space<vmem>>, vector<16xf32>,
      %get3A_1318 = arith.constant 1 : i32
      %get3A_1319 = arith.index_cast %get3A_1318 : i32 to index
      %get3A_1320 = arith.constant 752 : index
      %get3A_1321 = tpu.vector_load %arg7[%get3A_1319, %get3A_1320] {strides = array<i32>} : memref<2x768xf32, #tpu.memory_space<vmem>>, vector<16xf32>,
      %add3A_1322 = arith.addf %get3A_1321, %scan3A_1181#15 : vector<16xf32>
      %swap3A_1323 = arith.constant 1 : i32
      %swap3A_1324 = arith.index_cast %swap3A_1323 : i32 to index
      %swap3A_1325 = arith.constant 752 : index
      %swap3A_1326 = tpu.vector_load %arg7[%swap3A_1324, %swap3A_1325] {strides = array<i32>} : memref<2x768xf32, #tpu.memory_space<vmem>>, vector<16xf32>,
      tpu.vector_store %arg7[%swap3A_1324, %swap3A_1325], %add3A_1322 {strides = array<i32>} : memref<2x768xf32, #tpu.memory_space<vmem>>, vector<16xf32>,
    }
    %scan3A_423 = arith.constant 4 : i32
    "tpu.region"() ({
      %run_scoped3A = tpu.sem_alloc : memref<!tpu.dma_semaphore, #tpu.memory_space<semaphore_mem>>
      %dma_start3A = arith.constant 0 : i32
      %dma_start3A_424 = arith.constant 0 : i32
      %dma_start3A_425 = tpu.memref_slice %arg4[%add3A, %dma_start3A, %dma_start3A_424] : memref<32x2x768xf32, #tpu.memory_space<hbm>> -> memref<1x2x768xf32, #tpu.memory_space<hbm>>
      %dma_start3A_426 = tpu.memref_squeeze %dma_start3A_425 : memref<1x2x768xf32, #tpu.memory_space<hbm>> -> memref<2x768xf32, #tpu.memory_space<hbm>>
      %dma_start3A_427 = arith.constant 0 : i32
      %dma_start3A_428 = arith.constant 0 : i32
      %dma_start3A_429 = tpu.memref_slice %arg4[%add3A, %dma_start3A_427, %dma_start3A_428] : memref<32x2x768xf32, #tpu.memory_space<hbm>> -> memref<1x2x768xf32, #tpu.memory_space<hbm>>
      %dma_start3A_430 = tpu.memref_squeeze %dma_start3A_429 : memref<1x2x768xf32, #tpu.memory_space<hbm>> -> memref<2x768xf32, #tpu.memory_space<hbm>>
      tpu.enqueue_dma source(%arg7 : memref<2x768xf32, #tpu.memory_space<vmem>>) target(%dma_start3A_430 : memref<2x768xf32, #tpu.memory_space<hbm>>) target_semaphore(%run_scoped3A : memref<!tpu.dma_semaphore, #tpu.memory_space<semaphore_mem>>)
      %dma_wait3A = arith.constant 0 : i32
      %dma_wait3A_431 = arith.constant 0 : i32
      %dma_wait3A_432 = tpu.memref_slice %arg4[%add3A, %dma_wait3A, %dma_wait3A_431] : memref<32x2x768xf32, #tpu.memory_space<hbm>> -> memref<1x2x768xf32, #tpu.memory_space<hbm>>
      %dma_wait3A_433 = tpu.memref_squeeze %dma_wait3A_432 : memref<1x2x768xf32, #tpu.memory_space<hbm>> -> memref<2x768xf32, #tpu.memory_space<hbm>>
      %dma_wait3A_434 = arith.constant 0 : i32
      %dma_wait3A_435 = arith.constant 0 : i32
      %dma_wait3A_436 = tpu.memref_slice %arg4[%add3A, %dma_wait3A_434, %dma_wait3A_435] : memref<32x2x768xf32, #tpu.memory_space<hbm>> -> memref<1x2x768xf32, #tpu.memory_space<hbm>>
      %dma_wait3A_437 = tpu.memref_squeeze %dma_wait3A_436 : memref<1x2x768xf32, #tpu.memory_space<hbm>> -> memref<2x768xf32, #tpu.memory_space<hbm>>
      tpu.wait_dma2 semaphore(%run_scoped3A : memref<!tpu.dma_semaphore, #tpu.memory_space<semaphore_mem>>) src(%arg7 : memref<2x768xf32, #tpu.memory_space<vmem>>) dst(%dma_wait3A_437 : memref<2x768xf32, #tpu.memory_space<hbm>>)
      tpu.yield
    }) : () -> ()
    return
  }
}

#map = affine_map<(d0, d1) -> (0, 0, 0)>
#map1 = affine_map<(d0, d1) -> (0, 0)>
module attributes {stable_mosaic.version = 14 : i64} {
  func.func @_sc_topk_kernel(%arg0: i32, %arg1: i32, %arg2: memref<32x4096x768xf32, #tpu.memory_space<hbm>>, %arg3: memref<32x32xi32, #tpu.memory_space<hbm>>, %arg4: memref<32x32xf32, #tpu.memory_space<hbm>>, %arg5: memref<4x2x768xf32, #tpu.memory_space<hbm>>, %arg6: memref<16xi32, #tpu.memory_space<vmem>>, %arg7: memref<16xf32, #tpu.memory_space<vmem>>, %arg8: memref<16x768xf32, #tpu.memory_space<vmem>>, %arg9: memref<2x768xf32, #tpu.memory_space<vmem>>, %arg10: memref<!tpu.dma_semaphore, #tpu.memory_space<semaphore_mem>>) attributes {dimension_semantics = [#tpu.dimension_semantics<core_parallel>, #tpu.dimension_semantics<subcore_parallel>], iteration_bounds = array<i64: 2, 16>, scalar_prefetch = 0 : i64, scratch_operands = 5 : i64, tpu.core_type = #tpu.core_type<sc_vector_subcore>, window_params = [{transform_indices = #map}, {transform_indices = #map1}, {transform_indices = #map1}, {transform_indices = #map}]} {
    %mul3A = arith.constant 2 : i32
    %mul3A_0 = arith.muli %arg1, %mul3A : i32
    %add3A = arith.addi %mul3A_0, %arg0 : i32
    %lt3A = arith.constant 4 : i32
    %lt3A_1 = arith.cmpi slt, %add3A, %lt3A : i32
    %convert_element_type3A = arith.extui %lt3A_1 : i1 to i32
    %cond3A = arith.constant 0 : i32
    %cond3A_2 = arith.cmpi ne, %convert_element_type3A, %cond3A : i32
    scf.if %cond3A_2 {
      %jit3A = arith.constant 2 : i32
      %div3A = arith.divsi %add3A, %jit3A : i32
      %sign3A = arith.constant 0 : i32
      %sign3A_3 = arith.cmpi sgt, %add3A, %sign3A : i32
      %sign3A_4 = arith.extui %sign3A_3 : i1 to i32
      %sign3A_5 = arith.constant 0 : i32
      %sign3A_6 = arith.cmpi slt, %add3A, %sign3A_5 : i32
      %sign3A_7 = arith.extui %sign3A_6 : i1 to i32
      %sign3A_8 = arith.subi %sign3A_4, %sign3A_7 : i32
      %sign3A_9 = arith.constant 0 : i32
      %sign3A_10 = arith.cmpi sgt, %jit3A, %sign3A_9 : i32
      %sign3A_11 = arith.extui %sign3A_10 : i1 to i32
      %sign3A_12 = arith.constant 0 : i32
      %sign3A_13 = arith.cmpi slt, %jit3A, %sign3A_12 : i32
      %sign3A_14 = arith.extui %sign3A_13 : i1 to i32
      %sign3A_15 = arith.subi %sign3A_11, %sign3A_14 : i32
      %ne3A = arith.cmpi ne, %sign3A_8, %sign3A_15 : i32
      %rem3A = arith.remsi %add3A, %jit3A : i32
      %ne3A_16 = arith.constant 0 : i32
      %ne3A_17 = arith.cmpi ne, %rem3A, %ne3A_16 : i32
      %and3A = arith.andi %ne3A, %ne3A_17 : i1
      %sub3A = arith.constant 1 : i32
      %sub3A_18 = arith.subi %div3A, %sub3A : i32
      %select_n3A = arith.select %and3A, %sub3A_18, %div3A : i32
      %add3A_19 = arith.constant 30 : i32
      %add3A_20 = arith.addi %add3A_19, %select_n3A : i32
      %jit3A_21 = arith.constant 2 : i32
      %eq3A = arith.constant 0 : i32
      %eq3A_22 = arith.cmpi eq, %jit3A_21, %eq3A : i32
      %jit3A_23 = arith.constant 1 : i32
      %select_n3A_24 = arith.select %eq3A_22, %jit3A_23, %jit3A_21 : i32
      %rem3A_25 = arith.remsi %add3A, %select_n3A_24 : i32
      %ne3A_26 = arith.constant 0 : i32
      %ne3A_27 = arith.cmpi ne, %rem3A_25, %ne3A_26 : i32
      %lt3A_28 = arith.constant 0 : i32
      %lt3A_29 = arith.cmpi slt, %rem3A_25, %lt3A_28 : i32
      %lt3A_30 = arith.constant 0 : i32
      %lt3A_31 = arith.cmpi slt, %select_n3A_24, %lt3A_30 : i32
      %ne3A_32 = arith.xori %lt3A_29, %lt3A_31 : i1
      %and3A_33 = arith.andi %ne3A_32, %ne3A_27 : i1
      %add3A_34 = arith.addi %rem3A_25, %select_n3A_24 : i32
      %select_n3A_35 = arith.select %and3A_33, %add3A_34, %rem3A_25 : i32
      %mul3A_36 = arith.constant 16 : i32
      %mul3A_37 = arith.muli %select_n3A_35, %mul3A_36 : i32
      "tpu.region"() ({
        %run_scoped3A = tpu.sem_alloc : memref<!tpu.dma_semaphore, #tpu.memory_space<semaphore_mem>>
        %dma_start3A_1428 = tpu.memref_slice %arg3[%add3A_20, %mul3A_37] : memref<32x32xi32, #tpu.memory_space<hbm>> -> memref<1x16xi32, #tpu.memory_space<hbm>>
        %dma_start3A_1429 = tpu.memref_squeeze %dma_start3A_1428 : memref<1x16xi32, #tpu.memory_space<hbm>> -> memref<16xi32, #tpu.memory_space<hbm>>
        %dma_start3A_1430 = tpu.memref_slice %arg3[%add3A_20, %mul3A_37] : memref<32x32xi32, #tpu.memory_space<hbm>> -> memref<1x16xi32, #tpu.memory_space<hbm>>
        %dma_start3A_1431 = tpu.memref_squeeze %dma_start3A_1430 : memref<1x16xi32, #tpu.memory_space<hbm>> -> memref<16xi32, #tpu.memory_space<hbm>>
        tpu.enqueue_dma source(%dma_start3A_1431 : memref<16xi32, #tpu.memory_space<hbm>>) target(%arg6 : memref<16xi32, #tpu.memory_space<vmem>>) target_semaphore(%run_scoped3A : memref<!tpu.dma_semaphore, #tpu.memory_space<semaphore_mem>>)
        %dma_wait3A_1432 = tpu.memref_slice %arg3[%add3A_20, %mul3A_37] : memref<32x32xi32, #tpu.memory_space<hbm>> -> memref<1x16xi32, #tpu.memory_space<hbm>>
        %dma_wait3A_1433 = tpu.memref_squeeze %dma_wait3A_1432 : memref<1x16xi32, #tpu.memory_space<hbm>> -> memref<16xi32, #tpu.memory_space<hbm>>
        %dma_wait3A_1434 = tpu.memref_slice %arg3[%add3A_20, %mul3A_37] : memref<32x32xi32, #tpu.memory_space<hbm>> -> memref<1x16xi32, #tpu.memory_space<hbm>>
        %dma_wait3A_1435 = tpu.memref_squeeze %dma_wait3A_1434 : memref<1x16xi32, #tpu.memory_space<hbm>> -> memref<16xi32, #tpu.memory_space<hbm>>
        tpu.wait_dma2 semaphore(%run_scoped3A : memref<!tpu.dma_semaphore, #tpu.memory_space<semaphore_mem>>) src(%dma_wait3A_1435 : memref<16xi32, #tpu.memory_space<hbm>>) dst(%arg6 : memref<16xi32, #tpu.memory_space<vmem>>)
        tpu.yield
      }) : () -> ()
      "tpu.region"() ({
        %run_scoped3A = tpu.sem_alloc : memref<!tpu.dma_semaphore, #tpu.memory_space<semaphore_mem>>
        %dma_start3A_1428 = tpu.memref_slice %arg4[%add3A_20, %mul3A_37] : memref<32x32xf32, #tpu.memory_space<hbm>> -> memref<1x16xf32, #tpu.memory_space<hbm>>
        %dma_start3A_1429 = tpu.memref_squeeze %dma_start3A_1428 : memref<1x16xf32, #tpu.memory_space<hbm>> -> memref<16xf32, #tpu.memory_space<hbm>>
        %dma_start3A_1430 = tpu.memref_slice %arg4[%add3A_20, %mul3A_37] : memref<32x32xf32, #tpu.memory_space<hbm>> -> memref<1x16xf32, #tpu.memory_space<hbm>>
        %dma_start3A_1431 = tpu.memref_squeeze %dma_start3A_1430 : memref<1x16xf32, #tpu.memory_space<hbm>> -> memref<16xf32, #tpu.memory_space<hbm>>
        tpu.enqueue_dma source(%dma_start3A_1431 : memref<16xf32, #tpu.memory_space<hbm>>) target(%arg7 : memref<16xf32, #tpu.memory_space<vmem>>) target_semaphore(%run_scoped3A : memref<!tpu.dma_semaphore, #tpu.memory_space<semaphore_mem>>)
        %dma_wait3A_1432 = tpu.memref_slice %arg4[%add3A_20, %mul3A_37] : memref<32x32xf32, #tpu.memory_space<hbm>> -> memref<1x16xf32, #tpu.memory_space<hbm>>
        %dma_wait3A_1433 = tpu.memref_squeeze %dma_wait3A_1432 : memref<1x16xf32, #tpu.memory_space<hbm>> -> memref<16xf32, #tpu.memory_space<hbm>>
        %dma_wait3A_1434 = tpu.memref_slice %arg4[%add3A_20, %mul3A_37] : memref<32x32xf32, #tpu.memory_space<hbm>> -> memref<1x16xf32, #tpu.memory_space<hbm>>
        %dma_wait3A_1435 = tpu.memref_squeeze %dma_wait3A_1434 : memref<1x16xf32, #tpu.memory_space<hbm>> -> memref<16xf32, #tpu.memory_space<hbm>>
        tpu.wait_dma2 semaphore(%run_scoped3A : memref<!tpu.dma_semaphore, #tpu.memory_space<semaphore_mem>>) src(%dma_wait3A_1435 : memref<16xf32, #tpu.memory_space<hbm>>) dst(%arg7 : memref<16xf32, #tpu.memory_space<vmem>>)
        tpu.yield
      }) : () -> ()
      %dma_start3A = arith.constant 0 : i32
      %dma_start3A_38 = arith.constant 0 : i32
      %dma_start3A_39 = tpu.memref_slice %arg2[%add3A_20, %dma_start3A, %dma_start3A_38] : memref<32x4096x768xf32, #tpu.memory_space<hbm>> -> memref<1x4096x768xf32, #tpu.memory_space<hbm>>
      %dma_start3A_40 = tpu.memref_squeeze %dma_start3A_39 : memref<1x4096x768xf32, #tpu.memory_space<hbm>> -> memref<4096x768xf32, #tpu.memory_space<hbm>>
      %dma_start3A_41 = arith.constant 0 : i32
      %dma_start3A_42 = arith.constant 0 : i32
      %dma_start3A_43 = tpu.memref_slice %dma_start3A_40[%dma_start3A_41, %dma_start3A_42] : memref<4096x768xf32, #tpu.memory_space<hbm>> -> memref<4096x768xf32, #tpu.memory_space<hbm>>
      tpu.enqueue_indirect_dma source(%dma_start3A_43 : memref<4096x768xf32, #tpu.memory_space<hbm>>) target(%arg8 : memref<16x768xf32, #tpu.memory_space<vmem>>) offsets(%arg6 : memref<16xi32, #tpu.memory_space<vmem>>) semaphore(%arg10 : memref<!tpu.dma_semaphore, #tpu.memory_space<semaphore_mem>>)
      %dma_wait3A = arith.constant 0 : i32
      %dma_wait3A_44 = arith.constant 0 : i32
      %dma_wait3A_45 = tpu.memref_slice %arg2[%add3A_20, %dma_wait3A, %dma_wait3A_44] : memref<32x4096x768xf32, #tpu.memory_space<hbm>> -> memref<1x4096x768xf32, #tpu.memory_space<hbm>>
      %dma_wait3A_46 = tpu.memref_squeeze %dma_wait3A_45 : memref<1x4096x768xf32, #tpu.memory_space<hbm>> -> memref<4096x768xf32, #tpu.memory_space<hbm>>
      %dma_wait3A_47 = arith.constant 0 : i32
      %dma_wait3A_48 = arith.constant 0 : i32
      %dma_wait3A_49 = tpu.memref_slice %dma_wait3A_46[%dma_wait3A_47, %dma_wait3A_48] : memref<4096x768xf32, #tpu.memory_space<hbm>> -> memref<4096x768xf32, #tpu.memory_space<hbm>>
      tpu.wait_indirect_dma semaphore(%arg10 : memref<!tpu.dma_semaphore, #tpu.memory_space<semaphore_mem>>) src(%dma_wait3A_49 : memref<4096x768xf32, #tpu.memory_space<hbm>>) dst(%arg8 : memref<16x768xf32, #tpu.memory_space<vmem>>)
      %broadcast_in_dim3A = arith.constant 0.000000e+00 : f32
      %broadcast_in_dim3A_50 = vector.broadcast %broadcast_in_dim3A : f32 to vector<16xf32>
      %swap3A = arith.constant 0 : i32
      %swap3A_51 = arith.index_cast %swap3A : i32 to index
      %swap3A_52 = arith.constant 0 : index
      %swap3A_53 = tpu.vector_load %arg9[%swap3A_51, %swap3A_52] {strides = array<i32>} : memref<2x768xf32, #tpu.memory_space<vmem>>, vector<16xf32>,
      tpu.vector_store %arg9[%swap3A_51, %swap3A_52], %broadcast_in_dim3A_50 {strides = array<i32>} : memref<2x768xf32, #tpu.memory_space<vmem>>, vector<16xf32>,
      %swap3A_54 = arith.constant 0 : i32
      %swap3A_55 = arith.index_cast %swap3A_54 : i32 to index
      %swap3A_56 = arith.constant 16 : index
      %swap3A_57 = tpu.vector_load %arg9[%swap3A_55, %swap3A_56] {strides = array<i32>} : memref<2x768xf32, #tpu.memory_space<vmem>>, vector<16xf32>,
      tpu.vector_store %arg9[%swap3A_55, %swap3A_56], %broadcast_in_dim3A_50 {strides = array<i32>} : memref<2x768xf32, #tpu.memory_space<vmem>>, vector<16xf32>,
      %swap3A_58 = arith.constant 0 : i32
      %swap3A_59 = arith.index_cast %swap3A_58 : i32 to index
      %swap3A_60 = arith.constant 32 : index
      %swap3A_61 = tpu.vector_load %arg9[%swap3A_59, %swap3A_60] {strides = array<i32>} : memref<2x768xf32, #tpu.memory_space<vmem>>, vector<16xf32>,
      tpu.vector_store %arg9[%swap3A_59, %swap3A_60], %broadcast_in_dim3A_50 {strides = array<i32>} : memref<2x768xf32, #tpu.memory_space<vmem>>, vector<16xf32>,
      %swap3A_62 = arith.constant 0 : i32
      %swap3A_63 = arith.index_cast %swap3A_62 : i32 to index
      %swap3A_64 = arith.constant 48 : index
      %swap3A_65 = tpu.vector_load %arg9[%swap3A_63, %swap3A_64] {strides = array<i32>} : memref<2x768xf32, #tpu.memory_space<vmem>>, vector<16xf32>,
      tpu.vector_store %arg9[%swap3A_63, %swap3A_64], %broadcast_in_dim3A_50 {strides = array<i32>} : memref<2x768xf32, #tpu.memory_space<vmem>>, vector<16xf32>,
      %swap3A_66 = arith.constant 0 : i32
      %swap3A_67 = arith.index_cast %swap3A_66 : i32 to index
      %swap3A_68 = arith.constant 64 : index
      %swap3A_69 = tpu.vector_load %arg9[%swap3A_67, %swap3A_68] {strides = array<i32>} : memref<2x768xf32, #tpu.memory_space<vmem>>, vector<16xf32>,
      tpu.vector_store %arg9[%swap3A_67, %swap3A_68], %broadcast_in_dim3A_50 {strides = array<i32>} : memref<2x768xf32, #tpu.memory_space<vmem>>, vector<16xf32>,
      %swap3A_70 = arith.constant 0 : i32
      %swap3A_71 = arith.index_cast %swap3A_70 : i32 to index
      %swap3A_72 = arith.constant 80 : index
      %swap3A_73 = tpu.vector_load %arg9[%swap3A_71, %swap3A_72] {strides = array<i32>} : memref<2x768xf32, #tpu.memory_space<vmem>>, vector<16xf32>,
      tpu.vector_store %arg9[%swap3A_71, %swap3A_72], %broadcast_in_dim3A_50 {strides = array<i32>} : memref<2x768xf32, #tpu.memory_space<vmem>>, vector<16xf32>,
      %swap3A_74 = arith.constant 0 : i32
      %swap3A_75 = arith.index_cast %swap3A_74 : i32 to index
      %swap3A_76 = arith.constant 96 : index
      %swap3A_77 = tpu.vector_load %arg9[%swap3A_75, %swap3A_76] {strides = array<i32>} : memref<2x768xf32, #tpu.memory_space<vmem>>, vector<16xf32>,
      tpu.vector_store %arg9[%swap3A_75, %swap3A_76], %broadcast_in_dim3A_50 {strides = array<i32>} : memref<2x768xf32, #tpu.memory_space<vmem>>, vector<16xf32>,
      %swap3A_78 = arith.constant 0 : i32
      %swap3A_79 = arith.index_cast %swap3A_78 : i32 to index
      %swap3A_80 = arith.constant 112 : index
      %swap3A_81 = tpu.vector_load %arg9[%swap3A_79, %swap3A_80] {strides = array<i32>} : memref<2x768xf32, #tpu.memory_space<vmem>>, vector<16xf32>,
      tpu.vector_store %arg9[%swap3A_79, %swap3A_80], %broadcast_in_dim3A_50 {strides = array<i32>} : memref<2x768xf32, #tpu.memory_space<vmem>>, vector<16xf32>,
      %swap3A_82 = arith.constant 0 : i32
      %swap3A_83 = arith.index_cast %swap3A_82 : i32 to index
      %swap3A_84 = arith.constant 128 : index
      %swap3A_85 = tpu.vector_load %arg9[%swap3A_83, %swap3A_84] {strides = array<i32>} : memref<2x768xf32, #tpu.memory_space<vmem>>, vector<16xf32>,
      tpu.vector_store %arg9[%swap3A_83, %swap3A_84], %broadcast_in_dim3A_50 {strides = array<i32>} : memref<2x768xf32, #tpu.memory_space<vmem>>, vector<16xf32>,
      %swap3A_86 = arith.constant 0 : i32
      %swap3A_87 = arith.index_cast %swap3A_86 : i32 to index
      %swap3A_88 = arith.constant 144 : index
      %swap3A_89 = tpu.vector_load %arg9[%swap3A_87, %swap3A_88] {strides = array<i32>} : memref<2x768xf32, #tpu.memory_space<vmem>>, vector<16xf32>,
      tpu.vector_store %arg9[%swap3A_87, %swap3A_88], %broadcast_in_dim3A_50 {strides = array<i32>} : memref<2x768xf32, #tpu.memory_space<vmem>>, vector<16xf32>,
      %swap3A_90 = arith.constant 0 : i32
      %swap3A_91 = arith.index_cast %swap3A_90 : i32 to index
      %swap3A_92 = arith.constant 160 : index
      %swap3A_93 = tpu.vector_load %arg9[%swap3A_91, %swap3A_92] {strides = array<i32>} : memref<2x768xf32, #tpu.memory_space<vmem>>, vector<16xf32>,
      tpu.vector_store %arg9[%swap3A_91, %swap3A_92], %broadcast_in_dim3A_50 {strides = array<i32>} : memref<2x768xf32, #tpu.memory_space<vmem>>, vector<16xf32>,
      %swap3A_94 = arith.constant 0 : i32
      %swap3A_95 = arith.index_cast %swap3A_94 : i32 to index
      %swap3A_96 = arith.constant 176 : index
      %swap3A_97 = tpu.vector_load %arg9[%swap3A_95, %swap3A_96] {strides = array<i32>} : memref<2x768xf32, #tpu.memory_space<vmem>>, vector<16xf32>,
      tpu.vector_store %arg9[%swap3A_95, %swap3A_96], %broadcast_in_dim3A_50 {strides = array<i32>} : memref<2x768xf32, #tpu.memory_space<vmem>>, vector<16xf32>,
      %swap3A_98 = arith.constant 0 : i32
      %swap3A_99 = arith.index_cast %swap3A_98 : i32 to index
      %swap3A_100 = arith.constant 192 : index
      %swap3A_101 = tpu.vector_load %arg9[%swap3A_99, %swap3A_100] {strides = array<i32>} : memref<2x768xf32, #tpu.memory_space<vmem>>, vector<16xf32>,
      tpu.vector_store %arg9[%swap3A_99, %swap3A_100], %broadcast_in_dim3A_50 {strides = array<i32>} : memref<2x768xf32, #tpu.memory_space<vmem>>, vector<16xf32>,
      %swap3A_102 = arith.constant 0 : i32
      %swap3A_103 = arith.index_cast %swap3A_102 : i32 to index
      %swap3A_104 = arith.constant 208 : index
      %swap3A_105 = tpu.vector_load %arg9[%swap3A_103, %swap3A_104] {strides = array<i32>} : memref<2x768xf32, #tpu.memory_space<vmem>>, vector<16xf32>,
      tpu.vector_store %arg9[%swap3A_103, %swap3A_104], %broadcast_in_dim3A_50 {strides = array<i32>} : memref<2x768xf32, #tpu.memory_space<vmem>>, vector<16xf32>,
      %swap3A_106 = arith.constant 0 : i32
      %swap3A_107 = arith.index_cast %swap3A_106 : i32 to index
      %swap3A_108 = arith.constant 224 : index
      %swap3A_109 = tpu.vector_load %arg9[%swap3A_107, %swap3A_108] {strides = array<i32>} : memref<2x768xf32, #tpu.memory_space<vmem>>, vector<16xf32>,
      tpu.vector_store %arg9[%swap3A_107, %swap3A_108], %broadcast_in_dim3A_50 {strides = array<i32>} : memref<2x768xf32, #tpu.memory_space<vmem>>, vector<16xf32>,
      %swap3A_110 = arith.constant 0 : i32
      %swap3A_111 = arith.index_cast %swap3A_110 : i32 to index
      %swap3A_112 = arith.constant 240 : index
      %swap3A_113 = tpu.vector_load %arg9[%swap3A_111, %swap3A_112] {strides = array<i32>} : memref<2x768xf32, #tpu.memory_space<vmem>>, vector<16xf32>,
      tpu.vector_store %arg9[%swap3A_111, %swap3A_112], %broadcast_in_dim3A_50 {strides = array<i32>} : memref<2x768xf32, #tpu.memory_space<vmem>>, vector<16xf32>,
      %swap3A_114 = arith.constant 0 : i32
      %swap3A_115 = arith.index_cast %swap3A_114 : i32 to index
      %swap3A_116 = arith.constant 256 : index
      %swap3A_117 = tpu.vector_load %arg9[%swap3A_115, %swap3A_116] {strides = array<i32>} : memref<2x768xf32, #tpu.memory_space<vmem>>, vector<16xf32>,
      tpu.vector_store %arg9[%swap3A_115, %swap3A_116], %broadcast_in_dim3A_50 {strides = array<i32>} : memref<2x768xf32, #tpu.memory_space<vmem>>, vector<16xf32>,
      %swap3A_118 = arith.constant 0 : i32
      %swap3A_119 = arith.index_cast %swap3A_118 : i32 to index
      %swap3A_120 = arith.constant 272 : index
      %swap3A_121 = tpu.vector_load %arg9[%swap3A_119, %swap3A_120] {strides = array<i32>} : memref<2x768xf32, #tpu.memory_space<vmem>>, vector<16xf32>,
      tpu.vector_store %arg9[%swap3A_119, %swap3A_120], %broadcast_in_dim3A_50 {strides = array<i32>} : memref<2x768xf32, #tpu.memory_space<vmem>>, vector<16xf32>,
      %swap3A_122 = arith.constant 0 : i32
      %swap3A_123 = arith.index_cast %swap3A_122 : i32 to index
      %swap3A_124 = arith.constant 288 : index
      %swap3A_125 = tpu.vector_load %arg9[%swap3A_123, %swap3A_124] {strides = array<i32>} : memref<2x768xf32, #tpu.memory_space<vmem>>, vector<16xf32>,
      tpu.vector_store %arg9[%swap3A_123, %swap3A_124], %broadcast_in_dim3A_50 {strides = array<i32>} : memref<2x768xf32, #tpu.memory_space<vmem>>, vector<16xf32>,
      %swap3A_126 = arith.constant 0 : i32
      %swap3A_127 = arith.index_cast %swap3A_126 : i32 to index
      %swap3A_128 = arith.constant 304 : index
      %swap3A_129 = tpu.vector_load %arg9[%swap3A_127, %swap3A_128] {strides = array<i32>} : memref<2x768xf32, #tpu.memory_space<vmem>>, vector<16xf32>,
      tpu.vector_store %arg9[%swap3A_127, %swap3A_128], %broadcast_in_dim3A_50 {strides = array<i32>} : memref<2x768xf32, #tpu.memory_space<vmem>>, vector<16xf32>,
      %swap3A_130 = arith.constant 0 : i32
      %swap3A_131 = arith.index_cast %swap3A_130 : i32 to index
      %swap3A_132 = arith.constant 320 : index
      %swap3A_133 = tpu.vector_load %arg9[%swap3A_131, %swap3A_132] {strides = array<i32>} : memref<2x768xf32, #tpu.memory_space<vmem>>, vector<16xf32>,
      tpu.vector_store %arg9[%swap3A_131, %swap3A_132], %broadcast_in_dim3A_50 {strides = array<i32>} : memref<2x768xf32, #tpu.memory_space<vmem>>, vector<16xf32>,
      %swap3A_134 = arith.constant 0 : i32
      %swap3A_135 = arith.index_cast %swap3A_134 : i32 to index
      %swap3A_136 = arith.constant 336 : index
      %swap3A_137 = tpu.vector_load %arg9[%swap3A_135, %swap3A_136] {strides = array<i32>} : memref<2x768xf32, #tpu.memory_space<vmem>>, vector<16xf32>,
      tpu.vector_store %arg9[%swap3A_135, %swap3A_136], %broadcast_in_dim3A_50 {strides = array<i32>} : memref<2x768xf32, #tpu.memory_space<vmem>>, vector<16xf32>,
      %swap3A_138 = arith.constant 0 : i32
      %swap3A_139 = arith.index_cast %swap3A_138 : i32 to index
      %swap3A_140 = arith.constant 352 : index
      %swap3A_141 = tpu.vector_load %arg9[%swap3A_139, %swap3A_140] {strides = array<i32>} : memref<2x768xf32, #tpu.memory_space<vmem>>, vector<16xf32>,
      tpu.vector_store %arg9[%swap3A_139, %swap3A_140], %broadcast_in_dim3A_50 {strides = array<i32>} : memref<2x768xf32, #tpu.memory_space<vmem>>, vector<16xf32>,
      %swap3A_142 = arith.constant 0 : i32
      %swap3A_143 = arith.index_cast %swap3A_142 : i32 to index
      %swap3A_144 = arith.constant 368 : index
      %swap3A_145 = tpu.vector_load %arg9[%swap3A_143, %swap3A_144] {strides = array<i32>} : memref<2x768xf32, #tpu.memory_space<vmem>>, vector<16xf32>,
      tpu.vector_store %arg9[%swap3A_143, %swap3A_144], %broadcast_in_dim3A_50 {strides = array<i32>} : memref<2x768xf32, #tpu.memory_space<vmem>>, vector<16xf32>,
      %swap3A_146 = arith.constant 0 : i32
      %swap3A_147 = arith.index_cast %swap3A_146 : i32 to index
      %swap3A_148 = arith.constant 384 : index
      %swap3A_149 = tpu.vector_load %arg9[%swap3A_147, %swap3A_148] {strides = array<i32>} : memref<2x768xf32, #tpu.memory_space<vmem>>, vector<16xf32>,
      tpu.vector_store %arg9[%swap3A_147, %swap3A_148], %broadcast_in_dim3A_50 {strides = array<i32>} : memref<2x768xf32, #tpu.memory_space<vmem>>, vector<16xf32>,
      %swap3A_150 = arith.constant 0 : i32
      %swap3A_151 = arith.index_cast %swap3A_150 : i32 to index
      %swap3A_152 = arith.constant 400 : index
      %swap3A_153 = tpu.vector_load %arg9[%swap3A_151, %swap3A_152] {strides = array<i32>} : memref<2x768xf32, #tpu.memory_space<vmem>>, vector<16xf32>,
      tpu.vector_store %arg9[%swap3A_151, %swap3A_152], %broadcast_in_dim3A_50 {strides = array<i32>} : memref<2x768xf32, #tpu.memory_space<vmem>>, vector<16xf32>,
      %swap3A_154 = arith.constant 0 : i32
      %swap3A_155 = arith.index_cast %swap3A_154 : i32 to index
      %swap3A_156 = arith.constant 416 : index
      %swap3A_157 = tpu.vector_load %arg9[%swap3A_155, %swap3A_156] {strides = array<i32>} : memref<2x768xf32, #tpu.memory_space<vmem>>, vector<16xf32>,
      tpu.vector_store %arg9[%swap3A_155, %swap3A_156], %broadcast_in_dim3A_50 {strides = array<i32>} : memref<2x768xf32, #tpu.memory_space<vmem>>, vector<16xf32>,
      %swap3A_158 = arith.constant 0 : i32
      %swap3A_159 = arith.index_cast %swap3A_158 : i32 to index
      %swap3A_160 = arith.constant 432 : index
      %swap3A_161 = tpu.vector_load %arg9[%swap3A_159, %swap3A_160] {strides = array<i32>} : memref<2x768xf32, #tpu.memory_space<vmem>>, vector<16xf32>,
      tpu.vector_store %arg9[%swap3A_159, %swap3A_160], %broadcast_in_dim3A_50 {strides = array<i32>} : memref<2x768xf32, #tpu.memory_space<vmem>>, vector<16xf32>,
      %swap3A_162 = arith.constant 0 : i32
      %swap3A_163 = arith.index_cast %swap3A_162 : i32 to index
      %swap3A_164 = arith.constant 448 : index
      %swap3A_165 = tpu.vector_load %arg9[%swap3A_163, %swap3A_164] {strides = array<i32>} : memref<2x768xf32, #tpu.memory_space<vmem>>, vector<16xf32>,
      tpu.vector_store %arg9[%swap3A_163, %swap3A_164], %broadcast_in_dim3A_50 {strides = array<i32>} : memref<2x768xf32, #tpu.memory_space<vmem>>, vector<16xf32>,
      %swap3A_166 = arith.constant 0 : i32
      %swap3A_167 = arith.index_cast %swap3A_166 : i32 to index
      %swap3A_168 = arith.constant 464 : index
      %swap3A_169 = tpu.vector_load %arg9[%swap3A_167, %swap3A_168] {strides = array<i32>} : memref<2x768xf32, #tpu.memory_space<vmem>>, vector<16xf32>,
      tpu.vector_store %arg9[%swap3A_167, %swap3A_168], %broadcast_in_dim3A_50 {strides = array<i32>} : memref<2x768xf32, #tpu.memory_space<vmem>>, vector<16xf32>,
      %swap3A_170 = arith.constant 0 : i32
      %swap3A_171 = arith.index_cast %swap3A_170 : i32 to index
      %swap3A_172 = arith.constant 480 : index
      %swap3A_173 = tpu.vector_load %arg9[%swap3A_171, %swap3A_172] {strides = array<i32>} : memref<2x768xf32, #tpu.memory_space<vmem>>, vector<16xf32>,
      tpu.vector_store %arg9[%swap3A_171, %swap3A_172], %broadcast_in_dim3A_50 {strides = array<i32>} : memref<2x768xf32, #tpu.memory_space<vmem>>, vector<16xf32>,
      %swap3A_174 = arith.constant 0 : i32
      %swap3A_175 = arith.index_cast %swap3A_174 : i32 to index
      %swap3A_176 = arith.constant 496 : index
      %swap3A_177 = tpu.vector_load %arg9[%swap3A_175, %swap3A_176] {strides = array<i32>} : memref<2x768xf32, #tpu.memory_space<vmem>>, vector<16xf32>,
      tpu.vector_store %arg9[%swap3A_175, %swap3A_176], %broadcast_in_dim3A_50 {strides = array<i32>} : memref<2x768xf32, #tpu.memory_space<vmem>>, vector<16xf32>,
      %swap3A_178 = arith.constant 0 : i32
      %swap3A_179 = arith.index_cast %swap3A_178 : i32 to index
      %swap3A_180 = arith.constant 512 : index
      %swap3A_181 = tpu.vector_load %arg9[%swap3A_179, %swap3A_180] {strides = array<i32>} : memref<2x768xf32, #tpu.memory_space<vmem>>, vector<16xf32>,
      tpu.vector_store %arg9[%swap3A_179, %swap3A_180], %broadcast_in_dim3A_50 {strides = array<i32>} : memref<2x768xf32, #tpu.memory_space<vmem>>, vector<16xf32>,
      %swap3A_182 = arith.constant 0 : i32
      %swap3A_183 = arith.index_cast %swap3A_182 : i32 to index
      %swap3A_184 = arith.constant 528 : index
      %swap3A_185 = tpu.vector_load %arg9[%swap3A_183, %swap3A_184] {strides = array<i32>} : memref<2x768xf32, #tpu.memory_space<vmem>>, vector<16xf32>,
      tpu.vector_store %arg9[%swap3A_183, %swap3A_184], %broadcast_in_dim3A_50 {strides = array<i32>} : memref<2x768xf32, #tpu.memory_space<vmem>>, vector<16xf32>,
      %swap3A_186 = arith.constant 0 : i32
      %swap3A_187 = arith.index_cast %swap3A_186 : i32 to index
      %swap3A_188 = arith.constant 544 : index
      %swap3A_189 = tpu.vector_load %arg9[%swap3A_187, %swap3A_188] {strides = array<i32>} : memref<2x768xf32, #tpu.memory_space<vmem>>, vector<16xf32>,
      tpu.vector_store %arg9[%swap3A_187, %swap3A_188], %broadcast_in_dim3A_50 {strides = array<i32>} : memref<2x768xf32, #tpu.memory_space<vmem>>, vector<16xf32>,
      %swap3A_190 = arith.constant 0 : i32
      %swap3A_191 = arith.index_cast %swap3A_190 : i32 to index
      %swap3A_192 = arith.constant 560 : index
      %swap3A_193 = tpu.vector_load %arg9[%swap3A_191, %swap3A_192] {strides = array<i32>} : memref<2x768xf32, #tpu.memory_space<vmem>>, vector<16xf32>,
      tpu.vector_store %arg9[%swap3A_191, %swap3A_192], %broadcast_in_dim3A_50 {strides = array<i32>} : memref<2x768xf32, #tpu.memory_space<vmem>>, vector<16xf32>,
      %swap3A_194 = arith.constant 0 : i32
      %swap3A_195 = arith.index_cast %swap3A_194 : i32 to index
      %swap3A_196 = arith.constant 576 : index
      %swap3A_197 = tpu.vector_load %arg9[%swap3A_195, %swap3A_196] {strides = array<i32>} : memref<2x768xf32, #tpu.memory_space<vmem>>, vector<16xf32>,
      tpu.vector_store %arg9[%swap3A_195, %swap3A_196], %broadcast_in_dim3A_50 {strides = array<i32>} : memref<2x768xf32, #tpu.memory_space<vmem>>, vector<16xf32>,
      %swap3A_198 = arith.constant 0 : i32
      %swap3A_199 = arith.index_cast %swap3A_198 : i32 to index
      %swap3A_200 = arith.constant 592 : index
      %swap3A_201 = tpu.vector_load %arg9[%swap3A_199, %swap3A_200] {strides = array<i32>} : memref<2x768xf32, #tpu.memory_space<vmem>>, vector<16xf32>,
      tpu.vector_store %arg9[%swap3A_199, %swap3A_200], %broadcast_in_dim3A_50 {strides = array<i32>} : memref<2x768xf32, #tpu.memory_space<vmem>>, vector<16xf32>,
      %swap3A_202 = arith.constant 0 : i32
      %swap3A_203 = arith.index_cast %swap3A_202 : i32 to index
      %swap3A_204 = arith.constant 608 : index
      %swap3A_205 = tpu.vector_load %arg9[%swap3A_203, %swap3A_204] {strides = array<i32>} : memref<2x768xf32, #tpu.memory_space<vmem>>, vector<16xf32>,
      tpu.vector_store %arg9[%swap3A_203, %swap3A_204], %broadcast_in_dim3A_50 {strides = array<i32>} : memref<2x768xf32, #tpu.memory_space<vmem>>, vector<16xf32>,
      %swap3A_206 = arith.constant 0 : i32
      %swap3A_207 = arith.index_cast %swap3A_206 : i32 to index
      %swap3A_208 = arith.constant 624 : index
      %swap3A_209 = tpu.vector_load %arg9[%swap3A_207, %swap3A_208] {strides = array<i32>} : memref<2x768xf32, #tpu.memory_space<vmem>>, vector<16xf32>,
      tpu.vector_store %arg9[%swap3A_207, %swap3A_208], %broadcast_in_dim3A_50 {strides = array<i32>} : memref<2x768xf32, #tpu.memory_space<vmem>>, vector<16xf32>,
      %swap3A_210 = arith.constant 0 : i32
      %swap3A_211 = arith.index_cast %swap3A_210 : i32 to index
      %swap3A_212 = arith.constant 640 : index
      %swap3A_213 = tpu.vector_load %arg9[%swap3A_211, %swap3A_212] {strides = array<i32>} : memref<2x768xf32, #tpu.memory_space<vmem>>, vector<16xf32>,
      tpu.vector_store %arg9[%swap3A_211, %swap3A_212], %broadcast_in_dim3A_50 {strides = array<i32>} : memref<2x768xf32, #tpu.memory_space<vmem>>, vector<16xf32>,
      %swap3A_214 = arith.constant 0 : i32
      %swap3A_215 = arith.index_cast %swap3A_214 : i32 to index
      %swap3A_216 = arith.constant 656 : index
      %swap3A_217 = tpu.vector_load %arg9[%swap3A_215, %swap3A_216] {strides = array<i32>} : memref<2x768xf32, #tpu.memory_space<vmem>>, vector<16xf32>,
      tpu.vector_store %arg9[%swap3A_215, %swap3A_216], %broadcast_in_dim3A_50 {strides = array<i32>} : memref<2x768xf32, #tpu.memory_space<vmem>>, vector<16xf32>,
      %swap3A_218 = arith.constant 0 : i32
      %swap3A_219 = arith.index_cast %swap3A_218 : i32 to index
      %swap3A_220 = arith.constant 672 : index
      %swap3A_221 = tpu.vector_load %arg9[%swap3A_219, %swap3A_220] {strides = array<i32>} : memref<2x768xf32, #tpu.memory_space<vmem>>, vector<16xf32>,
      tpu.vector_store %arg9[%swap3A_219, %swap3A_220], %broadcast_in_dim3A_50 {strides = array<i32>} : memref<2x768xf32, #tpu.memory_space<vmem>>, vector<16xf32>,
      %swap3A_222 = arith.constant 0 : i32
      %swap3A_223 = arith.index_cast %swap3A_222 : i32 to index
      %swap3A_224 = arith.constant 688 : index
      %swap3A_225 = tpu.vector_load %arg9[%swap3A_223, %swap3A_224] {strides = array<i32>} : memref<2x768xf32, #tpu.memory_space<vmem>>, vector<16xf32>,
      tpu.vector_store %arg9[%swap3A_223, %swap3A_224], %broadcast_in_dim3A_50 {strides = array<i32>} : memref<2x768xf32, #tpu.memory_space<vmem>>, vector<16xf32>,
      %swap3A_226 = arith.constant 0 : i32
      %swap3A_227 = arith.index_cast %swap3A_226 : i32 to index
      %swap3A_228 = arith.constant 704 : index
      %swap3A_229 = tpu.vector_load %arg9[%swap3A_227, %swap3A_228] {strides = array<i32>} : memref<2x768xf32, #tpu.memory_space<vmem>>, vector<16xf32>,
      tpu.vector_store %arg9[%swap3A_227, %swap3A_228], %broadcast_in_dim3A_50 {strides = array<i32>} : memref<2x768xf32, #tpu.memory_space<vmem>>, vector<16xf32>,
      %swap3A_230 = arith.constant 0 : i32
      %swap3A_231 = arith.index_cast %swap3A_230 : i32 to index
      %swap3A_232 = arith.constant 720 : index
      %swap3A_233 = tpu.vector_load %arg9[%swap3A_231, %swap3A_232] {strides = array<i32>} : memref<2x768xf32, #tpu.memory_space<vmem>>, vector<16xf32>,
      tpu.vector_store %arg9[%swap3A_231, %swap3A_232], %broadcast_in_dim3A_50 {strides = array<i32>} : memref<2x768xf32, #tpu.memory_space<vmem>>, vector<16xf32>,
      %swap3A_234 = arith.constant 0 : i32
      %swap3A_235 = arith.index_cast %swap3A_234 : i32 to index
      %swap3A_236 = arith.constant 736 : index
      %swap3A_237 = tpu.vector_load %arg9[%swap3A_235, %swap3A_236] {strides = array<i32>} : memref<2x768xf32, #tpu.memory_space<vmem>>, vector<16xf32>,
      tpu.vector_store %arg9[%swap3A_235, %swap3A_236], %broadcast_in_dim3A_50 {strides = array<i32>} : memref<2x768xf32, #tpu.memory_space<vmem>>, vector<16xf32>,
      %swap3A_238 = arith.constant 0 : i32
      %swap3A_239 = arith.index_cast %swap3A_238 : i32 to index
      %swap3A_240 = arith.constant 752 : index
      %swap3A_241 = tpu.vector_load %arg9[%swap3A_239, %swap3A_240] {strides = array<i32>} : memref<2x768xf32, #tpu.memory_space<vmem>>, vector<16xf32>,
      tpu.vector_store %arg9[%swap3A_239, %swap3A_240], %broadcast_in_dim3A_50 {strides = array<i32>} : memref<2x768xf32, #tpu.memory_space<vmem>>, vector<16xf32>,
      %swap3A_242 = arith.constant 1 : i32
      %swap3A_243 = arith.index_cast %swap3A_242 : i32 to index
      %swap3A_244 = arith.constant 0 : index
      %swap3A_245 = tpu.vector_load %arg9[%swap3A_243, %swap3A_244] {strides = array<i32>} : memref<2x768xf32, #tpu.memory_space<vmem>>, vector<16xf32>,
      tpu.vector_store %arg9[%swap3A_243, %swap3A_244], %broadcast_in_dim3A_50 {strides = array<i32>} : memref<2x768xf32, #tpu.memory_space<vmem>>, vector<16xf32>,
      %swap3A_246 = arith.constant 1 : i32
      %swap3A_247 = arith.index_cast %swap3A_246 : i32 to index
      %swap3A_248 = arith.constant 16 : index
      %swap3A_249 = tpu.vector_load %arg9[%swap3A_247, %swap3A_248] {strides = array<i32>} : memref<2x768xf32, #tpu.memory_space<vmem>>, vector<16xf32>,
      tpu.vector_store %arg9[%swap3A_247, %swap3A_248], %broadcast_in_dim3A_50 {strides = array<i32>} : memref<2x768xf32, #tpu.memory_space<vmem>>, vector<16xf32>,
      %swap3A_250 = arith.constant 1 : i32
      %swap3A_251 = arith.index_cast %swap3A_250 : i32 to index
      %swap3A_252 = arith.constant 32 : index
      %swap3A_253 = tpu.vector_load %arg9[%swap3A_251, %swap3A_252] {strides = array<i32>} : memref<2x768xf32, #tpu.memory_space<vmem>>, vector<16xf32>,
      tpu.vector_store %arg9[%swap3A_251, %swap3A_252], %broadcast_in_dim3A_50 {strides = array<i32>} : memref<2x768xf32, #tpu.memory_space<vmem>>, vector<16xf32>,
      %swap3A_254 = arith.constant 1 : i32
      %swap3A_255 = arith.index_cast %swap3A_254 : i32 to index
      %swap3A_256 = arith.constant 48 : index
      %swap3A_257 = tpu.vector_load %arg9[%swap3A_255, %swap3A_256] {strides = array<i32>} : memref<2x768xf32, #tpu.memory_space<vmem>>, vector<16xf32>,
      tpu.vector_store %arg9[%swap3A_255, %swap3A_256], %broadcast_in_dim3A_50 {strides = array<i32>} : memref<2x768xf32, #tpu.memory_space<vmem>>, vector<16xf32>,
      %swap3A_258 = arith.constant 1 : i32
      %swap3A_259 = arith.index_cast %swap3A_258 : i32 to index
      %swap3A_260 = arith.constant 64 : index
      %swap3A_261 = tpu.vector_load %arg9[%swap3A_259, %swap3A_260] {strides = array<i32>} : memref<2x768xf32, #tpu.memory_space<vmem>>, vector<16xf32>,
      tpu.vector_store %arg9[%swap3A_259, %swap3A_260], %broadcast_in_dim3A_50 {strides = array<i32>} : memref<2x768xf32, #tpu.memory_space<vmem>>, vector<16xf32>,
      %swap3A_262 = arith.constant 1 : i32
      %swap3A_263 = arith.index_cast %swap3A_262 : i32 to index
      %swap3A_264 = arith.constant 80 : index
      %swap3A_265 = tpu.vector_load %arg9[%swap3A_263, %swap3A_264] {strides = array<i32>} : memref<2x768xf32, #tpu.memory_space<vmem>>, vector<16xf32>,
      tpu.vector_store %arg9[%swap3A_263, %swap3A_264], %broadcast_in_dim3A_50 {strides = array<i32>} : memref<2x768xf32, #tpu.memory_space<vmem>>, vector<16xf32>,
      %swap3A_266 = arith.constant 1 : i32
      %swap3A_267 = arith.index_cast %swap3A_266 : i32 to index
      %swap3A_268 = arith.constant 96 : index
      %swap3A_269 = tpu.vector_load %arg9[%swap3A_267, %swap3A_268] {strides = array<i32>} : memref<2x768xf32, #tpu.memory_space<vmem>>, vector<16xf32>,
      tpu.vector_store %arg9[%swap3A_267, %swap3A_268], %broadcast_in_dim3A_50 {strides = array<i32>} : memref<2x768xf32, #tpu.memory_space<vmem>>, vector<16xf32>,
      %swap3A_270 = arith.constant 1 : i32
      %swap3A_271 = arith.index_cast %swap3A_270 : i32 to index
      %swap3A_272 = arith.constant 112 : index
      %swap3A_273 = tpu.vector_load %arg9[%swap3A_271, %swap3A_272] {strides = array<i32>} : memref<2x768xf32, #tpu.memory_space<vmem>>, vector<16xf32>,
      tpu.vector_store %arg9[%swap3A_271, %swap3A_272], %broadcast_in_dim3A_50 {strides = array<i32>} : memref<2x768xf32, #tpu.memory_space<vmem>>, vector<16xf32>,
      %swap3A_274 = arith.constant 1 : i32
      %swap3A_275 = arith.index_cast %swap3A_274 : i32 to index
      %swap3A_276 = arith.constant 128 : index
      %swap3A_277 = tpu.vector_load %arg9[%swap3A_275, %swap3A_276] {strides = array<i32>} : memref<2x768xf32, #tpu.memory_space<vmem>>, vector<16xf32>,
      tpu.vector_store %arg9[%swap3A_275, %swap3A_276], %broadcast_in_dim3A_50 {strides = array<i32>} : memref<2x768xf32, #tpu.memory_space<vmem>>, vector<16xf32>,
      %swap3A_278 = arith.constant 1 : i32
      %swap3A_279 = arith.index_cast %swap3A_278 : i32 to index
      %swap3A_280 = arith.constant 144 : index
      %swap3A_281 = tpu.vector_load %arg9[%swap3A_279, %swap3A_280] {strides = array<i32>} : memref<2x768xf32, #tpu.memory_space<vmem>>, vector<16xf32>,
      tpu.vector_store %arg9[%swap3A_279, %swap3A_280], %broadcast_in_dim3A_50 {strides = array<i32>} : memref<2x768xf32, #tpu.memory_space<vmem>>, vector<16xf32>,
      %swap3A_282 = arith.constant 1 : i32
      %swap3A_283 = arith.index_cast %swap3A_282 : i32 to index
      %swap3A_284 = arith.constant 160 : index
      %swap3A_285 = tpu.vector_load %arg9[%swap3A_283, %swap3A_284] {strides = array<i32>} : memref<2x768xf32, #tpu.memory_space<vmem>>, vector<16xf32>,
      tpu.vector_store %arg9[%swap3A_283, %swap3A_284], %broadcast_in_dim3A_50 {strides = array<i32>} : memref<2x768xf32, #tpu.memory_space<vmem>>, vector<16xf32>,
      %swap3A_286 = arith.constant 1 : i32
      %swap3A_287 = arith.index_cast %swap3A_286 : i32 to index
      %swap3A_288 = arith.constant 176 : index
      %swap3A_289 = tpu.vector_load %arg9[%swap3A_287, %swap3A_288] {strides = array<i32>} : memref<2x768xf32, #tpu.memory_space<vmem>>, vector<16xf32>,
      tpu.vector_store %arg9[%swap3A_287, %swap3A_288], %broadcast_in_dim3A_50 {strides = array<i32>} : memref<2x768xf32, #tpu.memory_space<vmem>>, vector<16xf32>,
      %swap3A_290 = arith.constant 1 : i32
      %swap3A_291 = arith.index_cast %swap3A_290 : i32 to index
      %swap3A_292 = arith.constant 192 : index
      %swap3A_293 = tpu.vector_load %arg9[%swap3A_291, %swap3A_292] {strides = array<i32>} : memref<2x768xf32, #tpu.memory_space<vmem>>, vector<16xf32>,
      tpu.vector_store %arg9[%swap3A_291, %swap3A_292], %broadcast_in_dim3A_50 {strides = array<i32>} : memref<2x768xf32, #tpu.memory_space<vmem>>, vector<16xf32>,
      %swap3A_294 = arith.constant 1 : i32
      %swap3A_295 = arith.index_cast %swap3A_294 : i32 to index
      %swap3A_296 = arith.constant 208 : index
      %swap3A_297 = tpu.vector_load %arg9[%swap3A_295, %swap3A_296] {strides = array<i32>} : memref<2x768xf32, #tpu.memory_space<vmem>>, vector<16xf32>,
      tpu.vector_store %arg9[%swap3A_295, %swap3A_296], %broadcast_in_dim3A_50 {strides = array<i32>} : memref<2x768xf32, #tpu.memory_space<vmem>>, vector<16xf32>,
      %swap3A_298 = arith.constant 1 : i32
      %swap3A_299 = arith.index_cast %swap3A_298 : i32 to index
      %swap3A_300 = arith.constant 224 : index
      %swap3A_301 = tpu.vector_load %arg9[%swap3A_299, %swap3A_300] {strides = array<i32>} : memref<2x768xf32, #tpu.memory_space<vmem>>, vector<16xf32>,
      tpu.vector_store %arg9[%swap3A_299, %swap3A_300], %broadcast_in_dim3A_50 {strides = array<i32>} : memref<2x768xf32, #tpu.memory_space<vmem>>, vector<16xf32>,
      %swap3A_302 = arith.constant 1 : i32
      %swap3A_303 = arith.index_cast %swap3A_302 : i32 to index
      %swap3A_304 = arith.constant 240 : index
      %swap3A_305 = tpu.vector_load %arg9[%swap3A_303, %swap3A_304] {strides = array<i32>} : memref<2x768xf32, #tpu.memory_space<vmem>>, vector<16xf32>,
      tpu.vector_store %arg9[%swap3A_303, %swap3A_304], %broadcast_in_dim3A_50 {strides = array<i32>} : memref<2x768xf32, #tpu.memory_space<vmem>>, vector<16xf32>,
      %swap3A_306 = arith.constant 1 : i32
      %swap3A_307 = arith.index_cast %swap3A_306 : i32 to index
      %swap3A_308 = arith.constant 256 : index
      %swap3A_309 = tpu.vector_load %arg9[%swap3A_307, %swap3A_308] {strides = array<i32>} : memref<2x768xf32, #tpu.memory_space<vmem>>, vector<16xf32>,
      tpu.vector_store %arg9[%swap3A_307, %swap3A_308], %broadcast_in_dim3A_50 {strides = array<i32>} : memref<2x768xf32, #tpu.memory_space<vmem>>, vector<16xf32>,
      %swap3A_310 = arith.constant 1 : i32
      %swap3A_311 = arith.index_cast %swap3A_310 : i32 to index
      %swap3A_312 = arith.constant 272 : index
      %swap3A_313 = tpu.vector_load %arg9[%swap3A_311, %swap3A_312] {strides = array<i32>} : memref<2x768xf32, #tpu.memory_space<vmem>>, vector<16xf32>,
      tpu.vector_store %arg9[%swap3A_311, %swap3A_312], %broadcast_in_dim3A_50 {strides = array<i32>} : memref<2x768xf32, #tpu.memory_space<vmem>>, vector<16xf32>,
      %swap3A_314 = arith.constant 1 : i32
      %swap3A_315 = arith.index_cast %swap3A_314 : i32 to index
      %swap3A_316 = arith.constant 288 : index
      %swap3A_317 = tpu.vector_load %arg9[%swap3A_315, %swap3A_316] {strides = array<i32>} : memref<2x768xf32, #tpu.memory_space<vmem>>, vector<16xf32>,
      tpu.vector_store %arg9[%swap3A_315, %swap3A_316], %broadcast_in_dim3A_50 {strides = array<i32>} : memref<2x768xf32, #tpu.memory_space<vmem>>, vector<16xf32>,
      %swap3A_318 = arith.constant 1 : i32
      %swap3A_319 = arith.index_cast %swap3A_318 : i32 to index
      %swap3A_320 = arith.constant 304 : index
      %swap3A_321 = tpu.vector_load %arg9[%swap3A_319, %swap3A_320] {strides = array<i32>} : memref<2x768xf32, #tpu.memory_space<vmem>>, vector<16xf32>,
      tpu.vector_store %arg9[%swap3A_319, %swap3A_320], %broadcast_in_dim3A_50 {strides = array<i32>} : memref<2x768xf32, #tpu.memory_space<vmem>>, vector<16xf32>,
      %swap3A_322 = arith.constant 1 : i32
      %swap3A_323 = arith.index_cast %swap3A_322 : i32 to index
      %swap3A_324 = arith.constant 320 : index
      %swap3A_325 = tpu.vector_load %arg9[%swap3A_323, %swap3A_324] {strides = array<i32>} : memref<2x768xf32, #tpu.memory_space<vmem>>, vector<16xf32>,
      tpu.vector_store %arg9[%swap3A_323, %swap3A_324], %broadcast_in_dim3A_50 {strides = array<i32>} : memref<2x768xf32, #tpu.memory_space<vmem>>, vector<16xf32>,
      %swap3A_326 = arith.constant 1 : i32
      %swap3A_327 = arith.index_cast %swap3A_326 : i32 to index
      %swap3A_328 = arith.constant 336 : index
      %swap3A_329 = tpu.vector_load %arg9[%swap3A_327, %swap3A_328] {strides = array<i32>} : memref<2x768xf32, #tpu.memory_space<vmem>>, vector<16xf32>,
      tpu.vector_store %arg9[%swap3A_327, %swap3A_328], %broadcast_in_dim3A_50 {strides = array<i32>} : memref<2x768xf32, #tpu.memory_space<vmem>>, vector<16xf32>,
      %swap3A_330 = arith.constant 1 : i32
      %swap3A_331 = arith.index_cast %swap3A_330 : i32 to index
      %swap3A_332 = arith.constant 352 : index
      %swap3A_333 = tpu.vector_load %arg9[%swap3A_331, %swap3A_332] {strides = array<i32>} : memref<2x768xf32, #tpu.memory_space<vmem>>, vector<16xf32>,
      tpu.vector_store %arg9[%swap3A_331, %swap3A_332], %broadcast_in_dim3A_50 {strides = array<i32>} : memref<2x768xf32, #tpu.memory_space<vmem>>, vector<16xf32>,
      %swap3A_334 = arith.constant 1 : i32
      %swap3A_335 = arith.index_cast %swap3A_334 : i32 to index
      %swap3A_336 = arith.constant 368 : index
      %swap3A_337 = tpu.vector_load %arg9[%swap3A_335, %swap3A_336] {strides = array<i32>} : memref<2x768xf32, #tpu.memory_space<vmem>>, vector<16xf32>,
      tpu.vector_store %arg9[%swap3A_335, %swap3A_336], %broadcast_in_dim3A_50 {strides = array<i32>} : memref<2x768xf32, #tpu.memory_space<vmem>>, vector<16xf32>,
      %swap3A_338 = arith.constant 1 : i32
      %swap3A_339 = arith.index_cast %swap3A_338 : i32 to index
      %swap3A_340 = arith.constant 384 : index
      %swap3A_341 = tpu.vector_load %arg9[%swap3A_339, %swap3A_340] {strides = array<i32>} : memref<2x768xf32, #tpu.memory_space<vmem>>, vector<16xf32>,
      tpu.vector_store %arg9[%swap3A_339, %swap3A_340], %broadcast_in_dim3A_50 {strides = array<i32>} : memref<2x768xf32, #tpu.memory_space<vmem>>, vector<16xf32>,
      %swap3A_342 = arith.constant 1 : i32
      %swap3A_343 = arith.index_cast %swap3A_342 : i32 to index
      %swap3A_344 = arith.constant 400 : index
      %swap3A_345 = tpu.vector_load %arg9[%swap3A_343, %swap3A_344] {strides = array<i32>} : memref<2x768xf32, #tpu.memory_space<vmem>>, vector<16xf32>,
      tpu.vector_store %arg9[%swap3A_343, %swap3A_344], %broadcast_in_dim3A_50 {strides = array<i32>} : memref<2x768xf32, #tpu.memory_space<vmem>>, vector<16xf32>,
      %swap3A_346 = arith.constant 1 : i32
      %swap3A_347 = arith.index_cast %swap3A_346 : i32 to index
      %swap3A_348 = arith.constant 416 : index
      %swap3A_349 = tpu.vector_load %arg9[%swap3A_347, %swap3A_348] {strides = array<i32>} : memref<2x768xf32, #tpu.memory_space<vmem>>, vector<16xf32>,
      tpu.vector_store %arg9[%swap3A_347, %swap3A_348], %broadcast_in_dim3A_50 {strides = array<i32>} : memref<2x768xf32, #tpu.memory_space<vmem>>, vector<16xf32>,
      %swap3A_350 = arith.constant 1 : i32
      %swap3A_351 = arith.index_cast %swap3A_350 : i32 to index
      %swap3A_352 = arith.constant 432 : index
      %swap3A_353 = tpu.vector_load %arg9[%swap3A_351, %swap3A_352] {strides = array<i32>} : memref<2x768xf32, #tpu.memory_space<vmem>>, vector<16xf32>,
      tpu.vector_store %arg9[%swap3A_351, %swap3A_352], %broadcast_in_dim3A_50 {strides = array<i32>} : memref<2x768xf32, #tpu.memory_space<vmem>>, vector<16xf32>,
      %swap3A_354 = arith.constant 1 : i32
      %swap3A_355 = arith.index_cast %swap3A_354 : i32 to index
      %swap3A_356 = arith.constant 448 : index
      %swap3A_357 = tpu.vector_load %arg9[%swap3A_355, %swap3A_356] {strides = array<i32>} : memref<2x768xf32, #tpu.memory_space<vmem>>, vector<16xf32>,
      tpu.vector_store %arg9[%swap3A_355, %swap3A_356], %broadcast_in_dim3A_50 {strides = array<i32>} : memref<2x768xf32, #tpu.memory_space<vmem>>, vector<16xf32>,
      %swap3A_358 = arith.constant 1 : i32
      %swap3A_359 = arith.index_cast %swap3A_358 : i32 to index
      %swap3A_360 = arith.constant 464 : index
      %swap3A_361 = tpu.vector_load %arg9[%swap3A_359, %swap3A_360] {strides = array<i32>} : memref<2x768xf32, #tpu.memory_space<vmem>>, vector<16xf32>,
      tpu.vector_store %arg9[%swap3A_359, %swap3A_360], %broadcast_in_dim3A_50 {strides = array<i32>} : memref<2x768xf32, #tpu.memory_space<vmem>>, vector<16xf32>,
      %swap3A_362 = arith.constant 1 : i32
      %swap3A_363 = arith.index_cast %swap3A_362 : i32 to index
      %swap3A_364 = arith.constant 480 : index
      %swap3A_365 = tpu.vector_load %arg9[%swap3A_363, %swap3A_364] {strides = array<i32>} : memref<2x768xf32, #tpu.memory_space<vmem>>, vector<16xf32>,
      tpu.vector_store %arg9[%swap3A_363, %swap3A_364], %broadcast_in_dim3A_50 {strides = array<i32>} : memref<2x768xf32, #tpu.memory_space<vmem>>, vector<16xf32>,
      %swap3A_366 = arith.constant 1 : i32
      %swap3A_367 = arith.index_cast %swap3A_366 : i32 to index
      %swap3A_368 = arith.constant 496 : index
      %swap3A_369 = tpu.vector_load %arg9[%swap3A_367, %swap3A_368] {strides = array<i32>} : memref<2x768xf32, #tpu.memory_space<vmem>>, vector<16xf32>,
      tpu.vector_store %arg9[%swap3A_367, %swap3A_368], %broadcast_in_dim3A_50 {strides = array<i32>} : memref<2x768xf32, #tpu.memory_space<vmem>>, vector<16xf32>,
      %swap3A_370 = arith.constant 1 : i32
      %swap3A_371 = arith.index_cast %swap3A_370 : i32 to index
      %swap3A_372 = arith.constant 512 : index
      %swap3A_373 = tpu.vector_load %arg9[%swap3A_371, %swap3A_372] {strides = array<i32>} : memref<2x768xf32, #tpu.memory_space<vmem>>, vector<16xf32>,
      tpu.vector_store %arg9[%swap3A_371, %swap3A_372], %broadcast_in_dim3A_50 {strides = array<i32>} : memref<2x768xf32, #tpu.memory_space<vmem>>, vector<16xf32>,
      %swap3A_374 = arith.constant 1 : i32
      %swap3A_375 = arith.index_cast %swap3A_374 : i32 to index
      %swap3A_376 = arith.constant 528 : index
      %swap3A_377 = tpu.vector_load %arg9[%swap3A_375, %swap3A_376] {strides = array<i32>} : memref<2x768xf32, #tpu.memory_space<vmem>>, vector<16xf32>,
      tpu.vector_store %arg9[%swap3A_375, %swap3A_376], %broadcast_in_dim3A_50 {strides = array<i32>} : memref<2x768xf32, #tpu.memory_space<vmem>>, vector<16xf32>,
      %swap3A_378 = arith.constant 1 : i32
      %swap3A_379 = arith.index_cast %swap3A_378 : i32 to index
      %swap3A_380 = arith.constant 544 : index
      %swap3A_381 = tpu.vector_load %arg9[%swap3A_379, %swap3A_380] {strides = array<i32>} : memref<2x768xf32, #tpu.memory_space<vmem>>, vector<16xf32>,
      tpu.vector_store %arg9[%swap3A_379, %swap3A_380], %broadcast_in_dim3A_50 {strides = array<i32>} : memref<2x768xf32, #tpu.memory_space<vmem>>, vector<16xf32>,
      %swap3A_382 = arith.constant 1 : i32
      %swap3A_383 = arith.index_cast %swap3A_382 : i32 to index
      %swap3A_384 = arith.constant 560 : index
      %swap3A_385 = tpu.vector_load %arg9[%swap3A_383, %swap3A_384] {strides = array<i32>} : memref<2x768xf32, #tpu.memory_space<vmem>>, vector<16xf32>,
      tpu.vector_store %arg9[%swap3A_383, %swap3A_384], %broadcast_in_dim3A_50 {strides = array<i32>} : memref<2x768xf32, #tpu.memory_space<vmem>>, vector<16xf32>,
      %swap3A_386 = arith.constant 1 : i32
      %swap3A_387 = arith.index_cast %swap3A_386 : i32 to index
      %swap3A_388 = arith.constant 576 : index
      %swap3A_389 = tpu.vector_load %arg9[%swap3A_387, %swap3A_388] {strides = array<i32>} : memref<2x768xf32, #tpu.memory_space<vmem>>, vector<16xf32>,
      tpu.vector_store %arg9[%swap3A_387, %swap3A_388], %broadcast_in_dim3A_50 {strides = array<i32>} : memref<2x768xf32, #tpu.memory_space<vmem>>, vector<16xf32>,
      %swap3A_390 = arith.constant 1 : i32
      %swap3A_391 = arith.index_cast %swap3A_390 : i32 to index
      %swap3A_392 = arith.constant 592 : index
      %swap3A_393 = tpu.vector_load %arg9[%swap3A_391, %swap3A_392] {strides = array<i32>} : memref<2x768xf32, #tpu.memory_space<vmem>>, vector<16xf32>,
      tpu.vector_store %arg9[%swap3A_391, %swap3A_392], %broadcast_in_dim3A_50 {strides = array<i32>} : memref<2x768xf32, #tpu.memory_space<vmem>>, vector<16xf32>,
      %swap3A_394 = arith.constant 1 : i32
      %swap3A_395 = arith.index_cast %swap3A_394 : i32 to index
      %swap3A_396 = arith.constant 608 : index
      %swap3A_397 = tpu.vector_load %arg9[%swap3A_395, %swap3A_396] {strides = array<i32>} : memref<2x768xf32, #tpu.memory_space<vmem>>, vector<16xf32>,
      tpu.vector_store %arg9[%swap3A_395, %swap3A_396], %broadcast_in_dim3A_50 {strides = array<i32>} : memref<2x768xf32, #tpu.memory_space<vmem>>, vector<16xf32>,
      %swap3A_398 = arith.constant 1 : i32
      %swap3A_399 = arith.index_cast %swap3A_398 : i32 to index
      %swap3A_400 = arith.constant 624 : index
      %swap3A_401 = tpu.vector_load %arg9[%swap3A_399, %swap3A_400] {strides = array<i32>} : memref<2x768xf32, #tpu.memory_space<vmem>>, vector<16xf32>,
      tpu.vector_store %arg9[%swap3A_399, %swap3A_400], %broadcast_in_dim3A_50 {strides = array<i32>} : memref<2x768xf32, #tpu.memory_space<vmem>>, vector<16xf32>,
      %swap3A_402 = arith.constant 1 : i32
      %swap3A_403 = arith.index_cast %swap3A_402 : i32 to index
      %swap3A_404 = arith.constant 640 : index
      %swap3A_405 = tpu.vector_load %arg9[%swap3A_403, %swap3A_404] {strides = array<i32>} : memref<2x768xf32, #tpu.memory_space<vmem>>, vector<16xf32>,
      tpu.vector_store %arg9[%swap3A_403, %swap3A_404], %broadcast_in_dim3A_50 {strides = array<i32>} : memref<2x768xf32, #tpu.memory_space<vmem>>, vector<16xf32>,
      %swap3A_406 = arith.constant 1 : i32
      %swap3A_407 = arith.index_cast %swap3A_406 : i32 to index
      %swap3A_408 = arith.constant 656 : index
      %swap3A_409 = tpu.vector_load %arg9[%swap3A_407, %swap3A_408] {strides = array<i32>} : memref<2x768xf32, #tpu.memory_space<vmem>>, vector<16xf32>,
      tpu.vector_store %arg9[%swap3A_407, %swap3A_408], %broadcast_in_dim3A_50 {strides = array<i32>} : memref<2x768xf32, #tpu.memory_space<vmem>>, vector<16xf32>,
      %swap3A_410 = arith.constant 1 : i32
      %swap3A_411 = arith.index_cast %swap3A_410 : i32 to index
      %swap3A_412 = arith.constant 672 : index
      %swap3A_413 = tpu.vector_load %arg9[%swap3A_411, %swap3A_412] {strides = array<i32>} : memref<2x768xf32, #tpu.memory_space<vmem>>, vector<16xf32>,
      tpu.vector_store %arg9[%swap3A_411, %swap3A_412], %broadcast_in_dim3A_50 {strides = array<i32>} : memref<2x768xf32, #tpu.memory_space<vmem>>, vector<16xf32>,
      %swap3A_414 = arith.constant 1 : i32
      %swap3A_415 = arith.index_cast %swap3A_414 : i32 to index
      %swap3A_416 = arith.constant 688 : index
      %swap3A_417 = tpu.vector_load %arg9[%swap3A_415, %swap3A_416] {strides = array<i32>} : memref<2x768xf32, #tpu.memory_space<vmem>>, vector<16xf32>,
      tpu.vector_store %arg9[%swap3A_415, %swap3A_416], %broadcast_in_dim3A_50 {strides = array<i32>} : memref<2x768xf32, #tpu.memory_space<vmem>>, vector<16xf32>,
      %swap3A_418 = arith.constant 1 : i32
      %swap3A_419 = arith.index_cast %swap3A_418 : i32 to index
      %swap3A_420 = arith.constant 704 : index
      %swap3A_421 = tpu.vector_load %arg9[%swap3A_419, %swap3A_420] {strides = array<i32>} : memref<2x768xf32, #tpu.memory_space<vmem>>, vector<16xf32>,
      tpu.vector_store %arg9[%swap3A_419, %swap3A_420], %broadcast_in_dim3A_50 {strides = array<i32>} : memref<2x768xf32, #tpu.memory_space<vmem>>, vector<16xf32>,
      %swap3A_422 = arith.constant 1 : i32
      %swap3A_423 = arith.index_cast %swap3A_422 : i32 to index
      %swap3A_424 = arith.constant 720 : index
      %swap3A_425 = tpu.vector_load %arg9[%swap3A_423, %swap3A_424] {strides = array<i32>} : memref<2x768xf32, #tpu.memory_space<vmem>>, vector<16xf32>,
      tpu.vector_store %arg9[%swap3A_423, %swap3A_424], %broadcast_in_dim3A_50 {strides = array<i32>} : memref<2x768xf32, #tpu.memory_space<vmem>>, vector<16xf32>,
      %swap3A_426 = arith.constant 1 : i32
      %swap3A_427 = arith.index_cast %swap3A_426 : i32 to index
      %swap3A_428 = arith.constant 736 : index
      %swap3A_429 = tpu.vector_load %arg9[%swap3A_427, %swap3A_428] {strides = array<i32>} : memref<2x768xf32, #tpu.memory_space<vmem>>, vector<16xf32>,
      tpu.vector_store %arg9[%swap3A_427, %swap3A_428], %broadcast_in_dim3A_50 {strides = array<i32>} : memref<2x768xf32, #tpu.memory_space<vmem>>, vector<16xf32>,
      %swap3A_430 = arith.constant 1 : i32
      %swap3A_431 = arith.index_cast %swap3A_430 : i32 to index
      %swap3A_432 = arith.constant 752 : index
      %swap3A_433 = tpu.vector_load %arg9[%swap3A_431, %swap3A_432] {strides = array<i32>} : memref<2x768xf32, #tpu.memory_space<vmem>>, vector<16xf32>,
      tpu.vector_store %arg9[%swap3A_431, %swap3A_432], %broadcast_in_dim3A_50 {strides = array<i32>} : memref<2x768xf32, #tpu.memory_space<vmem>>, vector<16xf32>,
      %broadcast_in_dim3A_434 = arith.constant 0.000000e+00 : f32
      %broadcast_in_dim3A_435 = vector.broadcast %broadcast_in_dim3A_434 : f32 to vector<16xf32>
      %broadcast_in_dim3A_436 = arith.constant 0.000000e+00 : f32
      %broadcast_in_dim3A_437 = vector.broadcast %broadcast_in_dim3A_436 : f32 to vector<16xf32>
      %broadcast_in_dim3A_438 = arith.constant 0.000000e+00 : f32
      %broadcast_in_dim3A_439 = vector.broadcast %broadcast_in_dim3A_438 : f32 to vector<16xf32>
      %broadcast_in_dim3A_440 = arith.constant 0.000000e+00 : f32
      %broadcast_in_dim3A_441 = vector.broadcast %broadcast_in_dim3A_440 : f32 to vector<16xf32>
      %broadcast_in_dim3A_442 = arith.constant 0.000000e+00 : f32
      %broadcast_in_dim3A_443 = vector.broadcast %broadcast_in_dim3A_442 : f32 to vector<16xf32>
      %broadcast_in_dim3A_444 = arith.constant 0.000000e+00 : f32
      %broadcast_in_dim3A_445 = vector.broadcast %broadcast_in_dim3A_444 : f32 to vector<16xf32>
      %broadcast_in_dim3A_446 = arith.constant 0.000000e+00 : f32
      %broadcast_in_dim3A_447 = vector.broadcast %broadcast_in_dim3A_446 : f32 to vector<16xf32>
      %broadcast_in_dim3A_448 = arith.constant 0.000000e+00 : f32
      %broadcast_in_dim3A_449 = vector.broadcast %broadcast_in_dim3A_448 : f32 to vector<16xf32>
      %scan3A = arith.constant 0 : i32
      %scan3A_450 = arith.constant 16 : i32
      %scan3A_451 = arith.addi %scan3A, %scan3A_450 : i32
      %scan3A_452 = arith.constant 1 : i32
      %scan3A_453:16 = scf.for %scan3A_1428 = %scan3A to %scan3A_451 step %scan3A_452 iter_args(%scan3A_1429 = %broadcast_in_dim3A_435, %scan3A_1430 = %broadcast_in_dim3A_437, %scan3A_1431 = %broadcast_in_dim3A_439, %scan3A_1432 = %broadcast_in_dim3A_441, %scan3A_1433 = %broadcast_in_dim3A_443, %scan3A_1434 = %broadcast_in_dim3A_445, %scan3A_1435 = %broadcast_in_dim3A_447, %scan3A_1436 = %broadcast_in_dim3A_449, %scan3A_1437 = %broadcast_in_dim3A_435, %scan3A_1438 = %broadcast_in_dim3A_437, %scan3A_1439 = %broadcast_in_dim3A_439, %scan3A_1440 = %broadcast_in_dim3A_441, %scan3A_1441 = %broadcast_in_dim3A_443, %scan3A_1442 = %broadcast_in_dim3A_445, %scan3A_1443 = %broadcast_in_dim3A_447, %scan3A_1444 = %broadcast_in_dim3A_449) -> (vector<16xf32>, vector<16xf32>, vector<16xf32>, vector<16xf32>, vector<16xf32>, vector<16xf32>, vector<16xf32>, vector<16xf32>, vector<16xf32>, vector<16xf32>, vector<16xf32>, vector<16xf32>, vector<16xf32>, vector<16xf32>, vector<16xf32>, vector<16xf32>)  : i32 {
        %broadcast_in_dim3A_1445 = vector.broadcast %scan3A_1428 : i32 to vector<16xi32>
        %gather3A = tpu.vector_load_idx %arg7[%broadcast_in_dim3A_1445] : memref<16xf32, #tpu.memory_space<vmem>>[vector<16xi32>], vector<16xf32>,
        %get3A_1446 = arith.index_cast %scan3A_1428 : i32 to index
        %get3A_1447 = arith.constant 0 : index
        %get3A_1448 = tpu.vector_load %arg8[%get3A_1446, %get3A_1447] {strides = array<i32>} : memref<16x768xf32, #tpu.memory_space<vmem>>, vector<16xf32>,
        %mul3A_1449 = arith.mulf %gather3A, %get3A_1448 : vector<16xf32>
        %add3A_1450 = arith.addf %scan3A_1429, %mul3A_1449 : vector<16xf32>
        %add3A_1451 = arith.addf %scan3A_1437, %get3A_1448 : vector<16xf32>
        %get3A_1452 = arith.index_cast %scan3A_1428 : i32 to index
        %get3A_1453 = arith.constant 16 : index
        %get3A_1454 = tpu.vector_load %arg8[%get3A_1452, %get3A_1453] {strides = array<i32>} : memref<16x768xf32, #tpu.memory_space<vmem>>, vector<16xf32>,
        %mul3A_1455 = arith.mulf %gather3A, %get3A_1454 : vector<16xf32>
        %add3A_1456 = arith.addf %scan3A_1430, %mul3A_1455 : vector<16xf32>
        %add3A_1457 = arith.addf %scan3A_1438, %get3A_1454 : vector<16xf32>
        %get3A_1458 = arith.index_cast %scan3A_1428 : i32 to index
        %get3A_1459 = arith.constant 32 : index
        %get3A_1460 = tpu.vector_load %arg8[%get3A_1458, %get3A_1459] {strides = array<i32>} : memref<16x768xf32, #tpu.memory_space<vmem>>, vector<16xf32>,
        %mul3A_1461 = arith.mulf %gather3A, %get3A_1460 : vector<16xf32>
        %add3A_1462 = arith.addf %scan3A_1431, %mul3A_1461 : vector<16xf32>
        %add3A_1463 = arith.addf %scan3A_1439, %get3A_1460 : vector<16xf32>
        %get3A_1464 = arith.index_cast %scan3A_1428 : i32 to index
        %get3A_1465 = arith.constant 48 : index
        %get3A_1466 = tpu.vector_load %arg8[%get3A_1464, %get3A_1465] {strides = array<i32>} : memref<16x768xf32, #tpu.memory_space<vmem>>, vector<16xf32>,
        %mul3A_1467 = arith.mulf %gather3A, %get3A_1466 : vector<16xf32>
        %add3A_1468 = arith.addf %scan3A_1432, %mul3A_1467 : vector<16xf32>
        %add3A_1469 = arith.addf %scan3A_1440, %get3A_1466 : vector<16xf32>
        %get3A_1470 = arith.index_cast %scan3A_1428 : i32 to index
        %get3A_1471 = arith.constant 64 : index
        %get3A_1472 = tpu.vector_load %arg8[%get3A_1470, %get3A_1471] {strides = array<i32>} : memref<16x768xf32, #tpu.memory_space<vmem>>, vector<16xf32>,
        %mul3A_1473 = arith.mulf %gather3A, %get3A_1472 : vector<16xf32>
        %add3A_1474 = arith.addf %scan3A_1433, %mul3A_1473 : vector<16xf32>
        %add3A_1475 = arith.addf %scan3A_1441, %get3A_1472 : vector<16xf32>
        %get3A_1476 = arith.index_cast %scan3A_1428 : i32 to index
        %get3A_1477 = arith.constant 80 : index
        %get3A_1478 = tpu.vector_load %arg8[%get3A_1476, %get3A_1477] {strides = array<i32>} : memref<16x768xf32, #tpu.memory_space<vmem>>, vector<16xf32>,
        %mul3A_1479 = arith.mulf %gather3A, %get3A_1478 : vector<16xf32>
        %add3A_1480 = arith.addf %scan3A_1434, %mul3A_1479 : vector<16xf32>
        %add3A_1481 = arith.addf %scan3A_1442, %get3A_1478 : vector<16xf32>
        %get3A_1482 = arith.index_cast %scan3A_1428 : i32 to index
        %get3A_1483 = arith.constant 96 : index
        %get3A_1484 = tpu.vector_load %arg8[%get3A_1482, %get3A_1483] {strides = array<i32>} : memref<16x768xf32, #tpu.memory_space<vmem>>, vector<16xf32>,
        %mul3A_1485 = arith.mulf %gather3A, %get3A_1484 : vector<16xf32>
        %add3A_1486 = arith.addf %scan3A_1435, %mul3A_1485 : vector<16xf32>
        %add3A_1487 = arith.addf %scan3A_1443, %get3A_1484 : vector<16xf32>
        %get3A_1488 = arith.index_cast %scan3A_1428 : i32 to index
        %get3A_1489 = arith.constant 112 : index
        %get3A_1490 = tpu.vector_load %arg8[%get3A_1488, %get3A_1489] {strides = array<i32>} : memref<16x768xf32, #tpu.memory_space<vmem>>, vector<16xf32>,
        %mul3A_1491 = arith.mulf %gather3A, %get3A_1490 : vector<16xf32>
        %add3A_1492 = arith.addf %scan3A_1436, %mul3A_1491 : vector<16xf32>
        %add3A_1493 = arith.addf %scan3A_1444, %get3A_1490 : vector<16xf32>
        scf.yield %add3A_1450, %add3A_1456, %add3A_1462, %add3A_1468, %add3A_1474, %add3A_1480, %add3A_1486, %add3A_1492, %add3A_1451, %add3A_1457, %add3A_1463, %add3A_1469, %add3A_1475, %add3A_1481, %add3A_1487, %add3A_1493 : vector<16xf32>, vector<16xf32>, vector<16xf32>, vector<16xf32>, vector<16xf32>, vector<16xf32>, vector<16xf32>, vector<16xf32>, vector<16xf32>, vector<16xf32>, vector<16xf32>, vector<16xf32>, vector<16xf32>, vector<16xf32>, vector<16xf32>, vector<16xf32>
      }
      %scan3A_454 = arith.constant 16 : i32
      %get3A = arith.constant 0 : i32
      %get3A_455 = arith.index_cast %get3A : i32 to index
      %get3A_456 = arith.constant 0 : index
      %get3A_457 = tpu.vector_load %arg9[%get3A_455, %get3A_456] {strides = array<i32>} : memref<2x768xf32, #tpu.memory_space<vmem>>, vector<16xf32>,
      %add3A_458 = arith.addf %get3A_457, %scan3A_453#0 : vector<16xf32>
      %swap3A_459 = arith.constant 0 : i32
      %swap3A_460 = arith.index_cast %swap3A_459 : i32 to index
      %swap3A_461 = arith.constant 0 : index
      %swap3A_462 = tpu.vector_load %arg9[%swap3A_460, %swap3A_461] {strides = array<i32>} : memref<2x768xf32, #tpu.memory_space<vmem>>, vector<16xf32>,
      tpu.vector_store %arg9[%swap3A_460, %swap3A_461], %add3A_458 {strides = array<i32>} : memref<2x768xf32, #tpu.memory_space<vmem>>, vector<16xf32>,
      %get3A_463 = arith.constant 0 : i32
      %get3A_464 = arith.index_cast %get3A_463 : i32 to index
      %get3A_465 = arith.constant 16 : index
      %get3A_466 = tpu.vector_load %arg9[%get3A_464, %get3A_465] {strides = array<i32>} : memref<2x768xf32, #tpu.memory_space<vmem>>, vector<16xf32>,
      %add3A_467 = arith.addf %get3A_466, %scan3A_453#1 : vector<16xf32>
      %swap3A_468 = arith.constant 0 : i32
      %swap3A_469 = arith.index_cast %swap3A_468 : i32 to index
      %swap3A_470 = arith.constant 16 : index
      %swap3A_471 = tpu.vector_load %arg9[%swap3A_469, %swap3A_470] {strides = array<i32>} : memref<2x768xf32, #tpu.memory_space<vmem>>, vector<16xf32>,
      tpu.vector_store %arg9[%swap3A_469, %swap3A_470], %add3A_467 {strides = array<i32>} : memref<2x768xf32, #tpu.memory_space<vmem>>, vector<16xf32>,
      %get3A_472 = arith.constant 0 : i32
      %get3A_473 = arith.index_cast %get3A_472 : i32 to index
      %get3A_474 = arith.constant 32 : index
      %get3A_475 = tpu.vector_load %arg9[%get3A_473, %get3A_474] {strides = array<i32>} : memref<2x768xf32, #tpu.memory_space<vmem>>, vector<16xf32>,
      %add3A_476 = arith.addf %get3A_475, %scan3A_453#2 : vector<16xf32>
      %swap3A_477 = arith.constant 0 : i32
      %swap3A_478 = arith.index_cast %swap3A_477 : i32 to index
      %swap3A_479 = arith.constant 32 : index
      %swap3A_480 = tpu.vector_load %arg9[%swap3A_478, %swap3A_479] {strides = array<i32>} : memref<2x768xf32, #tpu.memory_space<vmem>>, vector<16xf32>,
      tpu.vector_store %arg9[%swap3A_478, %swap3A_479], %add3A_476 {strides = array<i32>} : memref<2x768xf32, #tpu.memory_space<vmem>>, vector<16xf32>,
      %get3A_481 = arith.constant 0 : i32
      %get3A_482 = arith.index_cast %get3A_481 : i32 to index
      %get3A_483 = arith.constant 48 : index
      %get3A_484 = tpu.vector_load %arg9[%get3A_482, %get3A_483] {strides = array<i32>} : memref<2x768xf32, #tpu.memory_space<vmem>>, vector<16xf32>,
      %add3A_485 = arith.addf %get3A_484, %scan3A_453#3 : vector<16xf32>
      %swap3A_486 = arith.constant 0 : i32
      %swap3A_487 = arith.index_cast %swap3A_486 : i32 to index
      %swap3A_488 = arith.constant 48 : index
      %swap3A_489 = tpu.vector_load %arg9[%swap3A_487, %swap3A_488] {strides = array<i32>} : memref<2x768xf32, #tpu.memory_space<vmem>>, vector<16xf32>,
      tpu.vector_store %arg9[%swap3A_487, %swap3A_488], %add3A_485 {strides = array<i32>} : memref<2x768xf32, #tpu.memory_space<vmem>>, vector<16xf32>,
      %get3A_490 = arith.constant 0 : i32
      %get3A_491 = arith.index_cast %get3A_490 : i32 to index
      %get3A_492 = arith.constant 64 : index
      %get3A_493 = tpu.vector_load %arg9[%get3A_491, %get3A_492] {strides = array<i32>} : memref<2x768xf32, #tpu.memory_space<vmem>>, vector<16xf32>,
      %add3A_494 = arith.addf %get3A_493, %scan3A_453#4 : vector<16xf32>
      %swap3A_495 = arith.constant 0 : i32
      %swap3A_496 = arith.index_cast %swap3A_495 : i32 to index
      %swap3A_497 = arith.constant 64 : index
      %swap3A_498 = tpu.vector_load %arg9[%swap3A_496, %swap3A_497] {strides = array<i32>} : memref<2x768xf32, #tpu.memory_space<vmem>>, vector<16xf32>,
      tpu.vector_store %arg9[%swap3A_496, %swap3A_497], %add3A_494 {strides = array<i32>} : memref<2x768xf32, #tpu.memory_space<vmem>>, vector<16xf32>,
      %get3A_499 = arith.constant 0 : i32
      %get3A_500 = arith.index_cast %get3A_499 : i32 to index
      %get3A_501 = arith.constant 80 : index
      %get3A_502 = tpu.vector_load %arg9[%get3A_500, %get3A_501] {strides = array<i32>} : memref<2x768xf32, #tpu.memory_space<vmem>>, vector<16xf32>,
      %add3A_503 = arith.addf %get3A_502, %scan3A_453#5 : vector<16xf32>
      %swap3A_504 = arith.constant 0 : i32
      %swap3A_505 = arith.index_cast %swap3A_504 : i32 to index
      %swap3A_506 = arith.constant 80 : index
      %swap3A_507 = tpu.vector_load %arg9[%swap3A_505, %swap3A_506] {strides = array<i32>} : memref<2x768xf32, #tpu.memory_space<vmem>>, vector<16xf32>,
      tpu.vector_store %arg9[%swap3A_505, %swap3A_506], %add3A_503 {strides = array<i32>} : memref<2x768xf32, #tpu.memory_space<vmem>>, vector<16xf32>,
      %get3A_508 = arith.constant 0 : i32
      %get3A_509 = arith.index_cast %get3A_508 : i32 to index
      %get3A_510 = arith.constant 96 : index
      %get3A_511 = tpu.vector_load %arg9[%get3A_509, %get3A_510] {strides = array<i32>} : memref<2x768xf32, #tpu.memory_space<vmem>>, vector<16xf32>,
      %add3A_512 = arith.addf %get3A_511, %scan3A_453#6 : vector<16xf32>
      %swap3A_513 = arith.constant 0 : i32
      %swap3A_514 = arith.index_cast %swap3A_513 : i32 to index
      %swap3A_515 = arith.constant 96 : index
      %swap3A_516 = tpu.vector_load %arg9[%swap3A_514, %swap3A_515] {strides = array<i32>} : memref<2x768xf32, #tpu.memory_space<vmem>>, vector<16xf32>,
      tpu.vector_store %arg9[%swap3A_514, %swap3A_515], %add3A_512 {strides = array<i32>} : memref<2x768xf32, #tpu.memory_space<vmem>>, vector<16xf32>,
      %get3A_517 = arith.constant 0 : i32
      %get3A_518 = arith.index_cast %get3A_517 : i32 to index
      %get3A_519 = arith.constant 112 : index
      %get3A_520 = tpu.vector_load %arg9[%get3A_518, %get3A_519] {strides = array<i32>} : memref<2x768xf32, #tpu.memory_space<vmem>>, vector<16xf32>,
      %add3A_521 = arith.addf %get3A_520, %scan3A_453#7 : vector<16xf32>
      %swap3A_522 = arith.constant 0 : i32
      %swap3A_523 = arith.index_cast %swap3A_522 : i32 to index
      %swap3A_524 = arith.constant 112 : index
      %swap3A_525 = tpu.vector_load %arg9[%swap3A_523, %swap3A_524] {strides = array<i32>} : memref<2x768xf32, #tpu.memory_space<vmem>>, vector<16xf32>,
      tpu.vector_store %arg9[%swap3A_523, %swap3A_524], %add3A_521 {strides = array<i32>} : memref<2x768xf32, #tpu.memory_space<vmem>>, vector<16xf32>,
      %get3A_526 = arith.constant 1 : i32
      %get3A_527 = arith.index_cast %get3A_526 : i32 to index
      %get3A_528 = arith.constant 0 : index
      %get3A_529 = tpu.vector_load %arg9[%get3A_527, %get3A_528] {strides = array<i32>} : memref<2x768xf32, #tpu.memory_space<vmem>>, vector<16xf32>,
      %add3A_530 = arith.addf %get3A_529, %scan3A_453#8 : vector<16xf32>
      %swap3A_531 = arith.constant 1 : i32
      %swap3A_532 = arith.index_cast %swap3A_531 : i32 to index
      %swap3A_533 = arith.constant 0 : index
      %swap3A_534 = tpu.vector_load %arg9[%swap3A_532, %swap3A_533] {strides = array<i32>} : memref<2x768xf32, #tpu.memory_space<vmem>>, vector<16xf32>,
      tpu.vector_store %arg9[%swap3A_532, %swap3A_533], %add3A_530 {strides = array<i32>} : memref<2x768xf32, #tpu.memory_space<vmem>>, vector<16xf32>,
      %get3A_535 = arith.constant 1 : i32
      %get3A_536 = arith.index_cast %get3A_535 : i32 to index
      %get3A_537 = arith.constant 16 : index
      %get3A_538 = tpu.vector_load %arg9[%get3A_536, %get3A_537] {strides = array<i32>} : memref<2x768xf32, #tpu.memory_space<vmem>>, vector<16xf32>,
      %add3A_539 = arith.addf %get3A_538, %scan3A_453#9 : vector<16xf32>
      %swap3A_540 = arith.constant 1 : i32
      %swap3A_541 = arith.index_cast %swap3A_540 : i32 to index
      %swap3A_542 = arith.constant 16 : index
      %swap3A_543 = tpu.vector_load %arg9[%swap3A_541, %swap3A_542] {strides = array<i32>} : memref<2x768xf32, #tpu.memory_space<vmem>>, vector<16xf32>,
      tpu.vector_store %arg9[%swap3A_541, %swap3A_542], %add3A_539 {strides = array<i32>} : memref<2x768xf32, #tpu.memory_space<vmem>>, vector<16xf32>,
      %get3A_544 = arith.constant 1 : i32
      %get3A_545 = arith.index_cast %get3A_544 : i32 to index
      %get3A_546 = arith.constant 32 : index
      %get3A_547 = tpu.vector_load %arg9[%get3A_545, %get3A_546] {strides = array<i32>} : memref<2x768xf32, #tpu.memory_space<vmem>>, vector<16xf32>,
      %add3A_548 = arith.addf %get3A_547, %scan3A_453#10 : vector<16xf32>
      %swap3A_549 = arith.constant 1 : i32
      %swap3A_550 = arith.index_cast %swap3A_549 : i32 to index
      %swap3A_551 = arith.constant 32 : index
      %swap3A_552 = tpu.vector_load %arg9[%swap3A_550, %swap3A_551] {strides = array<i32>} : memref<2x768xf32, #tpu.memory_space<vmem>>, vector<16xf32>,
      tpu.vector_store %arg9[%swap3A_550, %swap3A_551], %add3A_548 {strides = array<i32>} : memref<2x768xf32, #tpu.memory_space<vmem>>, vector<16xf32>,
      %get3A_553 = arith.constant 1 : i32
      %get3A_554 = arith.index_cast %get3A_553 : i32 to index
      %get3A_555 = arith.constant 48 : index
      %get3A_556 = tpu.vector_load %arg9[%get3A_554, %get3A_555] {strides = array<i32>} : memref<2x768xf32, #tpu.memory_space<vmem>>, vector<16xf32>,
      %add3A_557 = arith.addf %get3A_556, %scan3A_453#11 : vector<16xf32>
      %swap3A_558 = arith.constant 1 : i32
      %swap3A_559 = arith.index_cast %swap3A_558 : i32 to index
      %swap3A_560 = arith.constant 48 : index
      %swap3A_561 = tpu.vector_load %arg9[%swap3A_559, %swap3A_560] {strides = array<i32>} : memref<2x768xf32, #tpu.memory_space<vmem>>, vector<16xf32>,
      tpu.vector_store %arg9[%swap3A_559, %swap3A_560], %add3A_557 {strides = array<i32>} : memref<2x768xf32, #tpu.memory_space<vmem>>, vector<16xf32>,
      %get3A_562 = arith.constant 1 : i32
      %get3A_563 = arith.index_cast %get3A_562 : i32 to index
      %get3A_564 = arith.constant 64 : index
      %get3A_565 = tpu.vector_load %arg9[%get3A_563, %get3A_564] {strides = array<i32>} : memref<2x768xf32, #tpu.memory_space<vmem>>, vector<16xf32>,
      %add3A_566 = arith.addf %get3A_565, %scan3A_453#12 : vector<16xf32>
      %swap3A_567 = arith.constant 1 : i32
      %swap3A_568 = arith.index_cast %swap3A_567 : i32 to index
      %swap3A_569 = arith.constant 64 : index
      %swap3A_570 = tpu.vector_load %arg9[%swap3A_568, %swap3A_569] {strides = array<i32>} : memref<2x768xf32, #tpu.memory_space<vmem>>, vector<16xf32>,
      tpu.vector_store %arg9[%swap3A_568, %swap3A_569], %add3A_566 {strides = array<i32>} : memref<2x768xf32, #tpu.memory_space<vmem>>, vector<16xf32>,
      %get3A_571 = arith.constant 1 : i32
      %get3A_572 = arith.index_cast %get3A_571 : i32 to index
      %get3A_573 = arith.constant 80 : index
      %get3A_574 = tpu.vector_load %arg9[%get3A_572, %get3A_573] {strides = array<i32>} : memref<2x768xf32, #tpu.memory_space<vmem>>, vector<16xf32>,
      %add3A_575 = arith.addf %get3A_574, %scan3A_453#13 : vector<16xf32>
      %swap3A_576 = arith.constant 1 : i32
      %swap3A_577 = arith.index_cast %swap3A_576 : i32 to index
      %swap3A_578 = arith.constant 80 : index
      %swap3A_579 = tpu.vector_load %arg9[%swap3A_577, %swap3A_578] {strides = array<i32>} : memref<2x768xf32, #tpu.memory_space<vmem>>, vector<16xf32>,
      tpu.vector_store %arg9[%swap3A_577, %swap3A_578], %add3A_575 {strides = array<i32>} : memref<2x768xf32, #tpu.memory_space<vmem>>, vector<16xf32>,
      %get3A_580 = arith.constant 1 : i32
      %get3A_581 = arith.index_cast %get3A_580 : i32 to index
      %get3A_582 = arith.constant 96 : index
      %get3A_583 = tpu.vector_load %arg9[%get3A_581, %get3A_582] {strides = array<i32>} : memref<2x768xf32, #tpu.memory_space<vmem>>, vector<16xf32>,
      %add3A_584 = arith.addf %get3A_583, %scan3A_453#14 : vector<16xf32>
      %swap3A_585 = arith.constant 1 : i32
      %swap3A_586 = arith.index_cast %swap3A_585 : i32 to index
      %swap3A_587 = arith.constant 96 : index
      %swap3A_588 = tpu.vector_load %arg9[%swap3A_586, %swap3A_587] {strides = array<i32>} : memref<2x768xf32, #tpu.memory_space<vmem>>, vector<16xf32>,
      tpu.vector_store %arg9[%swap3A_586, %swap3A_587], %add3A_584 {strides = array<i32>} : memref<2x768xf32, #tpu.memory_space<vmem>>, vector<16xf32>,
      %get3A_589 = arith.constant 1 : i32
      %get3A_590 = arith.index_cast %get3A_589 : i32 to index
      %get3A_591 = arith.constant 112 : index
      %get3A_592 = tpu.vector_load %arg9[%get3A_590, %get3A_591] {strides = array<i32>} : memref<2x768xf32, #tpu.memory_space<vmem>>, vector<16xf32>,
      %add3A_593 = arith.addf %get3A_592, %scan3A_453#15 : vector<16xf32>
      %swap3A_594 = arith.constant 1 : i32
      %swap3A_595 = arith.index_cast %swap3A_594 : i32 to index
      %swap3A_596 = arith.constant 112 : index
      %swap3A_597 = tpu.vector_load %arg9[%swap3A_595, %swap3A_596] {strides = array<i32>} : memref<2x768xf32, #tpu.memory_space<vmem>>, vector<16xf32>,
      tpu.vector_store %arg9[%swap3A_595, %swap3A_596], %add3A_593 {strides = array<i32>} : memref<2x768xf32, #tpu.memory_space<vmem>>, vector<16xf32>,
      %broadcast_in_dim3A_598 = arith.constant 0.000000e+00 : f32
      %broadcast_in_dim3A_599 = vector.broadcast %broadcast_in_dim3A_598 : f32 to vector<16xf32>
      %broadcast_in_dim3A_600 = arith.constant 0.000000e+00 : f32
      %broadcast_in_dim3A_601 = vector.broadcast %broadcast_in_dim3A_600 : f32 to vector<16xf32>
      %broadcast_in_dim3A_602 = arith.constant 0.000000e+00 : f32
      %broadcast_in_dim3A_603 = vector.broadcast %broadcast_in_dim3A_602 : f32 to vector<16xf32>
      %broadcast_in_dim3A_604 = arith.constant 0.000000e+00 : f32
      %broadcast_in_dim3A_605 = vector.broadcast %broadcast_in_dim3A_604 : f32 to vector<16xf32>
      %broadcast_in_dim3A_606 = arith.constant 0.000000e+00 : f32
      %broadcast_in_dim3A_607 = vector.broadcast %broadcast_in_dim3A_606 : f32 to vector<16xf32>
      %broadcast_in_dim3A_608 = arith.constant 0.000000e+00 : f32
      %broadcast_in_dim3A_609 = vector.broadcast %broadcast_in_dim3A_608 : f32 to vector<16xf32>
      %broadcast_in_dim3A_610 = arith.constant 0.000000e+00 : f32
      %broadcast_in_dim3A_611 = vector.broadcast %broadcast_in_dim3A_610 : f32 to vector<16xf32>
      %broadcast_in_dim3A_612 = arith.constant 0.000000e+00 : f32
      %broadcast_in_dim3A_613 = vector.broadcast %broadcast_in_dim3A_612 : f32 to vector<16xf32>
      %scan3A_614 = arith.constant 0 : i32
      %scan3A_615 = arith.constant 16 : i32
      %scan3A_616 = arith.addi %scan3A_614, %scan3A_615 : i32
      %scan3A_617 = arith.constant 1 : i32
      %scan3A_618:16 = scf.for %scan3A_1428 = %scan3A_614 to %scan3A_616 step %scan3A_617 iter_args(%scan3A_1429 = %broadcast_in_dim3A_599, %scan3A_1430 = %broadcast_in_dim3A_601, %scan3A_1431 = %broadcast_in_dim3A_603, %scan3A_1432 = %broadcast_in_dim3A_605, %scan3A_1433 = %broadcast_in_dim3A_607, %scan3A_1434 = %broadcast_in_dim3A_609, %scan3A_1435 = %broadcast_in_dim3A_611, %scan3A_1436 = %broadcast_in_dim3A_613, %scan3A_1437 = %broadcast_in_dim3A_599, %scan3A_1438 = %broadcast_in_dim3A_601, %scan3A_1439 = %broadcast_in_dim3A_603, %scan3A_1440 = %broadcast_in_dim3A_605, %scan3A_1441 = %broadcast_in_dim3A_607, %scan3A_1442 = %broadcast_in_dim3A_609, %scan3A_1443 = %broadcast_in_dim3A_611, %scan3A_1444 = %broadcast_in_dim3A_613) -> (vector<16xf32>, vector<16xf32>, vector<16xf32>, vector<16xf32>, vector<16xf32>, vector<16xf32>, vector<16xf32>, vector<16xf32>, vector<16xf32>, vector<16xf32>, vector<16xf32>, vector<16xf32>, vector<16xf32>, vector<16xf32>, vector<16xf32>, vector<16xf32>)  : i32 {
        %broadcast_in_dim3A_1445 = vector.broadcast %scan3A_1428 : i32 to vector<16xi32>
        %gather3A = tpu.vector_load_idx %arg7[%broadcast_in_dim3A_1445] : memref<16xf32, #tpu.memory_space<vmem>>[vector<16xi32>], vector<16xf32>,
        %get3A_1446 = arith.index_cast %scan3A_1428 : i32 to index
        %get3A_1447 = arith.constant 128 : index
        %get3A_1448 = tpu.vector_load %arg8[%get3A_1446, %get3A_1447] {strides = array<i32>} : memref<16x768xf32, #tpu.memory_space<vmem>>, vector<16xf32>,
        %mul3A_1449 = arith.mulf %gather3A, %get3A_1448 : vector<16xf32>
        %add3A_1450 = arith.addf %scan3A_1429, %mul3A_1449 : vector<16xf32>
        %add3A_1451 = arith.addf %scan3A_1437, %get3A_1448 : vector<16xf32>
        %get3A_1452 = arith.index_cast %scan3A_1428 : i32 to index
        %get3A_1453 = arith.constant 144 : index
        %get3A_1454 = tpu.vector_load %arg8[%get3A_1452, %get3A_1453] {strides = array<i32>} : memref<16x768xf32, #tpu.memory_space<vmem>>, vector<16xf32>,
        %mul3A_1455 = arith.mulf %gather3A, %get3A_1454 : vector<16xf32>
        %add3A_1456 = arith.addf %scan3A_1430, %mul3A_1455 : vector<16xf32>
        %add3A_1457 = arith.addf %scan3A_1438, %get3A_1454 : vector<16xf32>
        %get3A_1458 = arith.index_cast %scan3A_1428 : i32 to index
        %get3A_1459 = arith.constant 160 : index
        %get3A_1460 = tpu.vector_load %arg8[%get3A_1458, %get3A_1459] {strides = array<i32>} : memref<16x768xf32, #tpu.memory_space<vmem>>, vector<16xf32>,
        %mul3A_1461 = arith.mulf %gather3A, %get3A_1460 : vector<16xf32>
        %add3A_1462 = arith.addf %scan3A_1431, %mul3A_1461 : vector<16xf32>
        %add3A_1463 = arith.addf %scan3A_1439, %get3A_1460 : vector<16xf32>
        %get3A_1464 = arith.index_cast %scan3A_1428 : i32 to index
        %get3A_1465 = arith.constant 176 : index
        %get3A_1466 = tpu.vector_load %arg8[%get3A_1464, %get3A_1465] {strides = array<i32>} : memref<16x768xf32, #tpu.memory_space<vmem>>, vector<16xf32>,
        %mul3A_1467 = arith.mulf %gather3A, %get3A_1466 : vector<16xf32>
        %add3A_1468 = arith.addf %scan3A_1432, %mul3A_1467 : vector<16xf32>
        %add3A_1469 = arith.addf %scan3A_1440, %get3A_1466 : vector<16xf32>
        %get3A_1470 = arith.index_cast %scan3A_1428 : i32 to index
        %get3A_1471 = arith.constant 192 : index
        %get3A_1472 = tpu.vector_load %arg8[%get3A_1470, %get3A_1471] {strides = array<i32>} : memref<16x768xf32, #tpu.memory_space<vmem>>, vector<16xf32>,
        %mul3A_1473 = arith.mulf %gather3A, %get3A_1472 : vector<16xf32>
        %add3A_1474 = arith.addf %scan3A_1433, %mul3A_1473 : vector<16xf32>
        %add3A_1475 = arith.addf %scan3A_1441, %get3A_1472 : vector<16xf32>
        %get3A_1476 = arith.index_cast %scan3A_1428 : i32 to index
        %get3A_1477 = arith.constant 208 : index
        %get3A_1478 = tpu.vector_load %arg8[%get3A_1476, %get3A_1477] {strides = array<i32>} : memref<16x768xf32, #tpu.memory_space<vmem>>, vector<16xf32>,
        %mul3A_1479 = arith.mulf %gather3A, %get3A_1478 : vector<16xf32>
        %add3A_1480 = arith.addf %scan3A_1434, %mul3A_1479 : vector<16xf32>
        %add3A_1481 = arith.addf %scan3A_1442, %get3A_1478 : vector<16xf32>
        %get3A_1482 = arith.index_cast %scan3A_1428 : i32 to index
        %get3A_1483 = arith.constant 224 : index
        %get3A_1484 = tpu.vector_load %arg8[%get3A_1482, %get3A_1483] {strides = array<i32>} : memref<16x768xf32, #tpu.memory_space<vmem>>, vector<16xf32>,
        %mul3A_1485 = arith.mulf %gather3A, %get3A_1484 : vector<16xf32>
        %add3A_1486 = arith.addf %scan3A_1435, %mul3A_1485 : vector<16xf32>
        %add3A_1487 = arith.addf %scan3A_1443, %get3A_1484 : vector<16xf32>
        %get3A_1488 = arith.index_cast %scan3A_1428 : i32 to index
        %get3A_1489 = arith.constant 240 : index
        %get3A_1490 = tpu.vector_load %arg8[%get3A_1488, %get3A_1489] {strides = array<i32>} : memref<16x768xf32, #tpu.memory_space<vmem>>, vector<16xf32>,
        %mul3A_1491 = arith.mulf %gather3A, %get3A_1490 : vector<16xf32>
        %add3A_1492 = arith.addf %scan3A_1436, %mul3A_1491 : vector<16xf32>
        %add3A_1493 = arith.addf %scan3A_1444, %get3A_1490 : vector<16xf32>
        scf.yield %add3A_1450, %add3A_1456, %add3A_1462, %add3A_1468, %add3A_1474, %add3A_1480, %add3A_1486, %add3A_1492, %add3A_1451, %add3A_1457, %add3A_1463, %add3A_1469, %add3A_1475, %add3A_1481, %add3A_1487, %add3A_1493 : vector<16xf32>, vector<16xf32>, vector<16xf32>, vector<16xf32>, vector<16xf32>, vector<16xf32>, vector<16xf32>, vector<16xf32>, vector<16xf32>, vector<16xf32>, vector<16xf32>, vector<16xf32>, vector<16xf32>, vector<16xf32>, vector<16xf32>, vector<16xf32>
      }
      %scan3A_619 = arith.constant 16 : i32
      %get3A_620 = arith.constant 0 : i32
      %get3A_621 = arith.index_cast %get3A_620 : i32 to index
      %get3A_622 = arith.constant 128 : index
      %get3A_623 = tpu.vector_load %arg9[%get3A_621, %get3A_622] {strides = array<i32>} : memref<2x768xf32, #tpu.memory_space<vmem>>, vector<16xf32>,
      %add3A_624 = arith.addf %get3A_623, %scan3A_618#0 : vector<16xf32>
      %swap3A_625 = arith.constant 0 : i32
      %swap3A_626 = arith.index_cast %swap3A_625 : i32 to index
      %swap3A_627 = arith.constant 128 : index
      %swap3A_628 = tpu.vector_load %arg9[%swap3A_626, %swap3A_627] {strides = array<i32>} : memref<2x768xf32, #tpu.memory_space<vmem>>, vector<16xf32>,
      tpu.vector_store %arg9[%swap3A_626, %swap3A_627], %add3A_624 {strides = array<i32>} : memref<2x768xf32, #tpu.memory_space<vmem>>, vector<16xf32>,
      %get3A_629 = arith.constant 0 : i32
      %get3A_630 = arith.index_cast %get3A_629 : i32 to index
      %get3A_631 = arith.constant 144 : index
      %get3A_632 = tpu.vector_load %arg9[%get3A_630, %get3A_631] {strides = array<i32>} : memref<2x768xf32, #tpu.memory_space<vmem>>, vector<16xf32>,
      %add3A_633 = arith.addf %get3A_632, %scan3A_618#1 : vector<16xf32>
      %swap3A_634 = arith.constant 0 : i32
      %swap3A_635 = arith.index_cast %swap3A_634 : i32 to index
      %swap3A_636 = arith.constant 144 : index
      %swap3A_637 = tpu.vector_load %arg9[%swap3A_635, %swap3A_636] {strides = array<i32>} : memref<2x768xf32, #tpu.memory_space<vmem>>, vector<16xf32>,
      tpu.vector_store %arg9[%swap3A_635, %swap3A_636], %add3A_633 {strides = array<i32>} : memref<2x768xf32, #tpu.memory_space<vmem>>, vector<16xf32>,
      %get3A_638 = arith.constant 0 : i32
      %get3A_639 = arith.index_cast %get3A_638 : i32 to index
      %get3A_640 = arith.constant 160 : index
      %get3A_641 = tpu.vector_load %arg9[%get3A_639, %get3A_640] {strides = array<i32>} : memref<2x768xf32, #tpu.memory_space<vmem>>, vector<16xf32>,
      %add3A_642 = arith.addf %get3A_641, %scan3A_618#2 : vector<16xf32>
      %swap3A_643 = arith.constant 0 : i32
      %swap3A_644 = arith.index_cast %swap3A_643 : i32 to index
      %swap3A_645 = arith.constant 160 : index
      %swap3A_646 = tpu.vector_load %arg9[%swap3A_644, %swap3A_645] {strides = array<i32>} : memref<2x768xf32, #tpu.memory_space<vmem>>, vector<16xf32>,
      tpu.vector_store %arg9[%swap3A_644, %swap3A_645], %add3A_642 {strides = array<i32>} : memref<2x768xf32, #tpu.memory_space<vmem>>, vector<16xf32>,
      %get3A_647 = arith.constant 0 : i32
      %get3A_648 = arith.index_cast %get3A_647 : i32 to index
      %get3A_649 = arith.constant 176 : index
      %get3A_650 = tpu.vector_load %arg9[%get3A_648, %get3A_649] {strides = array<i32>} : memref<2x768xf32, #tpu.memory_space<vmem>>, vector<16xf32>,
      %add3A_651 = arith.addf %get3A_650, %scan3A_618#3 : vector<16xf32>
      %swap3A_652 = arith.constant 0 : i32
      %swap3A_653 = arith.index_cast %swap3A_652 : i32 to index
      %swap3A_654 = arith.constant 176 : index
      %swap3A_655 = tpu.vector_load %arg9[%swap3A_653, %swap3A_654] {strides = array<i32>} : memref<2x768xf32, #tpu.memory_space<vmem>>, vector<16xf32>,
      tpu.vector_store %arg9[%swap3A_653, %swap3A_654], %add3A_651 {strides = array<i32>} : memref<2x768xf32, #tpu.memory_space<vmem>>, vector<16xf32>,
      %get3A_656 = arith.constant 0 : i32
      %get3A_657 = arith.index_cast %get3A_656 : i32 to index
      %get3A_658 = arith.constant 192 : index
      %get3A_659 = tpu.vector_load %arg9[%get3A_657, %get3A_658] {strides = array<i32>} : memref<2x768xf32, #tpu.memory_space<vmem>>, vector<16xf32>,
      %add3A_660 = arith.addf %get3A_659, %scan3A_618#4 : vector<16xf32>
      %swap3A_661 = arith.constant 0 : i32
      %swap3A_662 = arith.index_cast %swap3A_661 : i32 to index
      %swap3A_663 = arith.constant 192 : index
      %swap3A_664 = tpu.vector_load %arg9[%swap3A_662, %swap3A_663] {strides = array<i32>} : memref<2x768xf32, #tpu.memory_space<vmem>>, vector<16xf32>,
      tpu.vector_store %arg9[%swap3A_662, %swap3A_663], %add3A_660 {strides = array<i32>} : memref<2x768xf32, #tpu.memory_space<vmem>>, vector<16xf32>,
      %get3A_665 = arith.constant 0 : i32
      %get3A_666 = arith.index_cast %get3A_665 : i32 to index
      %get3A_667 = arith.constant 208 : index
      %get3A_668 = tpu.vector_load %arg9[%get3A_666, %get3A_667] {strides = array<i32>} : memref<2x768xf32, #tpu.memory_space<vmem>>, vector<16xf32>,
      %add3A_669 = arith.addf %get3A_668, %scan3A_618#5 : vector<16xf32>
      %swap3A_670 = arith.constant 0 : i32
      %swap3A_671 = arith.index_cast %swap3A_670 : i32 to index
      %swap3A_672 = arith.constant 208 : index
      %swap3A_673 = tpu.vector_load %arg9[%swap3A_671, %swap3A_672] {strides = array<i32>} : memref<2x768xf32, #tpu.memory_space<vmem>>, vector<16xf32>,
      tpu.vector_store %arg9[%swap3A_671, %swap3A_672], %add3A_669 {strides = array<i32>} : memref<2x768xf32, #tpu.memory_space<vmem>>, vector<16xf32>,
      %get3A_674 = arith.constant 0 : i32
      %get3A_675 = arith.index_cast %get3A_674 : i32 to index
      %get3A_676 = arith.constant 224 : index
      %get3A_677 = tpu.vector_load %arg9[%get3A_675, %get3A_676] {strides = array<i32>} : memref<2x768xf32, #tpu.memory_space<vmem>>, vector<16xf32>,
      %add3A_678 = arith.addf %get3A_677, %scan3A_618#6 : vector<16xf32>
      %swap3A_679 = arith.constant 0 : i32
      %swap3A_680 = arith.index_cast %swap3A_679 : i32 to index
      %swap3A_681 = arith.constant 224 : index
      %swap3A_682 = tpu.vector_load %arg9[%swap3A_680, %swap3A_681] {strides = array<i32>} : memref<2x768xf32, #tpu.memory_space<vmem>>, vector<16xf32>,
      tpu.vector_store %arg9[%swap3A_680, %swap3A_681], %add3A_678 {strides = array<i32>} : memref<2x768xf32, #tpu.memory_space<vmem>>, vector<16xf32>,
      %get3A_683 = arith.constant 0 : i32
      %get3A_684 = arith.index_cast %get3A_683 : i32 to index
      %get3A_685 = arith.constant 240 : index
      %get3A_686 = tpu.vector_load %arg9[%get3A_684, %get3A_685] {strides = array<i32>} : memref<2x768xf32, #tpu.memory_space<vmem>>, vector<16xf32>,
      %add3A_687 = arith.addf %get3A_686, %scan3A_618#7 : vector<16xf32>
      %swap3A_688 = arith.constant 0 : i32
      %swap3A_689 = arith.index_cast %swap3A_688 : i32 to index
      %swap3A_690 = arith.constant 240 : index
      %swap3A_691 = tpu.vector_load %arg9[%swap3A_689, %swap3A_690] {strides = array<i32>} : memref<2x768xf32, #tpu.memory_space<vmem>>, vector<16xf32>,
      tpu.vector_store %arg9[%swap3A_689, %swap3A_690], %add3A_687 {strides = array<i32>} : memref<2x768xf32, #tpu.memory_space<vmem>>, vector<16xf32>,
      %get3A_692 = arith.constant 1 : i32
      %get3A_693 = arith.index_cast %get3A_692 : i32 to index
      %get3A_694 = arith.constant 128 : index
      %get3A_695 = tpu.vector_load %arg9[%get3A_693, %get3A_694] {strides = array<i32>} : memref<2x768xf32, #tpu.memory_space<vmem>>, vector<16xf32>,
      %add3A_696 = arith.addf %get3A_695, %scan3A_618#8 : vector<16xf32>
      %swap3A_697 = arith.constant 1 : i32
      %swap3A_698 = arith.index_cast %swap3A_697 : i32 to index
      %swap3A_699 = arith.constant 128 : index
      %swap3A_700 = tpu.vector_load %arg9[%swap3A_698, %swap3A_699] {strides = array<i32>} : memref<2x768xf32, #tpu.memory_space<vmem>>, vector<16xf32>,
      tpu.vector_store %arg9[%swap3A_698, %swap3A_699], %add3A_696 {strides = array<i32>} : memref<2x768xf32, #tpu.memory_space<vmem>>, vector<16xf32>,
      %get3A_701 = arith.constant 1 : i32
      %get3A_702 = arith.index_cast %get3A_701 : i32 to index
      %get3A_703 = arith.constant 144 : index
      %get3A_704 = tpu.vector_load %arg9[%get3A_702, %get3A_703] {strides = array<i32>} : memref<2x768xf32, #tpu.memory_space<vmem>>, vector<16xf32>,
      %add3A_705 = arith.addf %get3A_704, %scan3A_618#9 : vector<16xf32>
      %swap3A_706 = arith.constant 1 : i32
      %swap3A_707 = arith.index_cast %swap3A_706 : i32 to index
      %swap3A_708 = arith.constant 144 : index
      %swap3A_709 = tpu.vector_load %arg9[%swap3A_707, %swap3A_708] {strides = array<i32>} : memref<2x768xf32, #tpu.memory_space<vmem>>, vector<16xf32>,
      tpu.vector_store %arg9[%swap3A_707, %swap3A_708], %add3A_705 {strides = array<i32>} : memref<2x768xf32, #tpu.memory_space<vmem>>, vector<16xf32>,
      %get3A_710 = arith.constant 1 : i32
      %get3A_711 = arith.index_cast %get3A_710 : i32 to index
      %get3A_712 = arith.constant 160 : index
      %get3A_713 = tpu.vector_load %arg9[%get3A_711, %get3A_712] {strides = array<i32>} : memref<2x768xf32, #tpu.memory_space<vmem>>, vector<16xf32>,
      %add3A_714 = arith.addf %get3A_713, %scan3A_618#10 : vector<16xf32>
      %swap3A_715 = arith.constant 1 : i32
      %swap3A_716 = arith.index_cast %swap3A_715 : i32 to index
      %swap3A_717 = arith.constant 160 : index
      %swap3A_718 = tpu.vector_load %arg9[%swap3A_716, %swap3A_717] {strides = array<i32>} : memref<2x768xf32, #tpu.memory_space<vmem>>, vector<16xf32>,
      tpu.vector_store %arg9[%swap3A_716, %swap3A_717], %add3A_714 {strides = array<i32>} : memref<2x768xf32, #tpu.memory_space<vmem>>, vector<16xf32>,
      %get3A_719 = arith.constant 1 : i32
      %get3A_720 = arith.index_cast %get3A_719 : i32 to index
      %get3A_721 = arith.constant 176 : index
      %get3A_722 = tpu.vector_load %arg9[%get3A_720, %get3A_721] {strides = array<i32>} : memref<2x768xf32, #tpu.memory_space<vmem>>, vector<16xf32>,
      %add3A_723 = arith.addf %get3A_722, %scan3A_618#11 : vector<16xf32>
      %swap3A_724 = arith.constant 1 : i32
      %swap3A_725 = arith.index_cast %swap3A_724 : i32 to index
      %swap3A_726 = arith.constant 176 : index
      %swap3A_727 = tpu.vector_load %arg9[%swap3A_725, %swap3A_726] {strides = array<i32>} : memref<2x768xf32, #tpu.memory_space<vmem>>, vector<16xf32>,
      tpu.vector_store %arg9[%swap3A_725, %swap3A_726], %add3A_723 {strides = array<i32>} : memref<2x768xf32, #tpu.memory_space<vmem>>, vector<16xf32>,
      %get3A_728 = arith.constant 1 : i32
      %get3A_729 = arith.index_cast %get3A_728 : i32 to index
      %get3A_730 = arith.constant 192 : index
      %get3A_731 = tpu.vector_load %arg9[%get3A_729, %get3A_730] {strides = array<i32>} : memref<2x768xf32, #tpu.memory_space<vmem>>, vector<16xf32>,
      %add3A_732 = arith.addf %get3A_731, %scan3A_618#12 : vector<16xf32>
      %swap3A_733 = arith.constant 1 : i32
      %swap3A_734 = arith.index_cast %swap3A_733 : i32 to index
      %swap3A_735 = arith.constant 192 : index
      %swap3A_736 = tpu.vector_load %arg9[%swap3A_734, %swap3A_735] {strides = array<i32>} : memref<2x768xf32, #tpu.memory_space<vmem>>, vector<16xf32>,
      tpu.vector_store %arg9[%swap3A_734, %swap3A_735], %add3A_732 {strides = array<i32>} : memref<2x768xf32, #tpu.memory_space<vmem>>, vector<16xf32>,
      %get3A_737 = arith.constant 1 : i32
      %get3A_738 = arith.index_cast %get3A_737 : i32 to index
      %get3A_739 = arith.constant 208 : index
      %get3A_740 = tpu.vector_load %arg9[%get3A_738, %get3A_739] {strides = array<i32>} : memref<2x768xf32, #tpu.memory_space<vmem>>, vector<16xf32>,
      %add3A_741 = arith.addf %get3A_740, %scan3A_618#13 : vector<16xf32>
      %swap3A_742 = arith.constant 1 : i32
      %swap3A_743 = arith.index_cast %swap3A_742 : i32 to index
      %swap3A_744 = arith.constant 208 : index
      %swap3A_745 = tpu.vector_load %arg9[%swap3A_743, %swap3A_744] {strides = array<i32>} : memref<2x768xf32, #tpu.memory_space<vmem>>, vector<16xf32>,
      tpu.vector_store %arg9[%swap3A_743, %swap3A_744], %add3A_741 {strides = array<i32>} : memref<2x768xf32, #tpu.memory_space<vmem>>, vector<16xf32>,
      %get3A_746 = arith.constant 1 : i32
      %get3A_747 = arith.index_cast %get3A_746 : i32 to index
      %get3A_748 = arith.constant 224 : index
      %get3A_749 = tpu.vector_load %arg9[%get3A_747, %get3A_748] {strides = array<i32>} : memref<2x768xf32, #tpu.memory_space<vmem>>, vector<16xf32>,
      %add3A_750 = arith.addf %get3A_749, %scan3A_618#14 : vector<16xf32>
      %swap3A_751 = arith.constant 1 : i32
      %swap3A_752 = arith.index_cast %swap3A_751 : i32 to index
      %swap3A_753 = arith.constant 224 : index
      %swap3A_754 = tpu.vector_load %arg9[%swap3A_752, %swap3A_753] {strides = array<i32>} : memref<2x768xf32, #tpu.memory_space<vmem>>, vector<16xf32>,
      tpu.vector_store %arg9[%swap3A_752, %swap3A_753], %add3A_750 {strides = array<i32>} : memref<2x768xf32, #tpu.memory_space<vmem>>, vector<16xf32>,
      %get3A_755 = arith.constant 1 : i32
      %get3A_756 = arith.index_cast %get3A_755 : i32 to index
      %get3A_757 = arith.constant 240 : index
      %get3A_758 = tpu.vector_load %arg9[%get3A_756, %get3A_757] {strides = array<i32>} : memref<2x768xf32, #tpu.memory_space<vmem>>, vector<16xf32>,
      %add3A_759 = arith.addf %get3A_758, %scan3A_618#15 : vector<16xf32>
      %swap3A_760 = arith.constant 1 : i32
      %swap3A_761 = arith.index_cast %swap3A_760 : i32 to index
      %swap3A_762 = arith.constant 240 : index
      %swap3A_763 = tpu.vector_load %arg9[%swap3A_761, %swap3A_762] {strides = array<i32>} : memref<2x768xf32, #tpu.memory_space<vmem>>, vector<16xf32>,
      tpu.vector_store %arg9[%swap3A_761, %swap3A_762], %add3A_759 {strides = array<i32>} : memref<2x768xf32, #tpu.memory_space<vmem>>, vector<16xf32>,
      %broadcast_in_dim3A_764 = arith.constant 0.000000e+00 : f32
      %broadcast_in_dim3A_765 = vector.broadcast %broadcast_in_dim3A_764 : f32 to vector<16xf32>
      %broadcast_in_dim3A_766 = arith.constant 0.000000e+00 : f32
      %broadcast_in_dim3A_767 = vector.broadcast %broadcast_in_dim3A_766 : f32 to vector<16xf32>
      %broadcast_in_dim3A_768 = arith.constant 0.000000e+00 : f32
      %broadcast_in_dim3A_769 = vector.broadcast %broadcast_in_dim3A_768 : f32 to vector<16xf32>
      %broadcast_in_dim3A_770 = arith.constant 0.000000e+00 : f32
      %broadcast_in_dim3A_771 = vector.broadcast %broadcast_in_dim3A_770 : f32 to vector<16xf32>
      %broadcast_in_dim3A_772 = arith.constant 0.000000e+00 : f32
      %broadcast_in_dim3A_773 = vector.broadcast %broadcast_in_dim3A_772 : f32 to vector<16xf32>
      %broadcast_in_dim3A_774 = arith.constant 0.000000e+00 : f32
      %broadcast_in_dim3A_775 = vector.broadcast %broadcast_in_dim3A_774 : f32 to vector<16xf32>
      %broadcast_in_dim3A_776 = arith.constant 0.000000e+00 : f32
      %broadcast_in_dim3A_777 = vector.broadcast %broadcast_in_dim3A_776 : f32 to vector<16xf32>
      %broadcast_in_dim3A_778 = arith.constant 0.000000e+00 : f32
      %broadcast_in_dim3A_779 = vector.broadcast %broadcast_in_dim3A_778 : f32 to vector<16xf32>
      %scan3A_780 = arith.constant 0 : i32
      %scan3A_781 = arith.constant 16 : i32
      %scan3A_782 = arith.addi %scan3A_780, %scan3A_781 : i32
      %scan3A_783 = arith.constant 1 : i32
      %scan3A_784:16 = scf.for %scan3A_1428 = %scan3A_780 to %scan3A_782 step %scan3A_783 iter_args(%scan3A_1429 = %broadcast_in_dim3A_765, %scan3A_1430 = %broadcast_in_dim3A_767, %scan3A_1431 = %broadcast_in_dim3A_769, %scan3A_1432 = %broadcast_in_dim3A_771, %scan3A_1433 = %broadcast_in_dim3A_773, %scan3A_1434 = %broadcast_in_dim3A_775, %scan3A_1435 = %broadcast_in_dim3A_777, %scan3A_1436 = %broadcast_in_dim3A_779, %scan3A_1437 = %broadcast_in_dim3A_765, %scan3A_1438 = %broadcast_in_dim3A_767, %scan3A_1439 = %broadcast_in_dim3A_769, %scan3A_1440 = %broadcast_in_dim3A_771, %scan3A_1441 = %broadcast_in_dim3A_773, %scan3A_1442 = %broadcast_in_dim3A_775, %scan3A_1443 = %broadcast_in_dim3A_777, %scan3A_1444 = %broadcast_in_dim3A_779) -> (vector<16xf32>, vector<16xf32>, vector<16xf32>, vector<16xf32>, vector<16xf32>, vector<16xf32>, vector<16xf32>, vector<16xf32>, vector<16xf32>, vector<16xf32>, vector<16xf32>, vector<16xf32>, vector<16xf32>, vector<16xf32>, vector<16xf32>, vector<16xf32>)  : i32 {
        %broadcast_in_dim3A_1445 = vector.broadcast %scan3A_1428 : i32 to vector<16xi32>
        %gather3A = tpu.vector_load_idx %arg7[%broadcast_in_dim3A_1445] : memref<16xf32, #tpu.memory_space<vmem>>[vector<16xi32>], vector<16xf32>,
        %get3A_1446 = arith.index_cast %scan3A_1428 : i32 to index
        %get3A_1447 = arith.constant 256 : index
        %get3A_1448 = tpu.vector_load %arg8[%get3A_1446, %get3A_1447] {strides = array<i32>} : memref<16x768xf32, #tpu.memory_space<vmem>>, vector<16xf32>,
        %mul3A_1449 = arith.mulf %gather3A, %get3A_1448 : vector<16xf32>
        %add3A_1450 = arith.addf %scan3A_1429, %mul3A_1449 : vector<16xf32>
        %add3A_1451 = arith.addf %scan3A_1437, %get3A_1448 : vector<16xf32>
        %get3A_1452 = arith.index_cast %scan3A_1428 : i32 to index
        %get3A_1453 = arith.constant 272 : index
        %get3A_1454 = tpu.vector_load %arg8[%get3A_1452, %get3A_1453] {strides = array<i32>} : memref<16x768xf32, #tpu.memory_space<vmem>>, vector<16xf32>,
        %mul3A_1455 = arith.mulf %gather3A, %get3A_1454 : vector<16xf32>
        %add3A_1456 = arith.addf %scan3A_1430, %mul3A_1455 : vector<16xf32>
        %add3A_1457 = arith.addf %scan3A_1438, %get3A_1454 : vector<16xf32>
        %get3A_1458 = arith.index_cast %scan3A_1428 : i32 to index
        %get3A_1459 = arith.constant 288 : index
        %get3A_1460 = tpu.vector_load %arg8[%get3A_1458, %get3A_1459] {strides = array<i32>} : memref<16x768xf32, #tpu.memory_space<vmem>>, vector<16xf32>,
        %mul3A_1461 = arith.mulf %gather3A, %get3A_1460 : vector<16xf32>
        %add3A_1462 = arith.addf %scan3A_1431, %mul3A_1461 : vector<16xf32>
        %add3A_1463 = arith.addf %scan3A_1439, %get3A_1460 : vector<16xf32>
        %get3A_1464 = arith.index_cast %scan3A_1428 : i32 to index
        %get3A_1465 = arith.constant 304 : index
        %get3A_1466 = tpu.vector_load %arg8[%get3A_1464, %get3A_1465] {strides = array<i32>} : memref<16x768xf32, #tpu.memory_space<vmem>>, vector<16xf32>,
        %mul3A_1467 = arith.mulf %gather3A, %get3A_1466 : vector<16xf32>
        %add3A_1468 = arith.addf %scan3A_1432, %mul3A_1467 : vector<16xf32>
        %add3A_1469 = arith.addf %scan3A_1440, %get3A_1466 : vector<16xf32>
        %get3A_1470 = arith.index_cast %scan3A_1428 : i32 to index
        %get3A_1471 = arith.constant 320 : index
        %get3A_1472 = tpu.vector_load %arg8[%get3A_1470, %get3A_1471] {strides = array<i32>} : memref<16x768xf32, #tpu.memory_space<vmem>>, vector<16xf32>,
        %mul3A_1473 = arith.mulf %gather3A, %get3A_1472 : vector<16xf32>
        %add3A_1474 = arith.addf %scan3A_1433, %mul3A_1473 : vector<16xf32>
        %add3A_1475 = arith.addf %scan3A_1441, %get3A_1472 : vector<16xf32>
        %get3A_1476 = arith.index_cast %scan3A_1428 : i32 to index
        %get3A_1477 = arith.constant 336 : index
        %get3A_1478 = tpu.vector_load %arg8[%get3A_1476, %get3A_1477] {strides = array<i32>} : memref<16x768xf32, #tpu.memory_space<vmem>>, vector<16xf32>,
        %mul3A_1479 = arith.mulf %gather3A, %get3A_1478 : vector<16xf32>
        %add3A_1480 = arith.addf %scan3A_1434, %mul3A_1479 : vector<16xf32>
        %add3A_1481 = arith.addf %scan3A_1442, %get3A_1478 : vector<16xf32>
        %get3A_1482 = arith.index_cast %scan3A_1428 : i32 to index
        %get3A_1483 = arith.constant 352 : index
        %get3A_1484 = tpu.vector_load %arg8[%get3A_1482, %get3A_1483] {strides = array<i32>} : memref<16x768xf32, #tpu.memory_space<vmem>>, vector<16xf32>,
        %mul3A_1485 = arith.mulf %gather3A, %get3A_1484 : vector<16xf32>
        %add3A_1486 = arith.addf %scan3A_1435, %mul3A_1485 : vector<16xf32>
        %add3A_1487 = arith.addf %scan3A_1443, %get3A_1484 : vector<16xf32>
        %get3A_1488 = arith.index_cast %scan3A_1428 : i32 to index
        %get3A_1489 = arith.constant 368 : index
        %get3A_1490 = tpu.vector_load %arg8[%get3A_1488, %get3A_1489] {strides = array<i32>} : memref<16x768xf32, #tpu.memory_space<vmem>>, vector<16xf32>,
        %mul3A_1491 = arith.mulf %gather3A, %get3A_1490 : vector<16xf32>
        %add3A_1492 = arith.addf %scan3A_1436, %mul3A_1491 : vector<16xf32>
        %add3A_1493 = arith.addf %scan3A_1444, %get3A_1490 : vector<16xf32>
        scf.yield %add3A_1450, %add3A_1456, %add3A_1462, %add3A_1468, %add3A_1474, %add3A_1480, %add3A_1486, %add3A_1492, %add3A_1451, %add3A_1457, %add3A_1463, %add3A_1469, %add3A_1475, %add3A_1481, %add3A_1487, %add3A_1493 : vector<16xf32>, vector<16xf32>, vector<16xf32>, vector<16xf32>, vector<16xf32>, vector<16xf32>, vector<16xf32>, vector<16xf32>, vector<16xf32>, vector<16xf32>, vector<16xf32>, vector<16xf32>, vector<16xf32>, vector<16xf32>, vector<16xf32>, vector<16xf32>
      }
      %scan3A_785 = arith.constant 16 : i32
      %get3A_786 = arith.constant 0 : i32
      %get3A_787 = arith.index_cast %get3A_786 : i32 to index
      %get3A_788 = arith.constant 256 : index
      %get3A_789 = tpu.vector_load %arg9[%get3A_787, %get3A_788] {strides = array<i32>} : memref<2x768xf32, #tpu.memory_space<vmem>>, vector<16xf32>,
      %add3A_790 = arith.addf %get3A_789, %scan3A_784#0 : vector<16xf32>
      %swap3A_791 = arith.constant 0 : i32
      %swap3A_792 = arith.index_cast %swap3A_791 : i32 to index
      %swap3A_793 = arith.constant 256 : index
      %swap3A_794 = tpu.vector_load %arg9[%swap3A_792, %swap3A_793] {strides = array<i32>} : memref<2x768xf32, #tpu.memory_space<vmem>>, vector<16xf32>,
      tpu.vector_store %arg9[%swap3A_792, %swap3A_793], %add3A_790 {strides = array<i32>} : memref<2x768xf32, #tpu.memory_space<vmem>>, vector<16xf32>,
      %get3A_795 = arith.constant 0 : i32
      %get3A_796 = arith.index_cast %get3A_795 : i32 to index
      %get3A_797 = arith.constant 272 : index
      %get3A_798 = tpu.vector_load %arg9[%get3A_796, %get3A_797] {strides = array<i32>} : memref<2x768xf32, #tpu.memory_space<vmem>>, vector<16xf32>,
      %add3A_799 = arith.addf %get3A_798, %scan3A_784#1 : vector<16xf32>
      %swap3A_800 = arith.constant 0 : i32
      %swap3A_801 = arith.index_cast %swap3A_800 : i32 to index
      %swap3A_802 = arith.constant 272 : index
      %swap3A_803 = tpu.vector_load %arg9[%swap3A_801, %swap3A_802] {strides = array<i32>} : memref<2x768xf32, #tpu.memory_space<vmem>>, vector<16xf32>,
      tpu.vector_store %arg9[%swap3A_801, %swap3A_802], %add3A_799 {strides = array<i32>} : memref<2x768xf32, #tpu.memory_space<vmem>>, vector<16xf32>,
      %get3A_804 = arith.constant 0 : i32
      %get3A_805 = arith.index_cast %get3A_804 : i32 to index
      %get3A_806 = arith.constant 288 : index
      %get3A_807 = tpu.vector_load %arg9[%get3A_805, %get3A_806] {strides = array<i32>} : memref<2x768xf32, #tpu.memory_space<vmem>>, vector<16xf32>,
      %add3A_808 = arith.addf %get3A_807, %scan3A_784#2 : vector<16xf32>
      %swap3A_809 = arith.constant 0 : i32
      %swap3A_810 = arith.index_cast %swap3A_809 : i32 to index
      %swap3A_811 = arith.constant 288 : index
      %swap3A_812 = tpu.vector_load %arg9[%swap3A_810, %swap3A_811] {strides = array<i32>} : memref<2x768xf32, #tpu.memory_space<vmem>>, vector<16xf32>,
      tpu.vector_store %arg9[%swap3A_810, %swap3A_811], %add3A_808 {strides = array<i32>} : memref<2x768xf32, #tpu.memory_space<vmem>>, vector<16xf32>,
      %get3A_813 = arith.constant 0 : i32
      %get3A_814 = arith.index_cast %get3A_813 : i32 to index
      %get3A_815 = arith.constant 304 : index
      %get3A_816 = tpu.vector_load %arg9[%get3A_814, %get3A_815] {strides = array<i32>} : memref<2x768xf32, #tpu.memory_space<vmem>>, vector<16xf32>,
      %add3A_817 = arith.addf %get3A_816, %scan3A_784#3 : vector<16xf32>
      %swap3A_818 = arith.constant 0 : i32
      %swap3A_819 = arith.index_cast %swap3A_818 : i32 to index
      %swap3A_820 = arith.constant 304 : index
      %swap3A_821 = tpu.vector_load %arg9[%swap3A_819, %swap3A_820] {strides = array<i32>} : memref<2x768xf32, #tpu.memory_space<vmem>>, vector<16xf32>,
      tpu.vector_store %arg9[%swap3A_819, %swap3A_820], %add3A_817 {strides = array<i32>} : memref<2x768xf32, #tpu.memory_space<vmem>>, vector<16xf32>,
      %get3A_822 = arith.constant 0 : i32
      %get3A_823 = arith.index_cast %get3A_822 : i32 to index
      %get3A_824 = arith.constant 320 : index
      %get3A_825 = tpu.vector_load %arg9[%get3A_823, %get3A_824] {strides = array<i32>} : memref<2x768xf32, #tpu.memory_space<vmem>>, vector<16xf32>,
      %add3A_826 = arith.addf %get3A_825, %scan3A_784#4 : vector<16xf32>
      %swap3A_827 = arith.constant 0 : i32
      %swap3A_828 = arith.index_cast %swap3A_827 : i32 to index
      %swap3A_829 = arith.constant 320 : index
      %swap3A_830 = tpu.vector_load %arg9[%swap3A_828, %swap3A_829] {strides = array<i32>} : memref<2x768xf32, #tpu.memory_space<vmem>>, vector<16xf32>,
      tpu.vector_store %arg9[%swap3A_828, %swap3A_829], %add3A_826 {strides = array<i32>} : memref<2x768xf32, #tpu.memory_space<vmem>>, vector<16xf32>,
      %get3A_831 = arith.constant 0 : i32
      %get3A_832 = arith.index_cast %get3A_831 : i32 to index
      %get3A_833 = arith.constant 336 : index
      %get3A_834 = tpu.vector_load %arg9[%get3A_832, %get3A_833] {strides = array<i32>} : memref<2x768xf32, #tpu.memory_space<vmem>>, vector<16xf32>,
      %add3A_835 = arith.addf %get3A_834, %scan3A_784#5 : vector<16xf32>
      %swap3A_836 = arith.constant 0 : i32
      %swap3A_837 = arith.index_cast %swap3A_836 : i32 to index
      %swap3A_838 = arith.constant 336 : index
      %swap3A_839 = tpu.vector_load %arg9[%swap3A_837, %swap3A_838] {strides = array<i32>} : memref<2x768xf32, #tpu.memory_space<vmem>>, vector<16xf32>,
      tpu.vector_store %arg9[%swap3A_837, %swap3A_838], %add3A_835 {strides = array<i32>} : memref<2x768xf32, #tpu.memory_space<vmem>>, vector<16xf32>,
      %get3A_840 = arith.constant 0 : i32
      %get3A_841 = arith.index_cast %get3A_840 : i32 to index
      %get3A_842 = arith.constant 352 : index
      %get3A_843 = tpu.vector_load %arg9[%get3A_841, %get3A_842] {strides = array<i32>} : memref<2x768xf32, #tpu.memory_space<vmem>>, vector<16xf32>,
      %add3A_844 = arith.addf %get3A_843, %scan3A_784#6 : vector<16xf32>
      %swap3A_845 = arith.constant 0 : i32
      %swap3A_846 = arith.index_cast %swap3A_845 : i32 to index
      %swap3A_847 = arith.constant 352 : index
      %swap3A_848 = tpu.vector_load %arg9[%swap3A_846, %swap3A_847] {strides = array<i32>} : memref<2x768xf32, #tpu.memory_space<vmem>>, vector<16xf32>,
      tpu.vector_store %arg9[%swap3A_846, %swap3A_847], %add3A_844 {strides = array<i32>} : memref<2x768xf32, #tpu.memory_space<vmem>>, vector<16xf32>,
      %get3A_849 = arith.constant 0 : i32
      %get3A_850 = arith.index_cast %get3A_849 : i32 to index
      %get3A_851 = arith.constant 368 : index
      %get3A_852 = tpu.vector_load %arg9[%get3A_850, %get3A_851] {strides = array<i32>} : memref<2x768xf32, #tpu.memory_space<vmem>>, vector<16xf32>,
      %add3A_853 = arith.addf %get3A_852, %scan3A_784#7 : vector<16xf32>
      %swap3A_854 = arith.constant 0 : i32
      %swap3A_855 = arith.index_cast %swap3A_854 : i32 to index
      %swap3A_856 = arith.constant 368 : index
      %swap3A_857 = tpu.vector_load %arg9[%swap3A_855, %swap3A_856] {strides = array<i32>} : memref<2x768xf32, #tpu.memory_space<vmem>>, vector<16xf32>,
      tpu.vector_store %arg9[%swap3A_855, %swap3A_856], %add3A_853 {strides = array<i32>} : memref<2x768xf32, #tpu.memory_space<vmem>>, vector<16xf32>,
      %get3A_858 = arith.constant 1 : i32
      %get3A_859 = arith.index_cast %get3A_858 : i32 to index
      %get3A_860 = arith.constant 256 : index
      %get3A_861 = tpu.vector_load %arg9[%get3A_859, %get3A_860] {strides = array<i32>} : memref<2x768xf32, #tpu.memory_space<vmem>>, vector<16xf32>,
      %add3A_862 = arith.addf %get3A_861, %scan3A_784#8 : vector<16xf32>
      %swap3A_863 = arith.constant 1 : i32
      %swap3A_864 = arith.index_cast %swap3A_863 : i32 to index
      %swap3A_865 = arith.constant 256 : index
      %swap3A_866 = tpu.vector_load %arg9[%swap3A_864, %swap3A_865] {strides = array<i32>} : memref<2x768xf32, #tpu.memory_space<vmem>>, vector<16xf32>,
      tpu.vector_store %arg9[%swap3A_864, %swap3A_865], %add3A_862 {strides = array<i32>} : memref<2x768xf32, #tpu.memory_space<vmem>>, vector<16xf32>,
      %get3A_867 = arith.constant 1 : i32
      %get3A_868 = arith.index_cast %get3A_867 : i32 to index
      %get3A_869 = arith.constant 272 : index
      %get3A_870 = tpu.vector_load %arg9[%get3A_868, %get3A_869] {strides = array<i32>} : memref<2x768xf32, #tpu.memory_space<vmem>>, vector<16xf32>,
      %add3A_871 = arith.addf %get3A_870, %scan3A_784#9 : vector<16xf32>
      %swap3A_872 = arith.constant 1 : i32
      %swap3A_873 = arith.index_cast %swap3A_872 : i32 to index
      %swap3A_874 = arith.constant 272 : index
      %swap3A_875 = tpu.vector_load %arg9[%swap3A_873, %swap3A_874] {strides = array<i32>} : memref<2x768xf32, #tpu.memory_space<vmem>>, vector<16xf32>,
      tpu.vector_store %arg9[%swap3A_873, %swap3A_874], %add3A_871 {strides = array<i32>} : memref<2x768xf32, #tpu.memory_space<vmem>>, vector<16xf32>,
      %get3A_876 = arith.constant 1 : i32
      %get3A_877 = arith.index_cast %get3A_876 : i32 to index
      %get3A_878 = arith.constant 288 : index
      %get3A_879 = tpu.vector_load %arg9[%get3A_877, %get3A_878] {strides = array<i32>} : memref<2x768xf32, #tpu.memory_space<vmem>>, vector<16xf32>,
      %add3A_880 = arith.addf %get3A_879, %scan3A_784#10 : vector<16xf32>
      %swap3A_881 = arith.constant 1 : i32
      %swap3A_882 = arith.index_cast %swap3A_881 : i32 to index
      %swap3A_883 = arith.constant 288 : index
      %swap3A_884 = tpu.vector_load %arg9[%swap3A_882, %swap3A_883] {strides = array<i32>} : memref<2x768xf32, #tpu.memory_space<vmem>>, vector<16xf32>,
      tpu.vector_store %arg9[%swap3A_882, %swap3A_883], %add3A_880 {strides = array<i32>} : memref<2x768xf32, #tpu.memory_space<vmem>>, vector<16xf32>,
      %get3A_885 = arith.constant 1 : i32
      %get3A_886 = arith.index_cast %get3A_885 : i32 to index
      %get3A_887 = arith.constant 304 : index
      %get3A_888 = tpu.vector_load %arg9[%get3A_886, %get3A_887] {strides = array<i32>} : memref<2x768xf32, #tpu.memory_space<vmem>>, vector<16xf32>,
      %add3A_889 = arith.addf %get3A_888, %scan3A_784#11 : vector<16xf32>
      %swap3A_890 = arith.constant 1 : i32
      %swap3A_891 = arith.index_cast %swap3A_890 : i32 to index
      %swap3A_892 = arith.constant 304 : index
      %swap3A_893 = tpu.vector_load %arg9[%swap3A_891, %swap3A_892] {strides = array<i32>} : memref<2x768xf32, #tpu.memory_space<vmem>>, vector<16xf32>,
      tpu.vector_store %arg9[%swap3A_891, %swap3A_892], %add3A_889 {strides = array<i32>} : memref<2x768xf32, #tpu.memory_space<vmem>>, vector<16xf32>,
      %get3A_894 = arith.constant 1 : i32
      %get3A_895 = arith.index_cast %get3A_894 : i32 to index
      %get3A_896 = arith.constant 320 : index
      %get3A_897 = tpu.vector_load %arg9[%get3A_895, %get3A_896] {strides = array<i32>} : memref<2x768xf32, #tpu.memory_space<vmem>>, vector<16xf32>,
      %add3A_898 = arith.addf %get3A_897, %scan3A_784#12 : vector<16xf32>
      %swap3A_899 = arith.constant 1 : i32
      %swap3A_900 = arith.index_cast %swap3A_899 : i32 to index
      %swap3A_901 = arith.constant 320 : index
      %swap3A_902 = tpu.vector_load %arg9[%swap3A_900, %swap3A_901] {strides = array<i32>} : memref<2x768xf32, #tpu.memory_space<vmem>>, vector<16xf32>,
      tpu.vector_store %arg9[%swap3A_900, %swap3A_901], %add3A_898 {strides = array<i32>} : memref<2x768xf32, #tpu.memory_space<vmem>>, vector<16xf32>,
      %get3A_903 = arith.constant 1 : i32
      %get3A_904 = arith.index_cast %get3A_903 : i32 to index
      %get3A_905 = arith.constant 336 : index
      %get3A_906 = tpu.vector_load %arg9[%get3A_904, %get3A_905] {strides = array<i32>} : memref<2x768xf32, #tpu.memory_space<vmem>>, vector<16xf32>,
      %add3A_907 = arith.addf %get3A_906, %scan3A_784#13 : vector<16xf32>
      %swap3A_908 = arith.constant 1 : i32
      %swap3A_909 = arith.index_cast %swap3A_908 : i32 to index
      %swap3A_910 = arith.constant 336 : index
      %swap3A_911 = tpu.vector_load %arg9[%swap3A_909, %swap3A_910] {strides = array<i32>} : memref<2x768xf32, #tpu.memory_space<vmem>>, vector<16xf32>,
      tpu.vector_store %arg9[%swap3A_909, %swap3A_910], %add3A_907 {strides = array<i32>} : memref<2x768xf32, #tpu.memory_space<vmem>>, vector<16xf32>,
      %get3A_912 = arith.constant 1 : i32
      %get3A_913 = arith.index_cast %get3A_912 : i32 to index
      %get3A_914 = arith.constant 352 : index
      %get3A_915 = tpu.vector_load %arg9[%get3A_913, %get3A_914] {strides = array<i32>} : memref<2x768xf32, #tpu.memory_space<vmem>>, vector<16xf32>,
      %add3A_916 = arith.addf %get3A_915, %scan3A_784#14 : vector<16xf32>
      %swap3A_917 = arith.constant 1 : i32
      %swap3A_918 = arith.index_cast %swap3A_917 : i32 to index
      %swap3A_919 = arith.constant 352 : index
      %swap3A_920 = tpu.vector_load %arg9[%swap3A_918, %swap3A_919] {strides = array<i32>} : memref<2x768xf32, #tpu.memory_space<vmem>>, vector<16xf32>,
      tpu.vector_store %arg9[%swap3A_918, %swap3A_919], %add3A_916 {strides = array<i32>} : memref<2x768xf32, #tpu.memory_space<vmem>>, vector<16xf32>,
      %get3A_921 = arith.constant 1 : i32
      %get3A_922 = arith.index_cast %get3A_921 : i32 to index
      %get3A_923 = arith.constant 368 : index
      %get3A_924 = tpu.vector_load %arg9[%get3A_922, %get3A_923] {strides = array<i32>} : memref<2x768xf32, #tpu.memory_space<vmem>>, vector<16xf32>,
      %add3A_925 = arith.addf %get3A_924, %scan3A_784#15 : vector<16xf32>
      %swap3A_926 = arith.constant 1 : i32
      %swap3A_927 = arith.index_cast %swap3A_926 : i32 to index
      %swap3A_928 = arith.constant 368 : index
      %swap3A_929 = tpu.vector_load %arg9[%swap3A_927, %swap3A_928] {strides = array<i32>} : memref<2x768xf32, #tpu.memory_space<vmem>>, vector<16xf32>,
      tpu.vector_store %arg9[%swap3A_927, %swap3A_928], %add3A_925 {strides = array<i32>} : memref<2x768xf32, #tpu.memory_space<vmem>>, vector<16xf32>,
      %broadcast_in_dim3A_930 = arith.constant 0.000000e+00 : f32
      %broadcast_in_dim3A_931 = vector.broadcast %broadcast_in_dim3A_930 : f32 to vector<16xf32>
      %broadcast_in_dim3A_932 = arith.constant 0.000000e+00 : f32
      %broadcast_in_dim3A_933 = vector.broadcast %broadcast_in_dim3A_932 : f32 to vector<16xf32>
      %broadcast_in_dim3A_934 = arith.constant 0.000000e+00 : f32
      %broadcast_in_dim3A_935 = vector.broadcast %broadcast_in_dim3A_934 : f32 to vector<16xf32>
      %broadcast_in_dim3A_936 = arith.constant 0.000000e+00 : f32
      %broadcast_in_dim3A_937 = vector.broadcast %broadcast_in_dim3A_936 : f32 to vector<16xf32>
      %broadcast_in_dim3A_938 = arith.constant 0.000000e+00 : f32
      %broadcast_in_dim3A_939 = vector.broadcast %broadcast_in_dim3A_938 : f32 to vector<16xf32>
      %broadcast_in_dim3A_940 = arith.constant 0.000000e+00 : f32
      %broadcast_in_dim3A_941 = vector.broadcast %broadcast_in_dim3A_940 : f32 to vector<16xf32>
      %broadcast_in_dim3A_942 = arith.constant 0.000000e+00 : f32
      %broadcast_in_dim3A_943 = vector.broadcast %broadcast_in_dim3A_942 : f32 to vector<16xf32>
      %broadcast_in_dim3A_944 = arith.constant 0.000000e+00 : f32
      %broadcast_in_dim3A_945 = vector.broadcast %broadcast_in_dim3A_944 : f32 to vector<16xf32>
      %scan3A_946 = arith.constant 0 : i32
      %scan3A_947 = arith.constant 16 : i32
      %scan3A_948 = arith.addi %scan3A_946, %scan3A_947 : i32
      %scan3A_949 = arith.constant 1 : i32
      %scan3A_950:16 = scf.for %scan3A_1428 = %scan3A_946 to %scan3A_948 step %scan3A_949 iter_args(%scan3A_1429 = %broadcast_in_dim3A_931, %scan3A_1430 = %broadcast_in_dim3A_933, %scan3A_1431 = %broadcast_in_dim3A_935, %scan3A_1432 = %broadcast_in_dim3A_937, %scan3A_1433 = %broadcast_in_dim3A_939, %scan3A_1434 = %broadcast_in_dim3A_941, %scan3A_1435 = %broadcast_in_dim3A_943, %scan3A_1436 = %broadcast_in_dim3A_945, %scan3A_1437 = %broadcast_in_dim3A_931, %scan3A_1438 = %broadcast_in_dim3A_933, %scan3A_1439 = %broadcast_in_dim3A_935, %scan3A_1440 = %broadcast_in_dim3A_937, %scan3A_1441 = %broadcast_in_dim3A_939, %scan3A_1442 = %broadcast_in_dim3A_941, %scan3A_1443 = %broadcast_in_dim3A_943, %scan3A_1444 = %broadcast_in_dim3A_945) -> (vector<16xf32>, vector<16xf32>, vector<16xf32>, vector<16xf32>, vector<16xf32>, vector<16xf32>, vector<16xf32>, vector<16xf32>, vector<16xf32>, vector<16xf32>, vector<16xf32>, vector<16xf32>, vector<16xf32>, vector<16xf32>, vector<16xf32>, vector<16xf32>)  : i32 {
        %broadcast_in_dim3A_1445 = vector.broadcast %scan3A_1428 : i32 to vector<16xi32>
        %gather3A = tpu.vector_load_idx %arg7[%broadcast_in_dim3A_1445] : memref<16xf32, #tpu.memory_space<vmem>>[vector<16xi32>], vector<16xf32>,
        %get3A_1446 = arith.index_cast %scan3A_1428 : i32 to index
        %get3A_1447 = arith.constant 384 : index
        %get3A_1448 = tpu.vector_load %arg8[%get3A_1446, %get3A_1447] {strides = array<i32>} : memref<16x768xf32, #tpu.memory_space<vmem>>, vector<16xf32>,
        %mul3A_1449 = arith.mulf %gather3A, %get3A_1448 : vector<16xf32>
        %add3A_1450 = arith.addf %scan3A_1429, %mul3A_1449 : vector<16xf32>
        %add3A_1451 = arith.addf %scan3A_1437, %get3A_1448 : vector<16xf32>
        %get3A_1452 = arith.index_cast %scan3A_1428 : i32 to index
        %get3A_1453 = arith.constant 400 : index
        %get3A_1454 = tpu.vector_load %arg8[%get3A_1452, %get3A_1453] {strides = array<i32>} : memref<16x768xf32, #tpu.memory_space<vmem>>, vector<16xf32>,
        %mul3A_1455 = arith.mulf %gather3A, %get3A_1454 : vector<16xf32>
        %add3A_1456 = arith.addf %scan3A_1430, %mul3A_1455 : vector<16xf32>
        %add3A_1457 = arith.addf %scan3A_1438, %get3A_1454 : vector<16xf32>
        %get3A_1458 = arith.index_cast %scan3A_1428 : i32 to index
        %get3A_1459 = arith.constant 416 : index
        %get3A_1460 = tpu.vector_load %arg8[%get3A_1458, %get3A_1459] {strides = array<i32>} : memref<16x768xf32, #tpu.memory_space<vmem>>, vector<16xf32>,
        %mul3A_1461 = arith.mulf %gather3A, %get3A_1460 : vector<16xf32>
        %add3A_1462 = arith.addf %scan3A_1431, %mul3A_1461 : vector<16xf32>
        %add3A_1463 = arith.addf %scan3A_1439, %get3A_1460 : vector<16xf32>
        %get3A_1464 = arith.index_cast %scan3A_1428 : i32 to index
        %get3A_1465 = arith.constant 432 : index
        %get3A_1466 = tpu.vector_load %arg8[%get3A_1464, %get3A_1465] {strides = array<i32>} : memref<16x768xf32, #tpu.memory_space<vmem>>, vector<16xf32>,
        %mul3A_1467 = arith.mulf %gather3A, %get3A_1466 : vector<16xf32>
        %add3A_1468 = arith.addf %scan3A_1432, %mul3A_1467 : vector<16xf32>
        %add3A_1469 = arith.addf %scan3A_1440, %get3A_1466 : vector<16xf32>
        %get3A_1470 = arith.index_cast %scan3A_1428 : i32 to index
        %get3A_1471 = arith.constant 448 : index
        %get3A_1472 = tpu.vector_load %arg8[%get3A_1470, %get3A_1471] {strides = array<i32>} : memref<16x768xf32, #tpu.memory_space<vmem>>, vector<16xf32>,
        %mul3A_1473 = arith.mulf %gather3A, %get3A_1472 : vector<16xf32>
        %add3A_1474 = arith.addf %scan3A_1433, %mul3A_1473 : vector<16xf32>
        %add3A_1475 = arith.addf %scan3A_1441, %get3A_1472 : vector<16xf32>
        %get3A_1476 = arith.index_cast %scan3A_1428 : i32 to index
        %get3A_1477 = arith.constant 464 : index
        %get3A_1478 = tpu.vector_load %arg8[%get3A_1476, %get3A_1477] {strides = array<i32>} : memref<16x768xf32, #tpu.memory_space<vmem>>, vector<16xf32>,
        %mul3A_1479 = arith.mulf %gather3A, %get3A_1478 : vector<16xf32>
        %add3A_1480 = arith.addf %scan3A_1434, %mul3A_1479 : vector<16xf32>
        %add3A_1481 = arith.addf %scan3A_1442, %get3A_1478 : vector<16xf32>
        %get3A_1482 = arith.index_cast %scan3A_1428 : i32 to index
        %get3A_1483 = arith.constant 480 : index
        %get3A_1484 = tpu.vector_load %arg8[%get3A_1482, %get3A_1483] {strides = array<i32>} : memref<16x768xf32, #tpu.memory_space<vmem>>, vector<16xf32>,
        %mul3A_1485 = arith.mulf %gather3A, %get3A_1484 : vector<16xf32>
        %add3A_1486 = arith.addf %scan3A_1435, %mul3A_1485 : vector<16xf32>
        %add3A_1487 = arith.addf %scan3A_1443, %get3A_1484 : vector<16xf32>
        %get3A_1488 = arith.index_cast %scan3A_1428 : i32 to index
        %get3A_1489 = arith.constant 496 : index
        %get3A_1490 = tpu.vector_load %arg8[%get3A_1488, %get3A_1489] {strides = array<i32>} : memref<16x768xf32, #tpu.memory_space<vmem>>, vector<16xf32>,
        %mul3A_1491 = arith.mulf %gather3A, %get3A_1490 : vector<16xf32>
        %add3A_1492 = arith.addf %scan3A_1436, %mul3A_1491 : vector<16xf32>
        %add3A_1493 = arith.addf %scan3A_1444, %get3A_1490 : vector<16xf32>
        scf.yield %add3A_1450, %add3A_1456, %add3A_1462, %add3A_1468, %add3A_1474, %add3A_1480, %add3A_1486, %add3A_1492, %add3A_1451, %add3A_1457, %add3A_1463, %add3A_1469, %add3A_1475, %add3A_1481, %add3A_1487, %add3A_1493 : vector<16xf32>, vector<16xf32>, vector<16xf32>, vector<16xf32>, vector<16xf32>, vector<16xf32>, vector<16xf32>, vector<16xf32>, vector<16xf32>, vector<16xf32>, vector<16xf32>, vector<16xf32>, vector<16xf32>, vector<16xf32>, vector<16xf32>, vector<16xf32>
      }
      %scan3A_951 = arith.constant 16 : i32
      %get3A_952 = arith.constant 0 : i32
      %get3A_953 = arith.index_cast %get3A_952 : i32 to index
      %get3A_954 = arith.constant 384 : index
      %get3A_955 = tpu.vector_load %arg9[%get3A_953, %get3A_954] {strides = array<i32>} : memref<2x768xf32, #tpu.memory_space<vmem>>, vector<16xf32>,
      %add3A_956 = arith.addf %get3A_955, %scan3A_950#0 : vector<16xf32>
      %swap3A_957 = arith.constant 0 : i32
      %swap3A_958 = arith.index_cast %swap3A_957 : i32 to index
      %swap3A_959 = arith.constant 384 : index
      %swap3A_960 = tpu.vector_load %arg9[%swap3A_958, %swap3A_959] {strides = array<i32>} : memref<2x768xf32, #tpu.memory_space<vmem>>, vector<16xf32>,
      tpu.vector_store %arg9[%swap3A_958, %swap3A_959], %add3A_956 {strides = array<i32>} : memref<2x768xf32, #tpu.memory_space<vmem>>, vector<16xf32>,
      %get3A_961 = arith.constant 0 : i32
      %get3A_962 = arith.index_cast %get3A_961 : i32 to index
      %get3A_963 = arith.constant 400 : index
      %get3A_964 = tpu.vector_load %arg9[%get3A_962, %get3A_963] {strides = array<i32>} : memref<2x768xf32, #tpu.memory_space<vmem>>, vector<16xf32>,
      %add3A_965 = arith.addf %get3A_964, %scan3A_950#1 : vector<16xf32>
      %swap3A_966 = arith.constant 0 : i32
      %swap3A_967 = arith.index_cast %swap3A_966 : i32 to index
      %swap3A_968 = arith.constant 400 : index
      %swap3A_969 = tpu.vector_load %arg9[%swap3A_967, %swap3A_968] {strides = array<i32>} : memref<2x768xf32, #tpu.memory_space<vmem>>, vector<16xf32>,
      tpu.vector_store %arg9[%swap3A_967, %swap3A_968], %add3A_965 {strides = array<i32>} : memref<2x768xf32, #tpu.memory_space<vmem>>, vector<16xf32>,
      %get3A_970 = arith.constant 0 : i32
      %get3A_971 = arith.index_cast %get3A_970 : i32 to index
      %get3A_972 = arith.constant 416 : index
      %get3A_973 = tpu.vector_load %arg9[%get3A_971, %get3A_972] {strides = array<i32>} : memref<2x768xf32, #tpu.memory_space<vmem>>, vector<16xf32>,
      %add3A_974 = arith.addf %get3A_973, %scan3A_950#2 : vector<16xf32>
      %swap3A_975 = arith.constant 0 : i32
      %swap3A_976 = arith.index_cast %swap3A_975 : i32 to index
      %swap3A_977 = arith.constant 416 : index
      %swap3A_978 = tpu.vector_load %arg9[%swap3A_976, %swap3A_977] {strides = array<i32>} : memref<2x768xf32, #tpu.memory_space<vmem>>, vector<16xf32>,
      tpu.vector_store %arg9[%swap3A_976, %swap3A_977], %add3A_974 {strides = array<i32>} : memref<2x768xf32, #tpu.memory_space<vmem>>, vector<16xf32>,
      %get3A_979 = arith.constant 0 : i32
      %get3A_980 = arith.index_cast %get3A_979 : i32 to index
      %get3A_981 = arith.constant 432 : index
      %get3A_982 = tpu.vector_load %arg9[%get3A_980, %get3A_981] {strides = array<i32>} : memref<2x768xf32, #tpu.memory_space<vmem>>, vector<16xf32>,
      %add3A_983 = arith.addf %get3A_982, %scan3A_950#3 : vector<16xf32>
      %swap3A_984 = arith.constant 0 : i32
      %swap3A_985 = arith.index_cast %swap3A_984 : i32 to index
      %swap3A_986 = arith.constant 432 : index
      %swap3A_987 = tpu.vector_load %arg9[%swap3A_985, %swap3A_986] {strides = array<i32>} : memref<2x768xf32, #tpu.memory_space<vmem>>, vector<16xf32>,
      tpu.vector_store %arg9[%swap3A_985, %swap3A_986], %add3A_983 {strides = array<i32>} : memref<2x768xf32, #tpu.memory_space<vmem>>, vector<16xf32>,
      %get3A_988 = arith.constant 0 : i32
      %get3A_989 = arith.index_cast %get3A_988 : i32 to index
      %get3A_990 = arith.constant 448 : index
      %get3A_991 = tpu.vector_load %arg9[%get3A_989, %get3A_990] {strides = array<i32>} : memref<2x768xf32, #tpu.memory_space<vmem>>, vector<16xf32>,
      %add3A_992 = arith.addf %get3A_991, %scan3A_950#4 : vector<16xf32>
      %swap3A_993 = arith.constant 0 : i32
      %swap3A_994 = arith.index_cast %swap3A_993 : i32 to index
      %swap3A_995 = arith.constant 448 : index
      %swap3A_996 = tpu.vector_load %arg9[%swap3A_994, %swap3A_995] {strides = array<i32>} : memref<2x768xf32, #tpu.memory_space<vmem>>, vector<16xf32>,
      tpu.vector_store %arg9[%swap3A_994, %swap3A_995], %add3A_992 {strides = array<i32>} : memref<2x768xf32, #tpu.memory_space<vmem>>, vector<16xf32>,
      %get3A_997 = arith.constant 0 : i32
      %get3A_998 = arith.index_cast %get3A_997 : i32 to index
      %get3A_999 = arith.constant 464 : index
      %get3A_1000 = tpu.vector_load %arg9[%get3A_998, %get3A_999] {strides = array<i32>} : memref<2x768xf32, #tpu.memory_space<vmem>>, vector<16xf32>,
      %add3A_1001 = arith.addf %get3A_1000, %scan3A_950#5 : vector<16xf32>
      %swap3A_1002 = arith.constant 0 : i32
      %swap3A_1003 = arith.index_cast %swap3A_1002 : i32 to index
      %swap3A_1004 = arith.constant 464 : index
      %swap3A_1005 = tpu.vector_load %arg9[%swap3A_1003, %swap3A_1004] {strides = array<i32>} : memref<2x768xf32, #tpu.memory_space<vmem>>, vector<16xf32>,
      tpu.vector_store %arg9[%swap3A_1003, %swap3A_1004], %add3A_1001 {strides = array<i32>} : memref<2x768xf32, #tpu.memory_space<vmem>>, vector<16xf32>,
      %get3A_1006 = arith.constant 0 : i32
      %get3A_1007 = arith.index_cast %get3A_1006 : i32 to index
      %get3A_1008 = arith.constant 480 : index
      %get3A_1009 = tpu.vector_load %arg9[%get3A_1007, %get3A_1008] {strides = array<i32>} : memref<2x768xf32, #tpu.memory_space<vmem>>, vector<16xf32>,
      %add3A_1010 = arith.addf %get3A_1009, %scan3A_950#6 : vector<16xf32>
      %swap3A_1011 = arith.constant 0 : i32
      %swap3A_1012 = arith.index_cast %swap3A_1011 : i32 to index
      %swap3A_1013 = arith.constant 480 : index
      %swap3A_1014 = tpu.vector_load %arg9[%swap3A_1012, %swap3A_1013] {strides = array<i32>} : memref<2x768xf32, #tpu.memory_space<vmem>>, vector<16xf32>,
      tpu.vector_store %arg9[%swap3A_1012, %swap3A_1013], %add3A_1010 {strides = array<i32>} : memref<2x768xf32, #tpu.memory_space<vmem>>, vector<16xf32>,
      %get3A_1015 = arith.constant 0 : i32
      %get3A_1016 = arith.index_cast %get3A_1015 : i32 to index
      %get3A_1017 = arith.constant 496 : index
      %get3A_1018 = tpu.vector_load %arg9[%get3A_1016, %get3A_1017] {strides = array<i32>} : memref<2x768xf32, #tpu.memory_space<vmem>>, vector<16xf32>,
      %add3A_1019 = arith.addf %get3A_1018, %scan3A_950#7 : vector<16xf32>
      %swap3A_1020 = arith.constant 0 : i32
      %swap3A_1021 = arith.index_cast %swap3A_1020 : i32 to index
      %swap3A_1022 = arith.constant 496 : index
      %swap3A_1023 = tpu.vector_load %arg9[%swap3A_1021, %swap3A_1022] {strides = array<i32>} : memref<2x768xf32, #tpu.memory_space<vmem>>, vector<16xf32>,
      tpu.vector_store %arg9[%swap3A_1021, %swap3A_1022], %add3A_1019 {strides = array<i32>} : memref<2x768xf32, #tpu.memory_space<vmem>>, vector<16xf32>,
      %get3A_1024 = arith.constant 1 : i32
      %get3A_1025 = arith.index_cast %get3A_1024 : i32 to index
      %get3A_1026 = arith.constant 384 : index
      %get3A_1027 = tpu.vector_load %arg9[%get3A_1025, %get3A_1026] {strides = array<i32>} : memref<2x768xf32, #tpu.memory_space<vmem>>, vector<16xf32>,
      %add3A_1028 = arith.addf %get3A_1027, %scan3A_950#8 : vector<16xf32>
      %swap3A_1029 = arith.constant 1 : i32
      %swap3A_1030 = arith.index_cast %swap3A_1029 : i32 to index
      %swap3A_1031 = arith.constant 384 : index
      %swap3A_1032 = tpu.vector_load %arg9[%swap3A_1030, %swap3A_1031] {strides = array<i32>} : memref<2x768xf32, #tpu.memory_space<vmem>>, vector<16xf32>,
      tpu.vector_store %arg9[%swap3A_1030, %swap3A_1031], %add3A_1028 {strides = array<i32>} : memref<2x768xf32, #tpu.memory_space<vmem>>, vector<16xf32>,
      %get3A_1033 = arith.constant 1 : i32
      %get3A_1034 = arith.index_cast %get3A_1033 : i32 to index
      %get3A_1035 = arith.constant 400 : index
      %get3A_1036 = tpu.vector_load %arg9[%get3A_1034, %get3A_1035] {strides = array<i32>} : memref<2x768xf32, #tpu.memory_space<vmem>>, vector<16xf32>,
      %add3A_1037 = arith.addf %get3A_1036, %scan3A_950#9 : vector<16xf32>
      %swap3A_1038 = arith.constant 1 : i32
      %swap3A_1039 = arith.index_cast %swap3A_1038 : i32 to index
      %swap3A_1040 = arith.constant 400 : index
      %swap3A_1041 = tpu.vector_load %arg9[%swap3A_1039, %swap3A_1040] {strides = array<i32>} : memref<2x768xf32, #tpu.memory_space<vmem>>, vector<16xf32>,
      tpu.vector_store %arg9[%swap3A_1039, %swap3A_1040], %add3A_1037 {strides = array<i32>} : memref<2x768xf32, #tpu.memory_space<vmem>>, vector<16xf32>,
      %get3A_1042 = arith.constant 1 : i32
      %get3A_1043 = arith.index_cast %get3A_1042 : i32 to index
      %get3A_1044 = arith.constant 416 : index
      %get3A_1045 = tpu.vector_load %arg9[%get3A_1043, %get3A_1044] {strides = array<i32>} : memref<2x768xf32, #tpu.memory_space<vmem>>, vector<16xf32>,
      %add3A_1046 = arith.addf %get3A_1045, %scan3A_950#10 : vector<16xf32>
      %swap3A_1047 = arith.constant 1 : i32
      %swap3A_1048 = arith.index_cast %swap3A_1047 : i32 to index
      %swap3A_1049 = arith.constant 416 : index
      %swap3A_1050 = tpu.vector_load %arg9[%swap3A_1048, %swap3A_1049] {strides = array<i32>} : memref<2x768xf32, #tpu.memory_space<vmem>>, vector<16xf32>,
      tpu.vector_store %arg9[%swap3A_1048, %swap3A_1049], %add3A_1046 {strides = array<i32>} : memref<2x768xf32, #tpu.memory_space<vmem>>, vector<16xf32>,
      %get3A_1051 = arith.constant 1 : i32
      %get3A_1052 = arith.index_cast %get3A_1051 : i32 to index
      %get3A_1053 = arith.constant 432 : index
      %get3A_1054 = tpu.vector_load %arg9[%get3A_1052, %get3A_1053] {strides = array<i32>} : memref<2x768xf32, #tpu.memory_space<vmem>>, vector<16xf32>,
      %add3A_1055 = arith.addf %get3A_1054, %scan3A_950#11 : vector<16xf32>
      %swap3A_1056 = arith.constant 1 : i32
      %swap3A_1057 = arith.index_cast %swap3A_1056 : i32 to index
      %swap3A_1058 = arith.constant 432 : index
      %swap3A_1059 = tpu.vector_load %arg9[%swap3A_1057, %swap3A_1058] {strides = array<i32>} : memref<2x768xf32, #tpu.memory_space<vmem>>, vector<16xf32>,
      tpu.vector_store %arg9[%swap3A_1057, %swap3A_1058], %add3A_1055 {strides = array<i32>} : memref<2x768xf32, #tpu.memory_space<vmem>>, vector<16xf32>,
      %get3A_1060 = arith.constant 1 : i32
      %get3A_1061 = arith.index_cast %get3A_1060 : i32 to index
      %get3A_1062 = arith.constant 448 : index
      %get3A_1063 = tpu.vector_load %arg9[%get3A_1061, %get3A_1062] {strides = array<i32>} : memref<2x768xf32, #tpu.memory_space<vmem>>, vector<16xf32>,
      %add3A_1064 = arith.addf %get3A_1063, %scan3A_950#12 : vector<16xf32>
      %swap3A_1065 = arith.constant 1 : i32
      %swap3A_1066 = arith.index_cast %swap3A_1065 : i32 to index
      %swap3A_1067 = arith.constant 448 : index
      %swap3A_1068 = tpu.vector_load %arg9[%swap3A_1066, %swap3A_1067] {strides = array<i32>} : memref<2x768xf32, #tpu.memory_space<vmem>>, vector<16xf32>,
      tpu.vector_store %arg9[%swap3A_1066, %swap3A_1067], %add3A_1064 {strides = array<i32>} : memref<2x768xf32, #tpu.memory_space<vmem>>, vector<16xf32>,
      %get3A_1069 = arith.constant 1 : i32
      %get3A_1070 = arith.index_cast %get3A_1069 : i32 to index
      %get3A_1071 = arith.constant 464 : index
      %get3A_1072 = tpu.vector_load %arg9[%get3A_1070, %get3A_1071] {strides = array<i32>} : memref<2x768xf32, #tpu.memory_space<vmem>>, vector<16xf32>,
      %add3A_1073 = arith.addf %get3A_1072, %scan3A_950#13 : vector<16xf32>
      %swap3A_1074 = arith.constant 1 : i32
      %swap3A_1075 = arith.index_cast %swap3A_1074 : i32 to index
      %swap3A_1076 = arith.constant 464 : index
      %swap3A_1077 = tpu.vector_load %arg9[%swap3A_1075, %swap3A_1076] {strides = array<i32>} : memref<2x768xf32, #tpu.memory_space<vmem>>, vector<16xf32>,
      tpu.vector_store %arg9[%swap3A_1075, %swap3A_1076], %add3A_1073 {strides = array<i32>} : memref<2x768xf32, #tpu.memory_space<vmem>>, vector<16xf32>,
      %get3A_1078 = arith.constant 1 : i32
      %get3A_1079 = arith.index_cast %get3A_1078 : i32 to index
      %get3A_1080 = arith.constant 480 : index
      %get3A_1081 = tpu.vector_load %arg9[%get3A_1079, %get3A_1080] {strides = array<i32>} : memref<2x768xf32, #tpu.memory_space<vmem>>, vector<16xf32>,
      %add3A_1082 = arith.addf %get3A_1081, %scan3A_950#14 : vector<16xf32>
      %swap3A_1083 = arith.constant 1 : i32
      %swap3A_1084 = arith.index_cast %swap3A_1083 : i32 to index
      %swap3A_1085 = arith.constant 480 : index
      %swap3A_1086 = tpu.vector_load %arg9[%swap3A_1084, %swap3A_1085] {strides = array<i32>} : memref<2x768xf32, #tpu.memory_space<vmem>>, vector<16xf32>,
      tpu.vector_store %arg9[%swap3A_1084, %swap3A_1085], %add3A_1082 {strides = array<i32>} : memref<2x768xf32, #tpu.memory_space<vmem>>, vector<16xf32>,
      %get3A_1087 = arith.constant 1 : i32
      %get3A_1088 = arith.index_cast %get3A_1087 : i32 to index
      %get3A_1089 = arith.constant 496 : index
      %get3A_1090 = tpu.vector_load %arg9[%get3A_1088, %get3A_1089] {strides = array<i32>} : memref<2x768xf32, #tpu.memory_space<vmem>>, vector<16xf32>,
      %add3A_1091 = arith.addf %get3A_1090, %scan3A_950#15 : vector<16xf32>
      %swap3A_1092 = arith.constant 1 : i32
      %swap3A_1093 = arith.index_cast %swap3A_1092 : i32 to index
      %swap3A_1094 = arith.constant 496 : index
      %swap3A_1095 = tpu.vector_load %arg9[%swap3A_1093, %swap3A_1094] {strides = array<i32>} : memref<2x768xf32, #tpu.memory_space<vmem>>, vector<16xf32>,
      tpu.vector_store %arg9[%swap3A_1093, %swap3A_1094], %add3A_1091 {strides = array<i32>} : memref<2x768xf32, #tpu.memory_space<vmem>>, vector<16xf32>,
      %broadcast_in_dim3A_1096 = arith.constant 0.000000e+00 : f32
      %broadcast_in_dim3A_1097 = vector.broadcast %broadcast_in_dim3A_1096 : f32 to vector<16xf32>
      %broadcast_in_dim3A_1098 = arith.constant 0.000000e+00 : f32
      %broadcast_in_dim3A_1099 = vector.broadcast %broadcast_in_dim3A_1098 : f32 to vector<16xf32>
      %broadcast_in_dim3A_1100 = arith.constant 0.000000e+00 : f32
      %broadcast_in_dim3A_1101 = vector.broadcast %broadcast_in_dim3A_1100 : f32 to vector<16xf32>
      %broadcast_in_dim3A_1102 = arith.constant 0.000000e+00 : f32
      %broadcast_in_dim3A_1103 = vector.broadcast %broadcast_in_dim3A_1102 : f32 to vector<16xf32>
      %broadcast_in_dim3A_1104 = arith.constant 0.000000e+00 : f32
      %broadcast_in_dim3A_1105 = vector.broadcast %broadcast_in_dim3A_1104 : f32 to vector<16xf32>
      %broadcast_in_dim3A_1106 = arith.constant 0.000000e+00 : f32
      %broadcast_in_dim3A_1107 = vector.broadcast %broadcast_in_dim3A_1106 : f32 to vector<16xf32>
      %broadcast_in_dim3A_1108 = arith.constant 0.000000e+00 : f32
      %broadcast_in_dim3A_1109 = vector.broadcast %broadcast_in_dim3A_1108 : f32 to vector<16xf32>
      %broadcast_in_dim3A_1110 = arith.constant 0.000000e+00 : f32
      %broadcast_in_dim3A_1111 = vector.broadcast %broadcast_in_dim3A_1110 : f32 to vector<16xf32>
      %scan3A_1112 = arith.constant 0 : i32
      %scan3A_1113 = arith.constant 16 : i32
      %scan3A_1114 = arith.addi %scan3A_1112, %scan3A_1113 : i32
      %scan3A_1115 = arith.constant 1 : i32
      %scan3A_1116:16 = scf.for %scan3A_1428 = %scan3A_1112 to %scan3A_1114 step %scan3A_1115 iter_args(%scan3A_1429 = %broadcast_in_dim3A_1097, %scan3A_1430 = %broadcast_in_dim3A_1099, %scan3A_1431 = %broadcast_in_dim3A_1101, %scan3A_1432 = %broadcast_in_dim3A_1103, %scan3A_1433 = %broadcast_in_dim3A_1105, %scan3A_1434 = %broadcast_in_dim3A_1107, %scan3A_1435 = %broadcast_in_dim3A_1109, %scan3A_1436 = %broadcast_in_dim3A_1111, %scan3A_1437 = %broadcast_in_dim3A_1097, %scan3A_1438 = %broadcast_in_dim3A_1099, %scan3A_1439 = %broadcast_in_dim3A_1101, %scan3A_1440 = %broadcast_in_dim3A_1103, %scan3A_1441 = %broadcast_in_dim3A_1105, %scan3A_1442 = %broadcast_in_dim3A_1107, %scan3A_1443 = %broadcast_in_dim3A_1109, %scan3A_1444 = %broadcast_in_dim3A_1111) -> (vector<16xf32>, vector<16xf32>, vector<16xf32>, vector<16xf32>, vector<16xf32>, vector<16xf32>, vector<16xf32>, vector<16xf32>, vector<16xf32>, vector<16xf32>, vector<16xf32>, vector<16xf32>, vector<16xf32>, vector<16xf32>, vector<16xf32>, vector<16xf32>)  : i32 {
        %broadcast_in_dim3A_1445 = vector.broadcast %scan3A_1428 : i32 to vector<16xi32>
        %gather3A = tpu.vector_load_idx %arg7[%broadcast_in_dim3A_1445] : memref<16xf32, #tpu.memory_space<vmem>>[vector<16xi32>], vector<16xf32>,
        %get3A_1446 = arith.index_cast %scan3A_1428 : i32 to index
        %get3A_1447 = arith.constant 512 : index
        %get3A_1448 = tpu.vector_load %arg8[%get3A_1446, %get3A_1447] {strides = array<i32>} : memref<16x768xf32, #tpu.memory_space<vmem>>, vector<16xf32>,
        %mul3A_1449 = arith.mulf %gather3A, %get3A_1448 : vector<16xf32>
        %add3A_1450 = arith.addf %scan3A_1429, %mul3A_1449 : vector<16xf32>
        %add3A_1451 = arith.addf %scan3A_1437, %get3A_1448 : vector<16xf32>
        %get3A_1452 = arith.index_cast %scan3A_1428 : i32 to index
        %get3A_1453 = arith.constant 528 : index
        %get3A_1454 = tpu.vector_load %arg8[%get3A_1452, %get3A_1453] {strides = array<i32>} : memref<16x768xf32, #tpu.memory_space<vmem>>, vector<16xf32>,
        %mul3A_1455 = arith.mulf %gather3A, %get3A_1454 : vector<16xf32>
        %add3A_1456 = arith.addf %scan3A_1430, %mul3A_1455 : vector<16xf32>
        %add3A_1457 = arith.addf %scan3A_1438, %get3A_1454 : vector<16xf32>
        %get3A_1458 = arith.index_cast %scan3A_1428 : i32 to index
        %get3A_1459 = arith.constant 544 : index
        %get3A_1460 = tpu.vector_load %arg8[%get3A_1458, %get3A_1459] {strides = array<i32>} : memref<16x768xf32, #tpu.memory_space<vmem>>, vector<16xf32>,
        %mul3A_1461 = arith.mulf %gather3A, %get3A_1460 : vector<16xf32>
        %add3A_1462 = arith.addf %scan3A_1431, %mul3A_1461 : vector<16xf32>
        %add3A_1463 = arith.addf %scan3A_1439, %get3A_1460 : vector<16xf32>
        %get3A_1464 = arith.index_cast %scan3A_1428 : i32 to index
        %get3A_1465 = arith.constant 560 : index
        %get3A_1466 = tpu.vector_load %arg8[%get3A_1464, %get3A_1465] {strides = array<i32>} : memref<16x768xf32, #tpu.memory_space<vmem>>, vector<16xf32>,
        %mul3A_1467 = arith.mulf %gather3A, %get3A_1466 : vector<16xf32>
        %add3A_1468 = arith.addf %scan3A_1432, %mul3A_1467 : vector<16xf32>
        %add3A_1469 = arith.addf %scan3A_1440, %get3A_1466 : vector<16xf32>
        %get3A_1470 = arith.index_cast %scan3A_1428 : i32 to index
        %get3A_1471 = arith.constant 576 : index
        %get3A_1472 = tpu.vector_load %arg8[%get3A_1470, %get3A_1471] {strides = array<i32>} : memref<16x768xf32, #tpu.memory_space<vmem>>, vector<16xf32>,
        %mul3A_1473 = arith.mulf %gather3A, %get3A_1472 : vector<16xf32>
        %add3A_1474 = arith.addf %scan3A_1433, %mul3A_1473 : vector<16xf32>
        %add3A_1475 = arith.addf %scan3A_1441, %get3A_1472 : vector<16xf32>
        %get3A_1476 = arith.index_cast %scan3A_1428 : i32 to index
        %get3A_1477 = arith.constant 592 : index
        %get3A_1478 = tpu.vector_load %arg8[%get3A_1476, %get3A_1477] {strides = array<i32>} : memref<16x768xf32, #tpu.memory_space<vmem>>, vector<16xf32>,
        %mul3A_1479 = arith.mulf %gather3A, %get3A_1478 : vector<16xf32>
        %add3A_1480 = arith.addf %scan3A_1434, %mul3A_1479 : vector<16xf32>
        %add3A_1481 = arith.addf %scan3A_1442, %get3A_1478 : vector<16xf32>
        %get3A_1482 = arith.index_cast %scan3A_1428 : i32 to index
        %get3A_1483 = arith.constant 608 : index
        %get3A_1484 = tpu.vector_load %arg8[%get3A_1482, %get3A_1483] {strides = array<i32>} : memref<16x768xf32, #tpu.memory_space<vmem>>, vector<16xf32>,
        %mul3A_1485 = arith.mulf %gather3A, %get3A_1484 : vector<16xf32>
        %add3A_1486 = arith.addf %scan3A_1435, %mul3A_1485 : vector<16xf32>
        %add3A_1487 = arith.addf %scan3A_1443, %get3A_1484 : vector<16xf32>
        %get3A_1488 = arith.index_cast %scan3A_1428 : i32 to index
        %get3A_1489 = arith.constant 624 : index
        %get3A_1490 = tpu.vector_load %arg8[%get3A_1488, %get3A_1489] {strides = array<i32>} : memref<16x768xf32, #tpu.memory_space<vmem>>, vector<16xf32>,
        %mul3A_1491 = arith.mulf %gather3A, %get3A_1490 : vector<16xf32>
        %add3A_1492 = arith.addf %scan3A_1436, %mul3A_1491 : vector<16xf32>
        %add3A_1493 = arith.addf %scan3A_1444, %get3A_1490 : vector<16xf32>
        scf.yield %add3A_1450, %add3A_1456, %add3A_1462, %add3A_1468, %add3A_1474, %add3A_1480, %add3A_1486, %add3A_1492, %add3A_1451, %add3A_1457, %add3A_1463, %add3A_1469, %add3A_1475, %add3A_1481, %add3A_1487, %add3A_1493 : vector<16xf32>, vector<16xf32>, vector<16xf32>, vector<16xf32>, vector<16xf32>, vector<16xf32>, vector<16xf32>, vector<16xf32>, vector<16xf32>, vector<16xf32>, vector<16xf32>, vector<16xf32>, vector<16xf32>, vector<16xf32>, vector<16xf32>, vector<16xf32>
      }
      %scan3A_1117 = arith.constant 16 : i32
      %get3A_1118 = arith.constant 0 : i32
      %get3A_1119 = arith.index_cast %get3A_1118 : i32 to index
      %get3A_1120 = arith.constant 512 : index
      %get3A_1121 = tpu.vector_load %arg9[%get3A_1119, %get3A_1120] {strides = array<i32>} : memref<2x768xf32, #tpu.memory_space<vmem>>, vector<16xf32>,
      %add3A_1122 = arith.addf %get3A_1121, %scan3A_1116#0 : vector<16xf32>
      %swap3A_1123 = arith.constant 0 : i32
      %swap3A_1124 = arith.index_cast %swap3A_1123 : i32 to index
      %swap3A_1125 = arith.constant 512 : index
      %swap3A_1126 = tpu.vector_load %arg9[%swap3A_1124, %swap3A_1125] {strides = array<i32>} : memref<2x768xf32, #tpu.memory_space<vmem>>, vector<16xf32>,
      tpu.vector_store %arg9[%swap3A_1124, %swap3A_1125], %add3A_1122 {strides = array<i32>} : memref<2x768xf32, #tpu.memory_space<vmem>>, vector<16xf32>,
      %get3A_1127 = arith.constant 0 : i32
      %get3A_1128 = arith.index_cast %get3A_1127 : i32 to index
      %get3A_1129 = arith.constant 528 : index
      %get3A_1130 = tpu.vector_load %arg9[%get3A_1128, %get3A_1129] {strides = array<i32>} : memref<2x768xf32, #tpu.memory_space<vmem>>, vector<16xf32>,
      %add3A_1131 = arith.addf %get3A_1130, %scan3A_1116#1 : vector<16xf32>
      %swap3A_1132 = arith.constant 0 : i32
      %swap3A_1133 = arith.index_cast %swap3A_1132 : i32 to index
      %swap3A_1134 = arith.constant 528 : index
      %swap3A_1135 = tpu.vector_load %arg9[%swap3A_1133, %swap3A_1134] {strides = array<i32>} : memref<2x768xf32, #tpu.memory_space<vmem>>, vector<16xf32>,
      tpu.vector_store %arg9[%swap3A_1133, %swap3A_1134], %add3A_1131 {strides = array<i32>} : memref<2x768xf32, #tpu.memory_space<vmem>>, vector<16xf32>,
      %get3A_1136 = arith.constant 0 : i32
      %get3A_1137 = arith.index_cast %get3A_1136 : i32 to index
      %get3A_1138 = arith.constant 544 : index
      %get3A_1139 = tpu.vector_load %arg9[%get3A_1137, %get3A_1138] {strides = array<i32>} : memref<2x768xf32, #tpu.memory_space<vmem>>, vector<16xf32>,
      %add3A_1140 = arith.addf %get3A_1139, %scan3A_1116#2 : vector<16xf32>
      %swap3A_1141 = arith.constant 0 : i32
      %swap3A_1142 = arith.index_cast %swap3A_1141 : i32 to index
      %swap3A_1143 = arith.constant 544 : index
      %swap3A_1144 = tpu.vector_load %arg9[%swap3A_1142, %swap3A_1143] {strides = array<i32>} : memref<2x768xf32, #tpu.memory_space<vmem>>, vector<16xf32>,
      tpu.vector_store %arg9[%swap3A_1142, %swap3A_1143], %add3A_1140 {strides = array<i32>} : memref<2x768xf32, #tpu.memory_space<vmem>>, vector<16xf32>,
      %get3A_1145 = arith.constant 0 : i32
      %get3A_1146 = arith.index_cast %get3A_1145 : i32 to index
      %get3A_1147 = arith.constant 560 : index
      %get3A_1148 = tpu.vector_load %arg9[%get3A_1146, %get3A_1147] {strides = array<i32>} : memref<2x768xf32, #tpu.memory_space<vmem>>, vector<16xf32>,
      %add3A_1149 = arith.addf %get3A_1148, %scan3A_1116#3 : vector<16xf32>
      %swap3A_1150 = arith.constant 0 : i32
      %swap3A_1151 = arith.index_cast %swap3A_1150 : i32 to index
      %swap3A_1152 = arith.constant 560 : index
      %swap3A_1153 = tpu.vector_load %arg9[%swap3A_1151, %swap3A_1152] {strides = array<i32>} : memref<2x768xf32, #tpu.memory_space<vmem>>, vector<16xf32>,
      tpu.vector_store %arg9[%swap3A_1151, %swap3A_1152], %add3A_1149 {strides = array<i32>} : memref<2x768xf32, #tpu.memory_space<vmem>>, vector<16xf32>,
      %get3A_1154 = arith.constant 0 : i32
      %get3A_1155 = arith.index_cast %get3A_1154 : i32 to index
      %get3A_1156 = arith.constant 576 : index
      %get3A_1157 = tpu.vector_load %arg9[%get3A_1155, %get3A_1156] {strides = array<i32>} : memref<2x768xf32, #tpu.memory_space<vmem>>, vector<16xf32>,
      %add3A_1158 = arith.addf %get3A_1157, %scan3A_1116#4 : vector<16xf32>
      %swap3A_1159 = arith.constant 0 : i32
      %swap3A_1160 = arith.index_cast %swap3A_1159 : i32 to index
      %swap3A_1161 = arith.constant 576 : index
      %swap3A_1162 = tpu.vector_load %arg9[%swap3A_1160, %swap3A_1161] {strides = array<i32>} : memref<2x768xf32, #tpu.memory_space<vmem>>, vector<16xf32>,
      tpu.vector_store %arg9[%swap3A_1160, %swap3A_1161], %add3A_1158 {strides = array<i32>} : memref<2x768xf32, #tpu.memory_space<vmem>>, vector<16xf32>,
      %get3A_1163 = arith.constant 0 : i32
      %get3A_1164 = arith.index_cast %get3A_1163 : i32 to index
      %get3A_1165 = arith.constant 592 : index
      %get3A_1166 = tpu.vector_load %arg9[%get3A_1164, %get3A_1165] {strides = array<i32>} : memref<2x768xf32, #tpu.memory_space<vmem>>, vector<16xf32>,
      %add3A_1167 = arith.addf %get3A_1166, %scan3A_1116#5 : vector<16xf32>
      %swap3A_1168 = arith.constant 0 : i32
      %swap3A_1169 = arith.index_cast %swap3A_1168 : i32 to index
      %swap3A_1170 = arith.constant 592 : index
      %swap3A_1171 = tpu.vector_load %arg9[%swap3A_1169, %swap3A_1170] {strides = array<i32>} : memref<2x768xf32, #tpu.memory_space<vmem>>, vector<16xf32>,
      tpu.vector_store %arg9[%swap3A_1169, %swap3A_1170], %add3A_1167 {strides = array<i32>} : memref<2x768xf32, #tpu.memory_space<vmem>>, vector<16xf32>,
      %get3A_1172 = arith.constant 0 : i32
      %get3A_1173 = arith.index_cast %get3A_1172 : i32 to index
      %get3A_1174 = arith.constant 608 : index
      %get3A_1175 = tpu.vector_load %arg9[%get3A_1173, %get3A_1174] {strides = array<i32>} : memref<2x768xf32, #tpu.memory_space<vmem>>, vector<16xf32>,
      %add3A_1176 = arith.addf %get3A_1175, %scan3A_1116#6 : vector<16xf32>
      %swap3A_1177 = arith.constant 0 : i32
      %swap3A_1178 = arith.index_cast %swap3A_1177 : i32 to index
      %swap3A_1179 = arith.constant 608 : index
      %swap3A_1180 = tpu.vector_load %arg9[%swap3A_1178, %swap3A_1179] {strides = array<i32>} : memref<2x768xf32, #tpu.memory_space<vmem>>, vector<16xf32>,
      tpu.vector_store %arg9[%swap3A_1178, %swap3A_1179], %add3A_1176 {strides = array<i32>} : memref<2x768xf32, #tpu.memory_space<vmem>>, vector<16xf32>,
      %get3A_1181 = arith.constant 0 : i32
      %get3A_1182 = arith.index_cast %get3A_1181 : i32 to index
      %get3A_1183 = arith.constant 624 : index
      %get3A_1184 = tpu.vector_load %arg9[%get3A_1182, %get3A_1183] {strides = array<i32>} : memref<2x768xf32, #tpu.memory_space<vmem>>, vector<16xf32>,
      %add3A_1185 = arith.addf %get3A_1184, %scan3A_1116#7 : vector<16xf32>
      %swap3A_1186 = arith.constant 0 : i32
      %swap3A_1187 = arith.index_cast %swap3A_1186 : i32 to index
      %swap3A_1188 = arith.constant 624 : index
      %swap3A_1189 = tpu.vector_load %arg9[%swap3A_1187, %swap3A_1188] {strides = array<i32>} : memref<2x768xf32, #tpu.memory_space<vmem>>, vector<16xf32>,
      tpu.vector_store %arg9[%swap3A_1187, %swap3A_1188], %add3A_1185 {strides = array<i32>} : memref<2x768xf32, #tpu.memory_space<vmem>>, vector<16xf32>,
      %get3A_1190 = arith.constant 1 : i32
      %get3A_1191 = arith.index_cast %get3A_1190 : i32 to index
      %get3A_1192 = arith.constant 512 : index
      %get3A_1193 = tpu.vector_load %arg9[%get3A_1191, %get3A_1192] {strides = array<i32>} : memref<2x768xf32, #tpu.memory_space<vmem>>, vector<16xf32>,
      %add3A_1194 = arith.addf %get3A_1193, %scan3A_1116#8 : vector<16xf32>
      %swap3A_1195 = arith.constant 1 : i32
      %swap3A_1196 = arith.index_cast %swap3A_1195 : i32 to index
      %swap3A_1197 = arith.constant 512 : index
      %swap3A_1198 = tpu.vector_load %arg9[%swap3A_1196, %swap3A_1197] {strides = array<i32>} : memref<2x768xf32, #tpu.memory_space<vmem>>, vector<16xf32>,
      tpu.vector_store %arg9[%swap3A_1196, %swap3A_1197], %add3A_1194 {strides = array<i32>} : memref<2x768xf32, #tpu.memory_space<vmem>>, vector<16xf32>,
      %get3A_1199 = arith.constant 1 : i32
      %get3A_1200 = arith.index_cast %get3A_1199 : i32 to index
      %get3A_1201 = arith.constant 528 : index
      %get3A_1202 = tpu.vector_load %arg9[%get3A_1200, %get3A_1201] {strides = array<i32>} : memref<2x768xf32, #tpu.memory_space<vmem>>, vector<16xf32>,
      %add3A_1203 = arith.addf %get3A_1202, %scan3A_1116#9 : vector<16xf32>
      %swap3A_1204 = arith.constant 1 : i32
      %swap3A_1205 = arith.index_cast %swap3A_1204 : i32 to index
      %swap3A_1206 = arith.constant 528 : index
      %swap3A_1207 = tpu.vector_load %arg9[%swap3A_1205, %swap3A_1206] {strides = array<i32>} : memref<2x768xf32, #tpu.memory_space<vmem>>, vector<16xf32>,
      tpu.vector_store %arg9[%swap3A_1205, %swap3A_1206], %add3A_1203 {strides = array<i32>} : memref<2x768xf32, #tpu.memory_space<vmem>>, vector<16xf32>,
      %get3A_1208 = arith.constant 1 : i32
      %get3A_1209 = arith.index_cast %get3A_1208 : i32 to index
      %get3A_1210 = arith.constant 544 : index
      %get3A_1211 = tpu.vector_load %arg9[%get3A_1209, %get3A_1210] {strides = array<i32>} : memref<2x768xf32, #tpu.memory_space<vmem>>, vector<16xf32>,
      %add3A_1212 = arith.addf %get3A_1211, %scan3A_1116#10 : vector<16xf32>
      %swap3A_1213 = arith.constant 1 : i32
      %swap3A_1214 = arith.index_cast %swap3A_1213 : i32 to index
      %swap3A_1215 = arith.constant 544 : index
      %swap3A_1216 = tpu.vector_load %arg9[%swap3A_1214, %swap3A_1215] {strides = array<i32>} : memref<2x768xf32, #tpu.memory_space<vmem>>, vector<16xf32>,
      tpu.vector_store %arg9[%swap3A_1214, %swap3A_1215], %add3A_1212 {strides = array<i32>} : memref<2x768xf32, #tpu.memory_space<vmem>>, vector<16xf32>,
      %get3A_1217 = arith.constant 1 : i32
      %get3A_1218 = arith.index_cast %get3A_1217 : i32 to index
      %get3A_1219 = arith.constant 560 : index
      %get3A_1220 = tpu.vector_load %arg9[%get3A_1218, %get3A_1219] {strides = array<i32>} : memref<2x768xf32, #tpu.memory_space<vmem>>, vector<16xf32>,
      %add3A_1221 = arith.addf %get3A_1220, %scan3A_1116#11 : vector<16xf32>
      %swap3A_1222 = arith.constant 1 : i32
      %swap3A_1223 = arith.index_cast %swap3A_1222 : i32 to index
      %swap3A_1224 = arith.constant 560 : index
      %swap3A_1225 = tpu.vector_load %arg9[%swap3A_1223, %swap3A_1224] {strides = array<i32>} : memref<2x768xf32, #tpu.memory_space<vmem>>, vector<16xf32>,
      tpu.vector_store %arg9[%swap3A_1223, %swap3A_1224], %add3A_1221 {strides = array<i32>} : memref<2x768xf32, #tpu.memory_space<vmem>>, vector<16xf32>,
      %get3A_1226 = arith.constant 1 : i32
      %get3A_1227 = arith.index_cast %get3A_1226 : i32 to index
      %get3A_1228 = arith.constant 576 : index
      %get3A_1229 = tpu.vector_load %arg9[%get3A_1227, %get3A_1228] {strides = array<i32>} : memref<2x768xf32, #tpu.memory_space<vmem>>, vector<16xf32>,
      %add3A_1230 = arith.addf %get3A_1229, %scan3A_1116#12 : vector<16xf32>
      %swap3A_1231 = arith.constant 1 : i32
      %swap3A_1232 = arith.index_cast %swap3A_1231 : i32 to index
      %swap3A_1233 = arith.constant 576 : index
      %swap3A_1234 = tpu.vector_load %arg9[%swap3A_1232, %swap3A_1233] {strides = array<i32>} : memref<2x768xf32, #tpu.memory_space<vmem>>, vector<16xf32>,
      tpu.vector_store %arg9[%swap3A_1232, %swap3A_1233], %add3A_1230 {strides = array<i32>} : memref<2x768xf32, #tpu.memory_space<vmem>>, vector<16xf32>,
      %get3A_1235 = arith.constant 1 : i32
      %get3A_1236 = arith.index_cast %get3A_1235 : i32 to index
      %get3A_1237 = arith.constant 592 : index
      %get3A_1238 = tpu.vector_load %arg9[%get3A_1236, %get3A_1237] {strides = array<i32>} : memref<2x768xf32, #tpu.memory_space<vmem>>, vector<16xf32>,
      %add3A_1239 = arith.addf %get3A_1238, %scan3A_1116#13 : vector<16xf32>
      %swap3A_1240 = arith.constant 1 : i32
      %swap3A_1241 = arith.index_cast %swap3A_1240 : i32 to index
      %swap3A_1242 = arith.constant 592 : index
      %swap3A_1243 = tpu.vector_load %arg9[%swap3A_1241, %swap3A_1242] {strides = array<i32>} : memref<2x768xf32, #tpu.memory_space<vmem>>, vector<16xf32>,
      tpu.vector_store %arg9[%swap3A_1241, %swap3A_1242], %add3A_1239 {strides = array<i32>} : memref<2x768xf32, #tpu.memory_space<vmem>>, vector<16xf32>,
      %get3A_1244 = arith.constant 1 : i32
      %get3A_1245 = arith.index_cast %get3A_1244 : i32 to index
      %get3A_1246 = arith.constant 608 : index
      %get3A_1247 = tpu.vector_load %arg9[%get3A_1245, %get3A_1246] {strides = array<i32>} : memref<2x768xf32, #tpu.memory_space<vmem>>, vector<16xf32>,
      %add3A_1248 = arith.addf %get3A_1247, %scan3A_1116#14 : vector<16xf32>
      %swap3A_1249 = arith.constant 1 : i32
      %swap3A_1250 = arith.index_cast %swap3A_1249 : i32 to index
      %swap3A_1251 = arith.constant 608 : index
      %swap3A_1252 = tpu.vector_load %arg9[%swap3A_1250, %swap3A_1251] {strides = array<i32>} : memref<2x768xf32, #tpu.memory_space<vmem>>, vector<16xf32>,
      tpu.vector_store %arg9[%swap3A_1250, %swap3A_1251], %add3A_1248 {strides = array<i32>} : memref<2x768xf32, #tpu.memory_space<vmem>>, vector<16xf32>,
      %get3A_1253 = arith.constant 1 : i32
      %get3A_1254 = arith.index_cast %get3A_1253 : i32 to index
      %get3A_1255 = arith.constant 624 : index
      %get3A_1256 = tpu.vector_load %arg9[%get3A_1254, %get3A_1255] {strides = array<i32>} : memref<2x768xf32, #tpu.memory_space<vmem>>, vector<16xf32>,
      %add3A_1257 = arith.addf %get3A_1256, %scan3A_1116#15 : vector<16xf32>
      %swap3A_1258 = arith.constant 1 : i32
      %swap3A_1259 = arith.index_cast %swap3A_1258 : i32 to index
      %swap3A_1260 = arith.constant 624 : index
      %swap3A_1261 = tpu.vector_load %arg9[%swap3A_1259, %swap3A_1260] {strides = array<i32>} : memref<2x768xf32, #tpu.memory_space<vmem>>, vector<16xf32>,
      tpu.vector_store %arg9[%swap3A_1259, %swap3A_1260], %add3A_1257 {strides = array<i32>} : memref<2x768xf32, #tpu.memory_space<vmem>>, vector<16xf32>,
      %broadcast_in_dim3A_1262 = arith.constant 0.000000e+00 : f32
      %broadcast_in_dim3A_1263 = vector.broadcast %broadcast_in_dim3A_1262 : f32 to vector<16xf32>
      %broadcast_in_dim3A_1264 = arith.constant 0.000000e+00 : f32
      %broadcast_in_dim3A_1265 = vector.broadcast %broadcast_in_dim3A_1264 : f32 to vector<16xf32>
      %broadcast_in_dim3A_1266 = arith.constant 0.000000e+00 : f32
      %broadcast_in_dim3A_1267 = vector.broadcast %broadcast_in_dim3A_1266 : f32 to vector<16xf32>
      %broadcast_in_dim3A_1268 = arith.constant 0.000000e+00 : f32
      %broadcast_in_dim3A_1269 = vector.broadcast %broadcast_in_dim3A_1268 : f32 to vector<16xf32>
      %broadcast_in_dim3A_1270 = arith.constant 0.000000e+00 : f32
      %broadcast_in_dim3A_1271 = vector.broadcast %broadcast_in_dim3A_1270 : f32 to vector<16xf32>
      %broadcast_in_dim3A_1272 = arith.constant 0.000000e+00 : f32
      %broadcast_in_dim3A_1273 = vector.broadcast %broadcast_in_dim3A_1272 : f32 to vector<16xf32>
      %broadcast_in_dim3A_1274 = arith.constant 0.000000e+00 : f32
      %broadcast_in_dim3A_1275 = vector.broadcast %broadcast_in_dim3A_1274 : f32 to vector<16xf32>
      %broadcast_in_dim3A_1276 = arith.constant 0.000000e+00 : f32
      %broadcast_in_dim3A_1277 = vector.broadcast %broadcast_in_dim3A_1276 : f32 to vector<16xf32>
      %scan3A_1278 = arith.constant 0 : i32
      %scan3A_1279 = arith.constant 16 : i32
      %scan3A_1280 = arith.addi %scan3A_1278, %scan3A_1279 : i32
      %scan3A_1281 = arith.constant 1 : i32
      %scan3A_1282:16 = scf.for %scan3A_1428 = %scan3A_1278 to %scan3A_1280 step %scan3A_1281 iter_args(%scan3A_1429 = %broadcast_in_dim3A_1263, %scan3A_1430 = %broadcast_in_dim3A_1265, %scan3A_1431 = %broadcast_in_dim3A_1267, %scan3A_1432 = %broadcast_in_dim3A_1269, %scan3A_1433 = %broadcast_in_dim3A_1271, %scan3A_1434 = %broadcast_in_dim3A_1273, %scan3A_1435 = %broadcast_in_dim3A_1275, %scan3A_1436 = %broadcast_in_dim3A_1277, %scan3A_1437 = %broadcast_in_dim3A_1263, %scan3A_1438 = %broadcast_in_dim3A_1265, %scan3A_1439 = %broadcast_in_dim3A_1267, %scan3A_1440 = %broadcast_in_dim3A_1269, %scan3A_1441 = %broadcast_in_dim3A_1271, %scan3A_1442 = %broadcast_in_dim3A_1273, %scan3A_1443 = %broadcast_in_dim3A_1275, %scan3A_1444 = %broadcast_in_dim3A_1277) -> (vector<16xf32>, vector<16xf32>, vector<16xf32>, vector<16xf32>, vector<16xf32>, vector<16xf32>, vector<16xf32>, vector<16xf32>, vector<16xf32>, vector<16xf32>, vector<16xf32>, vector<16xf32>, vector<16xf32>, vector<16xf32>, vector<16xf32>, vector<16xf32>)  : i32 {
        %broadcast_in_dim3A_1445 = vector.broadcast %scan3A_1428 : i32 to vector<16xi32>
        %gather3A = tpu.vector_load_idx %arg7[%broadcast_in_dim3A_1445] : memref<16xf32, #tpu.memory_space<vmem>>[vector<16xi32>], vector<16xf32>,
        %get3A_1446 = arith.index_cast %scan3A_1428 : i32 to index
        %get3A_1447 = arith.constant 640 : index
        %get3A_1448 = tpu.vector_load %arg8[%get3A_1446, %get3A_1447] {strides = array<i32>} : memref<16x768xf32, #tpu.memory_space<vmem>>, vector<16xf32>,
        %mul3A_1449 = arith.mulf %gather3A, %get3A_1448 : vector<16xf32>
        %add3A_1450 = arith.addf %scan3A_1429, %mul3A_1449 : vector<16xf32>
        %add3A_1451 = arith.addf %scan3A_1437, %get3A_1448 : vector<16xf32>
        %get3A_1452 = arith.index_cast %scan3A_1428 : i32 to index
        %get3A_1453 = arith.constant 656 : index
        %get3A_1454 = tpu.vector_load %arg8[%get3A_1452, %get3A_1453] {strides = array<i32>} : memref<16x768xf32, #tpu.memory_space<vmem>>, vector<16xf32>,
        %mul3A_1455 = arith.mulf %gather3A, %get3A_1454 : vector<16xf32>
        %add3A_1456 = arith.addf %scan3A_1430, %mul3A_1455 : vector<16xf32>
        %add3A_1457 = arith.addf %scan3A_1438, %get3A_1454 : vector<16xf32>
        %get3A_1458 = arith.index_cast %scan3A_1428 : i32 to index
        %get3A_1459 = arith.constant 672 : index
        %get3A_1460 = tpu.vector_load %arg8[%get3A_1458, %get3A_1459] {strides = array<i32>} : memref<16x768xf32, #tpu.memory_space<vmem>>, vector<16xf32>,
        %mul3A_1461 = arith.mulf %gather3A, %get3A_1460 : vector<16xf32>
        %add3A_1462 = arith.addf %scan3A_1431, %mul3A_1461 : vector<16xf32>
        %add3A_1463 = arith.addf %scan3A_1439, %get3A_1460 : vector<16xf32>
        %get3A_1464 = arith.index_cast %scan3A_1428 : i32 to index
        %get3A_1465 = arith.constant 688 : index
        %get3A_1466 = tpu.vector_load %arg8[%get3A_1464, %get3A_1465] {strides = array<i32>} : memref<16x768xf32, #tpu.memory_space<vmem>>, vector<16xf32>,
        %mul3A_1467 = arith.mulf %gather3A, %get3A_1466 : vector<16xf32>
        %add3A_1468 = arith.addf %scan3A_1432, %mul3A_1467 : vector<16xf32>
        %add3A_1469 = arith.addf %scan3A_1440, %get3A_1466 : vector<16xf32>
        %get3A_1470 = arith.index_cast %scan3A_1428 : i32 to index
        %get3A_1471 = arith.constant 704 : index
        %get3A_1472 = tpu.vector_load %arg8[%get3A_1470, %get3A_1471] {strides = array<i32>} : memref<16x768xf32, #tpu.memory_space<vmem>>, vector<16xf32>,
        %mul3A_1473 = arith.mulf %gather3A, %get3A_1472 : vector<16xf32>
        %add3A_1474 = arith.addf %scan3A_1433, %mul3A_1473 : vector<16xf32>
        %add3A_1475 = arith.addf %scan3A_1441, %get3A_1472 : vector<16xf32>
        %get3A_1476 = arith.index_cast %scan3A_1428 : i32 to index
        %get3A_1477 = arith.constant 720 : index
        %get3A_1478 = tpu.vector_load %arg8[%get3A_1476, %get3A_1477] {strides = array<i32>} : memref<16x768xf32, #tpu.memory_space<vmem>>, vector<16xf32>,
        %mul3A_1479 = arith.mulf %gather3A, %get3A_1478 : vector<16xf32>
        %add3A_1480 = arith.addf %scan3A_1434, %mul3A_1479 : vector<16xf32>
        %add3A_1481 = arith.addf %scan3A_1442, %get3A_1478 : vector<16xf32>
        %get3A_1482 = arith.index_cast %scan3A_1428 : i32 to index
        %get3A_1483 = arith.constant 736 : index
        %get3A_1484 = tpu.vector_load %arg8[%get3A_1482, %get3A_1483] {strides = array<i32>} : memref<16x768xf32, #tpu.memory_space<vmem>>, vector<16xf32>,
        %mul3A_1485 = arith.mulf %gather3A, %get3A_1484 : vector<16xf32>
        %add3A_1486 = arith.addf %scan3A_1435, %mul3A_1485 : vector<16xf32>
        %add3A_1487 = arith.addf %scan3A_1443, %get3A_1484 : vector<16xf32>
        %get3A_1488 = arith.index_cast %scan3A_1428 : i32 to index
        %get3A_1489 = arith.constant 752 : index
        %get3A_1490 = tpu.vector_load %arg8[%get3A_1488, %get3A_1489] {strides = array<i32>} : memref<16x768xf32, #tpu.memory_space<vmem>>, vector<16xf32>,
        %mul3A_1491 = arith.mulf %gather3A, %get3A_1490 : vector<16xf32>
        %add3A_1492 = arith.addf %scan3A_1436, %mul3A_1491 : vector<16xf32>
        %add3A_1493 = arith.addf %scan3A_1444, %get3A_1490 : vector<16xf32>
        scf.yield %add3A_1450, %add3A_1456, %add3A_1462, %add3A_1468, %add3A_1474, %add3A_1480, %add3A_1486, %add3A_1492, %add3A_1451, %add3A_1457, %add3A_1463, %add3A_1469, %add3A_1475, %add3A_1481, %add3A_1487, %add3A_1493 : vector<16xf32>, vector<16xf32>, vector<16xf32>, vector<16xf32>, vector<16xf32>, vector<16xf32>, vector<16xf32>, vector<16xf32>, vector<16xf32>, vector<16xf32>, vector<16xf32>, vector<16xf32>, vector<16xf32>, vector<16xf32>, vector<16xf32>, vector<16xf32>
      }
      %scan3A_1283 = arith.constant 16 : i32
      %get3A_1284 = arith.constant 0 : i32
      %get3A_1285 = arith.index_cast %get3A_1284 : i32 to index
      %get3A_1286 = arith.constant 640 : index
      %get3A_1287 = tpu.vector_load %arg9[%get3A_1285, %get3A_1286] {strides = array<i32>} : memref<2x768xf32, #tpu.memory_space<vmem>>, vector<16xf32>,
      %add3A_1288 = arith.addf %get3A_1287, %scan3A_1282#0 : vector<16xf32>
      %swap3A_1289 = arith.constant 0 : i32
      %swap3A_1290 = arith.index_cast %swap3A_1289 : i32 to index
      %swap3A_1291 = arith.constant 640 : index
      %swap3A_1292 = tpu.vector_load %arg9[%swap3A_1290, %swap3A_1291] {strides = array<i32>} : memref<2x768xf32, #tpu.memory_space<vmem>>, vector<16xf32>,
      tpu.vector_store %arg9[%swap3A_1290, %swap3A_1291], %add3A_1288 {strides = array<i32>} : memref<2x768xf32, #tpu.memory_space<vmem>>, vector<16xf32>,
      %get3A_1293 = arith.constant 0 : i32
      %get3A_1294 = arith.index_cast %get3A_1293 : i32 to index
      %get3A_1295 = arith.constant 656 : index
      %get3A_1296 = tpu.vector_load %arg9[%get3A_1294, %get3A_1295] {strides = array<i32>} : memref<2x768xf32, #tpu.memory_space<vmem>>, vector<16xf32>,
      %add3A_1297 = arith.addf %get3A_1296, %scan3A_1282#1 : vector<16xf32>
      %swap3A_1298 = arith.constant 0 : i32
      %swap3A_1299 = arith.index_cast %swap3A_1298 : i32 to index
      %swap3A_1300 = arith.constant 656 : index
      %swap3A_1301 = tpu.vector_load %arg9[%swap3A_1299, %swap3A_1300] {strides = array<i32>} : memref<2x768xf32, #tpu.memory_space<vmem>>, vector<16xf32>,
      tpu.vector_store %arg9[%swap3A_1299, %swap3A_1300], %add3A_1297 {strides = array<i32>} : memref<2x768xf32, #tpu.memory_space<vmem>>, vector<16xf32>,
      %get3A_1302 = arith.constant 0 : i32
      %get3A_1303 = arith.index_cast %get3A_1302 : i32 to index
      %get3A_1304 = arith.constant 672 : index
      %get3A_1305 = tpu.vector_load %arg9[%get3A_1303, %get3A_1304] {strides = array<i32>} : memref<2x768xf32, #tpu.memory_space<vmem>>, vector<16xf32>,
      %add3A_1306 = arith.addf %get3A_1305, %scan3A_1282#2 : vector<16xf32>
      %swap3A_1307 = arith.constant 0 : i32
      %swap3A_1308 = arith.index_cast %swap3A_1307 : i32 to index
      %swap3A_1309 = arith.constant 672 : index
      %swap3A_1310 = tpu.vector_load %arg9[%swap3A_1308, %swap3A_1309] {strides = array<i32>} : memref<2x768xf32, #tpu.memory_space<vmem>>, vector<16xf32>,
      tpu.vector_store %arg9[%swap3A_1308, %swap3A_1309], %add3A_1306 {strides = array<i32>} : memref<2x768xf32, #tpu.memory_space<vmem>>, vector<16xf32>,
      %get3A_1311 = arith.constant 0 : i32
      %get3A_1312 = arith.index_cast %get3A_1311 : i32 to index
      %get3A_1313 = arith.constant 688 : index
      %get3A_1314 = tpu.vector_load %arg9[%get3A_1312, %get3A_1313] {strides = array<i32>} : memref<2x768xf32, #tpu.memory_space<vmem>>, vector<16xf32>,
      %add3A_1315 = arith.addf %get3A_1314, %scan3A_1282#3 : vector<16xf32>
      %swap3A_1316 = arith.constant 0 : i32
      %swap3A_1317 = arith.index_cast %swap3A_1316 : i32 to index
      %swap3A_1318 = arith.constant 688 : index
      %swap3A_1319 = tpu.vector_load %arg9[%swap3A_1317, %swap3A_1318] {strides = array<i32>} : memref<2x768xf32, #tpu.memory_space<vmem>>, vector<16xf32>,
      tpu.vector_store %arg9[%swap3A_1317, %swap3A_1318], %add3A_1315 {strides = array<i32>} : memref<2x768xf32, #tpu.memory_space<vmem>>, vector<16xf32>,
      %get3A_1320 = arith.constant 0 : i32
      %get3A_1321 = arith.index_cast %get3A_1320 : i32 to index
      %get3A_1322 = arith.constant 704 : index
      %get3A_1323 = tpu.vector_load %arg9[%get3A_1321, %get3A_1322] {strides = array<i32>} : memref<2x768xf32, #tpu.memory_space<vmem>>, vector<16xf32>,
      %add3A_1324 = arith.addf %get3A_1323, %scan3A_1282#4 : vector<16xf32>
      %swap3A_1325 = arith.constant 0 : i32
      %swap3A_1326 = arith.index_cast %swap3A_1325 : i32 to index
      %swap3A_1327 = arith.constant 704 : index
      %swap3A_1328 = tpu.vector_load %arg9[%swap3A_1326, %swap3A_1327] {strides = array<i32>} : memref<2x768xf32, #tpu.memory_space<vmem>>, vector<16xf32>,
      tpu.vector_store %arg9[%swap3A_1326, %swap3A_1327], %add3A_1324 {strides = array<i32>} : memref<2x768xf32, #tpu.memory_space<vmem>>, vector<16xf32>,
      %get3A_1329 = arith.constant 0 : i32
      %get3A_1330 = arith.index_cast %get3A_1329 : i32 to index
      %get3A_1331 = arith.constant 720 : index
      %get3A_1332 = tpu.vector_load %arg9[%get3A_1330, %get3A_1331] {strides = array<i32>} : memref<2x768xf32, #tpu.memory_space<vmem>>, vector<16xf32>,
      %add3A_1333 = arith.addf %get3A_1332, %scan3A_1282#5 : vector<16xf32>
      %swap3A_1334 = arith.constant 0 : i32
      %swap3A_1335 = arith.index_cast %swap3A_1334 : i32 to index
      %swap3A_1336 = arith.constant 720 : index
      %swap3A_1337 = tpu.vector_load %arg9[%swap3A_1335, %swap3A_1336] {strides = array<i32>} : memref<2x768xf32, #tpu.memory_space<vmem>>, vector<16xf32>,
      tpu.vector_store %arg9[%swap3A_1335, %swap3A_1336], %add3A_1333 {strides = array<i32>} : memref<2x768xf32, #tpu.memory_space<vmem>>, vector<16xf32>,
      %get3A_1338 = arith.constant 0 : i32
      %get3A_1339 = arith.index_cast %get3A_1338 : i32 to index
      %get3A_1340 = arith.constant 736 : index
      %get3A_1341 = tpu.vector_load %arg9[%get3A_1339, %get3A_1340] {strides = array<i32>} : memref<2x768xf32, #tpu.memory_space<vmem>>, vector<16xf32>,
      %add3A_1342 = arith.addf %get3A_1341, %scan3A_1282#6 : vector<16xf32>
      %swap3A_1343 = arith.constant 0 : i32
      %swap3A_1344 = arith.index_cast %swap3A_1343 : i32 to index
      %swap3A_1345 = arith.constant 736 : index
      %swap3A_1346 = tpu.vector_load %arg9[%swap3A_1344, %swap3A_1345] {strides = array<i32>} : memref<2x768xf32, #tpu.memory_space<vmem>>, vector<16xf32>,
      tpu.vector_store %arg9[%swap3A_1344, %swap3A_1345], %add3A_1342 {strides = array<i32>} : memref<2x768xf32, #tpu.memory_space<vmem>>, vector<16xf32>,
      %get3A_1347 = arith.constant 0 : i32
      %get3A_1348 = arith.index_cast %get3A_1347 : i32 to index
      %get3A_1349 = arith.constant 752 : index
      %get3A_1350 = tpu.vector_load %arg9[%get3A_1348, %get3A_1349] {strides = array<i32>} : memref<2x768xf32, #tpu.memory_space<vmem>>, vector<16xf32>,
      %add3A_1351 = arith.addf %get3A_1350, %scan3A_1282#7 : vector<16xf32>
      %swap3A_1352 = arith.constant 0 : i32
      %swap3A_1353 = arith.index_cast %swap3A_1352 : i32 to index
      %swap3A_1354 = arith.constant 752 : index
      %swap3A_1355 = tpu.vector_load %arg9[%swap3A_1353, %swap3A_1354] {strides = array<i32>} : memref<2x768xf32, #tpu.memory_space<vmem>>, vector<16xf32>,
      tpu.vector_store %arg9[%swap3A_1353, %swap3A_1354], %add3A_1351 {strides = array<i32>} : memref<2x768xf32, #tpu.memory_space<vmem>>, vector<16xf32>,
      %get3A_1356 = arith.constant 1 : i32
      %get3A_1357 = arith.index_cast %get3A_1356 : i32 to index
      %get3A_1358 = arith.constant 640 : index
      %get3A_1359 = tpu.vector_load %arg9[%get3A_1357, %get3A_1358] {strides = array<i32>} : memref<2x768xf32, #tpu.memory_space<vmem>>, vector<16xf32>,
      %add3A_1360 = arith.addf %get3A_1359, %scan3A_1282#8 : vector<16xf32>
      %swap3A_1361 = arith.constant 1 : i32
      %swap3A_1362 = arith.index_cast %swap3A_1361 : i32 to index
      %swap3A_1363 = arith.constant 640 : index
      %swap3A_1364 = tpu.vector_load %arg9[%swap3A_1362, %swap3A_1363] {strides = array<i32>} : memref<2x768xf32, #tpu.memory_space<vmem>>, vector<16xf32>,
      tpu.vector_store %arg9[%swap3A_1362, %swap3A_1363], %add3A_1360 {strides = array<i32>} : memref<2x768xf32, #tpu.memory_space<vmem>>, vector<16xf32>,
      %get3A_1365 = arith.constant 1 : i32
      %get3A_1366 = arith.index_cast %get3A_1365 : i32 to index
      %get3A_1367 = arith.constant 656 : index
      %get3A_1368 = tpu.vector_load %arg9[%get3A_1366, %get3A_1367] {strides = array<i32>} : memref<2x768xf32, #tpu.memory_space<vmem>>, vector<16xf32>,
      %add3A_1369 = arith.addf %get3A_1368, %scan3A_1282#9 : vector<16xf32>
      %swap3A_1370 = arith.constant 1 : i32
      %swap3A_1371 = arith.index_cast %swap3A_1370 : i32 to index
      %swap3A_1372 = arith.constant 656 : index
      %swap3A_1373 = tpu.vector_load %arg9[%swap3A_1371, %swap3A_1372] {strides = array<i32>} : memref<2x768xf32, #tpu.memory_space<vmem>>, vector<16xf32>,
      tpu.vector_store %arg9[%swap3A_1371, %swap3A_1372], %add3A_1369 {strides = array<i32>} : memref<2x768xf32, #tpu.memory_space<vmem>>, vector<16xf32>,
      %get3A_1374 = arith.constant 1 : i32
      %get3A_1375 = arith.index_cast %get3A_1374 : i32 to index
      %get3A_1376 = arith.constant 672 : index
      %get3A_1377 = tpu.vector_load %arg9[%get3A_1375, %get3A_1376] {strides = array<i32>} : memref<2x768xf32, #tpu.memory_space<vmem>>, vector<16xf32>,
      %add3A_1378 = arith.addf %get3A_1377, %scan3A_1282#10 : vector<16xf32>
      %swap3A_1379 = arith.constant 1 : i32
      %swap3A_1380 = arith.index_cast %swap3A_1379 : i32 to index
      %swap3A_1381 = arith.constant 672 : index
      %swap3A_1382 = tpu.vector_load %arg9[%swap3A_1380, %swap3A_1381] {strides = array<i32>} : memref<2x768xf32, #tpu.memory_space<vmem>>, vector<16xf32>,
      tpu.vector_store %arg9[%swap3A_1380, %swap3A_1381], %add3A_1378 {strides = array<i32>} : memref<2x768xf32, #tpu.memory_space<vmem>>, vector<16xf32>,
      %get3A_1383 = arith.constant 1 : i32
      %get3A_1384 = arith.index_cast %get3A_1383 : i32 to index
      %get3A_1385 = arith.constant 688 : index
      %get3A_1386 = tpu.vector_load %arg9[%get3A_1384, %get3A_1385] {strides = array<i32>} : memref<2x768xf32, #tpu.memory_space<vmem>>, vector<16xf32>,
      %add3A_1387 = arith.addf %get3A_1386, %scan3A_1282#11 : vector<16xf32>
      %swap3A_1388 = arith.constant 1 : i32
      %swap3A_1389 = arith.index_cast %swap3A_1388 : i32 to index
      %swap3A_1390 = arith.constant 688 : index
      %swap3A_1391 = tpu.vector_load %arg9[%swap3A_1389, %swap3A_1390] {strides = array<i32>} : memref<2x768xf32, #tpu.memory_space<vmem>>, vector<16xf32>,
      tpu.vector_store %arg9[%swap3A_1389, %swap3A_1390], %add3A_1387 {strides = array<i32>} : memref<2x768xf32, #tpu.memory_space<vmem>>, vector<16xf32>,
      %get3A_1392 = arith.constant 1 : i32
      %get3A_1393 = arith.index_cast %get3A_1392 : i32 to index
      %get3A_1394 = arith.constant 704 : index
      %get3A_1395 = tpu.vector_load %arg9[%get3A_1393, %get3A_1394] {strides = array<i32>} : memref<2x768xf32, #tpu.memory_space<vmem>>, vector<16xf32>,
      %add3A_1396 = arith.addf %get3A_1395, %scan3A_1282#12 : vector<16xf32>
      %swap3A_1397 = arith.constant 1 : i32
      %swap3A_1398 = arith.index_cast %swap3A_1397 : i32 to index
      %swap3A_1399 = arith.constant 704 : index
      %swap3A_1400 = tpu.vector_load %arg9[%swap3A_1398, %swap3A_1399] {strides = array<i32>} : memref<2x768xf32, #tpu.memory_space<vmem>>, vector<16xf32>,
      tpu.vector_store %arg9[%swap3A_1398, %swap3A_1399], %add3A_1396 {strides = array<i32>} : memref<2x768xf32, #tpu.memory_space<vmem>>, vector<16xf32>,
      %get3A_1401 = arith.constant 1 : i32
      %get3A_1402 = arith.index_cast %get3A_1401 : i32 to index
      %get3A_1403 = arith.constant 720 : index
      %get3A_1404 = tpu.vector_load %arg9[%get3A_1402, %get3A_1403] {strides = array<i32>} : memref<2x768xf32, #tpu.memory_space<vmem>>, vector<16xf32>,
      %add3A_1405 = arith.addf %get3A_1404, %scan3A_1282#13 : vector<16xf32>
      %swap3A_1406 = arith.constant 1 : i32
      %swap3A_1407 = arith.index_cast %swap3A_1406 : i32 to index
      %swap3A_1408 = arith.constant 720 : index
      %swap3A_1409 = tpu.vector_load %arg9[%swap3A_1407, %swap3A_1408] {strides = array<i32>} : memref<2x768xf32, #tpu.memory_space<vmem>>, vector<16xf32>,
      tpu.vector_store %arg9[%swap3A_1407, %swap3A_1408], %add3A_1405 {strides = array<i32>} : memref<2x768xf32, #tpu.memory_space<vmem>>, vector<16xf32>,
      %get3A_1410 = arith.constant 1 : i32
      %get3A_1411 = arith.index_cast %get3A_1410 : i32 to index
      %get3A_1412 = arith.constant 736 : index
      %get3A_1413 = tpu.vector_load %arg9[%get3A_1411, %get3A_1412] {strides = array<i32>} : memref<2x768xf32, #tpu.memory_space<vmem>>, vector<16xf32>,
      %add3A_1414 = arith.addf %get3A_1413, %scan3A_1282#14 : vector<16xf32>
      %swap3A_1415 = arith.constant 1 : i32
      %swap3A_1416 = arith.index_cast %swap3A_1415 : i32 to index
      %swap3A_1417 = arith.constant 736 : index
      %swap3A_1418 = tpu.vector_load %arg9[%swap3A_1416, %swap3A_1417] {strides = array<i32>} : memref<2x768xf32, #tpu.memory_space<vmem>>, vector<16xf32>,
      tpu.vector_store %arg9[%swap3A_1416, %swap3A_1417], %add3A_1414 {strides = array<i32>} : memref<2x768xf32, #tpu.memory_space<vmem>>, vector<16xf32>,
      %get3A_1419 = arith.constant 1 : i32
      %get3A_1420 = arith.index_cast %get3A_1419 : i32 to index
      %get3A_1421 = arith.constant 752 : index
      %get3A_1422 = tpu.vector_load %arg9[%get3A_1420, %get3A_1421] {strides = array<i32>} : memref<2x768xf32, #tpu.memory_space<vmem>>, vector<16xf32>,
      %add3A_1423 = arith.addf %get3A_1422, %scan3A_1282#15 : vector<16xf32>
      %swap3A_1424 = arith.constant 1 : i32
      %swap3A_1425 = arith.index_cast %swap3A_1424 : i32 to index
      %swap3A_1426 = arith.constant 752 : index
      %swap3A_1427 = tpu.vector_load %arg9[%swap3A_1425, %swap3A_1426] {strides = array<i32>} : memref<2x768xf32, #tpu.memory_space<vmem>>, vector<16xf32>,
      tpu.vector_store %arg9[%swap3A_1425, %swap3A_1426], %add3A_1423 {strides = array<i32>} : memref<2x768xf32, #tpu.memory_space<vmem>>, vector<16xf32>,
      "tpu.region"() ({
        %run_scoped3A = tpu.sem_alloc : memref<!tpu.dma_semaphore, #tpu.memory_space<semaphore_mem>>
        %dma_start3A_1428 = arith.constant 0 : i32
        %dma_start3A_1429 = arith.constant 0 : i32
        %dma_start3A_1430 = tpu.memref_slice %arg5[%add3A, %dma_start3A_1428, %dma_start3A_1429] : memref<4x2x768xf32, #tpu.memory_space<hbm>> -> memref<1x2x768xf32, #tpu.memory_space<hbm>>
        %dma_start3A_1431 = tpu.memref_squeeze %dma_start3A_1430 : memref<1x2x768xf32, #tpu.memory_space<hbm>> -> memref<2x768xf32, #tpu.memory_space<hbm>>
        %dma_start3A_1432 = arith.constant 0 : i32
        %dma_start3A_1433 = arith.constant 0 : i32
        %dma_start3A_1434 = tpu.memref_slice %arg5[%add3A, %dma_start3A_1432, %dma_start3A_1433] : memref<4x2x768xf32, #tpu.memory_space<hbm>> -> memref<1x2x768xf32, #tpu.memory_space<hbm>>
        %dma_start3A_1435 = tpu.memref_squeeze %dma_start3A_1434 : memref<1x2x768xf32, #tpu.memory_space<hbm>> -> memref<2x768xf32, #tpu.memory_space<hbm>>
        tpu.enqueue_dma source(%arg9 : memref<2x768xf32, #tpu.memory_space<vmem>>) target(%dma_start3A_1435 : memref<2x768xf32, #tpu.memory_space<hbm>>) target_semaphore(%run_scoped3A : memref<!tpu.dma_semaphore, #tpu.memory_space<semaphore_mem>>)
        %dma_wait3A_1436 = arith.constant 0 : i32
        %dma_wait3A_1437 = arith.constant 0 : i32
        %dma_wait3A_1438 = tpu.memref_slice %arg5[%add3A, %dma_wait3A_1436, %dma_wait3A_1437] : memref<4x2x768xf32, #tpu.memory_space<hbm>> -> memref<1x2x768xf32, #tpu.memory_space<hbm>>
        %dma_wait3A_1439 = tpu.memref_squeeze %dma_wait3A_1438 : memref<1x2x768xf32, #tpu.memory_space<hbm>> -> memref<2x768xf32, #tpu.memory_space<hbm>>
        %dma_wait3A_1440 = arith.constant 0 : i32
        %dma_wait3A_1441 = arith.constant 0 : i32
        %dma_wait3A_1442 = tpu.memref_slice %arg5[%add3A, %dma_wait3A_1440, %dma_wait3A_1441] : memref<4x2x768xf32, #tpu.memory_space<hbm>> -> memref<1x2x768xf32, #tpu.memory_space<hbm>>
        %dma_wait3A_1443 = tpu.memref_squeeze %dma_wait3A_1442 : memref<1x2x768xf32, #tpu.memory_space<hbm>> -> memref<2x768xf32, #tpu.memory_space<hbm>>
        tpu.wait_dma2 semaphore(%run_scoped3A : memref<!tpu.dma_semaphore, #tpu.memory_space<semaphore_mem>>) src(%arg9 : memref<2x768xf32, #tpu.memory_space<vmem>>) dst(%dma_wait3A_1443 : memref<2x768xf32, #tpu.memory_space<hbm>>)
        tpu.yield
      }) : () -> ()
    } else {
    }
    return
  }
}

module attributes {stable_mosaic.version = 14 : i64} {
  func.func @_finish_kernel(%arg0: memref<30x4x768xf32, #tpu.memory_space<vmem>>, %arg1: memref<32x2x768xf32, #tpu.memory_space<vmem>>, %arg2: memref<4x2x768xf32, #tpu.memory_space<vmem>>, %arg3: memref<32x4x4096xf32, #tpu.memory_space<vmem>>, %arg4: memref<768x128xf32, #tpu.memory_space<vmem>>, %arg5: memref<128xf32, #tpu.memory_space<vmem>>, %arg6: memref<384x256xf32, #tpu.memory_space<vmem>>, %arg7: memref<256xf32, #tpu.memory_space<vmem>>, %arg8: memref<256x768xf32, #tpu.memory_space<vmem>>, %arg9: memref<768xf32, #tpu.memory_space<vmem>>, %arg10: memref<32x768xf32, #tpu.memory_space<vmem>>) attributes {dimension_semantics = [], scalar_prefetch = 0 : i64, scratch_operands = 0 : i64, tpu.core_type = #tpu.core_type<tc>} {
    %get3A = arith.constant 0 : index
    %get3A_0 = arith.constant 0 : index
    %get3A_1 = arith.constant 0 : index
    %get3A_2 = vector.load %arg1[%get3A, %get3A_0, %get3A_1] : memref<32x2x768xf32, #tpu.memory_space<vmem>>, vector<32x2x768xf32>
    %reshape3A = vector.shape_cast %get3A_2 : vector<32x2x768xf32> to vector<2x16x2x768xf32>
    %reduce_sum3A = arith.constant dense<0.000000e+00> : vector<2x2x768xf32>
    %reduce_sum3A_3 = vector.multi_reduction <add>, %reshape3A, %reduce_sum3A [1] : vector<2x16x2x768xf32> to vector<2x2x768xf32>
    %get3A_4 = arith.constant 0 : index
    %get3A_5 = arith.constant 0 : index
    %get3A_6 = arith.constant 0 : index
    %get3A_7 = vector.load %arg2[%get3A_4, %get3A_5, %get3A_6] : memref<4x2x768xf32, #tpu.memory_space<vmem>>, vector<4x2x768xf32>
    %reshape3A_8 = vector.shape_cast %get3A_7 : vector<4x2x768xf32> to vector<2x2x2x768xf32>
    %reduce_sum3A_9 = arith.constant dense<0.000000e+00> : vector<2x2x768xf32>
    %reduce_sum3A_10 = vector.multi_reduction <add>, %reshape3A_8, %reduce_sum3A_9 [1] : vector<2x2x2x768xf32> to vector<2x2x768xf32>
    %concatenate3A = tpu.concatenate %reduce_sum3A_3, %reduce_sum3A_10 in 1 : vector<2x2x768xf32>, vector<2x2x768xf32> -> vector<2x4x768xf32>
    %get3A_11 = arith.constant 0 : index
    %get3A_12 = arith.constant 0 : index
    %get3A_13 = arith.constant 0 : index
    %get3A_14 = vector.load %arg0[%get3A_11, %get3A_12, %get3A_13] : memref<30x4x768xf32, #tpu.memory_space<vmem>>, vector<30x4x768xf32>
    %concatenate3A_15 = tpu.concatenate %get3A_14, %concatenate3A in 0 : vector<30x4x768xf32>, vector<2x4x768xf32> -> vector<32x4x768xf32>
    %reshape3A_16 = vector.shape_cast %concatenate3A_15 : vector<32x4x768xf32> to vector<128x768xf32>
    %get3A_17 = arith.constant 0 : index
    %get3A_18 = arith.constant 0 : index
    %get3A_19 = vector.load %arg4[%get3A_17, %get3A_18] : memref<768x128xf32, #tpu.memory_space<vmem>>, vector<768x128xf32>
    %dot_general3A = arith.constant dense<0.000000e+00> : vector<128x128xf32>
    %dot_general3A_20 = tpu.matmul %reshape3A_16, %get3A_19, %dot_general3A {dimension_numbers = #tpu.dot_dimension_numbers<[1], [0], [0], [1], [0, 0, 1, 1], [], []>, transpose_lhs_hint = false} : vector<128x768xf32>, vector<768x128xf32>, vector<128x128xf32> -> vector<128x128xf32>
    %reshape3A_21 = vector.shape_cast %dot_general3A_20 : vector<128x128xf32> to vector<32x4x128xf32>
    %get3A_22 = arith.constant 0 : index
    %get3A_23 = vector.load %arg5[%get3A_22] : memref<128xf32, #tpu.memory_space<vmem>>, vector<128xf32>
    %get3A_24 = arith.constant 0 : index
    %get3A_25 = arith.constant 1 : index
    %get3A_26 = arith.constant 0 : index
    %get3A_27 = vector.load %arg3[%get3A_24, %get3A_25, %get3A_26] : memref<32x4x4096xf32, #tpu.memory_space<vmem>>, vector<32x1x4096xf32>
    %get3A_28 = vector.shape_cast %get3A_27 : vector<32x1x4096xf32> to vector<32x4096xf32>
    %reduce_sum3A_29 = arith.constant dense<0.000000e+00> : vector<32xf32>
    %reduce_sum3A_30 = vector.multi_reduction <add>, %get3A_28, %reduce_sum3A_29 [1] : vector<32x4096xf32> to vector<32xf32>
    %broadcast_in_dim3A = vector.shape_cast %reduce_sum3A_30 : vector<32xf32> to vector<32x1xf32>
    %get3A_31 = arith.constant 0 : index
    %get3A_32 = arith.constant 2 : index
    %get3A_33 = arith.constant 0 : index
    %get3A_34 = vector.load %arg3[%get3A_31, %get3A_32, %get3A_33] : memref<32x4x4096xf32, #tpu.memory_space<vmem>>, vector<32x1x4096xf32>
    %get3A_35 = vector.shape_cast %get3A_34 : vector<32x1x4096xf32> to vector<32x4096xf32>
    %reduce_sum3A_36 = arith.constant dense<0.000000e+00> : vector<32xf32>
    %reduce_sum3A_37 = vector.multi_reduction <add>, %get3A_35, %reduce_sum3A_36 [1] : vector<32x4096xf32> to vector<32xf32>
    %broadcast_in_dim3A_38 = vector.shape_cast %reduce_sum3A_37 : vector<32xf32> to vector<32x1xf32>
    %slice3A = vector.extract_strided_slice %reshape3A_21 {offsets = [0, 0, 0], sizes = [32, 1, 128], strides = [1, 1, 1]} : vector<32x4x128xf32> to vector<32x1x128xf32>
    %squeeze3A = vector.shape_cast %slice3A : vector<32x1x128xf32> to vector<32x128xf32>
    %mul3A = arith.constant 4.096000e+03 : f32
    %mul3A_39 = vector.broadcast %mul3A : f32 to vector<128xf32>
    %mul3A_40 = arith.mulf %mul3A_39, %get3A_23 : vector<128xf32>
    %broadcast_in_dim3A_41 = vector.shape_cast %mul3A_40 : vector<128xf32> to vector<1x128xf32>
    %add3A = vector.broadcast %broadcast_in_dim3A_41 : vector<1x128xf32> to vector<32x128xf32>
    %add3A_42 = arith.addf %squeeze3A, %add3A : vector<32x128xf32>
    %slice3A_43 = vector.extract_strided_slice %reshape3A_21 {offsets = [0, 1, 0], sizes = [32, 1, 128], strides = [1, 1, 1]} : vector<32x4x128xf32> to vector<32x1x128xf32>
    %squeeze3A_44 = vector.shape_cast %slice3A_43 : vector<32x1x128xf32> to vector<32x128xf32>
    %broadcast_in_dim3A_45 = vector.shape_cast %get3A_23 : vector<128xf32> to vector<1x128xf32>
    %mul3A_46 = vector.broadcast %broadcast_in_dim3A : vector<32x1xf32> to vector<32x128xf32>
    %mul3A_47 = vector.broadcast %broadcast_in_dim3A_45 : vector<1x128xf32> to vector<32x128xf32>
    %mul3A_48 = arith.mulf %mul3A_46, %mul3A_47 : vector<32x128xf32>
    %add3A_49 = arith.addf %squeeze3A_44, %mul3A_48 : vector<32x128xf32>
    %slice3A_50 = vector.extract_strided_slice %reshape3A_21 {offsets = [0, 2, 0], sizes = [32, 1, 128], strides = [1, 1, 1]} : vector<32x4x128xf32> to vector<32x1x128xf32>
    %squeeze3A_51 = vector.shape_cast %slice3A_50 : vector<32x1x128xf32> to vector<32x128xf32>
    %broadcast_in_dim3A_52 = vector.shape_cast %get3A_23 : vector<128xf32> to vector<1x128xf32>
    %mul3A_53 = vector.broadcast %broadcast_in_dim3A_38 : vector<32x1xf32> to vector<32x128xf32>
    %mul3A_54 = vector.broadcast %broadcast_in_dim3A_52 : vector<1x128xf32> to vector<32x128xf32>
    %mul3A_55 = arith.mulf %mul3A_53, %mul3A_54 : vector<32x128xf32>
    %add3A_56 = arith.addf %squeeze3A_51, %mul3A_55 : vector<32x128xf32>
    %slice3A_57 = vector.extract_strided_slice %reshape3A_21 {offsets = [0, 3, 0], sizes = [32, 1, 128], strides = [1, 1, 1]} : vector<32x4x128xf32> to vector<32x1x128xf32>
    %squeeze3A_58 = vector.shape_cast %slice3A_57 : vector<32x1x128xf32> to vector<32x128xf32>
    %mul3A_59 = arith.constant 3.200000e+01 : f32
    %mul3A_60 = vector.broadcast %mul3A_59 : f32 to vector<128xf32>
    %mul3A_61 = arith.mulf %mul3A_60, %get3A_23 : vector<128xf32>
    %broadcast_in_dim3A_62 = vector.shape_cast %mul3A_61 : vector<128xf32> to vector<1x128xf32>
    %add3A_63 = vector.broadcast %broadcast_in_dim3A_62 : vector<1x128xf32> to vector<32x128xf32>
    %add3A_64 = arith.addf %squeeze3A_58, %add3A_63 : vector<32x128xf32>
    %sub3A = arith.subf %add3A_42, %add3A_64 : vector<32x128xf32>
    %mul3A_65 = arith.constant 2.460630e-04 : f32
    %mul3A_66 = vector.broadcast %mul3A_65 : f32 to vector<32x128xf32>
    %mul3A_67 = arith.mulf %sub3A, %mul3A_66 : vector<32x128xf32>
    %concatenate3A_68 = tpu.concatenate %add3A_56, %add3A_49, %mul3A_67 in 1 : vector<32x128xf32>, vector<32x128xf32>, vector<32x128xf32> -> vector<32x384xf32>
    %get3A_69 = arith.constant 0 : index
    %get3A_70 = arith.constant 0 : index
    %get3A_71 = vector.load %arg6[%get3A_69, %get3A_70] : memref<384x256xf32, #tpu.memory_space<vmem>>, vector<384x256xf32>
    %dot_general3A_72 = arith.constant dense<0.000000e+00> : vector<32x256xf32>
    %dot_general3A_73 = tpu.matmul %concatenate3A_68, %get3A_71, %dot_general3A_72 {dimension_numbers = #tpu.dot_dimension_numbers<[1], [0], [0], [1], [0, 0, 1, 1], [], []>, transpose_lhs_hint = false} : vector<32x384xf32>, vector<384x256xf32>, vector<32x256xf32> -> vector<32x256xf32>
    %get3A_74 = arith.constant 0 : index
    %get3A_75 = vector.load %arg7[%get3A_74] : memref<256xf32, #tpu.memory_space<vmem>>, vector<256xf32>
    %broadcast_in_dim3A_76 = vector.shape_cast %get3A_75 : vector<256xf32> to vector<1x256xf32>
    %add3A_77 = vector.broadcast %broadcast_in_dim3A_76 : vector<1x256xf32> to vector<32x256xf32>
    %add3A_78 = arith.addf %dot_general3A_73, %add3A_77 : vector<32x256xf32>
    %mul3A_79 = arith.constant 5.000000e-01 : f32
    %mul3A_80 = vector.broadcast %mul3A_79 : f32 to vector<32x256xf32>
    %mul3A_81 = arith.mulf %mul3A_80, %add3A_78 : vector<32x256xf32>
    %mul3A_82 = arith.constant 0.707106769 : f32
    %mul3A_83 = vector.broadcast %mul3A_82 : f32 to vector<32x256xf32>
    %mul3A_84 = arith.mulf %add3A_78, %mul3A_83 : vector<32x256xf32>
    %erf3A = math.erf %mul3A_84 : vector<32x256xf32>
    %add3A_85 = arith.constant 1.000000e+00 : f32
    %add3A_86 = vector.broadcast %add3A_85 : f32 to vector<32x256xf32>
    %add3A_87 = arith.addf %add3A_86, %erf3A : vector<32x256xf32>
    %mul3A_88 = arith.mulf %mul3A_81, %add3A_87 : vector<32x256xf32>
    %get3A_89 = arith.constant 0 : index
    %get3A_90 = arith.constant 0 : index
    %get3A_91 = vector.load %arg8[%get3A_89, %get3A_90] : memref<256x768xf32, #tpu.memory_space<vmem>>, vector<256x768xf32>
    %dot_general3A_92 = arith.constant dense<0.000000e+00> : vector<32x768xf32>
    %dot_general3A_93 = tpu.matmul %mul3A_88, %get3A_91, %dot_general3A_92 {dimension_numbers = #tpu.dot_dimension_numbers<[1], [0], [0], [1], [0, 0, 1, 1], [], []>, transpose_lhs_hint = false} : vector<32x256xf32>, vector<256x768xf32>, vector<32x768xf32> -> vector<32x768xf32>
    %get3A_94 = arith.constant 0 : index
    %get3A_95 = vector.load %arg9[%get3A_94] : memref<768xf32, #tpu.memory_space<vmem>>, vector<768xf32>
    %broadcast_in_dim3A_96 = vector.shape_cast %get3A_95 : vector<768xf32> to vector<1x768xf32>
    %add3A_97 = vector.broadcast %broadcast_in_dim3A_96 : vector<1x768xf32> to vector<32x768xf32>
    %add3A_98 = arith.addf %dot_general3A_93, %add3A_97 : vector<32x768xf32>
    %swap3A = arith.constant 0 : index
    %swap3A_99 = arith.constant 0 : index
    %swap3A_100 = vector.load %arg10[%swap3A, %swap3A_99] : memref<32x768xf32, #tpu.memory_space<vmem>>, vector<32x768xf32>
    tpu.vector_store %arg10[%swap3A, %swap3A_99], %add3A_98 {strides = array<i32>} : memref<32x768xf32, #tpu.memory_space<vmem>>, vector<32x768xf32>,
    return
  }
}

module attributes {stable_mosaic.version = 14 : i64} {
  func.func @_topk_kernel(%arg0: memref<32x4096xf32, #tpu.memory_space<vmem>>, %arg1: memref<32x4x4096xf32, #tpu.memory_space<vmem>>, %arg2: memref<32x32xi32, #tpu.memory_space<vmem>>, %arg3: memref<32x32xf32, #tpu.memory_space<vmem>>) attributes {dimension_semantics = [], scalar_prefetch = 0 : i64, scratch_operands = 0 : i64, tpu.core_type = #tpu.core_type<tc>} {
    %get3A = arith.constant 0 : index
    %get3A_0 = arith.constant 0 : index
    %get3A_1 = vector.load %arg0[%get3A, %get3A_0] : memref<32x4096xf32, #tpu.memory_space<vmem>>, vector<32x4096xf32>
    %iota3A = tpu.iota {dimensions = array<i32: 1>} : vector<32x4096xi32>
    %iota3A_2 = tpu.iota {dimensions = array<i32: 1>} : vector<32x32xi32>
    %broadcast_in_dim3A = arith.constant 0.000000e+00 : f32
    %broadcast_in_dim3A_3 = vector.broadcast %broadcast_in_dim3A : f32 to vector<32x4096xf32>
    %broadcast_in_dim3A_4 = arith.constant 0.000000e+00 : f32
    %broadcast_in_dim3A_5 = vector.broadcast %broadcast_in_dim3A_4 : f32 to vector<32x1xf32>
    %broadcast_in_dim3A_6 = arith.constant 0 : i32
    %broadcast_in_dim3A_7 = vector.broadcast %broadcast_in_dim3A_6 : i32 to vector<32x32xi32>
    %broadcast_in_dim3A_8 = arith.constant 0.000000e+00 : f32
    %broadcast_in_dim3A_9 = vector.broadcast %broadcast_in_dim3A_8 : f32 to vector<32x32xf32>
    %scan3A = arith.constant 0xFF800000 : f32
    %scan3A_10 = arith.constant 0 : i32
    %scan3A_11 = arith.constant 32 : i32
    %scan3A_12 = arith.addi %scan3A_10, %scan3A_11 : i32
    %scan3A_13 = arith.constant 1 : i32
    %scan3A_14:6 = scf.for %scan3A_58 = %scan3A_10 to %scan3A_12 step %scan3A_13 iter_args(%scan3A_59 = %get3A_1, %scan3A_60 = %broadcast_in_dim3A_3, %scan3A_61 = %broadcast_in_dim3A_3, %scan3A_62 = %broadcast_in_dim3A_5, %scan3A_63 = %broadcast_in_dim3A_7, %scan3A_64 = %broadcast_in_dim3A_9) -> (vector<32x4096xf32>, vector<32x4096xf32>, vector<32x4096xf32>, vector<32x1xf32>, vector<32x32xi32>, vector<32x32xf32>)  : i32 {
      %reduce_max3A = arith.constant dense<0xFF800000> : vector<32xf32>
      %reduce_max3A_65 = vector.multi_reduction <maximumf>, %scan3A_59, %reduce_max3A [1] : vector<32x4096xf32> to vector<32xf32>
      %broadcast_in_dim3A_66 = vector.shape_cast %reduce_max3A_65 : vector<32xf32> to vector<32x1xf32>
      %eq3A = vector.broadcast %broadcast_in_dim3A_66 : vector<32x1xf32> to vector<32x4096xf32>
      %eq3A_67 = arith.cmpf oeq, %scan3A_59, %eq3A : vector<32x4096xf32>
      %jit3A = arith.constant 4096 : i32
      %broadcast_in_dim3A_68 = vector.broadcast %jit3A : i32 to vector<32x4096xi32>
      %select_n3A = arith.select %eq3A_67, %iota3A, %broadcast_in_dim3A_68 : vector<32x4096xi1>, vector<32x4096xi32>
      %reduce_min3A = arith.constant dense<2147483647> : vector<32xi32>
      %reduce_min3A_69 = vector.multi_reduction <minsi>, %select_n3A, %reduce_min3A [1] : vector<32x4096xi32> to vector<32xi32>
      %broadcast_in_dim3A_70 = vector.shape_cast %reduce_min3A_69 : vector<32xi32> to vector<32x1xi32>
      %eq3A_71 = vector.broadcast %broadcast_in_dim3A_70 : vector<32x1xi32> to vector<32x4096xi32>
      %eq3A_72 = arith.cmpi eq, %iota3A, %eq3A_71 : vector<32x4096xi32>
      %jit3A_73 = arith.constant 0.000000e+00 : f32
      %broadcast_in_dim3A_74 = vector.shape_cast %broadcast_in_dim3A_66 : vector<32x1xf32> to vector<32x1xf32>
      %broadcast_in_dim3A_75 = vector.broadcast %broadcast_in_dim3A_74 : vector<32x1xf32> to vector<32x4096xf32>
      %broadcast_in_dim3A_76 = vector.broadcast %jit3A_73 : f32 to vector<32x4096xf32>
      %select_n3A_77 = arith.select %eq3A_72, %broadcast_in_dim3A_75, %broadcast_in_dim3A_76 : vector<32x4096xi1>, vector<32x4096xf32>
      %add3A_78 = arith.addf %scan3A_60, %select_n3A_77 : vector<32x4096xf32>
      %jit3A_79 = arith.constant 1.000000e+00 : f32
      %jit3A_80 = arith.constant 0.000000e+00 : f32
      %broadcast_in_dim3A_81 = vector.broadcast %jit3A_79 : f32 to vector<32x4096xf32>
      %broadcast_in_dim3A_82 = vector.broadcast %jit3A_80 : f32 to vector<32x4096xf32>
      %select_n3A_83 = arith.select %eq3A_72, %broadcast_in_dim3A_81, %broadcast_in_dim3A_82 : vector<32x4096xi1>, vector<32x4096xf32>
      %add3A_84 = arith.addf %scan3A_61, %select_n3A_83 : vector<32x4096xf32>
      %add3A_85 = arith.addf %scan3A_62, %broadcast_in_dim3A_66 : vector<32x1xf32>
      %eq3A_86 = vector.broadcast %scan3A_58 : i32 to vector<32x32xi32>
      %eq3A_87 = arith.cmpi eq, %iota3A_2, %eq3A_86 : vector<32x32xi32>
      %jit3A_88 = arith.constant 0 : i32
      %broadcast_in_dim3A_89 = vector.shape_cast %broadcast_in_dim3A_70 : vector<32x1xi32> to vector<32x1xi32>
      %broadcast_in_dim3A_90 = vector.broadcast %broadcast_in_dim3A_89 : vector<32x1xi32> to vector<32x32xi32>
      %broadcast_in_dim3A_91 = vector.broadcast %jit3A_88 : i32 to vector<32x32xi32>
      %select_n3A_92 = arith.select %eq3A_87, %broadcast_in_dim3A_90, %broadcast_in_dim3A_91 : vector<32x32xi1>, vector<32x32xi32>
      %add3A_93 = arith.addi %scan3A_63, %select_n3A_92 : vector<32x32xi32>
      %jit3A_94 = arith.constant 0.000000e+00 : f32
      %broadcast_in_dim3A_95 = vector.shape_cast %broadcast_in_dim3A_66 : vector<32x1xf32> to vector<32x1xf32>
      %broadcast_in_dim3A_96 = vector.broadcast %broadcast_in_dim3A_95 : vector<32x1xf32> to vector<32x32xf32>
      %broadcast_in_dim3A_97 = vector.broadcast %jit3A_94 : f32 to vector<32x32xf32>
      %select_n3A_98 = arith.select %eq3A_87, %broadcast_in_dim3A_96, %broadcast_in_dim3A_97 : vector<32x32xi1>, vector<32x32xf32>
      %add3A_99 = arith.addf %scan3A_64, %select_n3A_98 : vector<32x32xf32>
      %broadcast_in_dim3A_100 = vector.broadcast %scan3A : f32 to vector<32x4096xf32>
      %select_n3A_101 = arith.select %eq3A_72, %broadcast_in_dim3A_100, %scan3A_59 : vector<32x4096xi1>, vector<32x4096xf32>
      scf.yield %select_n3A_101, %add3A_78, %add3A_84, %add3A_85, %add3A_93, %add3A_99 : vector<32x4096xf32>, vector<32x4096xf32>, vector<32x4096xf32>, vector<32x1xf32>, vector<32x32xi32>, vector<32x32xf32>
    }
    %scan3A_15 = arith.constant 32 : i32
    %broadcast_in_dim3A_16 = arith.constant 1.000000e+00 : f32
    %broadcast_in_dim3A_17 = vector.broadcast %broadcast_in_dim3A_16 : f32 to vector<32x4096xf32>
    %swap3A = arith.constant 0 : index
    %swap3A_18 = arith.constant 0 : index
    %swap3A_19 = arith.constant 0 : index
    %swap3A_20 = vector.load %arg1[%swap3A, %swap3A_18, %swap3A_19] : memref<32x4x4096xf32, #tpu.memory_space<vmem>>, vector<32x1x4096xf32>
    %swap3A_21 = vector.shape_cast %swap3A_20 : vector<32x1x4096xf32> to vector<32x4096xf32>
    %swap3A_22 = vector.shape_cast %broadcast_in_dim3A_17 : vector<32x4096xf32> to vector<32x1x4096xf32>
    tpu.vector_store %arg1[%swap3A, %swap3A_18, %swap3A_19], %swap3A_22 {strides = array<i32>} : memref<32x4x4096xf32, #tpu.memory_space<vmem>>, vector<32x1x4096xf32>,
    %get3A_23 = arith.constant 0 : index
    %get3A_24 = arith.constant 0 : index
    %get3A_25 = vector.load %arg0[%get3A_23, %get3A_24] : memref<32x4096xf32, #tpu.memory_space<vmem>>, vector<32x4096xf32>
    %swap3A_26 = arith.constant 0 : index
    %swap3A_27 = arith.constant 1 : index
    %swap3A_28 = arith.constant 0 : index
    %swap3A_29 = vector.load %arg1[%swap3A_26, %swap3A_27, %swap3A_28] : memref<32x4x4096xf32, #tpu.memory_space<vmem>>, vector<32x1x4096xf32>
    %swap3A_30 = vector.shape_cast %swap3A_29 : vector<32x1x4096xf32> to vector<32x4096xf32>
    %swap3A_31 = vector.shape_cast %get3A_25 : vector<32x4096xf32> to vector<32x1x4096xf32>
    tpu.vector_store %arg1[%swap3A_26, %swap3A_27, %swap3A_28], %swap3A_31 {strides = array<i32>} : memref<32x4x4096xf32, #tpu.memory_space<vmem>>, vector<32x1x4096xf32>,
    %add3A = arith.constant 9.99999993E-9 : f32
    %add3A_32 = vector.broadcast %add3A : f32 to vector<32x1xf32>
    %add3A_33 = arith.addf %scan3A_14#3, %add3A_32 : vector<32x1xf32>
    %div3A = vector.broadcast %add3A_33 : vector<32x1xf32> to vector<32x4096xf32>
    %div3A_34 = arith.divf %scan3A_14#1, %div3A : vector<32x4096xf32>
    %swap3A_35 = arith.constant 0 : index
    %swap3A_36 = arith.constant 2 : index
    %swap3A_37 = arith.constant 0 : index
    %swap3A_38 = vector.load %arg1[%swap3A_35, %swap3A_36, %swap3A_37] : memref<32x4x4096xf32, #tpu.memory_space<vmem>>, vector<32x1x4096xf32>
    %swap3A_39 = vector.shape_cast %swap3A_38 : vector<32x1x4096xf32> to vector<32x4096xf32>
    %swap3A_40 = vector.shape_cast %div3A_34 : vector<32x4096xf32> to vector<32x1x4096xf32>
    tpu.vector_store %arg1[%swap3A_35, %swap3A_36, %swap3A_37], %swap3A_40 {strides = array<i32>} : memref<32x4x4096xf32, #tpu.memory_space<vmem>>, vector<32x1x4096xf32>,
    %swap3A_41 = arith.constant 0 : index
    %swap3A_42 = arith.constant 3 : index
    %swap3A_43 = arith.constant 0 : index
    %swap3A_44 = vector.load %arg1[%swap3A_41, %swap3A_42, %swap3A_43] : memref<32x4x4096xf32, #tpu.memory_space<vmem>>, vector<32x1x4096xf32>
    %swap3A_45 = vector.shape_cast %swap3A_44 : vector<32x1x4096xf32> to vector<32x4096xf32>
    %swap3A_46 = vector.shape_cast %scan3A_14#2 : vector<32x4096xf32> to vector<32x1x4096xf32>
    tpu.vector_store %arg1[%swap3A_41, %swap3A_42, %swap3A_43], %swap3A_46 {strides = array<i32>} : memref<32x4x4096xf32, #tpu.memory_space<vmem>>, vector<32x1x4096xf32>,
    %swap3A_47 = arith.constant 0 : index
    %swap3A_48 = arith.constant 0 : index
    %swap3A_49 = vector.load %arg2[%swap3A_47, %swap3A_48] : memref<32x32xi32, #tpu.memory_space<vmem>>, vector<32x32xi32>
    tpu.vector_store %arg2[%swap3A_47, %swap3A_48], %scan3A_14#4 {strides = array<i32>} : memref<32x32xi32, #tpu.memory_space<vmem>>, vector<32x32xi32>,
    %add3A_50 = arith.constant 9.99999993E-9 : f32
    %add3A_51 = vector.broadcast %add3A_50 : f32 to vector<32x1xf32>
    %add3A_52 = arith.addf %scan3A_14#3, %add3A_51 : vector<32x1xf32>
    %div3A_53 = vector.broadcast %add3A_52 : vector<32x1xf32> to vector<32x32xf32>
    %div3A_54 = arith.divf %scan3A_14#5, %div3A_53 : vector<32x32xf32>
    %swap3A_55 = arith.constant 0 : index
    %swap3A_56 = arith.constant 0 : index
    %swap3A_57 = vector.load %arg3[%swap3A_55, %swap3A_56] : memref<32x32xf32, #tpu.memory_space<vmem>>, vector<32x32xf32>
    tpu.vector_store %arg3[%swap3A_55, %swap3A_56], %div3A_54 {strides = array<i32>} : memref<32x32xf32, #tpu.memory_space<vmem>>, vector<32x32xf32>,
    return
  }
}

module attributes {stable_mosaic.version = 14 : i64} {
  func.func @_stream_kernel(%arg0: i32, %arg1: i32, %arg2: memref<32x4x4096xf32, #tpu.memory_space<vmem>>, %arg3: memref<1x4096x768xf32, #tpu.memory_space<vmem>>, %arg4: memref<1x4x768xf32, #tpu.memory_space<vmem>>) attributes {dimension_semantics = [#tpu.dimension_semantics<arbitrary>, #tpu.dimension_semantics<arbitrary>], iteration_bounds = array<i64: 30, 1>, scalar_prefetch = 0 : i64, scratch_operands = 0 : i64, tpu.core_type = #tpu.core_type<tc>, window_params = [{pipeline_mode = #tpu.pipeline_mode<synchronous>, transform_indices = @transform_0, window_bounds = array<i64: 32, 4, 4096>}, {transform_indices = @transform_1, window_bounds = array<i64: 1, 4096, 768>}, {transform_indices = @transform_2, window_bounds = array<i64: 1, 4, 768>}]} {
    %get3A = arith.index_cast %arg0 : i32 to index
    %get3A_0 = arith.constant 0 : index
    %get3A_1 = arith.constant 0 : index
    %get3A_2 = vector.load %arg2[%get3A, %get3A_0, %get3A_1] : memref<32x4x4096xf32, #tpu.memory_space<vmem>>, vector<1x4x4096xf32>
    %get3A_3 = vector.shape_cast %get3A_2 : vector<1x4x4096xf32> to vector<4x4096xf32>
    %convert_element_type3A = arith.truncf %get3A_3 : vector<4x4096xf32> to vector<4x4096xbf16>
    %get3A_4 = arith.constant 0 : index
    %get3A_5 = arith.constant 0 : index
    %get3A_6 = arith.constant 0 : index
    %get3A_7 = vector.load %arg3[%get3A_4, %get3A_5, %get3A_6] : memref<1x4096x768xf32, #tpu.memory_space<vmem>>, vector<1x4096x768xf32>
    %get3A_8 = vector.shape_cast %get3A_7 : vector<1x4096x768xf32> to vector<4096x768xf32>
    %convert_element_type3A_9 = arith.truncf %get3A_8 : vector<4096x768xf32> to vector<4096x768xbf16>
    %dot_general3A = arith.constant dense<0.000000e+00> : vector<4x768xf32>
    %dot_general3A_10 = tpu.matmul %convert_element_type3A, %convert_element_type3A_9, %dot_general3A {dimension_numbers = #tpu.dot_dimension_numbers<[1], [0], [0], [1], [0, 0, 1, 1], [], []>, transpose_lhs_hint = false} : vector<4x4096xbf16>, vector<4096x768xbf16>, vector<4x768xf32> -> vector<4x768xf32>
    %eq3A = arith.constant 0 : i32
    %eq3A_11 = arith.cmpi eq, %arg1, %eq3A : i32
    %convert_element_type3A_12 = arith.extui %eq3A_11 : i1 to i32
    %cond3A = arith.constant 0 : i32
    %cond3A_13 = arith.cmpi ne, %convert_element_type3A_12, %cond3A : i32
    scf.if %cond3A_13 {
      %swap3A = arith.constant 0 : index
      %swap3A_18 = arith.constant 0 : index
      %swap3A_19 = arith.constant 0 : index
      %swap3A_20 = vector.load %arg4[%swap3A, %swap3A_18, %swap3A_19] : memref<1x4x768xf32, #tpu.memory_space<vmem>>, vector<1x4x768xf32>
      %swap3A_21 = vector.shape_cast %swap3A_20 : vector<1x4x768xf32> to vector<4x768xf32>
      %swap3A_22 = vector.shape_cast %dot_general3A_10 : vector<4x768xf32> to vector<1x4x768xf32>
      tpu.vector_store %arg4[%swap3A, %swap3A_18, %swap3A_19], %swap3A_22 {strides = array<i32>} : memref<1x4x768xf32, #tpu.memory_space<vmem>>, vector<1x4x768xf32>,
    } else {
    }
    %ne3A = arith.constant 0 : i32
    %ne3A_14 = arith.cmpi ne, %arg1, %ne3A : i32
    %convert_element_type3A_15 = arith.extui %ne3A_14 : i1 to i32
    %cond3A_16 = arith.constant 0 : i32
    %cond3A_17 = arith.cmpi ne, %convert_element_type3A_15, %cond3A_16 : i32
    scf.if %cond3A_17 {
      %get3A_18 = arith.constant 0 : index
      %get3A_19 = arith.constant 0 : index
      %get3A_20 = arith.constant 0 : index
      %get3A_21 = vector.load %arg4[%get3A_18, %get3A_19, %get3A_20] : memref<1x4x768xf32, #tpu.memory_space<vmem>>, vector<1x4x768xf32>
      %get3A_22 = vector.shape_cast %get3A_21 : vector<1x4x768xf32> to vector<4x768xf32>
      %add3A = arith.addf %get3A_22, %dot_general3A_10 : vector<4x768xf32>
      %swap3A = arith.constant 0 : index
      %swap3A_23 = arith.constant 0 : index
      %swap3A_24 = arith.constant 0 : index
      %swap3A_25 = vector.load %arg4[%swap3A, %swap3A_23, %swap3A_24] : memref<1x4x768xf32, #tpu.memory_space<vmem>>, vector<1x4x768xf32>
      %swap3A_26 = vector.shape_cast %swap3A_25 : vector<1x4x768xf32> to vector<4x768xf32>
      %swap3A_27 = vector.shape_cast %add3A : vector<4x768xf32> to vector<1x4x768xf32>
      tpu.vector_store %arg4[%swap3A, %swap3A_23, %swap3A_24], %swap3A_27 {strides = array<i32>} : memref<1x4x768xf32, #tpu.memory_space<vmem>>, vector<1x4x768xf32>,
    } else {
    }
    return
  }
  func.func @transform_0(%arg0: i32, %arg1: i32) -> (i32, i32, i32) {
    %c0_i32 = arith.constant 0 : i32
    %c0_i32_0 = arith.constant 0 : i32
    %c0_i32_1 = arith.constant 0 : i32
    %c0_i32_2 = arith.constant 0 : i32
    return %c0_i32, %c0_i32_0, %c0_i32_1 : i32, i32, i32
  }
  func.func @transform_1(%arg0: i32, %arg1: i32) -> (i32, i32, i32) {
    %c0_i32 = arith.constant 0 : i32
    %c0_i32_0 = arith.constant 0 : i32
    return %arg0, %arg1, %c0_i32 : i32, i32, i32
  }
  func.func @transform_2(%arg0: i32, %arg1: i32) -> (i32, i32, i32) {
    %c0_i32 = arith.constant 0 : i32
    %c0_i32_0 = arith.constant 0 : i32
    %c0_i32_1 = arith.constant 0 : i32
    return %arg0, %c0_i32, %c0_i32_0 : i32, i32, i32
  }
}

</mosaic_0001>

<sc_bundles>
// kernel: kernel.10.cloned.1.call-start
scs
__scs_entry_jumppad:
0x0: {  	(pc) =	sbr.rel $0x88, $3  }
0x1: {  	(tag) =	ssettag $0x0;
	lr =	simm.s32 $0x1  }
0x2: {  	[smem:$0x3F98] =	sst lr;
	_ =	strace $0xD0000000  }
0x3: {  	_ = 	snop  }
0x4: {  	_ = 	snop  }
0x5: {  	_ = 	snop  }
0x6: {  	_ = 	snop  }
0x7: {  	_ = 	snop  }
__scs_overlays_trampoline_lowered:
0x8: {  	[smem:$0x3FA7] =	sst s0  }
0x9: {  	[smem:$0x3FA8] =	sst s1  }
0xa: {  	[smem:$0x3FA9] =	sst s2  }
0xb: {  	[smem:$0x3FAA] =	sst s3  }
0xc: {  	[smem:$0x3FAB] =	sst s4  }
0xd: {  	[smem:$0x3FAC] =	sst s5  }
0xe: {  	[smem:$0x3FAD] =	sst s6  }
0xf: {  	[smem:$0x3FAE] =	sst s7  }
0x10: {  	[smem:$0x3FAF] =	sst s8  }
0x11: {  	[smem:$0x3FB0] =	sst s9;
	s0 =	simm.s32 @!p0 $0x0  }
0x12: {  	s1 =	sld [smem:$0x3F96];
	s0 =	simm.s32 @p0 $0x1  }
0x13: {  	[smem:$0x3FB1] =	sst s0;
	s0 =	simm.s32 @!p1 $0x0  }
0x14: {  	s2 =	sld [smem:$0x3F95];
	s0 =	simm.s32 @p1 $0x1  }
0x15: {  	[smem:$0x3FB2] =	sst s0;
	s0 =	simm.s32 @!p2 $0x0  }
0x16: {  	s3 =	sld [smem:$0x3FDB];
	s0 =	simm.s32 @p2 $0x1  }
0x17: {  	s4 =	simm.s32 $0x1BF5;
	[smem:$0x3FB4] =	sst s0  }
0x18: {  	s0 =	sld [smem:$0x3F97];
	_ =	swait.ge [sflag:s4], $0x0  }
0x19: {  	s7 =	sld [smem:$0x3F98]  }
0x1a: {  	s8 =	sadd.s32 $0xFFFFE003, lr  }
0x1b: {  	s9 =	sadd.s32 $0xFFFFFEF7, lr;
	s5 =	simm.s32 $0xFFFFFFFF;
	p2 =	slt.u32 s8, $0xFFFFF086  }
0x1c: {  	p1 =	slt.u32 s9, $0xF7A;
	s5 =	simm.s32 @!p2 $0x0  }
0x1d: {  	s5 =	simm.s32 @p1 $0x1;
	p0 =	seq.s32 s7, s2  }
0x1e: {  	s7 =	smul.u32 @!p0 $0xF7A, s2;
	p2 =	seq.s32 @!p0 s5, $0x0  }
0x1f: {  	s9 =	smul.u32 $0xF7A, s1;
	s8 =	simm.s32 @!p0 $0x1BF5;
	p2 =	por !p2, p0  }
0x20: {  	[sflag:s8] =	ssyncset.s32 @!p0 $0xFFFFF086;
	s6 =	sadd.s32 @!p0 s3, s7;
	s7 =	simm.s32 @!p0 $0x108  }
0x21: {  	s3 =	sadd.s32 s3, s9;
	s6 =	sadd.s32 @!p0 $0x88, s6;
	s7 =	simm.s32 @p2 $0x1082  }
0x22: {  	[simem:s7], [sflag:s8] =	dma.local @!p0 [hbm:s6], $0xF7A  }
0x23: {  	s9 =	sor.u32 $0xD0000000, s2;
	s6 =	simm.s32 $0x108;
	_ =	swait.ge @!p0 [sflag:s8], $0x0  }
0x24: {  	s3 =	sadd.s32 $0x88, s3;
	s6 =	simm.s32 @!p1 $0x1082;
	[sflag:s4] =	ssyncset.s32 $0xFFFFF086  }
0x25: {  	[simem:s6], [sflag:s4] =	dma.local [hbm:s3], $0xF7A  }
0x26: {  	[smem:$0x3F98] =	sst s1;
	(tag) =	ssettag s2;
	_ =	strace s9  }
0x27: {  	s1 =	sld [smem:$0x3FA8]  }
0x28: {  	s2 =	sld [smem:$0x3FA9]  }
0x29: {  	s4 =	sld [smem:$0x3FAB]  }
0x2a: {  	p0 =	seq.s32 s5, $0x0;
	s5 =	sld [smem:$0x3FAC]  }
0x2b: {  	s6 =	sld [smem:$0x3FAD]  }
0x2c: {  	s7 =	sld [smem:$0x3FAE]  }
0x2d: {  	s3 =	simm.s32 $0x108;
	s8 =	sld [smem:$0x3FAF]  }
0x2e: {  	s3 =	simm.s32 @!p0 $0x1082;
	s9 =	sld [smem:$0x3FB0]  }
0x2f: {  	lr =	sadd.s32 s0, s3;
	s0 =	sld [smem:$0x3FA7]  }
0x30: {  	s3 =	sld [smem:$0x3FAA]  }
0x31: {  	[smem:$0x3FB3] =	sst s10  }
0x32: {  	s10 =	sld [smem:$0x3FB1];
	_ =	sdelay $0x3  }
0x33: {  	p0 =	seq.s32 s10, $0x1;
	s10 =	sld [smem:$0x3FB3];
	_ =	sdelay $0x3  }
0x34: {  	[smem:$0x3FB3] =	sst s10  }
0x35: {  	s10 =	sld [smem:$0x3FB2];
	_ =	sdelay $0x3  }
0x36: {  	p1 =	seq.s32 s10, $0x1;
	s10 =	sld [smem:$0x3FB3];
	_ =	sdelay $0x3  }
0x37: {  	[smem:$0x3FB3] =	sst s10  }
0x38: {  	s10 =	sld [smem:$0x3FB4]  }
0x39: {  	_ = 	snop;
	(pc) =	sbr.ind lr, $3  }
0x3a: {  	_ = 	snop  }
0x3b: {  	_ = 	snop  }
0x3c: {  	p2 =	seq.s32 s10, $0x1;
	s10 =	sld [smem:$0x3FB3]  }
0x3d: {  	_ =	shalt  }
0x3e: {  	_ =	shalt  }
0x3f: {  	_ =	shalt  }
0x40: {  	_ =	shalt  }
0x41: {  	_ =	shalt  }
0x42: {  	_ =	shalt  }
0x43: {  	_ =	shalt  }
0x44: {  	_ =	shalt  }
0x45: {  	_ =	shalt  }
0x46: {  	_ =	shalt  }
0x47: {  	_ =	shalt  }
0x48: {  	_ =	shalt  }
0x49: {  	_ =	shalt  }
0x4a: {  	_ =	shalt  }
0x4b: {  	_ =	shalt  }
0x4c: {  	_ =	shalt  }
0x4d: {  	_ =	shalt  }
0x4e: {  	_ =	shalt  }
0x4f: {  	_ =	shalt  }
0x50: {  	_ =	shalt  }
0x51: {  	_ =	shalt  }
0x52: {  	_ =	shalt  }
0x53: {  	_ =	shalt  }
0x54: {  	_ =	shalt  }
0x55: {  	_ =	shalt  }
0x56: {  	_ =	shalt  }
0x57: {  	_ =	shalt  }
0x58: {  	_ =	shalt  }
0x59: {  	_ =	shalt  }
0x5a: {  	_ =	shalt  }
0x5b: {  	_ =	shalt  }
0x5c: {  	_ =	shalt  }
0x5d: {  	_ =	shalt  }
0x5e: {  	_ =	shalt  }
0x5f: {  	_ =	shalt  }
0x60: {  	_ =	shalt  }
0x61: {  	_ =	shalt  }
0x62: {  	_ =	shalt  }
0x63: {  	_ =	shalt  }
0x64: {  	_ =	shalt  }
0x65: {  	_ =	shalt  }
0x66: {  	_ =	shalt  }
0x67: {  	_ =	shalt  }
0x68: {  	_ =	shalt  }
0x69: {  	_ =	shalt  }
0x6a: {  	_ =	shalt  }
0x6b: {  	_ =	shalt  }
0x6c: {  	_ =	shalt  }
0x6d: {  	_ =	shalt  }
0x6e: {  	_ =	shalt  }
0x6f: {  	_ =	shalt  }
0x70: {  	_ =	shalt  }
0x71: {  	_ =	shalt  }
0x72: {  	_ =	shalt  }
0x73: {  	_ =	shalt  }
0x74: {  	_ =	shalt  }
0x75: {  	_ =	shalt  }
0x76: {  	_ =	shalt  }
0x77: {  	_ =	shalt  }
0x78: {  	_ =	shalt  }
0x79: {  	_ =	shalt  }
0x7a: {  	_ =	shalt  }
0x7b: {  	_ =	shalt  }
0x7c: {  	_ =	shalt  }
0x7d: {  	_ =	shalt  }
0x7e: {  	_ =	shalt  }
0x7f: {  	_ =	shalt  }
0x80: {  	_ =	shalt  }
0x81: {  	_ =	shalt  }
0x82: {  	_ =	shalt  }
0x83: {  	_ =	shalt  }
0x84: {  	_ =	shalt  }
0x85: {  	_ =	shalt  }
0x86: {  	_ =	shalt  }
0x87: {  	_ =	shalt  }
.Lfunc_end0:
.L_simem_size_0:
called_computation.1_lowered:
.L_overlay_start_0:
0x88: {  	s2 =	sld [smem:$0x3FD9]  }
0x89: {  	s3 =	sld [smem:$0x3FFE];
	_ =	sdelay $0x1  }
0x8a: {  	s1 =	srdreg.scid  }
0x8b: {  	s0 =	sand.u32 $0x1, s1  }
0x8c: {  	s17 =	sshll.u32 s0, $0xA;
	s2 =	sadd.s32 s3, s2  }
0x8d: {  	s2 =	sadd.s32 s2, s17  }
0x8e: {  	[smem:$0x3FBF] =	sst s2  }
0x8f: {  	_ = 	snop  }
0x90: {  	s4 =	sld [smem:$0x3FC9]  }
0x91: {  	s18 =	sld [smem:$0x3FD0];
	(tm) =	ssettm $0x1  }
0x92: {  	s19 =	sld [smem:$0x3FFB];
	_ =	sdelay $0x3  }
0x93: {  	_ =	strace s19  }
0x94: {  	s2 =	sld [smem:$0x3FFC];
	_ =	sdelay $0x3  }
0x95: {  	_ =	strace s2  }
0x96: {  	s2 =	sld [smem:$0x3FFD];
	_ =	sdelay $0x3  }
0x97: {  	_ =	strace s2  }
0x98: {  	_ =	strace $0x8FFFFFFF  }
0x99: {  	s20 =	sld [smem:$0x3FDB];
	_ =	sdelay $0x1  }
0x9a: {  	s5 =	simm.s32 $_scs_section_size  }
0x9b: {  	s6 =	simm.s32 $_size__tile_overlayer_lowered;
	s7 =	simm.s32 $_tile_overlayer_lowered  }
0x9c: {  	s8 =	simm.s32 $0x1BFF;
	s21 =	sshll.u32 s7, $0x1;
	s5 =	sadd.s32 s5, s20  }
0x9d: {  	s22 =	simm.s32 $0x0;
	s6 =	sshll.u32 s6, $0x1;
	s7 =	sadd.s32 s21, s5  }
0x9e: {  	[timem:s22], [sflag:s8] =	dma.local [hbm:s7], s6  }
0x9f: {  	_ =	swait.ge [sflag:s8], s6  }
0xa0: {  	s6 =	ssub.s32 $0x0, s6;
	[sflag:s8] =	ssyncset.done $0x0  }
0xa1: {  	[sflag:s8] =	ssyncadd.s32 s6;
	_ =	sdelay $0x1  }
0xa2: {  	s23 =	simm.s32 $0x1B8B  }
0xa3: {  	_ =	swait.ge [sflag:s23], $0x1  }
0xa4: {  	[sflag:s23] =	ssyncset.done $0x0  }
0xa5: {  	[sflag:s23] =	ssyncadd.s32 $0xFFFFFFFF  }
0xa6: {  	s6 =	sld [smem:$0x0]  }
0xa7: {  	s7 =	sand.u32 $0xFFFFFFFE, s1  }
0xa8: {  	p0 =	sne.s32 s1, s7  }
0xa9: {  	s7 =	sshll.u32 @p0 s7, $0xE  }
0xaa: {  	s7 =	sadd.s32 @p0 $0x11B8D, s7;
	s8 =	sshll.u32 @p0 s6, $0x11  }
0xab: {  	s7 =	sor.u32 @p0 s8, s7  }
0xac: {  	[sflag:s7] =	ssyncadd.remote.s32 @p0 $0x1;
	_ =	sdelay $0x1  }
0xad: {  	s7 =	simm.s32 @p0 $0x1B8D  }
0xae: {  	_ =	swait.eq @p0 [sflag:s7], $0x1  }
0xaf: {  	[sflag:s7] =	ssyncadd.s32 @p0 $0xFFFFFFFF  }
0xb0: {  	s8 =	sshll.u32 @!p0 s1, $0xE  }
0xb1: {  	s8 =	sor.u32 @!p0 $0x4000, s8;
	s7 =	simm.s32 @!p0 $0x1B8D  }
0xb2: {  	s6 =	sshll.u32 @!p0 s6, $0x11;
	s8 =	sadd.s32 @!p0 $0x11B8D, s8;
	_ =	swait.eq @!p0 [sflag:s7], $0x1  }
0xb3: {  	s6 =	sor.u32 @!p0 s6, s8;
	[sflag:s7] =	ssyncadd.s32 @!p0 $0xFFFFFFFF  }
0xb4: {  	s25 =	simm.s32 $0x1B8E;
	s24 =	sld [smem:$0x3FFE];
	[sflag:s6] =	ssyncadd.remote.s32 @!p0 $0x1  }
0xb5: {  	s26 =	simm.s32 $execute0_lowered;
	[smem:$0x3FD2] =	sst s25  }
0xb6: {  	s7 =	sshll.u32 s26, $0x1;
	_ =	strace $0x80000049;
	[dreg:$0x1] =	wrdreg $0xFFFFFFFF  }
0xb7: {  	s28 =	simm.s32 $_size_execute0_lowered;
	s5 =	sadd.s32 s5, s7;
	[dreg:$0x0] =	wrdreg $0x0  }
0xb8: {  	s7 =	sshll.u32 s28, $0x1;
	[dreg:$0x2] =	wrdreg s5  }
0xb9: {  	[dreg:$0x3] =	wrdreg s7  }
0xba: {  	[dreg:$0x4] =	wrdreg $0xC0  }
0xbb: {  	_ =	task [dreg:s22], $0x5FFFF  }
0xbc: {  	[dreg:$0x1] =	wrdreg $0xFFFFFFFF  }
0xbd: {  	[dreg:$0x0] =	wrdreg $0x60  }
0xbe: {  	[dreg:$0x2] =	wrdreg s4  }
0xbf: {  	[dreg:$0x3] =	wrdreg s24  }
0xc0: {  	[dreg:$0x4] =	wrdreg s18  }
0xc1: {  	[dreg:$0x5] =	wrdreg $0xA  }
0xc2: {  	_ =	task.clear_ibuf [dreg:s22], $0x6FFFF;
	_ =	strace $0x90000049  }
0xc3: {  	s29 =	simm.s32 $0xA;
	_ =	strace $0x8000004B  }
0xc4: {  	_ =	swait.ge [sflag:s29], $0x1  }
0xc5: {  	[sflag:s29] =	ssyncadd.s32 $0xFFFFFFFF  }
0xc6: {  	_ =	strace $0x9000004B  }
0xc7: {  	_ =	sfence  }
0xc8: {  	s30 =	sld [smem:$0x0];
	_ =	sdelay $0x2  }
0xc9: {  	s31 =	sshll.u32 s1, $0xD;
	s1 =	sshrl.u32 s1, $0x2  }
0xca: {  	s4 =	sand.u32 $0x4000, s31;
	s1 =	sadd.s32 s1, s30  }
0xcb: {  	s0 =	sor.u32 s4, s0;
	s1 =	sshll.u32 s1, $0x11  }
0xcc: {  	s0 =	sor.u32 s1, s0  }
0xcd: {  	s0 =	sadd.s32 $0x8F2B, s0  }
0xce: {  	[sflag:s0] =	ssyncadd.remote.s32 $0x1  }
0xcf: {  	_ =	sfence.sel $0xFFFF  }
0xd0: {  	[dreg:$0x0] =	wrdreg $0xFFFFFFFF;
	(pc) =	sbr.abs _section_cstart, $3  }
0xd1: {  	[dreg:$0x1] =	wrdreg $0xFFFFFFFF  }
0xd2: {  	_ =	task.clear_ibuf [dreg:s22], $0x2FFFF;
	_ =	strace $0x9FFFFFFF  }
0xd3: {  	(tm) =	ssettm $0x7FFFFFFF  }
tec
execute0_lowered:
.L_overlay_start_1:
0x0: {  	(tag) =	ssettag $0x1  }
0x1: {  	s1 =	stileid.u32  }
0x2: {  	p0 =	sgt.u32 s1, $0x1  }
.Ltmp0:
0x3: {  	s5 =	rddreg [dreg:$0x0];
	(pc) =	sbr.rel @p0 .LBB2_15-.Ltmp0, $4  }
0x4: {  	s4 =	rddreg [dreg:$0x1]  }
0x5: {  	s6 =	rddreg [dreg:$0x2];
	s2 =	simm.s32 $0x0  }
0x6: {  	[smem:$0x7FF] =	sst s2  }
0x7: {  	s0 =	rddreg [dreg:$0x3];
	_ =	strace $0x8000004A  }
0x8: {  	s3 =	srdreg.scid  }
0x9: {  	s29 =	sshll.u32 s1, $0x1;
	s7 =	sand.u32 $0x1, s3  }
0xa: {  	s8 =	sor.u32 s7, s29  }
0xb: {  	s11 =	sadd.s32 $0x3C00, s4;
	p1 =	seq.s32 s7, $0x1;
	p0 =	seq.s32 s8, $0x0  }
0xc: {  	s13 =	simm.s32 $0x900;
	s15 =	simm.s32 $0x1100;
	p0 =	por !p0, !p1  }
0xd: {  	s16 =	simm.s32 $0x1900;
	s3 =	simm.s32 $0x1;
	p0 =	por !p0, !p0  }
0xe: {  	s17 =	simm.s32 $0x2100;
	s18 =	simm.s32 $0x2900;
	s3 =	simm.s32 @!p0 $0x0  }
0xf: {  	s19 =	simm.s32 $0x3100;
	s20 =	simm.s32 $0x0;
	s3 =	ssub.s32 s1, s3  }
0x10: {  	s10 =	sshll.u32 s7, $0x4;
	s7 =	ssub.s32 $0x2, s7;
	s9 =	sadd.s32 $0x1E, s3  }
0x11: {  	s8 =	smul.u32 $0xC0, s8;
	s12 =	sshrl.u32 s7, $0x1;
	s3 =	sshll.u32 s9, $0x7  }
0x12: {  	s31 =	ssub.s32 s7, s12;
	s9 =	smul.u32 $0x60000, s9;
	s3 =	sand.u32 $0x380, s3  }
0x13: {  	s6 =	sadd.s32 s6, s8;
	s8 =	smax.u32 s31, $0x1;
	s10 =	sor.u32 s10, s3  }
0x14: {  	s3 =	simm.s32 $0x1;
	s5 =	sadd.s32 s5, s9;
	s10 =	sshrl.u32 s10, $0x3  }
0x15: {  	v2 =	vlaneseq.u32;
	s9 =	simm.s32 $0x2;
	s12 =	sadd.s32 $0x100, s5;
	s10 =	sor.u32 $0x180, s10  }
0x16: {  	vm0 =	vmmov $0xffff;
	v1 =	vshrl.u32 v2, $0x3;
	s14 =	sadd.s32 $0x200, s5;
	s30 =	sadd.s32 s10, s4;
	s7 =	sadd.s32 s11, s10  }
0x17: {  	v0 =	vand.u32 $0x7, v2;
	v2 =	vor.u32 $0x8, v2;
	v1 =	vmul.u32 $0x8, v1;
	s10 =	simm.s32 $0x80;
	s11 =	simm.s32 $0x100;
	s4 =	sadd.s32 $0x3E00, s30  }
.LBB2_2:
0x18: {  	s21 =	simm.s32 $0x0  }
0x19: {  	[tilespmem:s21], [sflag:$0x2] =	stream.linear.gather [hbm4b:s7+s21], $0x10, $0x38;
	[tilespmem:$0x3700] =	vst v63  }
0x1a: {  	_ =	swait.ge [sflag:s9], $0x10  }
0x1b: {  	[sflag:s9] =	ssyncset.done $0x0  }
0x1c: {  	[sflag:s9] =	ssyncadd.s32 $0xFFFFFFF0  }
0x1d: {  	[tilespmem:s10], [sflag:$0x2] =	stream.linear.gather [hbm4b:s4+s21], $0x10, $0x38;
	[tilespmem:$0x3700] =	vst v63  }
0x1e: {  	_ =	swait.ge [sflag:s9], $0x10  }
0x1f: {  	[sflag:s9] =	ssyncset.done $0x0  }
0x20: {  	[sflag:s9] =	ssyncadd.s32 $0xFFFFFFF0  }
0x21: {  	v3 =	vld [tilespmem:$0x0];
	_ =	sdelay $0x4  }
0x22: {  	v4 =	vshrl.u32 v3, $0x3  }
0x23: {  	v4 =	vmul.u32 $0x30, v4  }
0x24: {  	v3 =	vand.u32 $0x7, v3  }
0x25: {  	v3 =	vor.u32 v3, v4  }
0x26: {  	v4 =	vperm.xlane v3, v0;
	_ =	sdelay $0x1  }
0x27: {  	v4 =	vadd.s32 v1, v4;
	_ =	sdelay $0x3  }
0x28: {  	v3 =	vperm.xlane v3, v2  }
0x29: {  	[tilespmem:s11], [sflag:$0x1] =	stream.indirect_vreg.gather [hbm4b:s5+s21], $0x80, v4, vm0, $0xb8;
	[tilespmem:$0x3700] =	vst v63  }
0x2a: {  	v3 =	vadd.s32 v1, v3  }
0x2b: {  	[tilespmem:s13], [sflag:$0x1] =	stream.indirect_vreg.gather [hbm4b:s12+s21], $0x80, v4, vm0, $0xb8;
	[tilespmem:$0x3700] =	vst v63  }
0x2c: {  	_ = 	snop  }
0x2d: {  	[tilespmem:s15], [sflag:$0x1] =	stream.indirect_vreg.gather [hbm4b:s14+s21], $0x80, v4, vm0, $0xb8;
	[tilespmem:$0x3700] =	vst v63  }
0x2e: {  	_ = 	snop  }
0x2f: {  	[tilespmem:s16], [sflag:$0x1] =	stream.indirect_vreg.gather [hbm4b:s5+s21], $0x80, v3, vm0, $0xb8;
	[tilespmem:$0x3700] =	vst v63  }
0x30: {  	_ = 	snop  }
0x31: {  	[tilespmem:s17], [sflag:$0x1] =	stream.indirect_vreg.gather [hbm4b:s12+s21], $0x80, v3, vm0, $0xb8;
	[tilespmem:$0x3700] =	vst v63  }
0x32: {  	_ = 	snop  }
0x33: {  	[tilespmem:s18], [sflag:$0x1] =	stream.indirect_vreg.gather [hbm4b:s14+s21], $0x80, v3, vm0, $0xb8;
	[tilespmem:$0x3700] =	vst v63  }
0x34: {  	_ =	swait.ge [sflag:s3], $0x3000  }
0x35: {  	[sflag:s3] =	ssyncset.done $0x0  }
0x36: {  	v3 =	vimm.f32 $0.0e+00;
	[sflag:s3] =	ssyncadd.s32 $0xFFFFD000  }
0x37: {  	[tilespmem:$0x3100] =	vst v3  }
0x38: {  	[tilespmem:$0x3110] =	vst v3  }
0x39: {  	[tilespmem:$0x3120] =	vst v3  }
0x3a: {  	[tilespmem:$0x3130] =	vst v3  }
0x3b: {  	[tilespmem:$0x3140] =	vst v3  }
0x3c: {  	[tilespmem:$0x3150] =	vst v3  }
0x3d: {  	[tilespmem:$0x3160] =	vst v3  }
0x3e: {  	[tilespmem:$0x3170] =	vst v3  }
0x3f: {  	[tilespmem:$0x3200] =	vst v3  }
0x40: {  	[tilespmem:$0x3210] =	vst v3  }
0x41: {  	[tilespmem:$0x3220] =	vst v3  }
0x42: {  	[tilespmem:$0x3230] =	vst v3  }
0x43: {  	[tilespmem:$0x3240] =	vst v3  }
0x44: {  	[tilespmem:$0x3250] =	vst v3  }
0x45: {  	[tilespmem:$0x3260] =	vst v3  }
0x46: {  	[tilespmem:$0x3270] =	vst v3  }
0x47: {  	[tilespmem:$0x3300] =	vst v3  }
0x48: {  	[tilespmem:$0x3310] =	vst v3  }
0x49: {  	[tilespmem:$0x3320] =	vst v3  }
0x4a: {  	[tilespmem:$0x3330] =	vst v3  }
0x4b: {  	[tilespmem:$0x3340] =	vst v3  }
0x4c: {  	[tilespmem:$0x3350] =	vst v3  }
0x4d: {  	[tilespmem:$0x3360] =	vst v3  }
0x4e: {  	[tilespmem:$0x3370] =	vst v3  }
0x4f: {  	[tilespmem:$0x3400] =	vst v3  }
0x50: {  	[tilespmem:$0x3410] =	vst v3  }
0x51: {  	[tilespmem:$0x3420] =	vst v3  }
0x52: {  	[tilespmem:$0x3430] =	vst v3  }
0x53: {  	[tilespmem:$0x3440] =	vst v3  }
0x54: {  	[tilespmem:$0x3450] =	vst v3  }
0x55: {  	[tilespmem:$0x3460] =	vst v3  }
0x56: {  	[tilespmem:$0x3470] =	vst v3  }
0x57: {  	[tilespmem:$0x3500] =	vst v3  }
0x58: {  	[tilespmem:$0x3510] =	vst v3  }
0x59: {  	[tilespmem:$0x3520] =	vst v3  }
0x5a: {  	[tilespmem:$0x3530] =	vst v3  }
0x5b: {  	[tilespmem:$0x3540] =	vst v3  }
0x5c: {  	[tilespmem:$0x3550] =	vst v3  }
0x5d: {  	[tilespmem:$0x3560] =	vst v3  }
0x5e: {  	[tilespmem:$0x3570] =	vst v3  }
0x5f: {  	[tilespmem:$0x3600] =	vst v3  }
0x60: {  	[tilespmem:$0x3610] =	vst v3  }
0x61: {  	[tilespmem:$0x3620] =	vst v3  }
0x62: {  	[tilespmem:$0x3630] =	vst v3  }
0x63: {  	[tilespmem:$0x3640] =	vst v3  }
0x64: {  	[tilespmem:$0x3650] =	vst v3  }
0x65: {  	[tilespmem:$0x3660] =	vst v3  }
0x66: {  	[tilespmem:$0x3670] =	vst v3  }
0x67: {  	[tilespmem:$0x3180] =	vst v3  }
0x68: {  	[tilespmem:$0x3190] =	vst v3  }
0x69: {  	[tilespmem:$0x31A0] =	vst v3  }
0x6a: {  	[tilespmem:$0x31B0] =	vst v3  }
0x6b: {  	[tilespmem:$0x31C0] =	vst v3  }
0x6c: {  	[tilespmem:$0x31D0] =	vst v3  }
0x6d: {  	[tilespmem:$0x31E0] =	vst v3  }
0x6e: {  	[tilespmem:$0x31F0] =	vst v3  }
0x6f: {  	[tilespmem:$0x3280] =	vst v3  }
0x70: {  	[tilespmem:$0x3290] =	vst v3  }
0x71: {  	[tilespmem:$0x32A0] =	vst v3  }
0x72: {  	[tilespmem:$0x32B0] =	vst v3  }
0x73: {  	[tilespmem:$0x32C0] =	vst v3  }
0x74: {  	[tilespmem:$0x32D0] =	vst v3  }
0x75: {  	[tilespmem:$0x32E0] =	vst v3  }
0x76: {  	[tilespmem:$0x32F0] =	vst v3  }
0x77: {  	[tilespmem:$0x3380] =	vst v3  }
0x78: {  	[tilespmem:$0x3390] =	vst v3  }
0x79: {  	[tilespmem:$0x33A0] =	vst v3  }
0x7a: {  	[tilespmem:$0x33B0] =	vst v3  }
0x7b: {  	[tilespmem:$0x33C0] =	vst v3  }
0x7c: {  	[tilespmem:$0x33D0] =	vst v3  }
0x7d: {  	[tilespmem:$0x33E0] =	vst v3  }
0x7e: {  	[tilespmem:$0x33F0] =	vst v3  }
0x7f: {  	[tilespmem:$0x3480] =	vst v3  }
0x80: {  	[tilespmem:$0x3490] =	vst v3  }
0x81: {  	[tilespmem:$0x34A0] =	vst v3  }
0x82: {  	[tilespmem:$0x34B0] =	vst v3  }
0x83: {  	[tilespmem:$0x34C0] =	vst v3  }
0x84: {  	[tilespmem:$0x34D0] =	vst v3  }
0x85: {  	[tilespmem:$0x34E0] =	vst v3  }
0x86: {  	[tilespmem:$0x34F0] =	vst v3  }
0x87: {  	[tilespmem:$0x3580] =	vst v3  }
0x88: {  	[tilespmem:$0x3590] =	vst v3  }
0x89: {  	[tilespmem:$0x35A0] =	vst v3  }
0x8a: {  	[tilespmem:$0x35B0] =	vst v3  }
0x8b: {  	[tilespmem:$0x35C0] =	vst v3  }
0x8c: {  	[tilespmem:$0x35D0] =	vst v3  }
0x8d: {  	[tilespmem:$0x35E0] =	vst v3  }
0x8e: {  	[tilespmem:$0x35F0] =	vst v3  }
0x8f: {  	[tilespmem:$0x3680] =	vst v3  }
0x90: {  	[tilespmem:$0x3690] =	vst v3  }
0x91: {  	[tilespmem:$0x36A0] =	vst v3  }
0x92: {  	v4 =	vmov s21;
	[tilespmem:$0x36B0] =	vst v3  }
0x93: {  	s22 =	simm.s32 $0x0;
	[tilespmem:$0x36C0] =	vst v3  }
0x94: {  	s22 =	smul.u32 $0x6000, s22;
	[tilespmem:$0x36D0] =	vst v3  }
0x95: {  	[tilespmem:$0x36E0] =	vst v3  }
0x96: {  	s22 =	sshra.s32 s22, $0x2;
	s21 =	sand.u32 $0x380, s21;
	[tilespmem:$0x36F0] =	vst v3  }
0x97: {  	s22 =	sor.u32 s21, s22;
	v19 =	vld.idx.msk [tilespmem:v4+s10+$0x0], $0xffff  }
0x98: {  	v4 =	vld [tilespmem:s22+$0x170]  }
0x99: {  	v5 =	vld [tilespmem:s22+$0x100]  }
0x9a: {  	v6 =	vld [tilespmem:s22+$0x110]  }
0x9b: {  	s31 =	simm.s32 $0x0;
	v10 =	vld [tilespmem:s22+$0x120]  }
0x9c: {  	s23 =	smul.u32 $0x6000, s31;
	v12 =	vld [tilespmem:s22+$0x130]  }
0x9d: {  	s21 =	simm.s32 $0x80;
	v14 =	vld [tilespmem:s22+$0x140]  }
0x9e: {  	s30 =	simm.s32 $0x1;
	s23 =	sshra.s32 s23, $0x2;
	s24 =	sand.u32 $0x380, s21;
	v16 =	vld [tilespmem:s22+$0x150]  }
0x9f: {  	v11 =	vmov s30;
	v18 =	vld [tilespmem:s22+$0x160];
	s22 =	sor.u32 s24, s23;
	s23 =	simm.s32 $0x2  }
0xa0: {  	v21 =	vimm.f32 $0.0e+00;
	v25 =	vmov s23;
	v8 =	vmul.f32 v4, v19  }
0xa1: {  	v7 =	vadd.f32 v4, v3;
	v4 =	vmul.f32 v5, v19;
	v5 =	vadd.f32 v5, v3  }
0xa2: {  	v13 =	vmul.f32 v6, v19;
	v6 =	vadd.f32 v6, v3;
	v15 =	vmul.f32 v10, v19  }
0xa3: {  	v22 =	vld [tilespmem:s22+$0x170];
	v10 =	vadd.f32 v10, v3;
	v17 =	vmul.f32 v12, v19;
	v12 =	vadd.f32 v12, v3  }
0xa4: {  	v20 =	vmul.f32 v14, v19;
	v14 =	vadd.f32 v14, v3;
	v9 =	vadd.f32 v4, v3;
	v4 =	vld.idx.msk [tilespmem:v11+s10+$0x0], $0xffff  }
0xa5: {  	v23 =	vld [tilespmem:s22+$0x100];
	v27 =	vmul.f32 v16, v19;
	v16 =	vadd.f32 v16, v3;
	v8 =	vadd.f32 v8, v3  }
0xa6: {  	v24 =	vld [tilespmem:s22+$0x110];
	v26 =	vmul.f32 v18, v19;
	v11 =	vadd.f32 v13, v3;
	v13 =	vadd.f32 v15, v3  }
0xa7: {  	s24 =	simm.s32 $0x3;
	v19 =	vimm.f32 $0.0e+00;
	v15 =	vadd.f32 v17, v3;
	v17 =	vadd.f32 v20, v3;
	v20 =	vld [tilespmem:s22+$0x120]  }
.LBB2_3:
0xa8: {  	p0 =	sne.s32 s24, $0xF;
	s25 =	sshrl.u32 s23, $0x3;
	v28 =	vld [tilespmem:s22+$0x130];
	v3 =	vadd.f32 v27, v3;
	v21 =	vadd.f32 v18, v21;
	s23 =	smov.u32 s24  }
0xa9: {  	s25 =	smul.u32 $0x6000, s25;
	v27 =	vld [tilespmem:s22+$0x140];
	v29 =	vmul.f32 v22, v4;
	v7 =	vadd.f32 v22, v7;
	v19 =	vadd.f32 v26, v19;
	v26 =	vmovc v4  }
0xaa: {  	s21 =	sadd.s32 $0x80, s21;
	v22 =	vmul.f32 v23, v26;
	v5 =	vadd.f32 v23, v5;
	v30 =	vld [tilespmem:s22+$0x150]  }
0xab: {  	s26 =	sand.u32 $0x380, s21;
	s25 =	sshra.s32 s25, $0x2;
	v23 =	vmul.f32 v24, v26;
	v6 =	vadd.f32 v24, v6;
	v18 =	vld [tilespmem:s22+$0x160];
	v8 =	vadd.f32 v29, v8  }
.Ltmp1:
0xac: {  	v4 =	vld.idx.msk [tilespmem:v25+s10+$0x0], $0xffff;
	s22 =	sor.u32 s26, s25;
	v9 =	vadd.f32 v22, v9;
	v24 =	vmul.f32 v20, v26;
	v10 =	vadd.f32 v20, v10;
	(pc) =	sbr.rel @p0 .LBB2_3-.Ltmp1, $4  }
0xad: {  	v22 =	vld [tilespmem:s22+$0x170];
	v11 =	vadd.f32 v23, v11;
	v20 =	vmul.f32 v28, v26;
	v12 =	vadd.f32 v28, v12  }
0xae: {  	v23 =	vld [tilespmem:s22+$0x100];
	v13 =	vadd.f32 v24, v13;
	v28 =	vmul.f32 v27, v26;
	v14 =	vadd.f32 v27, v14  }
0xaf: {  	v24 =	vld [tilespmem:s22+$0x110];
	v15 =	vadd.f32 v20, v15;
	v27 =	vmul.f32 v30, v26;
	v16 =	vadd.f32 v30, v16  }
0xb0: {  	s24 =	sadd.s32 $0x1, s24;
	v25 =	vmov s23;
	v20 =	vld [tilespmem:s22+$0x120];
	v17 =	vadd.f32 v28, v17;
	v26 =	vmul.f32 v18, v26  }
0xb1: {  	s23 =	sshrl.u32 s23, $0x3;
	v28 =	vld [tilespmem:s22+$0x130]  }
0xb2: {  	v29 =	vld [tilespmem:s22+$0x140];
	s23 =	smul.u32 $0x6000, s23  }
0xb3: {  	v30 =	vld [tilespmem:s22+$0x150];
	s21 =	sadd.s32 $0x80, s21  }
0xb4: {  	v3 =	vadd.f32 v27, v3;
	v18 =	vadd.f32 v18, v21;
	v27 =	vld [tilespmem:s22+$0x160];
	s21 =	sand.u32 $0x380, s21;
	s23 =	sshra.s32 s23, $0x2  }
0xb5: {  	v25 =	vld.idx.msk [tilespmem:v25+s10+$0x0], $0xffff;
	v21 =	vmul.f32 v22, v4;
	v7 =	vadd.f32 v22, v7;
	v22 =	vmul.f32 v23, v4;
	s21 =	sor.u32 s21, s23  }
0xb6: {  	v5 =	vadd.f32 v23, v5;
	v23 =	vmul.f32 v24, v4;
	v6 =	vadd.f32 v24, v6;
	v24 =	vld [tilespmem:s21+$0x100]  }
0xb7: {  	v8 =	vadd.f32 v21, v8;
	v9 =	vadd.f32 v22, v9;
	v21 =	vmul.f32 v20, v4;
	v22 =	vld [tilespmem:s21+$0x110]  }
0xb8: {  	v19 =	vadd.f32 v26, v19;
	v10 =	vadd.f32 v20, v10;
	v20 =	vmul.f32 v28, v4;
	v26 =	vld [tilespmem:s21+$0x130]  }
0xb9: {  	v11 =	vadd.f32 v23, v11;
	v23 =	vld [tilespmem:s21+$0x120];
	v13 =	vadd.f32 v21, v13  }
0xba: {  	v21 =	vmul.f32 v29, v4;
	v15 =	vadd.f32 v20, v15;
	v20 =	vmul.f32 v30, v4  }
0xbb: {  	v12 =	vadd.f32 v28, v12;
	v14 =	vadd.f32 v29, v14;
	v29 =	vld [tilespmem:s21+$0x150];
	v4 =	vmul.f32 v27, v4  }
0xbc: {  	v28 =	vld [tilespmem:s21+$0x140];
	v17 =	vadd.f32 v21, v17;
	v3 =	vadd.f32 v20, v3;
	v21 =	vmul.f32 v24, v25  }
0xbd: {  	v63 =	vld [tilespmem:s21+$0x160];
	v4 =	vadd.f32 v4, v19;
	v20 =	vmul.f32 v22, v25;
	v19 =	vmul.f32 v26, v25  }
0xbe: {  	v18 =	vadd.f32 v27, v18;
	v27 =	vld [tilespmem:s21+$0x170];
	v9 =	vadd.f32 v21, v9;
	v21 =	vmul.f32 v23, v25  }
0xbf: {  	v11 =	vadd.f32 v20, v11;
	v15 =	vadd.f32 v19, v15  }
0xc0: {  	v19 =	vmul.f32 v29, v25;
	v13 =	vadd.f32 v21, v13;
	v9 =	vadd.f32 $0.0e+00, v9  }
0xc1: {  	v16 =	vadd.f32 v30, v16;
	v20 =	vmul.f32 v28, v25;
	v11 =	vadd.f32 $0.0e+00, v11  }
0xc2: {  	v3 =	vadd.f32 v19, v3;
	[tilespmem:$0x3100] =	vst v9;
	v9 =	vmul.f32 v63, v25;
	v13 =	vadd.f32 $0.0e+00, v13  }
0xc3: {  	v17 =	vadd.f32 v20, v17;
	v20 =	vmul.f32 v27, v25;
	[tilespmem:$0x3110] =	vst v11;
	v11 =	vadd.f32 $0.0e+00, v15  }
0xc4: {  	v3 =	vadd.f32 $0.0e+00, v3;
	v4 =	vadd.f32 v9, v4;
	[tilespmem:$0x3120] =	vst v13  }
0xc5: {  	v8 =	vadd.f32 v20, v8;
	v9 =	vadd.f32 $0.0e+00, v17;
	[tilespmem:$0x3130] =	vst v11  }
0xc6: {  	v5 =	vadd.f32 v24, v5;
	[tilespmem:$0x3150] =	vst v3;
	v4 =	vadd.f32 $0.0e+00, v4  }
0xc7: {  	v6 =	vadd.f32 v22, v6;
	v3 =	vadd.f32 $0.0e+00, v8;
	[tilespmem:$0x3140] =	vst v9  }
0xc8: {  	v8 =	vadd.f32 v23, v10;
	[tilespmem:$0x3160] =	vst v4;
	v4 =	vadd.f32 $0.0e+00, v5  }
0xc9: {  	[tilespmem:$0x3170] =	vst v3;
	v3 =	vadd.f32 $0.0e+00, v6;
	v5 =	vadd.f32 v26, v12  }
0xca: {  	v6 =	vadd.f32 v28, v14;
	[tilespmem:$0x3180] =	vst v4;
	v4 =	vadd.f32 $0.0e+00, v8  }
0xcb: {  	[tilespmem:$0x3190] =	vst v3;
	v8 =	vadd.f32 v29, v16;
	v3 =	vadd.f32 $0.0e+00, v5  }
0xcc: {  	s26 =	simm.s32 $0x0;
	v5 =	vadd.f32 v63, v18;
	[tilespmem:$0x31A0] =	vst v4;
	v4 =	vadd.f32 $0.0e+00, v6  }
0xcd: {  	v6 =	vadd.f32 v27, v7;
	[tilespmem:$0x31B0] =	vst v3;
	v3 =	vadd.f32 $0.0e+00, v8;
	v7 =	vmov s26  }
0xce: {  	s28 =	simm.s32 $0x0;
	[tilespmem:$0x31C0] =	vst v4;
	v4 =	vadd.f32 $0.0e+00, v5  }
0xcf: {  	s22 =	smul.u32 $0x6000, s28;
	[tilespmem:$0x31D0] =	vst v3;
	v3 =	vadd.f32 $0.0e+00, v6  }
0xd0: {  	[tilespmem:$0x31E0] =	vst v4  }
0xd1: {  	s22 =	sshra.s32 s22, $0x2;
	s21 =	sand.u32 $0x380, s26;
	[tilespmem:$0x31F0] =	vst v3  }
0xd2: {  	s22 =	sor.u32 s21, s22;
	v19 =	vld.idx.msk [tilespmem:v7+s10+$0x0], $0xffff  }
0xd3: {  	v3 =	vld [tilespmem:s22+$0x570]  }
0xd4: {  	v4 =	vld [tilespmem:s22+$0x500]  }
0xd5: {  	v5 =	vld [tilespmem:s22+$0x510]  }
0xd6: {  	s30 =	simm.s32 $0x0;
	v10 =	vld [tilespmem:s22+$0x520]  }
0xd7: {  	s31 =	smul.u32 $0x6000, s30;
	v12 =	vld [tilespmem:s22+$0x530]  }
0xd8: {  	s21 =	simm.s32 $0x80;
	v14 =	vld [tilespmem:s22+$0x540]  }
0xd9: {  	s29 =	simm.s32 $0x1;
	s23 =	sshra.s32 s31, $0x2;
	s24 =	sand.u32 $0x380, s21;
	v16 =	vld [tilespmem:s22+$0x550]  }
0xda: {  	v21 =	vimm.f32 $0.0e+00;
	v11 =	vmov s29;
	v18 =	vld [tilespmem:s22+$0x560];
	s22 =	sor.u32 s24, s23;
	s23 =	simm.s32 $0x2  }
0xdb: {  	v7 =	vimm.f32 $0.0e+00;
	v25 =	vmov s23;
	v8 =	vmul.f32 v3, v19  }
0xdc: {  	v6 =	vadd.f32 v3, v7;
	v3 =	vmul.f32 v4, v19;
	v4 =	vadd.f32 v4, v7  }
0xdd: {  	v13 =	vmul.f32 v5, v19;
	v5 =	vadd.f32 v5, v7;
	v15 =	vmul.f32 v10, v19  }
0xde: {  	v22 =	vld [tilespmem:s22+$0x570];
	v10 =	vadd.f32 v10, v7;
	v17 =	vmul.f32 v12, v19;
	v12 =	vadd.f32 v12, v7  }
0xdf: {  	v20 =	vmul.f32 v14, v19;
	v14 =	vadd.f32 v14, v7;
	v9 =	vadd.f32 v3, v7;
	v3 =	vld.idx.msk [tilespmem:v11+s10+$0x0], $0xffff  }
0xe0: {  	v23 =	vld [tilespmem:s22+$0x500];
	v27 =	vmul.f32 v16, v19;
	v16 =	vadd.f32 v16, v7;
	v8 =	vadd.f32 v8, v7  }
0xe1: {  	v24 =	vld [tilespmem:s22+$0x510];
	v26 =	vmul.f32 v18, v19;
	v11 =	vadd.f32 v13, v7;
	v13 =	vadd.f32 v15, v7  }
0xe2: {  	s24 =	simm.s32 $0x3;
	v19 =	vimm.f32 $0.0e+00;
	v15 =	vadd.f32 v17, v7;
	v17 =	vadd.f32 v20, v7;
	v20 =	vld [tilespmem:s22+$0x520]  }
.LBB2_5:
0xe3: {  	p0 =	sne.s32 s24, $0xF;
	s25 =	sshrl.u32 s23, $0x3;
	v28 =	vld [tilespmem:s22+$0x530];
	v7 =	vadd.f32 v27, v7;
	v21 =	vadd.f32 v18, v21;
	s23 =	smov.u32 s24  }
0xe4: {  	s25 =	smul.u32 $0x6000, s25;
	v27 =	vld [tilespmem:s22+$0x540];
	v29 =	vmul.f32 v22, v3;
	v6 =	vadd.f32 v22, v6;
	v19 =	vadd.f32 v26, v19;
	v26 =	vmovc v3  }
0xe5: {  	s21 =	sadd.s32 $0x80, s21;
	v22 =	vmul.f32 v23, v26;
	v4 =	vadd.f32 v23, v4;
	v30 =	vld [tilespmem:s22+$0x550]  }
0xe6: {  	s26 =	sand.u32 $0x380, s21;
	s25 =	sshra.s32 s25, $0x2;
	v23 =	vmul.f32 v24, v26;
	v5 =	vadd.f32 v24, v5;
	v18 =	vld [tilespmem:s22+$0x560];
	v8 =	vadd.f32 v29, v8  }
.Ltmp2:
0xe7: {  	v3 =	vld.idx.msk [tilespmem:v25+s10+$0x0], $0xffff;
	s22 =	sor.u32 s26, s25;
	v9 =	vadd.f32 v22, v9;
	v24 =	vmul.f32 v20, v26;
	v10 =	vadd.f32 v20, v10;
	(pc) =	sbr.rel @p0 .LBB2_5-.Ltmp2, $4  }
0xe8: {  	v22 =	vld [tilespmem:s22+$0x570];
	v11 =	vadd.f32 v23, v11;
	v20 =	vmul.f32 v28, v26;
	v12 =	vadd.f32 v28, v12  }
0xe9: {  	v23 =	vld [tilespmem:s22+$0x500];
	v13 =	vadd.f32 v24, v13;
	v28 =	vmul.f32 v27, v26;
	v14 =	vadd.f32 v27, v14  }
0xea: {  	v24 =	vld [tilespmem:s22+$0x510];
	v15 =	vadd.f32 v20, v15;
	v27 =	vmul.f32 v30, v26;
	v16 =	vadd.f32 v30, v16  }
0xeb: {  	s24 =	sadd.s32 $0x1, s24;
	v25 =	vmov s23;
	v20 =	vld [tilespmem:s22+$0x520];
	v17 =	vadd.f32 v28, v17;
	v26 =	vmul.f32 v18, v26  }
0xec: {  	s23 =	sshrl.u32 s23, $0x3;
	v28 =	vld [tilespmem:s22+$0x530]  }
0xed: {  	v29 =	vld [tilespmem:s22+$0x540];
	s23 =	smul.u32 $0x6000, s23  }
0xee: {  	v30 =	vld [tilespmem:s22+$0x550];
	s21 =	sadd.s32 $0x80, s21  }
0xef: {  	v7 =	vadd.f32 v27, v7;
	v18 =	vadd.f32 v18, v21;
	v27 =	vld [tilespmem:s22+$0x560];
	v21 =	vmul.f32 v22, v3;
	s21 =	sand.u32 $0x380, s21;
	s23 =	sshra.s32 s23, $0x2  }
0xf0: {  	v25 =	vld.idx.msk [tilespmem:v25+s10+$0x0], $0xffff;
	v6 =	vadd.f32 v22, v6;
	v19 =	vadd.f32 v26, v19;
	v22 =	vmul.f32 v23, v3;
	s21 =	sor.u32 s21, s23  }
0xf1: {  	v4 =	vadd.f32 v23, v4;
	v23 =	vmul.f32 v24, v3;
	v5 =	vadd.f32 v24, v5;
	v24 =	vld [tilespmem:s21+$0x500]  }
0xf2: {  	v8 =	vadd.f32 v21, v8;
	v9 =	vadd.f32 v22, v9;
	v21 =	vmul.f32 v20, v3;
	v22 =	vld [tilespmem:s21+$0x510]  }
0xf3: {  	v10 =	vadd.f32 v20, v10;
	v11 =	vadd.f32 v23, v11;
	v20 =	vmul.f32 v28, v3;
	v26 =	vld [tilespmem:s21+$0x530]  }
0xf4: {  	v23 =	vld [tilespmem:s21+$0x520];
	v12 =	vadd.f32 v28, v12;
	v13 =	vadd.f32 v21, v13;
	v21 =	vmul.f32 v29, v3  }
0xf5: {  	v14 =	vadd.f32 v29, v14;
	v28 =	vld [tilespmem:s21+$0x540];
	v15 =	vadd.f32 v20, v15;
	v20 =	vmul.f32 v30, v3  }
0xf6: {  	v29 =	vld [tilespmem:s21+$0x550];
	v3 =	vmul.f32 v27, v3;
	v17 =	vadd.f32 v21, v17;
	v21 =	vmul.f32 v24, v25  }
0xf7: {  	v63 =	vld [tilespmem:s21+$0x560];
	v18 =	vadd.f32 v27, v18;
	v7 =	vadd.f32 v20, v7;
	v20 =	vmul.f32 v22, v25  }
0xf8: {  	v27 =	vld [tilespmem:s21+$0x570];
	v3 =	vadd.f32 v3, v19;
	v19 =	vmul.f32 v26, v25;
	v9 =	vadd.f32 v21, v9  }
0xf9: {  	v5 =	vadd.f32 v22, v5;
	v21 =	vmul.f32 v23, v25;
	v11 =	vadd.f32 v20, v11  }
0xfa: {  	v20 =	vmul.f32 v28, v25;
	v15 =	vadd.f32 v19, v15;
	v9 =	vadd.f32 $0.0e+00, v9  }
0xfb: {  	v19 =	vmul.f32 v29, v25;
	v5 =	vadd.f32 $0.0e+00, v5;
	v13 =	vadd.f32 v21, v13  }
0xfc: {  	v11 =	vadd.f32 $0.0e+00, v11;
	v17 =	vadd.f32 v20, v17;
	[tilespmem:$0x3200] =	vst v9;
	v9 =	vmul.f32 v63, v25  }
0xfd: {  	v20 =	vmul.f32 v27, v25;
	v7 =	vadd.f32 v19, v7;
	[tilespmem:$0x3290] =	vst v5;
	v13 =	vadd.f32 $0.0e+00, v13  }
0xfe: {  	[tilespmem:$0x3210] =	vst v11;
	v11 =	vadd.f32 $0.0e+00, v15;
	v3 =	vadd.f32 v9, v3  }
0xff: {  	v8 =	vadd.f32 v20, v8;
	v7 =	vadd.f32 $0.0e+00, v7;
	[tilespmem:$0x3220] =	vst v13  }
0x100: {  	v4 =	vadd.f32 v24, v4;
	[tilespmem:$0x3230] =	vst v11;
	v3 =	vadd.f32 $0.0e+00, v3  }
0x101: {  	v16 =	vadd.f32 v30, v16;
	[tilespmem:$0x3250] =	vst v7;
	v7 =	vadd.f32 $0.0e+00, v8  }
0x102: {  	v8 =	vadd.f32 v23, v10;
	[tilespmem:$0x3260] =	vst v3;
	v3 =	vadd.f32 $0.0e+00, v4  }
0x103: {  	v9 =	vadd.f32 $0.0e+00, v17;
	[tilespmem:$0x3270] =	vst v7;
	v4 =	vadd.f32 v26, v12  }
0x104: {  	v7 =	vadd.f32 v28, v14;
	[tilespmem:$0x3280] =	vst v3;
	v3 =	vadd.f32 $0.0e+00, v8  }
0x105: {  	[tilespmem:$0x3240] =	vst v9;
	v8 =	vadd.f32 v29, v16;
	v4 =	vadd.f32 $0.0e+00, v4  }
0x106: {  	s26 =	simm.s32 $0x0;
	v5 =	vadd.f32 v63, v18;
	[tilespmem:$0x32A0] =	vst v3;
	v3 =	vadd.f32 $0.0e+00, v7  }
0x107: {  	v6 =	vadd.f32 v27, v6;
	[tilespmem:$0x32B0] =	vst v4;
	v4 =	vadd.f32 $0.0e+00, v8;
	v7 =	vmov s26  }
0x108: {  	s28 =	simm.s32 $0x0;
	[tilespmem:$0x32C0] =	vst v3;
	v3 =	vadd.f32 $0.0e+00, v5  }
0x109: {  	s22 =	smul.u32 $0x6000, s28;
	[tilespmem:$0x32D0] =	vst v4;
	v4 =	vadd.f32 $0.0e+00, v6  }
0x10a: {  	[tilespmem:$0x32E0] =	vst v3  }
0x10b: {  	s22 =	sshra.s32 s22, $0x2;
	s21 =	sand.u32 $0x380, s26;
	[tilespmem:$0x32F0] =	vst v4  }
0x10c: {  	s22 =	sor.u32 s21, s22;
	v19 =	vld.idx.msk [tilespmem:v7+s10+$0x0], $0xffff  }
0x10d: {  	v3 =	vld [tilespmem:s22+$0x970]  }
0x10e: {  	v4 =	vld [tilespmem:s22+$0x900]  }
0x10f: {  	v5 =	vld [tilespmem:s22+$0x910]  }
0x110: {  	s30 =	simm.s32 $0x0;
	v10 =	vld [tilespmem:s22+$0x920]  }
0x111: {  	s31 =	smul.u32 $0x6000, s30;
	v12 =	vld [tilespmem:s22+$0x930]  }
0x112: {  	s21 =	simm.s32 $0x80;
	v14 =	vld [tilespmem:s22+$0x940]  }
0x113: {  	s29 =	simm.s32 $0x1;
	s23 =	sshra.s32 s31, $0x2;
	s24 =	sand.u32 $0x380, s21;
	v16 =	vld [tilespmem:s22+$0x950]  }
0x114: {  	v21 =	vimm.f32 $0.0e+00;
	v11 =	vmov s29;
	v18 =	vld [tilespmem:s22+$0x960];
	s22 =	sor.u32 s24, s23;
	s23 =	simm.s32 $0x2  }
0x115: {  	v7 =	vimm.f32 $0.0e+00;
	v25 =	vmov s23;
	v8 =	vmul.f32 v3, v19  }
0x116: {  	v6 =	vadd.f32 v3, v7;
	v3 =	vmul.f32 v4, v19;
	v4 =	vadd.f32 v4, v7  }
0x117: {  	v13 =	vmul.f32 v5, v19;
	v5 =	vadd.f32 v5, v7;
	v15 =	vmul.f32 v10, v19  }
0x118: {  	v22 =	vld [tilespmem:s22+$0x970];
	v10 =	vadd.f32 v10, v7;
	v17 =	vmul.f32 v12, v19;
	v12 =	vadd.f32 v12, v7  }
0x119: {  	v20 =	vmul.f32 v14, v19;
	v14 =	vadd.f32 v14, v7;
	v9 =	vadd.f32 v3, v7;
	v3 =	vld.idx.msk [tilespmem:v11+s10+$0x0], $0xffff  }
0x11a: {  	v23 =	vld [tilespmem:s22+$0x900];
	v27 =	vmul.f32 v16, v19;
	v16 =	vadd.f32 v16, v7;
	v8 =	vadd.f32 v8, v7  }
0x11b: {  	v24 =	vld [tilespmem:s22+$0x910];
	v26 =	vmul.f32 v18, v19;
	v11 =	vadd.f32 v13, v7;
	v13 =	vadd.f32 v15, v7  }
0x11c: {  	s24 =	simm.s32 $0x3;
	v19 =	vimm.f32 $0.0e+00;
	v15 =	vadd.f32 v17, v7;
	v17 =	vadd.f32 v20, v7;
	v20 =	vld [tilespmem:s22+$0x920]  }
.LBB2_7:
0x11d: {  	p0 =	sne.s32 s24, $0xF;
	s25 =	sshrl.u32 s23, $0x3;
	v28 =	vld [tilespmem:s22+$0x930];
	v7 =	vadd.f32 v27, v7;
	v21 =	vadd.f32 v18, v21;
	s23 =	smov.u32 s24  }
0x11e: {  	s25 =	smul.u32 $0x6000, s25;
	v27 =	vld [tilespmem:s22+$0x940];
	v29 =	vmul.f32 v22, v3;
	v6 =	vadd.f32 v22, v6;
	v19 =	vadd.f32 v26, v19;
	v26 =	vmovc v3  }
0x11f: {  	s21 =	sadd.s32 $0x80, s21;
	v22 =	vmul.f32 v23, v26;
	v4 =	vadd.f32 v23, v4;
	v30 =	vld [tilespmem:s22+$0x950]  }
0x120: {  	s26 =	sand.u32 $0x380, s21;
	s25 =	sshra.s32 s25, $0x2;
	v23 =	vmul.f32 v24, v26;
	v5 =	vadd.f32 v24, v5;
	v18 =	vld [tilespmem:s22+$0x960];
	v8 =	vadd.f32 v29, v8  }
.Ltmp3:
0x121: {  	v3 =	vld.idx.msk [tilespmem:v25+s10+$0x0], $0xffff;
	s22 =	sor.u32 s26, s25;
	v9 =	vadd.f32 v22, v9;
	v24 =	vmul.f32 v20, v26;
	v10 =	vadd.f32 v20, v10;
	(pc) =	sbr.rel @p0 .LBB2_7-.Ltmp3, $4  }
0x122: {  	v22 =	vld [tilespmem:s22+$0x970];
	v11 =	vadd.f32 v23, v11;
	v20 =	vmul.f32 v28, v26;
	v12 =	vadd.f32 v28, v12  }
0x123: {  	v23 =	vld [tilespmem:s22+$0x900];
	v13 =	vadd.f32 v24, v13;
	v28 =	vmul.f32 v27, v26;
	v14 =	vadd.f32 v27, v14  }
0x124: {  	v24 =	vld [tilespmem:s22+$0x910];
	v15 =	vadd.f32 v20, v15;
	v27 =	vmul.f32 v30, v26;
	v16 =	vadd.f32 v30, v16  }
0x125: {  	s24 =	sadd.s32 $0x1, s24;
	v25 =	vmov s23;
	v20 =	vld [tilespmem:s22+$0x920];
	v17 =	vadd.f32 v28, v17;
	v26 =	vmul.f32 v18, v26  }
0x126: {  	s23 =	sshrl.u32 s23, $0x3;
	v28 =	vld [tilespmem:s22+$0x930]  }
0x127: {  	v29 =	vld [tilespmem:s22+$0x940];
	s23 =	smul.u32 $0x6000, s23  }
0x128: {  	v30 =	vld [tilespmem:s22+$0x950];
	s21 =	sadd.s32 $0x80, s21  }
0x129: {  	v7 =	vadd.f32 v27, v7;
	v18 =	vadd.f32 v18, v21;
	v27 =	vld [tilespmem:s22+$0x960];
	v21 =	vmul.f32 v22, v3;
	s21 =	sand.u32 $0x380, s21;
	s23 =	sshra.s32 s23, $0x2  }
0x12a: {  	v25 =	vld.idx.msk [tilespmem:v25+s10+$0x0], $0xffff;
	v6 =	vadd.f32 v22, v6;
	v19 =	vadd.f32 v26, v19;
	v22 =	vmul.f32 v23, v3;
	s21 =	sor.u32 s21, s23  }
0x12b: {  	v4 =	vadd.f32 v23, v4;
	v23 =	vmul.f32 v24, v3;
	v5 =	vadd.f32 v24, v5;
	v24 =	vld [tilespmem:s21+$0x900]  }
0x12c: {  	v8 =	vadd.f32 v21, v8;
	v9 =	vadd.f32 v22, v9;
	v21 =	vmul.f32 v20, v3;
	v22 =	vld [tilespmem:s21+$0x910]  }
0x12d: {  	v10 =	vadd.f32 v20, v10;
	v11 =	vadd.f32 v23, v11;
	v20 =	vmul.f32 v28, v3;
	v26 =	vld [tilespmem:s21+$0x930]  }
0x12e: {  	v23 =	vld [tilespmem:s21+$0x920];
	v12 =	vadd.f32 v28, v12;
	v13 =	vadd.f32 v21, v13;
	v21 =	vmul.f32 v29, v3  }
0x12f: {  	v14 =	vadd.f32 v29, v14;
	v28 =	vld [tilespmem:s21+$0x940];
	v15 =	vadd.f32 v20, v15;
	v20 =	vmul.f32 v30, v3  }
0x130: {  	v29 =	vld [tilespmem:s21+$0x950];
	v3 =	vmul.f32 v27, v3;
	v17 =	vadd.f32 v21, v17;
	v21 =	vmul.f32 v24, v25  }
0x131: {  	v63 =	vld [tilespmem:s21+$0x960];
	v18 =	vadd.f32 v27, v18;
	v7 =	vadd.f32 v20, v7;
	v20 =	vmul.f32 v22, v25  }
0x132: {  	v27 =	vld [tilespmem:s21+$0x970];
	v3 =	vadd.f32 v3, v19;
	v19 =	vmul.f32 v26, v25;
	v9 =	vadd.f32 v21, v9  }
0x133: {  	v5 =	vadd.f32 v22, v5;
	v21 =	vmul.f32 v23, v25;
	v11 =	vadd.f32 v20, v11  }
0x134: {  	v20 =	vmul.f32 v28, v25;
	v15 =	vadd.f32 v19, v15;
	v9 =	vadd.f32 $0.0e+00, v9  }
0x135: {  	v19 =	vmul.f32 v29, v25;
	v5 =	vadd.f32 $0.0e+00, v5;
	v13 =	vadd.f32 v21, v13  }
0x136: {  	v11 =	vadd.f32 $0.0e+00, v11;
	v17 =	vadd.f32 v20, v17;
	[tilespmem:$0x3300] =	vst v9;
	v9 =	vmul.f32 v63, v25  }
0x137: {  	v20 =	vmul.f32 v27, v25;
	v7 =	vadd.f32 v19, v7;
	[tilespmem:$0x3390] =	vst v5;
	v13 =	vadd.f32 $0.0e+00, v13  }
0x138: {  	[tilespmem:$0x3310] =	vst v11;
	v11 =	vadd.f32 $0.0e+00, v15;
	v3 =	vadd.f32 v9, v3  }
0x139: {  	v8 =	vadd.f32 v20, v8;
	v7 =	vadd.f32 $0.0e+00, v7;
	[tilespmem:$0x3320] =	vst v13  }
0x13a: {  	v4 =	vadd.f32 v24, v4;
	[tilespmem:$0x3330] =	vst v11;
	v3 =	vadd.f32 $0.0e+00, v3  }
0x13b: {  	v16 =	vadd.f32 v30, v16;
	[tilespmem:$0x3350] =	vst v7;
	v7 =	vadd.f32 $0.0e+00, v8  }
0x13c: {  	v8 =	vadd.f32 v23, v10;
	[tilespmem:$0x3360] =	vst v3;
	v3 =	vadd.f32 $0.0e+00, v4  }
0x13d: {  	v9 =	vadd.f32 $0.0e+00, v17;
	[tilespmem:$0x3370] =	vst v7;
	v4 =	vadd.f32 v26, v12  }
0x13e: {  	v7 =	vadd.f32 v28, v14;
	[tilespmem:$0x3380] =	vst v3;
	v3 =	vadd.f32 $0.0e+00, v8  }
0x13f: {  	[tilespmem:$0x3340] =	vst v9;
	v8 =	vadd.f32 v29, v16;
	v4 =	vadd.f32 $0.0e+00, v4  }
0x140: {  	s26 =	simm.s32 $0x0;
	v5 =	vadd.f32 v63, v18;
	[tilespmem:$0x33A0] =	vst v3;
	v3 =	vadd.f32 $0.0e+00, v7  }
0x141: {  	v6 =	vadd.f32 v27, v6;
	[tilespmem:$0x33B0] =	vst v4;
	v4 =	vadd.f32 $0.0e+00, v8;
	v7 =	vmov s26  }
0x142: {  	s28 =	simm.s32 $0x0;
	[tilespmem:$0x33C0] =	vst v3;
	v3 =	vadd.f32 $0.0e+00, v5  }
0x143: {  	s22 =	smul.u32 $0x6000, s28;
	[tilespmem:$0x33D0] =	vst v4;
	v4 =	vadd.f32 $0.0e+00, v6  }
0x144: {  	[tilespmem:$0x33E0] =	vst v3  }
0x145: {  	s22 =	sshra.s32 s22, $0x2;
	s21 =	sand.u32 $0x380, s26;
	[tilespmem:$0x33F0] =	vst v4  }
0x146: {  	s22 =	sor.u32 s21, s22;
	v19 =	vld.idx.msk [tilespmem:v7+s10+$0x0], $0xffff  }
0x147: {  	v3 =	vld [tilespmem:s22+$0xD70]  }
0x148: {  	v4 =	vld [tilespmem:s22+$0xD00]  }
0x149: {  	v5 =	vld [tilespmem:s22+$0xD10]  }
0x14a: {  	s30 =	simm.s32 $0x0;
	v10 =	vld [tilespmem:s22+$0xD20]  }
0x14b: {  	s31 =	smul.u32 $0x6000, s30;
	v12 =	vld [tilespmem:s22+$0xD30]  }
0x14c: {  	s21 =	simm.s32 $0x80;
	v14 =	vld [tilespmem:s22+$0xD40]  }
0x14d: {  	s29 =	simm.s32 $0x1;
	s23 =	sshra.s32 s31, $0x2;
	s24 =	sand.u32 $0x380, s21;
	v16 =	vld [tilespmem:s22+$0xD50]  }
0x14e: {  	v21 =	vimm.f32 $0.0e+00;
	v11 =	vmov s29;
	v18 =	vld [tilespmem:s22+$0xD60];
	s22 =	sor.u32 s24, s23;
	s23 =	simm.s32 $0x2  }
0x14f: {  	v7 =	vimm.f32 $0.0e+00;
	v25 =	vmov s23;
	v8 =	vmul.f32 v3, v19  }
0x150: {  	v6 =	vadd.f32 v3, v7;
	v3 =	vmul.f32 v4, v19;
	v4 =	vadd.f32 v4, v7  }
0x151: {  	v13 =	vmul.f32 v5, v19;
	v5 =	vadd.f32 v5, v7;
	v15 =	vmul.f32 v10, v19  }
0x152: {  	v22 =	vld [tilespmem:s22+$0xD70];
	v10 =	vadd.f32 v10, v7;
	v17 =	vmul.f32 v12, v19;
	v12 =	vadd.f32 v12, v7  }
0x153: {  	v20 =	vmul.f32 v14, v19;
	v14 =	vadd.f32 v14, v7;
	v9 =	vadd.f32 v3, v7;
	v3 =	vld.idx.msk [tilespmem:v11+s10+$0x0], $0xffff  }
0x154: {  	v23 =	vld [tilespmem:s22+$0xD00];
	v27 =	vmul.f32 v16, v19;
	v16 =	vadd.f32 v16, v7;
	v8 =	vadd.f32 v8, v7  }
0x155: {  	v24 =	vld [tilespmem:s22+$0xD10];
	v26 =	vmul.f32 v18, v19;
	v11 =	vadd.f32 v13, v7;
	v13 =	vadd.f32 v15, v7  }
0x156: {  	s24 =	simm.s32 $0x3;
	v19 =	vimm.f32 $0.0e+00;
	v15 =	vadd.f32 v17, v7;
	v17 =	vadd.f32 v20, v7;
	v20 =	vld [tilespmem:s22+$0xD20]  }
.LBB2_9:
0x157: {  	p0 =	sne.s32 s24, $0xF;
	s25 =	sshrl.u32 s23, $0x3;
	v28 =	vld [tilespmem:s22+$0xD30];
	v7 =	vadd.f32 v27, v7;
	v21 =	vadd.f32 v18, v21;
	s23 =	smov.u32 s24  }
0x158: {  	s25 =	smul.u32 $0x6000, s25;
	v27 =	vld [tilespmem:s22+$0xD40];
	v29 =	vmul.f32 v22, v3;
	v6 =	vadd.f32 v22, v6;
	v19 =	vadd.f32 v26, v19;
	v26 =	vmovc v3  }
0x159: {  	s21 =	sadd.s32 $0x80, s21;
	v22 =	vmul.f32 v23, v26;
	v4 =	vadd.f32 v23, v4;
	v30 =	vld [tilespmem:s22+$0xD50]  }
0x15a: {  	s26 =	sand.u32 $0x380, s21;
	s25 =	sshra.s32 s25, $0x2;
	v23 =	vmul.f32 v24, v26;
	v5 =	vadd.f32 v24, v5;
	v18 =	vld [tilespmem:s22+$0xD60];
	v8 =	vadd.f32 v29, v8  }
.Ltmp4:
0x15b: {  	v3 =	vld.idx.msk [tilespmem:v25+s10+$0x0], $0xffff;
	s22 =	sor.u32 s26, s25;
	v9 =	vadd.f32 v22, v9;
	v24 =	vmul.f32 v20, v26;
	v10 =	vadd.f32 v20, v10;
	(pc) =	sbr.rel @p0 .LBB2_9-.Ltmp4, $4  }
0x15c: {  	v22 =	vld [tilespmem:s22+$0xD70];
	v11 =	vadd.f32 v23, v11;
	v20 =	vmul.f32 v28, v26;
	v12 =	vadd.f32 v28, v12  }
0x15d: {  	v23 =	vld [tilespmem:s22+$0xD00];
	v13 =	vadd.f32 v24, v13;
	v28 =	vmul.f32 v27, v26;
	v14 =	vadd.f32 v27, v14  }
0x15e: {  	v24 =	vld [tilespmem:s22+$0xD10];
	v15 =	vadd.f32 v20, v15;
	v27 =	vmul.f32 v30, v26;
	v16 =	vadd.f32 v30, v16  }
0x15f: {  	s24 =	sadd.s32 $0x1, s24;
	v25 =	vmov s23;
	v20 =	vld [tilespmem:s22+$0xD20];
	v17 =	vadd.f32 v28, v17;
	v26 =	vmul.f32 v18, v26  }
0x160: {  	s23 =	sshrl.u32 s23, $0x3;
	v28 =	vld [tilespmem:s22+$0xD30]  }
0x161: {  	v29 =	vld [tilespmem:s22+$0xD40];
	s23 =	smul.u32 $0x6000, s23  }
0x162: {  	v30 =	vld [tilespmem:s22+$0xD50];
	s21 =	sadd.s32 $0x80, s21  }
0x163: {  	v7 =	vadd.f32 v27, v7;
	v18 =	vadd.f32 v18, v21;
	v27 =	vld [tilespmem:s22+$0xD60];
	v21 =	vmul.f32 v22, v3;
	s21 =	sand.u32 $0x380, s21;
	s23 =	sshra.s32 s23, $0x2  }
0x164: {  	v25 =	vld.idx.msk [tilespmem:v25+s10+$0x0], $0xffff;
	v6 =	vadd.f32 v22, v6;
	v19 =	vadd.f32 v26, v19;
	v22 =	vmul.f32 v23, v3;
	s21 =	sor.u32 s21, s23  }
0x165: {  	v4 =	vadd.f32 v23, v4;
	v23 =	vmul.f32 v24, v3;
	v5 =	vadd.f32 v24, v5;
	v24 =	vld [tilespmem:s21+$0xD00]  }
0x166: {  	v8 =	vadd.f32 v21, v8;
	v9 =	vadd.f32 v22, v9;
	v21 =	vmul.f32 v20, v3;
	v22 =	vld [tilespmem:s21+$0xD10]  }
0x167: {  	v10 =	vadd.f32 v20, v10;
	v11 =	vadd.f32 v23, v11;
	v20 =	vmul.f32 v28, v3;
	v26 =	vld [tilespmem:s21+$0xD30]  }
0x168: {  	v23 =	vld [tilespmem:s21+$0xD20];
	v12 =	vadd.f32 v28, v12;
	v13 =	vadd.f32 v21, v13;
	v21 =	vmul.f32 v29, v3  }
0x169: {  	v14 =	vadd.f32 v29, v14;
	v28 =	vld [tilespmem:s21+$0xD40];
	v15 =	vadd.f32 v20, v15;
	v20 =	vmul.f32 v30, v3  }
0x16a: {  	v29 =	vld [tilespmem:s21+$0xD50];
	v3 =	vmul.f32 v27, v3;
	v17 =	vadd.f32 v21, v17;
	v21 =	vmul.f32 v24, v25  }
0x16b: {  	v63 =	vld [tilespmem:s21+$0xD60];
	v18 =	vadd.f32 v27, v18;
	v7 =	vadd.f32 v20, v7;
	v20 =	vmul.f32 v22, v25  }
0x16c: {  	v27 =	vld [tilespmem:s21+$0xD70];
	v3 =	vadd.f32 v3, v19;
	v19 =	vmul.f32 v26, v25;
	v9 =	vadd.f32 v21, v9  }
0x16d: {  	v5 =	vadd.f32 v22, v5;
	v21 =	vmul.f32 v23, v25;
	v11 =	vadd.f32 v20, v11  }
0x16e: {  	v20 =	vmul.f32 v28, v25;
	v15 =	vadd.f32 v19, v15;
	v9 =	vadd.f32 $0.0e+00, v9  }
0x16f: {  	v19 =	vmul.f32 v29, v25;
	v5 =	vadd.f32 $0.0e+00, v5;
	v13 =	vadd.f32 v21, v13  }
0x170: {  	v11 =	vadd.f32 $0.0e+00, v11;
	v17 =	vadd.f32 v20, v17;
	[tilespmem:$0x3400] =	vst v9;
	v9 =	vmul.f32 v63, v25  }
0x171: {  	v20 =	vmul.f32 v27, v25;
	v7 =	vadd.f32 v19, v7;
	[tilespmem:$0x3490] =	vst v5;
	v13 =	vadd.f32 $0.0e+00, v13  }
0x172: {  	[tilespmem:$0x3410] =	vst v11;
	v11 =	vadd.f32 $0.0e+00, v15;
	v3 =	vadd.f32 v9, v3  }
0x173: {  	v8 =	vadd.f32 v20, v8;
	v7 =	vadd.f32 $0.0e+00, v7;
	[tilespmem:$0x3420] =	vst v13  }
0x174: {  	v4 =	vadd.f32 v24, v4;
	[tilespmem:$0x3430] =	vst v11;
	v3 =	vadd.f32 $0.0e+00, v3  }
0x175: {  	v16 =	vadd.f32 v30, v16;
	[tilespmem:$0x3450] =	vst v7;
	v7 =	vadd.f32 $0.0e+00, v8  }
0x176: {  	v8 =	vadd.f32 v23, v10;
	[tilespmem:$0x3460] =	vst v3;
	v3 =	vadd.f32 $0.0e+00, v4  }
0x177: {  	v9 =	vadd.f32 $0.0e+00, v17;
	[tilespmem:$0x3470] =	vst v7;
	v4 =	vadd.f32 v26, v12  }
0x178: {  	v7 =	vadd.f32 v28, v14;
	[tilespmem:$0x3480] =	vst v3;
	v3 =	vadd.f32 $0.0e+00, v8  }
0x179: {  	[tilespmem:$0x3440] =	vst v9;
	v8 =	vadd.f32 v29, v16;
	v4 =	vadd.f32 $0.0e+00, v4  }
0x17a: {  	s26 =	simm.s32 $0x0;
	v5 =	vadd.f32 v63, v18;
	[tilespmem:$0x34A0] =	vst v3;
	v3 =	vadd.f32 $0.0e+00, v7  }
0x17b: {  	v6 =	vadd.f32 v27, v6;
	[tilespmem:$0x34B0] =	vst v4;
	v4 =	vadd.f32 $0.0e+00, v8;
	v7 =	vmov s26  }
0x17c: {  	s28 =	simm.s32 $0x0;
	[tilespmem:$0x34C0] =	vst v3;
	v3 =	vadd.f32 $0.0e+00, v5  }
0x17d: {  	s22 =	smul.u32 $0x6000, s28;
	[tilespmem:$0x34D0] =	vst v4;
	v4 =	vadd.f32 $0.0e+00, v6  }
0x17e: {  	[tilespmem:$0x34E0] =	vst v3  }
0x17f: {  	s22 =	sshra.s32 s22, $0x2;
	s21 =	sand.u32 $0x380, s26;
	[tilespmem:$0x34F0] =	vst v4  }
0x180: {  	s22 =	sor.u32 s21, s22;
	v19 =	vld.idx.msk [tilespmem:v7+s10+$0x0], $0xffff  }
0x181: {  	v3 =	vld [tilespmem:s22+$0x1170]  }
0x182: {  	v4 =	vld [tilespmem:s22+$0x1100]  }
0x183: {  	v5 =	vld [tilespmem:s22+$0x1110]  }
0x184: {  	s30 =	simm.s32 $0x0;
	v10 =	vld [tilespmem:s22+$0x1120]  }
0x185: {  	s31 =	smul.u32 $0x6000, s30;
	v12 =	vld [tilespmem:s22+$0x1130]  }
0x186: {  	s21 =	simm.s32 $0x80;
	v14 =	vld [tilespmem:s22+$0x1140]  }
0x187: {  	s29 =	simm.s32 $0x1;
	s23 =	sshra.s32 s31, $0x2;
	s24 =	sand.u32 $0x380, s21;
	v16 =	vld [tilespmem:s22+$0x1150]  }
0x188: {  	v21 =	vimm.f32 $0.0e+00;
	v11 =	vmov s29;
	v18 =	vld [tilespmem:s22+$0x1160];
	s22 =	sor.u32 s24, s23;
	s23 =	simm.s32 $0x2  }
0x189: {  	v7 =	vimm.f32 $0.0e+00;
	v25 =	vmov s23;
	v8 =	vmul.f32 v3, v19  }
0x18a: {  	v6 =	vadd.f32 v3, v7;
	v3 =	vmul.f32 v4, v19;
	v4 =	vadd.f32 v4, v7  }
0x18b: {  	v13 =	vmul.f32 v5, v19;
	v5 =	vadd.f32 v5, v7;
	v15 =	vmul.f32 v10, v19  }
0x18c: {  	v22 =	vld [tilespmem:s22+$0x1170];
	v10 =	vadd.f32 v10, v7;
	v17 =	vmul.f32 v12, v19;
	v12 =	vadd.f32 v12, v7  }
0x18d: {  	v20 =	vmul.f32 v14, v19;
	v14 =	vadd.f32 v14, v7;
	v9 =	vadd.f32 v3, v7;
	v3 =	vld.idx.msk [tilespmem:v11+s10+$0x0], $0xffff  }
0x18e: {  	v23 =	vld [tilespmem:s22+$0x1100];
	v27 =	vmul.f32 v16, v19;
	v16 =	vadd.f32 v16, v7;
	v8 =	vadd.f32 v8, v7  }
0x18f: {  	v24 =	vld [tilespmem:s22+$0x1110];
	v26 =	vmul.f32 v18, v19;
	v11 =	vadd.f32 v13, v7;
	v13 =	vadd.f32 v15, v7  }
0x190: {  	s24 =	simm.s32 $0x3;
	v19 =	vimm.f32 $0.0e+00;
	v15 =	vadd.f32 v17, v7;
	v17 =	vadd.f32 v20, v7;
	v20 =	vld [tilespmem:s22+$0x1120]  }
.LBB2_11:
0x191: {  	p0 =	sne.s32 s24, $0xF;
	s25 =	sshrl.u32 s23, $0x3;
	v28 =	vld [tilespmem:s22+$0x1130];
	v7 =	vadd.f32 v27, v7;
	v21 =	vadd.f32 v18, v21;
	s23 =	smov.u32 s24  }
0x192: {  	s25 =	smul.u32 $0x6000, s25;
	v27 =	vld [tilespmem:s22+$0x1140];
	v29 =	vmul.f32 v22, v3;
	v6 =	vadd.f32 v22, v6;
	v19 =	vadd.f32 v26, v19;
	v26 =	vmovc v3  }
0x193: {  	s21 =	sadd.s32 $0x80, s21;
	v22 =	vmul.f32 v23, v26;
	v4 =	vadd.f32 v23, v4;
	v30 =	vld [tilespmem:s22+$0x1150]  }
0x194: {  	s26 =	sand.u32 $0x380, s21;
	s25 =	sshra.s32 s25, $0x2;
	v23 =	vmul.f32 v24, v26;
	v5 =	vadd.f32 v24, v5;
	v18 =	vld [tilespmem:s22+$0x1160];
	v8 =	vadd.f32 v29, v8  }
.Ltmp5:
0x195: {  	v3 =	vld.idx.msk [tilespmem:v25+s10+$0x0], $0xffff;
	s22 =	sor.u32 s26, s25;
	v9 =	vadd.f32 v22, v9;
	v24 =	vmul.f32 v20, v26;
	v10 =	vadd.f32 v20, v10;
	(pc) =	sbr.rel @p0 .LBB2_11-.Ltmp5, $4  }
0x196: {  	v22 =	vld [tilespmem:s22+$0x1170];
	v11 =	vadd.f32 v23, v11;
	v20 =	vmul.f32 v28, v26;
	v12 =	vadd.f32 v28, v12  }
0x197: {  	v23 =	vld [tilespmem:s22+$0x1100];
	v13 =	vadd.f32 v24, v13;
	v28 =	vmul.f32 v27, v26;
	v14 =	vadd.f32 v27, v14  }
0x198: {  	v24 =	vld [tilespmem:s22+$0x1110];
	v15 =	vadd.f32 v20, v15;
	v27 =	vmul.f32 v30, v26;
	v16 =	vadd.f32 v30, v16  }
0x199: {  	s24 =	sadd.s32 $0x1, s24;
	v25 =	vmov s23;
	v20 =	vld [tilespmem:s22+$0x1120];
	v17 =	vadd.f32 v28, v17;
	v26 =	vmul.f32 v18, v26  }
0x19a: {  	s23 =	sshrl.u32 s23, $0x3;
	v28 =	vld [tilespmem:s22+$0x1130]  }
0x19b: {  	v29 =	vld [tilespmem:s22+$0x1140];
	s23 =	smul.u32 $0x6000, s23  }
0x19c: {  	v30 =	vld [tilespmem:s22+$0x1150];
	s21 =	sadd.s32 $0x80, s21  }
0x19d: {  	v7 =	vadd.f32 v27, v7;
	v18 =	vadd.f32 v18, v21;
	v27 =	vld [tilespmem:s22+$0x1160];
	v21 =	vmul.f32 v22, v3;
	s21 =	sand.u32 $0x380, s21;
	s23 =	sshra.s32 s23, $0x2  }
0x19e: {  	v25 =	vld.idx.msk [tilespmem:v25+s10+$0x0], $0xffff;
	v6 =	vadd.f32 v22, v6;
	v19 =	vadd.f32 v26, v19;
	v22 =	vmul.f32 v23, v3;
	s21 =	sor.u32 s21, s23  }
0x19f: {  	v4 =	vadd.f32 v23, v4;
	v23 =	vmul.f32 v24, v3;
	v5 =	vadd.f32 v24, v5;
	v24 =	vld [tilespmem:s21+$0x1100]  }
0x1a0: {  	v8 =	vadd.f32 v21, v8;
	v9 =	vadd.f32 v22, v9;
	v21 =	vmul.f32 v20, v3;
	v22 =	vld [tilespmem:s21+$0x1110]  }
0x1a1: {  	v10 =	vadd.f32 v20, v10;
	v11 =	vadd.f32 v23, v11;
	v20 =	vmul.f32 v28, v3;
	v26 =	vld [tilespmem:s21+$0x1130]  }
0x1a2: {  	v23 =	vld [tilespmem:s21+$0x1120];
	v12 =	vadd.f32 v28, v12;
	v13 =	vadd.f32 v21, v13;
	v21 =	vmul.f32 v29, v3  }
0x1a3: {  	v14 =	vadd.f32 v29, v14;
	v28 =	vld [tilespmem:s21+$0x1140];
	v15 =	vadd.f32 v20, v15;
	v20 =	vmul.f32 v30, v3  }
0x1a4: {  	v29 =	vld [tilespmem:s21+$0x1150];
	v3 =	vmul.f32 v27, v3;
	v17 =	vadd.f32 v21, v17;
	v21 =	vmul.f32 v24, v25  }
0x1a5: {  	v63 =	vld [tilespmem:s21+$0x1160];
	v18 =	vadd.f32 v27, v18;
	v7 =	vadd.f32 v20, v7;
	v20 =	vmul.f32 v22, v25  }
0x1a6: {  	v27 =	vld [tilespmem:s21+$0x1170];
	v3 =	vadd.f32 v3, v19;
	v19 =	vmul.f32 v26, v25;
	v9 =	vadd.f32 v21, v9  }
0x1a7: {  	v5 =	vadd.f32 v22, v5;
	v21 =	vmul.f32 v23, v25;
	v11 =	vadd.f32 v20, v11  }
0x1a8: {  	v20 =	vmul.f32 v28, v25;
	v15 =	vadd.f32 v19, v15;
	v9 =	vadd.f32 $0.0e+00, v9  }
0x1a9: {  	v19 =	vmul.f32 v29, v25;
	v5 =	vadd.f32 $0.0e+00, v5;
	v13 =	vadd.f32 v21, v13  }
0x1aa: {  	v11 =	vadd.f32 $0.0e+00, v11;
	v17 =	vadd.f32 v20, v17;
	[tilespmem:$0x3500] =	vst v9;
	v9 =	vmul.f32 v63, v25  }
0x1ab: {  	v20 =	vmul.f32 v27, v25;
	v7 =	vadd.f32 v19, v7;
	[tilespmem:$0x3590] =	vst v5;
	v13 =	vadd.f32 $0.0e+00, v13  }
0x1ac: {  	[tilespmem:$0x3510] =	vst v11;
	v11 =	vadd.f32 $0.0e+00, v15;
	v3 =	vadd.f32 v9, v3  }
0x1ad: {  	v8 =	vadd.f32 v20, v8;
	v7 =	vadd.f32 $0.0e+00, v7;
	[tilespmem:$0x3520] =	vst v13  }
0x1ae: {  	v4 =	vadd.f32 v24, v4;
	[tilespmem:$0x3530] =	vst v11;
	v3 =	vadd.f32 $0.0e+00, v3  }
0x1af: {  	v16 =	vadd.f32 v30, v16;
	[tilespmem:$0x3550] =	vst v7;
	v7 =	vadd.f32 $0.0e+00, v8  }
0x1b0: {  	v8 =	vadd.f32 v23, v10;
	[tilespmem:$0x3560] =	vst v3;
	v3 =	vadd.f32 $0.0e+00, v4  }
0x1b1: {  	v9 =	vadd.f32 $0.0e+00, v17;
	[tilespmem:$0x3570] =	vst v7;
	v4 =	vadd.f32 v26, v12  }
0x1b2: {  	v7 =	vadd.f32 v28, v14;
	[tilespmem:$0x3580] =	vst v3;
	v3 =	vadd.f32 $0.0e+00, v8  }
0x1b3: {  	[tilespmem:$0x3540] =	vst v9;
	v8 =	vadd.f32 v29, v16;
	v4 =	vadd.f32 $0.0e+00, v4  }
0x1b4: {  	s26 =	simm.s32 $0x0;
	v5 =	vadd.f32 v63, v18;
	[tilespmem:$0x35A0] =	vst v3;
	v3 =	vadd.f32 $0.0e+00, v7  }
0x1b5: {  	v6 =	vadd.f32 v27, v6;
	[tilespmem:$0x35B0] =	vst v4;
	v4 =	vadd.f32 $0.0e+00, v8;
	v7 =	vmov s26  }
0x1b6: {  	s28 =	simm.s32 $0x0;
	[tilespmem:$0x35C0] =	vst v3;
	v3 =	vadd.f32 $0.0e+00, v5  }
0x1b7: {  	s22 =	smul.u32 $0x6000, s28;
	[tilespmem:$0x35D0] =	vst v4;
	v4 =	vadd.f32 $0.0e+00, v6  }
0x1b8: {  	[tilespmem:$0x35E0] =	vst v3  }
0x1b9: {  	s22 =	sshra.s32 s22, $0x2;
	s21 =	sand.u32 $0x380, s26;
	[tilespmem:$0x35F0] =	vst v4  }
0x1ba: {  	s22 =	sor.u32 s21, s22;
	v19 =	vld.idx.msk [tilespmem:v7+s10+$0x0], $0xffff  }
0x1bb: {  	v3 =	vld [tilespmem:s22+$0x1570]  }
0x1bc: {  	v4 =	vld [tilespmem:s22+$0x1500]  }
0x1bd: {  	v5 =	vld [tilespmem:s22+$0x1510]  }
0x1be: {  	s30 =	simm.s32 $0x0;
	v10 =	vld [tilespmem:s22+$0x1520]  }
0x1bf: {  	s31 =	smul.u32 $0x6000, s30;
	v12 =	vld [tilespmem:s22+$0x1530]  }
0x1c0: {  	s21 =	simm.s32 $0x80;
	v14 =	vld [tilespmem:s22+$0x1540]  }
0x1c1: {  	s29 =	simm.s32 $0x1;
	s23 =	sshra.s32 s31, $0x2;
	s24 =	sand.u32 $0x380, s21;
	v16 =	vld [tilespmem:s22+$0x1550]  }
0x1c2: {  	v21 =	vimm.f32 $0.0e+00;
	v11 =	vmov s29;
	v18 =	vld [tilespmem:s22+$0x1560];
	s22 =	sor.u32 s24, s23;
	s23 =	simm.s32 $0x2  }
0x1c3: {  	v7 =	vimm.f32 $0.0e+00;
	v25 =	vmov s23;
	v8 =	vmul.f32 v3, v19  }
0x1c4: {  	v6 =	vadd.f32 v3, v7;
	v3 =	vmul.f32 v4, v19;
	v4 =	vadd.f32 v4, v7  }
0x1c5: {  	v13 =	vmul.f32 v5, v19;
	v5 =	vadd.f32 v5, v7;
	v15 =	vmul.f32 v10, v19  }
0x1c6: {  	v22 =	vld [tilespmem:s22+$0x1570];
	v10 =	vadd.f32 v10, v7;
	v17 =	vmul.f32 v12, v19;
	v12 =	vadd.f32 v12, v7  }
0x1c7: {  	v20 =	vmul.f32 v14, v19;
	v14 =	vadd.f32 v14, v7;
	v9 =	vadd.f32 v3, v7;
	v3 =	vld.idx.msk [tilespmem:v11+s10+$0x0], $0xffff  }
0x1c8: {  	v23 =	vld [tilespmem:s22+$0x1500];
	v27 =	vmul.f32 v16, v19;
	v16 =	vadd.f32 v16, v7;
	v8 =	vadd.f32 v8, v7  }
0x1c9: {  	v24 =	vld [tilespmem:s22+$0x1510];
	v26 =	vmul.f32 v18, v19;
	v11 =	vadd.f32 v13, v7;
	v13 =	vadd.f32 v15, v7  }
0x1ca: {  	s24 =	simm.s32 $0x3;
	v19 =	vimm.f32 $0.0e+00;
	v15 =	vadd.f32 v17, v7;
	v17 =	vadd.f32 v20, v7;
	v20 =	vld [tilespmem:s22+$0x1520]  }
.LBB2_13:
0x1cb: {  	p0 =	sne.s32 s24, $0xF;
	s25 =	sshrl.u32 s23, $0x3;
	v28 =	vld [tilespmem:s22+$0x1530];
	v7 =	vadd.f32 v27, v7;
	v21 =	vadd.f32 v18, v21;
	s23 =	smov.u32 s24  }
0x1cc: {  	s25 =	smul.u32 $0x6000, s25;
	v27 =	vld [tilespmem:s22+$0x1540];
	v29 =	vmul.f32 v22, v3;
	v6 =	vadd.f32 v22, v6;
	v19 =	vadd.f32 v26, v19;
	v26 =	vmovc v3  }
0x1cd: {  	s21 =	sadd.s32 $0x80, s21;
	v22 =	vmul.f32 v23, v26;
	v4 =	vadd.f32 v23, v4;
	v30 =	vld [tilespmem:s22+$0x1550]  }
0x1ce: {  	s26 =	sand.u32 $0x380, s21;
	s25 =	sshra.s32 s25, $0x2;
	v23 =	vmul.f32 v24, v26;
	v5 =	vadd.f32 v24, v5;
	v18 =	vld [tilespmem:s22+$0x1560];
	v8 =	vadd.f32 v29, v8  }
.Ltmp6:
0x1cf: {  	v3 =	vld.idx.msk [tilespmem:v25+s10+$0x0], $0xffff;
	s22 =	sor.u32 s26, s25;
	v9 =	vadd.f32 v22, v9;
	v24 =	vmul.f32 v20, v26;
	v10 =	vadd.f32 v20, v10;
	(pc) =	sbr.rel @p0 .LBB2_13-.Ltmp6, $4  }
0x1d0: {  	v22 =	vld [tilespmem:s22+$0x1570];
	v11 =	vadd.f32 v23, v11;
	v20 =	vmul.f32 v28, v26;
	v12 =	vadd.f32 v28, v12  }
0x1d1: {  	v23 =	vld [tilespmem:s22+$0x1500];
	v13 =	vadd.f32 v24, v13;
	v28 =	vmul.f32 v27, v26;
	v14 =	vadd.f32 v27, v14  }
0x1d2: {  	v24 =	vld [tilespmem:s22+$0x1510];
	v15 =	vadd.f32 v20, v15;
	v27 =	vmul.f32 v30, v26;
	v16 =	vadd.f32 v30, v16  }
0x1d3: {  	s24 =	sadd.s32 $0x1, s24;
	v25 =	vmov s23;
	v20 =	vld [tilespmem:s22+$0x1520];
	v17 =	vadd.f32 v28, v17;
	v26 =	vmul.f32 v18, v26  }
0x1d4: {  	s23 =	sshrl.u32 s23, $0x3;
	v28 =	vld [tilespmem:s22+$0x1530]  }
0x1d5: {  	v29 =	vld [tilespmem:s22+$0x1540];
	s23 =	smul.u32 $0x6000, s23  }
0x1d6: {  	v30 =	vld [tilespmem:s22+$0x1550];
	s21 =	sadd.s32 $0x80, s21;
	v7 =	vadd.f32 v27, v7  }
0x1d7: {  	v18 =	vadd.f32 v18, v21;
	v63 =	vld [tilespmem:s22+$0x1560];
	v62 =	vmul.f32 v22, v3;
	s21 =	sand.u32 $0x380, s21;
	v6 =	vadd.f32 v22, v6;
	s23 =	sshra.s32 s23, $0x2  }
0x1d8: {  	v25 =	vld.idx.msk [tilespmem:v25+s10+$0x0], $0xffff;
	v19 =	vadd.f32 v26, v19;
	v32 =	vmul.f32 v23, v3;
	v4 =	vadd.f32 v23, v4;
	s21 =	sor.u32 s21, s23  }
0x1d9: {  	v33 =	vmul.f32 v24, v3;
	v5 =	vadd.f32 v24, v5;
	v8 =	vadd.f32 v62, v8;
	v34 =	vld [tilespmem:s21+$0x1500]  }
0x1da: {  	v9 =	vadd.f32 v32, v9;
	v35 =	vmul.f32 v20, v3;
	v10 =	vadd.f32 v20, v10;
	v36 =	vld [tilespmem:s21+$0x1510]  }
0x1db: {  	v11 =	vadd.f32 v33, v11;
	v37 =	vmul.f32 v28, v3;
	v12 =	vadd.f32 v28, v12;
	v44 =	vld [tilespmem:s21+$0x1550]  }
0x1dc: {  	v39 =	vmul.f32 v29, v3;
	v14 =	vadd.f32 v29, v14;
	v16 =	vadd.f32 v30, v16;
	v47 =	vld [tilespmem:s21+$0x1570]  }
0x1dd: {  	v38 =	vld [tilespmem:s21+$0x1520];
	v41 =	vmul.f32 v30, v3;
	v18 =	vadd.f32 v63, v18;
	v13 =	vadd.f32 v35, v13  }
0x1de: {  	v40 =	vld [tilespmem:s21+$0x1530];
	v3 =	vmul.f32 v63, v3;
	v15 =	vadd.f32 v37, v15;
	v17 =	vadd.f32 v39, v17  }
0x1df: {  	v46 =	vld [tilespmem:s21+$0x1560];
	v7 =	vadd.f32 v41, v7;
	v5 =	vadd.f32 v36, v5  }
0x1e0: {  	v42 =	vld [tilespmem:s21+$0x1540];
	v3 =	vadd.f32 v3, v19;
	v43 =	vmul.f32 v34, v25;
	v60 =	vadd.f32 v44, v16  }
0x1e1: {  	v45 =	vmul.f32 v36, v25;
	v6 =	vadd.f32 v47, v6;
	v5 =	vadd.f32 $0.0e+00, v5  }
0x1e2: {  	v48 =	vmul.f32 v38, v25;
	v9 =	vadd.f32 v43, v9;
	v62 =	vadd.f32 $0.0e+00, v60  }
0x1e3: {  	v49 =	vmul.f32 v40, v25;
	v11 =	vadd.f32 v45, v11;
	v63 =	vadd.f32 $0.0e+00, v6;
	[tilespmem:$0x3690] =	vst v5  }
0x1e4: {  	v52 =	vmul.f32 v46, v25;
	v13 =	vadd.f32 v48, v13;
	v9 =	vadd.f32 $0.0e+00, v9;
	[tilespmem:$0x36D0] =	vst v62  }
0x1e5: {  	v50 =	vmul.f32 v42, v25;
	v15 =	vadd.f32 v49, v15;
	v11 =	vadd.f32 $0.0e+00, v11;
	[tilespmem:$0x36F0] =	vst v63  }
0x1e6: {  	v3 =	vadd.f32 v52, v3;
	v13 =	vadd.f32 $0.0e+00, v13;
	[tilespmem:$0x3600] =	vst v9  }
0x1e7: {  	v51 =	vmul.f32 v44, v25;
	v17 =	vadd.f32 v50, v17;
	v54 =	vadd.f32 $0.0e+00, v15;
	[tilespmem:$0x3610] =	vst v11  }
0x1e8: {  	v4 =	vadd.f32 v34, v4;
	v3 =	vadd.f32 $0.0e+00, v3;
	[tilespmem:$0x3620] =	vst v13  }
0x1e9: {  	v53 =	vmul.f32 v47, v25;
	v7 =	vadd.f32 v51, v7;
	v55 =	vadd.f32 $0.0e+00, v17;
	[tilespmem:$0x3630] =	vst v54  }
0x1ea: {  	v57 =	vadd.f32 v38, v10;
	[tilespmem:$0x3660] =	vst v3;
	v3 =	vadd.f32 $0.0e+00, v4  }
0x1eb: {  	v8 =	vadd.f32 v53, v8;
	v7 =	vadd.f32 $0.0e+00, v7;
	[tilespmem:$0x3640] =	vst v55  }
0x1ec: {  	v59 =	vadd.f32 v42, v14;
	[tilespmem:$0x3680] =	vst v3;
	v3 =	vadd.f32 $0.0e+00, v57  }
0x1ed: {  	v58 =	vadd.f32 v40, v12;
	v56 =	vadd.f32 $0.0e+00, v8;
	[tilespmem:$0x3650] =	vst v7  }
0x1ee: {  	v61 =	vadd.f32 v46, v18;
	[tilespmem:$0x36A0] =	vst v3;
	v3 =	vadd.f32 $0.0e+00, v59  }
0x1ef: {  	[tilespmem:$0x3670] =	vst v56;
	v4 =	vadd.f32 $0.0e+00, v58  }
0x1f0: {  	s20 =	sadd.s32 $0x1, s20;
	[tilespmem:$0x36C0] =	vst v3;
	v3 =	vadd.f32 $0.0e+00, v61  }
0x1f1: {  	p0 =	sne.s32 s20, s8;
	[tilespmem:$0x36B0] =	vst v4  }
.Ltmp7:
0x1f2: {  	[tilespmem:$0x36E0] =	vst v3;
	(pc) =	sbr.rel @p0 .LBB2_2-.Ltmp7, $4  }
0x1f3: {  	[hbm4b:s6+s2] =	stream.linear.scatter [tilespmem:s19], [sflag:$0x2], $0x600, $0x38;
	[tilespmem:$0x3700] =	vst v63  }
0x1f4: {  	_ =	swait.ge [sflag:s9], $0x600  }
0x1f5: {  	[sflag:s9] =	ssyncset.done $0x0  }
0x1f6: {  	[sflag:s9] =	ssyncadd.s32 $0xFFFFFA00  }
.LBB2_15:
0x1f7: {  	_ =	sfence.sel $0x180000  }
0x1f8: {  	[bflag:$0x0] =	sbarrier.arrive $0xFFFF  }
0x1f9: {  	p0 =	sne.s32 s1, $0x0;
	_ =	strace $0x9000004A  }
0x1fa: {  	s0 =	sadd.s32 @!p0 $0x100000, s0;
	[bflag:$0x2] =	sbarrier.arrive $0xFFFF  }
0x1fb: {  	[sflag:s0] =	ssyncadd.tile.s32 @!p0 $0x1;
	_ =	shalt  }
.Lfunc_end2:
_tile_overlayer_lowered:
.L_overlay_start_2:
0x1fc: {  	(tag) =	ssettag $0x2  }
0x1fd: {  	s0 =	rddreg [dreg:$0x0];
	s2 =	stileid.u32  }
0x1fe: {  	s1 =	rddreg [dreg:$0x1];
	p0 =	sne.s32 s2, $0x0  }
0x1ff: {  	s3 =	rddreg [dreg:$0x2];
	[bflag:$0x3] =	sbarrier.arrive $0xFFFF;
	s2 =	simm.s32 @!p0 $0x1C02  }
0x200: {  	[timem:s3], [sflag:s2] =	dma.local @!p0 [hbm:s0], s1  }
0x201: {  	s0 =	simm.s32 @!p0 $0x2  }
0x202: {  	_ =	swait.ge @!p0 [sflag:s0], s1  }
0x203: {  	s1 =	ssub.s32 @!p0 $0x0, s1;
	[sflag:s0] =	ssyncset.done @!p0 $0x0  }
0x204: {  	[sflag:s0] =	ssyncadd.s32 @!p0 s1  }
0x205: {  	[bflag:$0x3] =	sbarrier.arrive $0xFFFF  }
0x206: {  	_ =	shalt  }

// kernel: kernel.7.cloned.1.call-start
scs
__scs_entry_jumppad:
0x0: {  	(pc) =	sbr.rel $0x88, $3  }
0x1: {  	(tag) =	ssettag $0x0;
	lr =	simm.s32 $0x1  }
0x2: {  	[smem:$0x3F98] =	sst lr;
	_ =	strace $0xD0000000  }
0x3: {  	_ = 	snop  }
0x4: {  	_ = 	snop  }
0x5: {  	_ = 	snop  }
0x6: {  	_ = 	snop  }
0x7: {  	_ = 	snop  }
__scs_overlays_trampoline_lowered:
0x8: {  	[smem:$0x3FA7] =	sst s0  }
0x9: {  	[smem:$0x3FA8] =	sst s1  }
0xa: {  	[smem:$0x3FA9] =	sst s2  }
0xb: {  	[smem:$0x3FAA] =	sst s3  }
0xc: {  	[smem:$0x3FAB] =	sst s4  }
0xd: {  	[smem:$0x3FAC] =	sst s5  }
0xe: {  	[smem:$0x3FAD] =	sst s6  }
0xf: {  	[smem:$0x3FAE] =	sst s7  }
0x10: {  	[smem:$0x3FAF] =	sst s8  }
0x11: {  	[smem:$0x3FB0] =	sst s9;
	s0 =	simm.s32 @!p0 $0x0  }
0x12: {  	s1 =	sld [smem:$0x3F96];
	s0 =	simm.s32 @p0 $0x1  }
0x13: {  	[smem:$0x3FB1] =	sst s0;
	s0 =	simm.s32 @!p1 $0x0  }
0x14: {  	s2 =	sld [smem:$0x3F95];
	s0 =	simm.s32 @p1 $0x1  }
0x15: {  	[smem:$0x3FB2] =	sst s0;
	s0 =	simm.s32 @!p2 $0x0  }
0x16: {  	s3 =	sld [smem:$0x3FDB];
	s0 =	simm.s32 @p2 $0x1  }
0x17: {  	s4 =	simm.s32 $0x1BF5;
	[smem:$0x3FB4] =	sst s0  }
0x18: {  	s0 =	sld [smem:$0x3F97];
	_ =	swait.ge [sflag:s4], $0x0  }
0x19: {  	s7 =	sld [smem:$0x3F98]  }
0x1a: {  	s8 =	sadd.s32 $0xFFFFE003, lr  }
0x1b: {  	s9 =	sadd.s32 $0xFFFFFEF7, lr;
	s5 =	simm.s32 $0xFFFFFFFF;
	p2 =	slt.u32 s8, $0xFFFFF086  }
0x1c: {  	p1 =	slt.u32 s9, $0xF7A;
	s5 =	simm.s32 @!p2 $0x0  }
0x1d: {  	s5 =	simm.s32 @p1 $0x1;
	p0 =	seq.s32 s7, s2  }
0x1e: {  	s7 =	smul.u32 @!p0 $0xF7A, s2;
	p2 =	seq.s32 @!p0 s5, $0x0  }
0x1f: {  	s9 =	smul.u32 $0xF7A, s1;
	s8 =	simm.s32 @!p0 $0x1BF5;
	p2 =	por !p2, p0  }
0x20: {  	[sflag:s8] =	ssyncset.s32 @!p0 $0xFFFFF086;
	s6 =	sadd.s32 @!p0 s3, s7;
	s7 =	simm.s32 @!p0 $0x108  }
0x21: {  	s3 =	sadd.s32 s3, s9;
	s6 =	sadd.s32 @!p0 $0x88, s6;
	s7 =	simm.s32 @p2 $0x1082  }
0x22: {  	[simem:s7], [sflag:s8] =	dma.local @!p0 [hbm:s6], $0xF7A  }
0x23: {  	s9 =	sor.u32 $0xD0000000, s2;
	s6 =	simm.s32 $0x108;
	_ =	swait.ge @!p0 [sflag:s8], $0x0  }
0x24: {  	s3 =	sadd.s32 $0x88, s3;
	s6 =	simm.s32 @!p1 $0x1082;
	[sflag:s4] =	ssyncset.s32 $0xFFFFF086  }
0x25: {  	[simem:s6], [sflag:s4] =	dma.local [hbm:s3], $0xF7A  }
0x26: {  	[smem:$0x3F98] =	sst s1;
	(tag) =	ssettag s2;
	_ =	strace s9  }
0x27: {  	s1 =	sld [smem:$0x3FA8]  }
0x28: {  	s2 =	sld [smem:$0x3FA9]  }
0x29: {  	s4 =	sld [smem:$0x3FAB]  }
0x2a: {  	p0 =	seq.s32 s5, $0x0;
	s5 =	sld [smem:$0x3FAC]  }
0x2b: {  	s6 =	sld [smem:$0x3FAD]  }
0x2c: {  	s7 =	sld [smem:$0x3FAE]  }
0x2d: {  	s3 =	simm.s32 $0x108;
	s8 =	sld [smem:$0x3FAF]  }
0x2e: {  	s3 =	simm.s32 @!p0 $0x1082;
	s9 =	sld [smem:$0x3FB0]  }
0x2f: {  	lr =	sadd.s32 s0, s3;
	s0 =	sld [smem:$0x3FA7]  }
0x30: {  	s3 =	sld [smem:$0x3FAA]  }
0x31: {  	[smem:$0x3FB3] =	sst s10  }
0x32: {  	s10 =	sld [smem:$0x3FB1];
	_ =	sdelay $0x3  }
0x33: {  	p0 =	seq.s32 s10, $0x1;
	s10 =	sld [smem:$0x3FB3];
	_ =	sdelay $0x3  }
0x34: {  	[smem:$0x3FB3] =	sst s10  }
0x35: {  	s10 =	sld [smem:$0x3FB2];
	_ =	sdelay $0x3  }
0x36: {  	p1 =	seq.s32 s10, $0x1;
	s10 =	sld [smem:$0x3FB3];
	_ =	sdelay $0x3  }
0x37: {  	[smem:$0x3FB3] =	sst s10  }
0x38: {  	s10 =	sld [smem:$0x3FB4]  }
0x39: {  	_ = 	snop;
	(pc) =	sbr.ind lr, $3  }
0x3a: {  	_ = 	snop  }
0x3b: {  	_ = 	snop  }
0x3c: {  	p2 =	seq.s32 s10, $0x1;
	s10 =	sld [smem:$0x3FB3]  }
0x3d: {  	_ =	shalt  }
0x3e: {  	_ =	shalt  }
0x3f: {  	_ =	shalt  }
0x40: {  	_ =	shalt  }
0x41: {  	_ =	shalt  }
0x42: {  	_ =	shalt  }
0x43: {  	_ =	shalt  }
0x44: {  	_ =	shalt  }
0x45: {  	_ =	shalt  }
0x46: {  	_ =	shalt  }
0x47: {  	_ =	shalt  }
0x48: {  	_ =	shalt  }
0x49: {  	_ =	shalt  }
0x4a: {  	_ =	shalt  }
0x4b: {  	_ =	shalt  }
0x4c: {  	_ =	shalt  }
0x4d: {  	_ =	shalt  }
0x4e: {  	_ =	shalt  }
0x4f: {  	_ =	shalt  }
0x50: {  	_ =	shalt  }
0x51: {  	_ =	shalt  }
0x52: {  	_ =	shalt  }
0x53: {  	_ =	shalt  }
0x54: {  	_ =	shalt  }
0x55: {  	_ =	shalt  }
0x56: {  	_ =	shalt  }
0x57: {  	_ =	shalt  }
0x58: {  	_ =	shalt  }
0x59: {  	_ =	shalt  }
0x5a: {  	_ =	shalt  }
0x5b: {  	_ =	shalt  }
0x5c: {  	_ =	shalt  }
0x5d: {  	_ =	shalt  }
0x5e: {  	_ =	shalt  }
0x5f: {  	_ =	shalt  }
0x60: {  	_ =	shalt  }
0x61: {  	_ =	shalt  }
0x62: {  	_ =	shalt  }
0x63: {  	_ =	shalt  }
0x64: {  	_ =	shalt  }
0x65: {  	_ =	shalt  }
0x66: {  	_ =	shalt  }
0x67: {  	_ =	shalt  }
0x68: {  	_ =	shalt  }
0x69: {  	_ =	shalt  }
0x6a: {  	_ =	shalt  }
0x6b: {  	_ =	shalt  }
0x6c: {  	_ =	shalt  }
0x6d: {  	_ =	shalt  }
0x6e: {  	_ =	shalt  }
0x6f: {  	_ =	shalt  }
0x70: {  	_ =	shalt  }
0x71: {  	_ =	shalt  }
0x72: {  	_ =	shalt  }
0x73: {  	_ =	shalt  }
0x74: {  	_ =	shalt  }
0x75: {  	_ =	shalt  }
0x76: {  	_ =	shalt  }
0x77: {  	_ =	shalt  }
0x78: {  	_ =	shalt  }
0x79: {  	_ =	shalt  }
0x7a: {  	_ =	shalt  }
0x7b: {  	_ =	shalt  }
0x7c: {  	_ =	shalt  }
0x7d: {  	_ =	shalt  }
0x7e: {  	_ =	shalt  }
0x7f: {  	_ =	shalt  }
0x80: {  	_ =	shalt  }
0x81: {  	_ =	shalt  }
0x82: {  	_ =	shalt  }
0x83: {  	_ =	shalt  }
0x84: {  	_ =	shalt  }
0x85: {  	_ =	shalt  }
0x86: {  	_ =	shalt  }
0x87: {  	_ =	shalt  }
.Lfunc_end0:
.L_simem_size_0:
called_computation_lowered:
.L_overlay_start_0:
0x88: {  	s2 =	sld [smem:$0x3FD9]  }
0x89: {  	s3 =	sld [smem:$0x3FFE];
	_ =	sdelay $0x1  }
0x8a: {  	s1 =	srdreg.scid  }
0x8b: {  	s0 =	sand.u32 $0x1, s1  }
0x8c: {  	s17 =	sshll.u32 s0, $0xA;
	s2 =	sadd.s32 s3, s2  }
0x8d: {  	s2 =	sadd.s32 s2, s17  }
0x8e: {  	[smem:$0x3FBF] =	sst s2  }
0x8f: {  	_ = 	snop  }
0x90: {  	s2 =	sld [smem:$0x3FC9]  }
0x91: {  	s18 =	sld [smem:$0x3FC8];
	(tm) =	ssettm $0x1  }
0x92: {  	s4 =	sld [smem:$0x3FFB];
	_ =	sdelay $0x3  }
0x93: {  	_ =	strace s4  }
0x94: {  	s4 =	sld [smem:$0x3FFC];
	_ =	sdelay $0x3  }
0x95: {  	_ =	strace s4  }
0x96: {  	s4 =	sld [smem:$0x3FFD];
	_ =	sdelay $0x3  }
0x97: {  	_ =	strace s4  }
0x98: {  	_ =	strace $0x8FFFFFFF  }
0x99: {  	s19 =	sld [smem:$0x3FDB];
	_ =	sdelay $0x1  }
0x9a: {  	s5 =	simm.s32 $_scs_section_size  }
0x9b: {  	s6 =	simm.s32 $_size__tile_overlayer_lowered;
	s7 =	simm.s32 $_tile_overlayer_lowered  }
0x9c: {  	s22 =	simm.s32 $0x1BFF;
	s21 =	sshll.u32 s7, $0x1;
	s4 =	sadd.s32 s5, s19  }
0x9d: {  	s8 =	simm.s32 $0x0;
	s20 =	sshll.u32 s6, $0x1;
	s6 =	sadd.s32 s21, s4  }
0x9e: {  	[timem:s8], [sflag:s22] =	dma.local [hbm:s6], s20  }
0x9f: {  	_ =	swait.ge [sflag:s22], s20  }
0xa0: {  	s5 =	ssub.s32 $0x0, s20;
	[sflag:s22] =	ssyncset.done $0x0  }
0xa1: {  	[sflag:s22] =	ssyncadd.s32 s5;
	_ =	sdelay $0x1  }
0xa2: {  	s23 =	simm.s32 $0x1B8B  }
0xa3: {  	_ =	swait.ge [sflag:s23], $0x1  }
0xa4: {  	[sflag:s23] =	ssyncset.done $0x0  }
0xa5: {  	s25 =	simm.s32 $0x1B8E;
	s24 =	sld [smem:$0x3FFE];
	[sflag:s23] =	ssyncadd.s32 $0xFFFFFFFF  }
0xa6: {  	s26 =	simm.s32 $execute0_lowered;
	[smem:$0x3FD2] =	sst s25  }
0xa7: {  	s6 =	sshll.u32 s26, $0x1;
	_ =	strace $0x80000046;
	[dreg:$0x1] =	wrdreg $0xFFFFFFFF  }
0xa8: {  	s28 =	simm.s32 $_size_execute0_lowered;
	s4 =	sadd.s32 s4, s6;
	[dreg:$0x0] =	wrdreg $0x0  }
0xa9: {  	s6 =	sshll.u32 s28, $0x1;
	[dreg:$0x2] =	wrdreg s4  }
0xaa: {  	[dreg:$0x3] =	wrdreg s6  }
0xab: {  	[dreg:$0x4] =	wrdreg $0xC0  }
0xac: {  	_ =	task [dreg:s8], $0x5FFFF  }
0xad: {  	[dreg:$0x1] =	wrdreg $0xFFFFFFFF  }
0xae: {  	[dreg:$0x0] =	wrdreg $0x60  }
0xaf: {  	[dreg:$0x2] =	wrdreg s2  }
0xb0: {  	[dreg:$0x3] =	wrdreg s18  }
0xb1: {  	[dreg:$0x4] =	wrdreg s24  }
0xb2: {  	[dreg:$0x5] =	wrdreg $0x9  }
0xb3: {  	_ =	task.clear_ibuf [dreg:s8], $0x6FFFF;
	_ =	strace $0x90000046  }
0xb4: {  	s29 =	simm.s32 $0x9;
	_ =	strace $0x80000048  }
0xb5: {  	_ =	swait.ge [sflag:s29], $0x1  }
0xb6: {  	[sflag:s29] =	ssyncadd.s32 $0xFFFFFFFF  }
0xb7: {  	_ =	strace $0x90000048  }
0xb8: {  	_ =	sfence  }
0xb9: {  	s30 =	sld [smem:$0x0];
	_ =	sdelay $0x2  }
0xba: {  	s31 =	sshll.u32 s1, $0xD;
	s1 =	sshrl.u32 s1, $0x2  }
0xbb: {  	s3 =	sand.u32 $0x4000, s31;
	s1 =	sadd.s32 s1, s30  }
0xbc: {  	s0 =	sor.u32 s3, s0;
	s1 =	sshll.u32 s1, $0x11  }
0xbd: {  	s0 =	sor.u32 s1, s0  }
0xbe: {  	s0 =	sadd.s32 $0x8F2B, s0  }
0xbf: {  	[sflag:s0] =	ssyncadd.remote.s32 $0x1  }
0xc0: {  	_ =	sfence.sel $0xFFFF  }
0xc1: {  	[dreg:$0x0] =	wrdreg $0xFFFFFFFF;
	(pc) =	sbr.abs _section_cstart, $3  }
0xc2: {  	[dreg:$0x1] =	wrdreg $0xFFFFFFFF  }
0xc3: {  	_ =	task.clear_ibuf [dreg:s8], $0x2FFFF;
	_ =	strace $0x9FFFFFFF  }
0xc4: {  	(tm) =	ssettm $0x7FFFFFFF  }
0xc5: {  	_ =	shalt  }
tec
execute0_lowered:
.L_overlay_start_1:
0x0: {  	(tag) =	ssettag $0x1  }
0x1: {  	s2 =	rddreg [dreg:$0x0]  }
0x2: {  	s5 =	rddreg [dreg:$0x1]  }
0x3: {  	s6 =	rddreg [dreg:$0x2]  }
0x4: {  	s0 =	rddreg [dreg:$0x3];
	s1 =	stileid.u32  }
0x5: {  	s3 =	simm.s32 $0x0;
	s4 =	srdreg.scid;
	s12 =	simm.s32 $0x1  }
0x6: {  	s13 =	simm.s32 $0xC100;
	s14 =	simm.s32 $0x0;
	s7 =	sshrl.u32 s1, $0x3  }
0x7: {  	s4 =	sand.u32 $0x1, s4;
	s8 =	sshll.u32 s1, $0x1;
	[smem:$0x7FF] =	sst s3  }
0x8: {  	s7 =	sor.u32 $0x1E, s7;
	s8 =	sor.u32 s4, s8;
	s11 =	ssub.s32 $0x2, s4  }
0x9: {  	_ =	strace $0x80000047;
	s9 =	sshll.u32 s7, $0x4;
	s10 =	smul.u32 $0xC0, s8  }
0xa: {  	s8 =	sshll.u32 s8, $0x8;
	s30 =	sshrl.u32 s11, $0x1;
	s9 =	sand.u32 $0x70, s9  }
0xb: {  	s4 =	sand.u32 $0xF00, s8;
	s8 =	ssub.s32 s11, s30;
	s11 =	simm.s32 $0xC000  }
0xc: {  	s5 =	sadd.s32 s9, s5;
	s31 =	sadd.s32 s10, s6;
	s6 =	smul.u32 $0x300000, s7  }
0xd: {  	s8 =	smax.u32 s8, $0x1;
	s9 =	simm.s32 $0x80;
	s5 =	sadd.s32 s4, s5  }
0xe: {  	v0 =	vimm.f32 $0.0e+00;
	s10 =	simm.s32 $0x400;
	s7 =	sadd.s32 $0x2400, s31;
	s5 =	sadd.s32 $0x3000, s5  }
.LBB2_1:
0xf: {  	[tilespmem:s11], [sflag:$0x1] =	stream.strided.gather [hbm4b:s5+s9], $0x100, s10, s9, $0x38;
	[tilespmem:$0xC700] =	vst v63  }
0x10: {  	_ =	swait.ge [sflag:s12], $0x100  }
0x11: {  	[sflag:s12] =	ssyncset.done $0x0  }
0x12: {  	[sflag:s12] =	ssyncadd.s32 $0xFFFFFF00  }
0x13: {  	[tilespmem:$0xC100] =	vst v0  }
0x14: {  	[tilespmem:$0xC110] =	vst v0  }
0x15: {  	[tilespmem:$0xC120] =	vst v0  }
0x16: {  	[tilespmem:$0xC130] =	vst v0  }
0x17: {  	[tilespmem:$0xC140] =	vst v0  }
0x18: {  	[tilespmem:$0xC150] =	vst v0  }
0x19: {  	[tilespmem:$0xC160] =	vst v0  }
0x1a: {  	[tilespmem:$0xC170] =	vst v0  }
0x1b: {  	[tilespmem:$0xC200] =	vst v0  }
0x1c: {  	[tilespmem:$0xC210] =	vst v0  }
0x1d: {  	[tilespmem:$0xC220] =	vst v0  }
0x1e: {  	[tilespmem:$0xC230] =	vst v0  }
0x1f: {  	[tilespmem:$0xC240] =	vst v0  }
0x20: {  	[tilespmem:$0xC250] =	vst v0  }
0x21: {  	[tilespmem:$0xC260] =	vst v0  }
0x22: {  	[tilespmem:$0xC270] =	vst v0  }
0x23: {  	[tilespmem:$0xC300] =	vst v0  }
0x24: {  	[tilespmem:$0xC310] =	vst v0  }
0x25: {  	[tilespmem:$0xC320] =	vst v0  }
0x26: {  	[tilespmem:$0xC330] =	vst v0  }
0x27: {  	[tilespmem:$0xC340] =	vst v0  }
0x28: {  	[tilespmem:$0xC350] =	vst v0  }
0x29: {  	[tilespmem:$0xC360] =	vst v0  }
0x2a: {  	[tilespmem:$0xC370] =	vst v0  }
0x2b: {  	[tilespmem:$0xC400] =	vst v0  }
0x2c: {  	[tilespmem:$0xC410] =	vst v0  }
0x2d: {  	[tilespmem:$0xC420] =	vst v0  }
0x2e: {  	[tilespmem:$0xC430] =	vst v0  }
0x2f: {  	[tilespmem:$0xC440] =	vst v0  }
0x30: {  	[tilespmem:$0xC450] =	vst v0  }
0x31: {  	[tilespmem:$0xC460] =	vst v0  }
0x32: {  	[tilespmem:$0xC470] =	vst v0  }
0x33: {  	[tilespmem:$0xC500] =	vst v0  }
0x34: {  	[tilespmem:$0xC510] =	vst v0  }
0x35: {  	[tilespmem:$0xC520] =	vst v0  }
0x36: {  	[tilespmem:$0xC530] =	vst v0  }
0x37: {  	[tilespmem:$0xC540] =	vst v0  }
0x38: {  	[tilespmem:$0xC550] =	vst v0  }
0x39: {  	[tilespmem:$0xC560] =	vst v0  }
0x3a: {  	[tilespmem:$0xC570] =	vst v0  }
0x3b: {  	[tilespmem:$0xC600] =	vst v0  }
0x3c: {  	[tilespmem:$0xC610] =	vst v0  }
0x3d: {  	[tilespmem:$0xC620] =	vst v0  }
0x3e: {  	[tilespmem:$0xC630] =	vst v0  }
0x3f: {  	[tilespmem:$0xC640] =	vst v0  }
0x40: {  	[tilespmem:$0xC650] =	vst v0  }
0x41: {  	[tilespmem:$0xC660] =	vst v0  }
0x42: {  	[tilespmem:$0xC670] =	vst v0  }
0x43: {  	[tilespmem:$0xC180] =	vst v0  }
0x44: {  	[tilespmem:$0xC190] =	vst v0  }
0x45: {  	[tilespmem:$0xC1A0] =	vst v0  }
0x46: {  	[tilespmem:$0xC1B0] =	vst v0  }
0x47: {  	[tilespmem:$0xC1C0] =	vst v0  }
0x48: {  	[tilespmem:$0xC1D0] =	vst v0  }
0x49: {  	[tilespmem:$0xC1E0] =	vst v0  }
0x4a: {  	[tilespmem:$0xC1F0] =	vst v0  }
0x4b: {  	[tilespmem:$0xC280] =	vst v0  }
0x4c: {  	[tilespmem:$0xC290] =	vst v0  }
0x4d: {  	[tilespmem:$0xC2A0] =	vst v0  }
0x4e: {  	[tilespmem:$0xC2B0] =	vst v0  }
0x4f: {  	[tilespmem:$0xC2C0] =	vst v0  }
0x50: {  	[tilespmem:$0xC2D0] =	vst v0  }
0x51: {  	[tilespmem:$0xC2E0] =	vst v0  }
0x52: {  	[tilespmem:$0xC2F0] =	vst v0  }
0x53: {  	[tilespmem:$0xC380] =	vst v0  }
0x54: {  	[tilespmem:$0xC390] =	vst v0  }
0x55: {  	[tilespmem:$0xC3A0] =	vst v0  }
0x56: {  	[tilespmem:$0xC3B0] =	vst v0  }
0x57: {  	[tilespmem:$0xC3C0] =	vst v0  }
0x58: {  	[tilespmem:$0xC3D0] =	vst v0  }
0x59: {  	[tilespmem:$0xC3E0] =	vst v0  }
0x5a: {  	[tilespmem:$0xC3F0] =	vst v0  }
0x5b: {  	[tilespmem:$0xC480] =	vst v0  }
0x5c: {  	[tilespmem:$0xC490] =	vst v0  }
0x5d: {  	[tilespmem:$0xC4A0] =	vst v0  }
0x5e: {  	[tilespmem:$0xC4B0] =	vst v0  }
0x5f: {  	[tilespmem:$0xC4C0] =	vst v0  }
0x60: {  	[tilespmem:$0xC4D0] =	vst v0  }
0x61: {  	[tilespmem:$0xC4E0] =	vst v0  }
0x62: {  	[tilespmem:$0xC4F0] =	vst v0  }
0x63: {  	[tilespmem:$0xC580] =	vst v0  }
0x64: {  	[tilespmem:$0xC590] =	vst v0  }
0x65: {  	[tilespmem:$0xC5A0] =	vst v0  }
0x66: {  	[tilespmem:$0xC5B0] =	vst v0  }
0x67: {  	[tilespmem:$0xC5C0] =	vst v0  }
0x68: {  	[tilespmem:$0xC5D0] =	vst v0  }
0x69: {  	[tilespmem:$0xC5E0] =	vst v0  }
0x6a: {  	[tilespmem:$0xC5F0] =	vst v0  }
0x6b: {  	[tilespmem:$0xC680] =	vst v0  }
0x6c: {  	[tilespmem:$0xC690] =	vst v0  }
0x6d: {  	[tilespmem:$0xC6A0] =	vst v0  }
0x6e: {  	[tilespmem:$0xC6B0] =	vst v0  }
0x6f: {  	[tilespmem:$0xC6C0] =	vst v0  }
0x70: {  	[tilespmem:$0xC6D0] =	vst v0  }
0x71: {  	[tilespmem:$0xC6E0] =	vst v0  }
0x72: {  	s15 =	simm.s32 $0x0;
	s16 =	simm.s32 $0x0;
	[tilespmem:$0xC6F0] =	vst v0  }
.LBB2_2:
0x73: {  	s17 =	sshll.u32 s16, $0x6  }
0x74: {  	s17 =	sadd.s32 s4, s17  }
0x75: {  	s17 =	sshrl.u32 s17, $0x3  }
0x76: {  	s17 =	smul.u32 $0x1800, s17;
	_ =	sdelay $0x1  }
0x77: {  	s17 =	sadd.s32 s6, s17  }
0x78: {  	s19 =	sadd.s32 $0x0, s15;
	s17 =	sshrl.u32 s17, $0x3  }
0x79: {  	s18 =	simm.s32 $0x0;
	s28 =	simm.s32 $0x0;
	v1 =	vmov s19;
	s17 =	sadd.s32 s2, s17  }
0x7a: {  	[tilespmem:s18], [sflag:$0x1] =	stream.linear.gather [hbm4b:s17+s18], $0xC000, $0x38;
	[tilespmem:$0xC700] =	vst v63  }
0x7b: {  	s17 =	smul.u32 $0x6000, s28;
	_ =	swait.ge [sflag:s12], $0xC000  }
0x7c: {  	[sflag:s12] =	ssyncset.done $0x0  }
0x7d: {  	s18 =	sand.u32 $0x380, s18;
	s17 =	sshra.s32 s17, $0x2;
	[sflag:s12] =	ssyncadd.s32 $0xFFFF4000  }
0x7e: {  	s18 =	sor.u32 s18, s17;
	v15 =	vld.idx.msk [tilespmem:v1+s11+$0x0], $0xffff  }
0x7f: {  	v1 =	vld [tilespmem:s18+$0x70]  }
0x80: {  	v2 =	vld [tilespmem:s18+$0x0]  }
0x81: {  	v4 =	vld [tilespmem:s18+$0x10]  }
0x82: {  	s29 =	sadd.s32 $0x1, s15;
	v5 =	vld [tilespmem:s18+$0x20]  }
0x83: {  	v6 =	vmov s29;
	v7 =	vld [tilespmem:s18+$0x30]  }
0x84: {  	v8 =	vimm.f32 $0.0e+00;
	s30 =	simm.s32 $0x0;
	v19 =	vimm.f32 $0.0e+00;
	v17 =	vld [tilespmem:s18+$0x40]  }
0x85: {  	s31 =	smul.u32 $0x6000, s30;
	v18 =	vld [tilespmem:s18+$0x50];
	v10 =	vmul.f32 v1, v15;
	v9 =	vadd.f32 v1, v8;
	v1 =	vadd.f32 v2, v8  }
0x86: {  	s17 =	simm.s32 $0x80;
	v11 =	vmul.f32 v2, v15;
	v3 =	vadd.f32 v4, v8;
	v12 =	vmul.f32 v4, v15  }
0x87: {  	s19 =	sshra.s32 s31, $0x2;
	s20 =	sand.u32 $0x380, s17;
	v16 =	vld [tilespmem:s18+$0x60];
	v4 =	vadd.f32 v5, v8;
	v14 =	vmul.f32 v5, v15;
	v2 =	vadd.f32 v10, v8  }
0x88: {  	s18 =	sor.u32 s20, s19;
	v5 =	vld.idx.msk [tilespmem:v6+s11+$0x0], $0xffff;
	v6 =	vmul.f32 v7, v15;
	v10 =	vadd.f32 v11, v8;
	v13 =	vadd.f32 v12, v8  }
0x89: {  	v20 =	vld [tilespmem:s18+$0x70];
	v23 =	vmul.f32 v17, v15;
	v11 =	vadd.f32 v7, v8;
	v14 =	vadd.f32 v14, v8  }
0x8a: {  	v21 =	vld [tilespmem:s18+$0x0];
	v24 =	vmul.f32 v18, v15;
	v12 =	vadd.f32 v17, v8;
	v6 =	vadd.f32 v6, v8  }
0x8b: {  	s21 =	sadd.s32 $0x2, s15;
	s19 =	simm.s32 $0x2;
	s20 =	simm.s32 $0x3;
	v22 =	vld [tilespmem:s18+$0x10];
	v7 =	vadd.f32 v18, v8;
	v18 =	vimm.f32 $0.0e+00;
	v17 =	vimm.f32 $0.0e+00  }
.LBB2_3:
0x8c: {  	p0 =	sne.s32 s20, $0x3F;
	v25 =	vmov s21;
	v26 =	vld [tilespmem:s18+$0x20];
	v8 =	vadd.f32 v23, v8;
	v27 =	vmul.f32 v16, v15  }
0x8d: {  	s21 =	sshrl.u32 s19, $0x3;
	v18 =	vadd.f32 v16, v18;
	s19 =	smov.u32 s20;
	v23 =	vld [tilespmem:s18+$0x30];
	v19 =	vadd.f32 v24, v19  }
0x8e: {  	s21 =	smul.u32 $0x6000, s21;
	v15 =	vmovc v5;
	v24 =	vld [tilespmem:s18+$0x40];
	v9 =	vadd.f32 v20, v9;
	v20 =	vmul.f32 v20, v5;
	v17 =	vadd.f32 v27, v17  }
0x8f: {  	s17 =	sadd.s32 $0x80, s17;
	v1 =	vadd.f32 v21, v1;
	v21 =	vmul.f32 v21, v15;
	v27 =	vld [tilespmem:s18+$0x50]  }
.Ltmp0:
0x90: {  	s22 =	sand.u32 $0x380, s17;
	s21 =	sshra.s32 s21, $0x2;
	v3 =	vadd.f32 v22, v3;
	v22 =	vmul.f32 v22, v15;
	v16 =	vld [tilespmem:s18+$0x60];
	v2 =	vadd.f32 v20, v2;
	(pc) =	sbr.rel @p0 .LBB2_3-.Ltmp0, $4  }
0x91: {  	s18 =	sor.u32 s22, s21;
	v5 =	vld.idx.msk [tilespmem:v25+s11+$0x0], $0xffff;
	v10 =	vadd.f32 v21, v10;
	v4 =	vadd.f32 v26, v4;
	v25 =	vmul.f32 v26, v15  }
0x92: {  	v20 =	vld [tilespmem:s18+$0x70];
	v13 =	vadd.f32 v22, v13;
	v11 =	vadd.f32 v23, v11;
	v26 =	vmul.f32 v23, v15  }
0x93: {  	v21 =	vld [tilespmem:s18+$0x0];
	v14 =	vadd.f32 v25, v14;
	v12 =	vadd.f32 v24, v12;
	v23 =	vmul.f32 v24, v15  }
0x94: {  	s20 =	sadd.s32 $0x1, s20;
	s21 =	sadd.s32 s19, s15;
	v22 =	vld [tilespmem:s18+$0x10];
	v6 =	vadd.f32 v26, v6;
	v7 =	vadd.f32 v27, v7;
	v24 =	vmul.f32 v27, v15  }
0x95: {  	v26 =	vld [tilespmem:s18+$0x20]  }
0x96: {  	v27 =	vld [tilespmem:s18+$0x30]  }
0x97: {  	v28 =	vld [tilespmem:s18+$0x40]  }
0x98: {  	v25 =	vmov s21;
	v29 =	vld [tilespmem:s18+$0x50]  }
0x99: {  	s19 =	sshrl.u32 s19, $0x3;
	v30 =	vld [tilespmem:s18+$0x60]  }
0x9a: {  	v32 =	vld [tilespmem:$0xC100];
	s19 =	smul.u32 $0x6000, s19  }
0x9b: {  	s17 =	sadd.s32 $0x80, s17;
	v62 =	vld [tilespmem:$0xC130]  }
0x9c: {  	v63 =	vld [tilespmem:$0xC150];
	s17 =	sand.u32 $0x380, s17;
	s19 =	sshra.s32 s19, $0x2  }
0x9d: {  	v8 =	vadd.f32 v23, v8;
	v15 =	vmul.f32 v16, v15;
	v16 =	vadd.f32 v16, v18;
	s17 =	sor.u32 s17, s19;
	v25 =	vld.idx.msk [tilespmem:v25+s11+$0x0], $0xffff  }
0x9e: {  	v19 =	vadd.f32 v24, v19;
	v9 =	vadd.f32 v20, v9;
	v20 =	vmul.f32 v20, v5;
	v23 =	vld [tilespmem:s17+$0x0]  }
0x9f: {  	v15 =	vadd.f32 v15, v17;
	v17 =	vmul.f32 v21, v5;
	v1 =	vadd.f32 v21, v1;
	v18 =	vld [tilespmem:s17+$0x10]  }
0xa0: {  	v3 =	vadd.f32 v22, v3;
	v21 =	vmul.f32 v22, v5;
	v2 =	vadd.f32 v20, v2;
	v24 =	vld [tilespmem:s17+$0x20]  }
0xa1: {  	v22 =	vld [tilespmem:s17+$0x30];
	v10 =	vadd.f32 v17, v10;
	v17 =	vmul.f32 v26, v5;
	v4 =	vadd.f32 v26, v4  }
0xa2: {  	v20 =	vld [tilespmem:s17+$0x40];
	v11 =	vadd.f32 v27, v11;
	v26 =	vmul.f32 v27, v5;
	v12 =	vadd.f32 v28, v12  }
0xa3: {  	v27 =	vmul.f32 v28, v5;
	v7 =	vadd.f32 v29, v7;
	v13 =	vadd.f32 v21, v13;
	v21 =	vld [tilespmem:s17+$0x50]  }
0xa4: {  	v61 =	vmul.f32 v29, v5;
	v16 =	vadd.f32 v30, v16;
	v6 =	vadd.f32 v26, v6;
	v26 =	vld [tilespmem:$0xC110]  }
0xa5: {  	v5 =	vmul.f32 v30, v5;
	v14 =	vadd.f32 v17, v14;
	v8 =	vadd.f32 v27, v8;
	v27 =	vld [tilespmem:$0xC120]  }
0xa6: {  	v17 =	vld [tilespmem:s17+$0x60];
	v19 =	vadd.f32 v61, v19;
	v1 =	vadd.f32 v23, v1  }
0xa7: {  	v5 =	vadd.f32 v5, v15;
	v15 =	vld [tilespmem:$0xC140];
	v3 =	vadd.f32 v18, v3  }
0xa8: {  	v31 =	vld [tilespmem:s17+$0x70];
	v4 =	vadd.f32 v24, v4;
	v1 =	vadd.f32 v32, v1  }
0xa9: {  	v11 =	vadd.f32 v22, v11;
	v3 =	vadd.f32 v26, v3;
	v26 =	vld [tilespmem:$0xC160]  }
0xaa: {  	v4 =	vadd.f32 v27, v4;
	[tilespmem:$0xC100] =	vst v1;
	v1 =	vadd.f32 v20, v12;
	v12 =	vld [tilespmem:$0xC170]  }
0xab: {  	[tilespmem:$0xC110] =	vst v3;
	v3 =	vadd.f32 v21, v7;
	v7 =	vadd.f32 v62, v11;
	v11 =	vld [tilespmem:$0xC180]  }
0xac: {  	v16 =	vadd.f32 v17, v16;
	[tilespmem:$0xC120] =	vst v4;
	v4 =	vmul.f32 v23, v25;
	v1 =	vadd.f32 v15, v1;
	v15 =	vld [tilespmem:$0xC190]  }
0xad: {  	[tilespmem:$0xC130] =	vst v7;
	v7 =	vadd.f32 v31, v9;
	v9 =	vmul.f32 v18, v25;
	v3 =	vadd.f32 v63, v3;
	v18 =	vld [tilespmem:$0xC1A0]  }
0xae: {  	v4 =	vadd.f32 v4, v10;
	v10 =	vmul.f32 v24, v25;
	[tilespmem:$0xC140] =	vst v1;
	v1 =	vadd.f32 v26, v16;
	v16 =	vld [tilespmem:$0xC1B0]  }
0xaf: {  	v9 =	vadd.f32 v9, v13;
	v13 =	vmul.f32 v22, v25;
	[tilespmem:$0xC150] =	vst v3;
	v3 =	vadd.f32 v12, v7;
	v7 =	vld [tilespmem:$0xC1C0]  }
0xb0: {  	v10 =	vadd.f32 v10, v14;
	v12 =	vmul.f32 v20, v25;
	[tilespmem:$0xC160] =	vst v1;
	v1 =	vadd.f32 v11, v4;
	v4 =	vld [tilespmem:$0xC1D0]  }
0xb1: {  	v6 =	vadd.f32 v13, v6;
	v11 =	vmul.f32 v21, v25;
	[tilespmem:$0xC170] =	vst v3;
	v3 =	vadd.f32 v15, v9;
	v9 =	vld [tilespmem:$0xC1E0]  }
0xb2: {  	v8 =	vadd.f32 v12, v8;
	v12 =	vmul.f32 v17, v25;
	[tilespmem:$0xC180] =	vst v1;
	v1 =	vadd.f32 v18, v10;
	v10 =	vld [tilespmem:$0xC1F0]  }
0xb3: {  	v13 =	vmul.f32 v31, v25;
	v11 =	vadd.f32 v11, v19;
	[tilespmem:$0xC190] =	vst v3;
	v3 =	vadd.f32 v16, v6  }
0xb4: {  	s25 =	sadd.s32 $0x0, s15;
	v5 =	vadd.f32 v12, v5;
	[tilespmem:$0xC1A0] =	vst v1;
	v1 =	vadd.f32 v7, v8  }
0xb5: {  	v2 =	vadd.f32 v13, v2;
	[tilespmem:$0xC1B0] =	vst v3;
	v3 =	vadd.f32 v4, v11;
	v4 =	vmov s25  }
0xb6: {  	s26 =	simm.s32 $0x0;
	[tilespmem:$0xC1C0] =	vst v1;
	v1 =	vadd.f32 v9, v5  }
0xb7: {  	s17 =	smul.u32 $0x6000, s26;
	[tilespmem:$0xC1D0] =	vst v3;
	v2 =	vadd.f32 v10, v2  }
0xb8: {  	s28 =	simm.s32 $0x0;
	[tilespmem:$0xC1E0] =	vst v1  }
0xb9: {  	s18 =	sand.u32 $0x380, s28;
	s17 =	sshra.s32 s17, $0x2;
	[tilespmem:$0xC1F0] =	vst v2  }
0xba: {  	s18 =	sor.u32 s18, s17;
	v15 =	vld.idx.msk [tilespmem:v4+s11+$0x0], $0xffff  }
0xbb: {  	v1 =	vld [tilespmem:s18+$0x470]  }
0xbc: {  	v2 =	vld [tilespmem:s18+$0x400]  }
0xbd: {  	v4 =	vld [tilespmem:s18+$0x410]  }
0xbe: {  	s29 =	sadd.s32 $0x1, s15;
	v5 =	vld [tilespmem:s18+$0x420]  }
0xbf: {  	v6 =	vmov s29;
	v7 =	vld [tilespmem:s18+$0x430]  }
0xc0: {  	s30 =	simm.s32 $0x0;
	v19 =	vimm.f32 $0.0e+00;
	v8 =	vimm.f32 $0.0e+00;
	v17 =	vld [tilespmem:s18+$0x440]  }
0xc1: {  	s31 =	smul.u32 $0x6000, s30;
	v18 =	vld [tilespmem:s18+$0x450];
	v10 =	vmul.f32 v1, v15;
	v9 =	vadd.f32 v1, v8;
	v1 =	vadd.f32 v2, v8  }
0xc2: {  	s17 =	simm.s32 $0x80;
	v11 =	vmul.f32 v2, v15;
	v3 =	vadd.f32 v4, v8;
	v12 =	vmul.f32 v4, v15  }
0xc3: {  	s19 =	sshra.s32 s31, $0x2;
	s20 =	sand.u32 $0x380, s17;
	v16 =	vld [tilespmem:s18+$0x460];
	v4 =	vadd.f32 v5, v8;
	v14 =	vmul.f32 v5, v15;
	v2 =	vadd.f32 v10, v8  }
0xc4: {  	s18 =	sor.u32 s20, s19;
	v5 =	vld.idx.msk [tilespmem:v6+s11+$0x0], $0xffff;
	v6 =	vmul.f32 v7, v15;
	v10 =	vadd.f32 v11, v8;
	v13 =	vadd.f32 v12, v8  }
0xc5: {  	v20 =	vld [tilespmem:s18+$0x470];
	v23 =	vmul.f32 v17, v15;
	v11 =	vadd.f32 v7, v8;
	v14 =	vadd.f32 v14, v8  }
0xc6: {  	v21 =	vld [tilespmem:s18+$0x400];
	v24 =	vmul.f32 v18, v15;
	v12 =	vadd.f32 v17, v8;
	v6 =	vadd.f32 v6, v8  }
0xc7: {  	s21 =	sadd.s32 $0x2, s15;
	s19 =	simm.s32 $0x2;
	s20 =	simm.s32 $0x3;
	v22 =	vld [tilespmem:s18+$0x410];
	v7 =	vadd.f32 v18, v8;
	v18 =	vimm.f32 $0.0e+00;
	v17 =	vimm.f32 $0.0e+00  }
.LBB2_5:
0xc8: {  	p0 =	sne.s32 s20, $0x3F;
	v25 =	vmov s21;
	v26 =	vld [tilespmem:s18+$0x420];
	v8 =	vadd.f32 v23, v8;
	v27 =	vmul.f32 v16, v15  }
0xc9: {  	s21 =	sshrl.u32 s19, $0x3;
	v18 =	vadd.f32 v16, v18;
	s19 =	smov.u32 s20;
	v23 =	vld [tilespmem:s18+$0x430];
	v19 =	vadd.f32 v24, v19  }
0xca: {  	s21 =	smul.u32 $0x6000, s21;
	v15 =	vmovc v5;
	v24 =	vld [tilespmem:s18+$0x440];
	v9 =	vadd.f32 v20, v9;
	v20 =	vmul.f32 v20, v5;
	v17 =	vadd.f32 v27, v17  }
0xcb: {  	s17 =	sadd.s32 $0x80, s17;
	v1 =	vadd.f32 v21, v1;
	v21 =	vmul.f32 v21, v15;
	v27 =	vld [tilespmem:s18+$0x450]  }
.Ltmp1:
0xcc: {  	s22 =	sand.u32 $0x380, s17;
	s21 =	sshra.s32 s21, $0x2;
	v3 =	vadd.f32 v22, v3;
	v22 =	vmul.f32 v22, v15;
	v16 =	vld [tilespmem:s18+$0x460];
	v2 =	vadd.f32 v20, v2;
	(pc) =	sbr.rel @p0 .LBB2_5-.Ltmp1, $4  }
0xcd: {  	s18 =	sor.u32 s22, s21;
	v5 =	vld.idx.msk [tilespmem:v25+s11+$0x0], $0xffff;
	v10 =	vadd.f32 v21, v10;
	v4 =	vadd.f32 v26, v4;
	v25 =	vmul.f32 v26, v15  }
0xce: {  	v20 =	vld [tilespmem:s18+$0x470];
	v13 =	vadd.f32 v22, v13;
	v11 =	vadd.f32 v23, v11;
	v26 =	vmul.f32 v23, v15  }
0xcf: {  	v21 =	vld [tilespmem:s18+$0x400];
	v14 =	vadd.f32 v25, v14;
	v12 =	vadd.f32 v24, v12;
	v23 =	vmul.f32 v24, v15  }
0xd0: {  	s20 =	sadd.s32 $0x1, s20;
	s21 =	sadd.s32 s19, s15;
	v22 =	vld [tilespmem:s18+$0x410];
	v6 =	vadd.f32 v26, v6;
	v7 =	vadd.f32 v27, v7;
	v24 =	vmul.f32 v27, v15  }
0xd1: {  	v26 =	vld [tilespmem:s18+$0x420]  }
0xd2: {  	v27 =	vld [tilespmem:s18+$0x430]  }
0xd3: {  	v28 =	vld [tilespmem:s18+$0x440]  }
0xd4: {  	v25 =	vmov s21;
	v29 =	vld [tilespmem:s18+$0x450]  }
0xd5: {  	s19 =	sshrl.u32 s19, $0x3;
	v30 =	vld [tilespmem:s18+$0x460]  }
0xd6: {  	v32 =	vld [tilespmem:$0xC200];
	s19 =	smul.u32 $0x6000, s19  }
0xd7: {  	s17 =	sadd.s32 $0x80, s17;
	v62 =	vld [tilespmem:$0xC230]  }
0xd8: {  	v63 =	vld [tilespmem:$0xC250];
	s17 =	sand.u32 $0x380, s17;
	s19 =	sshra.s32 s19, $0x2  }
0xd9: {  	v8 =	vadd.f32 v23, v8;
	v15 =	vmul.f32 v16, v15;
	v16 =	vadd.f32 v16, v18;
	s17 =	sor.u32 s17, s19;
	v25 =	vld.idx.msk [tilespmem:v25+s11+$0x0], $0xffff  }
0xda: {  	v19 =	vadd.f32 v24, v19;
	v9 =	vadd.f32 v20, v9;
	v20 =	vmul.f32 v20, v5;
	v23 =	vld [tilespmem:s17+$0x400]  }
0xdb: {  	v15 =	vadd.f32 v15, v17;
	v17 =	vmul.f32 v21, v5;
	v1 =	vadd.f32 v21, v1;
	v18 =	vld [tilespmem:s17+$0x410]  }
0xdc: {  	v3 =	vadd.f32 v22, v3;
	v21 =	vmul.f32 v22, v5;
	v2 =	vadd.f32 v20, v2;
	v24 =	vld [tilespmem:s17+$0x420]  }
0xdd: {  	v22 =	vld [tilespmem:s17+$0x430];
	v10 =	vadd.f32 v17, v10;
	v17 =	vmul.f32 v26, v5;
	v4 =	vadd.f32 v26, v4  }
0xde: {  	v20 =	vld [tilespmem:s17+$0x440];
	v11 =	vadd.f32 v27, v11;
	v26 =	vmul.f32 v27, v5;
	v12 =	vadd.f32 v28, v12  }
0xdf: {  	v27 =	vmul.f32 v28, v5;
	v7 =	vadd.f32 v29, v7;
	v13 =	vadd.f32 v21, v13;
	v21 =	vld [tilespmem:s17+$0x450]  }
0xe0: {  	v61 =	vmul.f32 v29, v5;
	v16 =	vadd.f32 v30, v16;
	v6 =	vadd.f32 v26, v6;
	v26 =	vld [tilespmem:$0xC210]  }
0xe1: {  	v5 =	vmul.f32 v30, v5;
	v14 =	vadd.f32 v17, v14;
	v8 =	vadd.f32 v27, v8;
	v27 =	vld [tilespmem:$0xC220]  }
0xe2: {  	v17 =	vld [tilespmem:s17+$0x460];
	v19 =	vadd.f32 v61, v19;
	v1 =	vadd.f32 v23, v1  }
0xe3: {  	v5 =	vadd.f32 v5, v15;
	v15 =	vld [tilespmem:$0xC240];
	v3 =	vadd.f32 v18, v3  }
0xe4: {  	v31 =	vld [tilespmem:s17+$0x470];
	v4 =	vadd.f32 v24, v4;
	v1 =	vadd.f32 v32, v1  }
0xe5: {  	v11 =	vadd.f32 v22, v11;
	v3 =	vadd.f32 v26, v3;
	v26 =	vld [tilespmem:$0xC260]  }
0xe6: {  	v4 =	vadd.f32 v27, v4;
	[tilespmem:$0xC200] =	vst v1;
	v1 =	vadd.f32 v20, v12;
	v12 =	vld [tilespmem:$0xC270]  }
0xe7: {  	[tilespmem:$0xC210] =	vst v3;
	v3 =	vadd.f32 v21, v7;
	v7 =	vadd.f32 v62, v11;
	v11 =	vld [tilespmem:$0xC280]  }
0xe8: {  	v16 =	vadd.f32 v17, v16;
	[tilespmem:$0xC220] =	vst v4;
	v4 =	vmul.f32 v23, v25;
	v1 =	vadd.f32 v15, v1;
	v15 =	vld [tilespmem:$0xC290]  }
0xe9: {  	[tilespmem:$0xC230] =	vst v7;
	v7 =	vadd.f32 v31, v9;
	v9 =	vmul.f32 v18, v25;
	v3 =	vadd.f32 v63, v3;
	v18 =	vld [tilespmem:$0xC2A0]  }
0xea: {  	v4 =	vadd.f32 v4, v10;
	v10 =	vmul.f32 v24, v25;
	[tilespmem:$0xC240] =	vst v1;
	v1 =	vadd.f32 v26, v16;
	v16 =	vld [tilespmem:$0xC2B0]  }
0xeb: {  	v9 =	vadd.f32 v9, v13;
	v13 =	vmul.f32 v22, v25;
	[tilespmem:$0xC250] =	vst v3;
	v3 =	vadd.f32 v12, v7;
	v7 =	vld [tilespmem:$0xC2C0]  }
0xec: {  	v10 =	vadd.f32 v10, v14;
	v12 =	vmul.f32 v20, v25;
	[tilespmem:$0xC260] =	vst v1;
	v1 =	vadd.f32 v11, v4;
	v4 =	vld [tilespmem:$0xC2D0]  }
0xed: {  	v6 =	vadd.f32 v13, v6;
	v11 =	vmul.f32 v21, v25;
	[tilespmem:$0xC270] =	vst v3;
	v3 =	vadd.f32 v15, v9;
	v9 =	vld [tilespmem:$0xC2E0]  }
0xee: {  	v8 =	vadd.f32 v12, v8;
	v12 =	vmul.f32 v17, v25;
	[tilespmem:$0xC280] =	vst v1;
	v1 =	vadd.f32 v18, v10;
	v10 =	vld [tilespmem:$0xC2F0]  }
0xef: {  	v13 =	vmul.f32 v31, v25;
	v11 =	vadd.f32 v11, v19;
	[tilespmem:$0xC290] =	vst v3;
	v3 =	vadd.f32 v16, v6  }
0xf0: {  	s25 =	sadd.s32 $0x0, s15;
	v5 =	vadd.f32 v12, v5;
	[tilespmem:$0xC2A0] =	vst v1;
	v1 =	vadd.f32 v7, v8  }
0xf1: {  	v2 =	vadd.f32 v13, v2;
	[tilespmem:$0xC2B0] =	vst v3;
	v3 =	vadd.f32 v4, v11;
	v4 =	vmov s25  }
0xf2: {  	s26 =	simm.s32 $0x0;
	[tilespmem:$0xC2C0] =	vst v1;
	v1 =	vadd.f32 v9, v5  }
0xf3: {  	s17 =	smul.u32 $0x6000, s26;
	[tilespmem:$0xC2D0] =	vst v3;
	v2 =	vadd.f32 v10, v2  }
0xf4: {  	s28 =	simm.s32 $0x0;
	[tilespmem:$0xC2E0] =	vst v1  }
0xf5: {  	s18 =	sand.u32 $0x380, s28;
	s17 =	sshra.s32 s17, $0x2;
	[tilespmem:$0xC2F0] =	vst v2  }
0xf6: {  	s18 =	sor.u32 s18, s17;
	v15 =	vld.idx.msk [tilespmem:v4+s11+$0x0], $0xffff  }
0xf7: {  	v1 =	vld [tilespmem:s18+$0x870]  }
0xf8: {  	v2 =	vld [tilespmem:s18+$0x800]  }
0xf9: {  	v4 =	vld [tilespmem:s18+$0x810]  }
0xfa: {  	s29 =	sadd.s32 $0x1, s15;
	v5 =	vld [tilespmem:s18+$0x820]  }
0xfb: {  	v6 =	vmov s29;
	v7 =	vld [tilespmem:s18+$0x830]  }
0xfc: {  	s30 =	simm.s32 $0x0;
	v19 =	vimm.f32 $0.0e+00;
	v8 =	vimm.f32 $0.0e+00;
	v17 =	vld [tilespmem:s18+$0x840]  }
0xfd: {  	s31 =	smul.u32 $0x6000, s30;
	v18 =	vld [tilespmem:s18+$0x850];
	v10 =	vmul.f32 v1, v15;
	v9 =	vadd.f32 v1, v8;
	v1 =	vadd.f32 v2, v8  }
0xfe: {  	s17 =	simm.s32 $0x80;
	v11 =	vmul.f32 v2, v15;
	v3 =	vadd.f32 v4, v8;
	v12 =	vmul.f32 v4, v15  }
0xff: {  	s19 =	sshra.s32 s31, $0x2;
	s20 =	sand.u32 $0x380, s17;
	v16 =	vld [tilespmem:s18+$0x860];
	v4 =	vadd.f32 v5, v8;
	v14 =	vmul.f32 v5, v15;
	v2 =	vadd.f32 v10, v8  }
0x100: {  	s18 =	sor.u32 s20, s19;
	v5 =	vld.idx.msk [tilespmem:v6+s11+$0x0], $0xffff;
	v6 =	vmul.f32 v7, v15;
	v10 =	vadd.f32 v11, v8;
	v13 =	vadd.f32 v12, v8  }
0x101: {  	v20 =	vld [tilespmem:s18+$0x870];
	v23 =	vmul.f32 v17, v15;
	v11 =	vadd.f32 v7, v8;
	v14 =	vadd.f32 v14, v8  }
0x102: {  	v21 =	vld [tilespmem:s18+$0x800];
	v24 =	vmul.f32 v18, v15;
	v12 =	vadd.f32 v17, v8;
	v6 =	vadd.f32 v6, v8  }
0x103: {  	s21 =	sadd.s32 $0x2, s15;
	s19 =	simm.s32 $0x2;
	s20 =	simm.s32 $0x3;
	v22 =	vld [tilespmem:s18+$0x810];
	v7 =	vadd.f32 v18, v8;
	v18 =	vimm.f32 $0.0e+00;
	v17 =	vimm.f32 $0.0e+00  }
.LBB2_7:
0x104: {  	p0 =	sne.s32 s20, $0x3F;
	v25 =	vmov s21;
	v26 =	vld [tilespmem:s18+$0x820];
	v8 =	vadd.f32 v23, v8;
	v27 =	vmul.f32 v16, v15  }
0x105: {  	s21 =	sshrl.u32 s19, $0x3;
	v18 =	vadd.f32 v16, v18;
	s19 =	smov.u32 s20;
	v23 =	vld [tilespmem:s18+$0x830];
	v19 =	vadd.f32 v24, v19  }
0x106: {  	s21 =	smul.u32 $0x6000, s21;
	v15 =	vmovc v5;
	v24 =	vld [tilespmem:s18+$0x840];
	v9 =	vadd.f32 v20, v9;
	v20 =	vmul.f32 v20, v5;
	v17 =	vadd.f32 v27, v17  }
0x107: {  	s17 =	sadd.s32 $0x80, s17;
	v1 =	vadd.f32 v21, v1;
	v21 =	vmul.f32 v21, v15;
	v27 =	vld [tilespmem:s18+$0x850]  }
.Ltmp2:
0x108: {  	s22 =	sand.u32 $0x380, s17;
	s21 =	sshra.s32 s21, $0x2;
	v3 =	vadd.f32 v22, v3;
	v22 =	vmul.f32 v22, v15;
	v16 =	vld [tilespmem:s18+$0x860];
	v2 =	vadd.f32 v20, v2;
	(pc) =	sbr.rel @p0 .LBB2_7-.Ltmp2, $4  }
0x109: {  	s18 =	sor.u32 s22, s21;
	v5 =	vld.idx.msk [tilespmem:v25+s11+$0x0], $0xffff;
	v10 =	vadd.f32 v21, v10;
	v4 =	vadd.f32 v26, v4;
	v25 =	vmul.f32 v26, v15  }
0x10a: {  	v20 =	vld [tilespmem:s18+$0x870];
	v13 =	vadd.f32 v22, v13;
	v11 =	vadd.f32 v23, v11;
	v26 =	vmul.f32 v23, v15  }
0x10b: {  	v21 =	vld [tilespmem:s18+$0x800];
	v14 =	vadd.f32 v25, v14;
	v12 =	vadd.f32 v24, v12;
	v23 =	vmul.f32 v24, v15  }
0x10c: {  	s20 =	sadd.s32 $0x1, s20;
	s21 =	sadd.s32 s19, s15;
	v22 =	vld [tilespmem:s18+$0x810];
	v6 =	vadd.f32 v26, v6;
	v7 =	vadd.f32 v27, v7;
	v24 =	vmul.f32 v27, v15  }
0x10d: {  	v26 =	vld [tilespmem:s18+$0x820]  }
0x10e: {  	v27 =	vld [tilespmem:s18+$0x830]  }
0x10f: {  	v28 =	vld [tilespmem:s18+$0x840]  }
0x110: {  	v25 =	vmov s21;
	v29 =	vld [tilespmem:s18+$0x850]  }
0x111: {  	s19 =	sshrl.u32 s19, $0x3;
	v30 =	vld [tilespmem:s18+$0x860]  }
0x112: {  	v32 =	vld [tilespmem:$0xC300];
	s19 =	smul.u32 $0x6000, s19  }
0x113: {  	s17 =	sadd.s32 $0x80, s17;
	v62 =	vld [tilespmem:$0xC330]  }
0x114: {  	v63 =	vld [tilespmem:$0xC350];
	s17 =	sand.u32 $0x380, s17;
	s19 =	sshra.s32 s19, $0x2  }
0x115: {  	v8 =	vadd.f32 v23, v8;
	v15 =	vmul.f32 v16, v15;
	v16 =	vadd.f32 v16, v18;
	s17 =	sor.u32 s17, s19;
	v25 =	vld.idx.msk [tilespmem:v25+s11+$0x0], $0xffff  }
0x116: {  	v19 =	vadd.f32 v24, v19;
	v9 =	vadd.f32 v20, v9;
	v20 =	vmul.f32 v20, v5;
	v23 =	vld [tilespmem:s17+$0x800]  }
0x117: {  	v15 =	vadd.f32 v15, v17;
	v17 =	vmul.f32 v21, v5;
	v1 =	vadd.f32 v21, v1;
	v18 =	vld [tilespmem:s17+$0x810]  }
0x118: {  	v3 =	vadd.f32 v22, v3;
	v21 =	vmul.f32 v22, v5;
	v2 =	vadd.f32 v20, v2;
	v24 =	vld [tilespmem:s17+$0x820]  }
0x119: {  	v22 =	vld [tilespmem:s17+$0x830];
	v10 =	vadd.f32 v17, v10;
	v17 =	vmul.f32 v26, v5;
	v4 =	vadd.f32 v26, v4  }
0x11a: {  	v20 =	vld [tilespmem:s17+$0x840];
	v11 =	vadd.f32 v27, v11;
	v26 =	vmul.f32 v27, v5;
	v12 =	vadd.f32 v28, v12  }
0x11b: {  	v27 =	vmul.f32 v28, v5;
	v7 =	vadd.f32 v29, v7;
	v13 =	vadd.f32 v21, v13;
	v21 =	vld [tilespmem:s17+$0x850]  }
0x11c: {  	v61 =	vmul.f32 v29, v5;
	v16 =	vadd.f32 v30, v16;
	v6 =	vadd.f32 v26, v6;
	v26 =	vld [tilespmem:$0xC310]  }
0x11d: {  	v5 =	vmul.f32 v30, v5;
	v14 =	vadd.f32 v17, v14;
	v8 =	vadd.f32 v27, v8;
	v27 =	vld [tilespmem:$0xC320]  }
0x11e: {  	v17 =	vld [tilespmem:s17+$0x860];
	v19 =	vadd.f32 v61, v19;
	v1 =	vadd.f32 v23, v1  }
0x11f: {  	v5 =	vadd.f32 v5, v15;
	v15 =	vld [tilespmem:$0xC340];
	v3 =	vadd.f32 v18, v3  }
0x120: {  	v31 =	vld [tilespmem:s17+$0x870];
	v4 =	vadd.f32 v24, v4;
	v1 =	vadd.f32 v32, v1  }
0x121: {  	v11 =	vadd.f32 v22, v11;
	v3 =	vadd.f32 v26, v3;
	v26 =	vld [tilespmem:$0xC360]  }
0x122: {  	v4 =	vadd.f32 v27, v4;
	[tilespmem:$0xC300] =	vst v1;
	v1 =	vadd.f32 v20, v12;
	v12 =	vld [tilespmem:$0xC370]  }
0x123: {  	[tilespmem:$0xC310] =	vst v3;
	v3 =	vadd.f32 v21, v7;
	v7 =	vadd.f32 v62, v11;
	v11 =	vld [tilespmem:$0xC380]  }
0x124: {  	v16 =	vadd.f32 v17, v16;
	[tilespmem:$0xC320] =	vst v4;
	v4 =	vmul.f32 v23, v25;
	v1 =	vadd.f32 v15, v1;
	v15 =	vld [tilespmem:$0xC390]  }
0x125: {  	[tilespmem:$0xC330] =	vst v7;
	v7 =	vadd.f32 v31, v9;
	v9 =	vmul.f32 v18, v25;
	v3 =	vadd.f32 v63, v3;
	v18 =	vld [tilespmem:$0xC3A0]  }
0x126: {  	v4 =	vadd.f32 v4, v10;
	v10 =	vmul.f32 v24, v25;
	[tilespmem:$0xC340] =	vst v1;
	v1 =	vadd.f32 v26, v16;
	v16 =	vld [tilespmem:$0xC3B0]  }
0x127: {  	v9 =	vadd.f32 v9, v13;
	v13 =	vmul.f32 v22, v25;
	[tilespmem:$0xC350] =	vst v3;
	v3 =	vadd.f32 v12, v7;
	v7 =	vld [tilespmem:$0xC3C0]  }
0x128: {  	v10 =	vadd.f32 v10, v14;
	v12 =	vmul.f32 v20, v25;
	[tilespmem:$0xC360] =	vst v1;
	v1 =	vadd.f32 v11, v4;
	v4 =	vld [tilespmem:$0xC3D0]  }
0x129: {  	v6 =	vadd.f32 v13, v6;
	v11 =	vmul.f32 v21, v25;
	[tilespmem:$0xC370] =	vst v3;
	v3 =	vadd.f32 v15, v9;
	v9 =	vld [tilespmem:$0xC3E0]  }
0x12a: {  	v8 =	vadd.f32 v12, v8;
	v12 =	vmul.f32 v17, v25;
	[tilespmem:$0xC380] =	vst v1;
	v1 =	vadd.f32 v18, v10;
	v10 =	vld [tilespmem:$0xC3F0]  }
0x12b: {  	v13 =	vmul.f32 v31, v25;
	v11 =	vadd.f32 v11, v19;
	[tilespmem:$0xC390] =	vst v3;
	v3 =	vadd.f32 v16, v6  }
0x12c: {  	s25 =	sadd.s32 $0x0, s15;
	v5 =	vadd.f32 v12, v5;
	[tilespmem:$0xC3A0] =	vst v1;
	v1 =	vadd.f32 v7, v8  }
0x12d: {  	v2 =	vadd.f32 v13, v2;
	[tilespmem:$0xC3B0] =	vst v3;
	v3 =	vadd.f32 v4, v11;
	v4 =	vmov s25  }
0x12e: {  	s26 =	simm.s32 $0x0;
	[tilespmem:$0xC3C0] =	vst v1;
	v1 =	vadd.f32 v9, v5  }
0x12f: {  	s17 =	smul.u32 $0x6000, s26;
	[tilespmem:$0xC3D0] =	vst v3;
	v2 =	vadd.f32 v10, v2  }
0x130: {  	s28 =	simm.s32 $0x0;
	[tilespmem:$0xC3E0] =	vst v1  }
0x131: {  	s18 =	sand.u32 $0x380, s28;
	s17 =	sshra.s32 s17, $0x2;
	[tilespmem:$0xC3F0] =	vst v2  }
0x132: {  	s18 =	sor.u32 s18, s17;
	v15 =	vld.idx.msk [tilespmem:v4+s11+$0x0], $0xffff  }
0x133: {  	v1 =	vld [tilespmem:s18+$0xC70]  }
0x134: {  	v2 =	vld [tilespmem:s18+$0xC00]  }
0x135: {  	v4 =	vld [tilespmem:s18+$0xC10]  }
0x136: {  	s29 =	sadd.s32 $0x1, s15;
	v5 =	vld [tilespmem:s18+$0xC20]  }
0x137: {  	v6 =	vmov s29;
	v7 =	vld [tilespmem:s18+$0xC30]  }
0x138: {  	s30 =	simm.s32 $0x0;
	v19 =	vimm.f32 $0.0e+00;
	v8 =	vimm.f32 $0.0e+00;
	v17 =	vld [tilespmem:s18+$0xC40]  }
0x139: {  	s31 =	smul.u32 $0x6000, s30;
	v18 =	vld [tilespmem:s18+$0xC50];
	v10 =	vmul.f32 v1, v15;
	v9 =	vadd.f32 v1, v8;
	v1 =	vadd.f32 v2, v8  }
0x13a: {  	s17 =	simm.s32 $0x80;
	v11 =	vmul.f32 v2, v15;
	v3 =	vadd.f32 v4, v8;
	v12 =	vmul.f32 v4, v15  }
0x13b: {  	s19 =	sshra.s32 s31, $0x2;
	s20 =	sand.u32 $0x380, s17;
	v16 =	vld [tilespmem:s18+$0xC60];
	v4 =	vadd.f32 v5, v8;
	v14 =	vmul.f32 v5, v15;
	v2 =	vadd.f32 v10, v8  }
0x13c: {  	s18 =	sor.u32 s20, s19;
	v5 =	vld.idx.msk [tilespmem:v6+s11+$0x0], $0xffff;
	v6 =	vmul.f32 v7, v15;
	v10 =	vadd.f32 v11, v8;
	v13 =	vadd.f32 v12, v8  }
0x13d: {  	v20 =	vld [tilespmem:s18+$0xC70];
	v23 =	vmul.f32 v17, v15;
	v11 =	vadd.f32 v7, v8;
	v14 =	vadd.f32 v14, v8  }
0x13e: {  	v21 =	vld [tilespmem:s18+$0xC00];
	v24 =	vmul.f32 v18, v15;
	v12 =	vadd.f32 v17, v8;
	v6 =	vadd.f32 v6, v8  }
0x13f: {  	s21 =	sadd.s32 $0x2, s15;
	s19 =	simm.s32 $0x2;
	s20 =	simm.s32 $0x3;
	v22 =	vld [tilespmem:s18+$0xC10];
	v7 =	vadd.f32 v18, v8;
	v18 =	vimm.f32 $0.0e+00;
	v17 =	vimm.f32 $0.0e+00  }
.LBB2_9:
0x140: {  	p0 =	sne.s32 s20, $0x3F;
	v25 =	vmov s21;
	v26 =	vld [tilespmem:s18+$0xC20];
	v8 =	vadd.f32 v23, v8;
	v27 =	vmul.f32 v16, v15  }
0x141: {  	s21 =	sshrl.u32 s19, $0x3;
	v18 =	vadd.f32 v16, v18;
	s19 =	smov.u32 s20;
	v23 =	vld [tilespmem:s18+$0xC30];
	v19 =	vadd.f32 v24, v19  }
0x142: {  	s21 =	smul.u32 $0x6000, s21;
	v15 =	vmovc v5;
	v24 =	vld [tilespmem:s18+$0xC40];
	v9 =	vadd.f32 v20, v9;
	v20 =	vmul.f32 v20, v5;
	v17 =	vadd.f32 v27, v17  }
0x143: {  	s17 =	sadd.s32 $0x80, s17;
	v1 =	vadd.f32 v21, v1;
	v21 =	vmul.f32 v21, v15;
	v27 =	vld [tilespmem:s18+$0xC50]  }
.Ltmp3:
0x144: {  	s22 =	sand.u32 $0x380, s17;
	s21 =	sshra.s32 s21, $0x2;
	v3 =	vadd.f32 v22, v3;
	v22 =	vmul.f32 v22, v15;
	v16 =	vld [tilespmem:s18+$0xC60];
	v2 =	vadd.f32 v20, v2;
	(pc) =	sbr.rel @p0 .LBB2_9-.Ltmp3, $4  }
0x145: {  	s18 =	sor.u32 s22, s21;
	v5 =	vld.idx.msk [tilespmem:v25+s11+$0x0], $0xffff;
	v10 =	vadd.f32 v21, v10;
	v4 =	vadd.f32 v26, v4;
	v25 =	vmul.f32 v26, v15  }
0x146: {  	v20 =	vld [tilespmem:s18+$0xC70];
	v13 =	vadd.f32 v22, v13;
	v11 =	vadd.f32 v23, v11;
	v26 =	vmul.f32 v23, v15  }
0x147: {  	v21 =	vld [tilespmem:s18+$0xC00];
	v14 =	vadd.f32 v25, v14;
	v12 =	vadd.f32 v24, v12;
	v23 =	vmul.f32 v24, v15  }
0x148: {  	s20 =	sadd.s32 $0x1, s20;
	s21 =	sadd.s32 s19, s15;
	v22 =	vld [tilespmem:s18+$0xC10];
	v6 =	vadd.f32 v26, v6;
	v7 =	vadd.f32 v27, v7;
	v24 =	vmul.f32 v27, v15  }
0x149: {  	v26 =	vld [tilespmem:s18+$0xC20]  }
0x14a: {  	v27 =	vld [tilespmem:s18+$0xC30]  }
0x14b: {  	v28 =	vld [tilespmem:s18+$0xC40]  }
0x14c: {  	v25 =	vmov s21;
	v29 =	vld [tilespmem:s18+$0xC50]  }
0x14d: {  	s19 =	sshrl.u32 s19, $0x3;
	v30 =	vld [tilespmem:s18+$0xC60]  }
0x14e: {  	v32 =	vld [tilespmem:$0xC400];
	s19 =	smul.u32 $0x6000, s19  }
0x14f: {  	s17 =	sadd.s32 $0x80, s17;
	v62 =	vld [tilespmem:$0xC430]  }
0x150: {  	v63 =	vld [tilespmem:$0xC450];
	s17 =	sand.u32 $0x380, s17;
	s19 =	sshra.s32 s19, $0x2  }
0x151: {  	v8 =	vadd.f32 v23, v8;
	v15 =	vmul.f32 v16, v15;
	v16 =	vadd.f32 v16, v18;
	s17 =	sor.u32 s17, s19;
	v25 =	vld.idx.msk [tilespmem:v25+s11+$0x0], $0xffff  }
0x152: {  	v19 =	vadd.f32 v24, v19;
	v9 =	vadd.f32 v20, v9;
	v20 =	vmul.f32 v20, v5;
	v23 =	vld [tilespmem:s17+$0xC00]  }
0x153: {  	v15 =	vadd.f32 v15, v17;
	v17 =	vmul.f32 v21, v5;
	v1 =	vadd.f32 v21, v1;
	v18 =	vld [tilespmem:s17+$0xC10]  }
0x154: {  	v3 =	vadd.f32 v22, v3;
	v21 =	vmul.f32 v22, v5;
	v2 =	vadd.f32 v20, v2;
	v24 =	vld [tilespmem:s17+$0xC20]  }
0x155: {  	v22 =	vld [tilespmem:s17+$0xC30];
	v10 =	vadd.f32 v17, v10;
	v17 =	vmul.f32 v26, v5;
	v4 =	vadd.f32 v26, v4  }
0x156: {  	v20 =	vld [tilespmem:s17+$0xC40];
	v11 =	vadd.f32 v27, v11;
	v26 =	vmul.f32 v27, v5;
	v12 =	vadd.f32 v28, v12  }
0x157: {  	v27 =	vmul.f32 v28, v5;
	v7 =	vadd.f32 v29, v7;
	v13 =	vadd.f32 v21, v13;
	v21 =	vld [tilespmem:s17+$0xC50]  }
0x158: {  	v61 =	vmul.f32 v29, v5;
	v16 =	vadd.f32 v30, v16;
	v6 =	vadd.f32 v26, v6;
	v26 =	vld [tilespmem:$0xC410]  }
0x159: {  	v5 =	vmul.f32 v30, v5;
	v14 =	vadd.f32 v17, v14;
	v8 =	vadd.f32 v27, v8;
	v27 =	vld [tilespmem:$0xC420]  }
0x15a: {  	v17 =	vld [tilespmem:s17+$0xC60];
	v19 =	vadd.f32 v61, v19;
	v1 =	vadd.f32 v23, v1  }
0x15b: {  	v5 =	vadd.f32 v5, v15;
	v15 =	vld [tilespmem:$0xC440];
	v3 =	vadd.f32 v18, v3  }
0x15c: {  	v31 =	vld [tilespmem:s17+$0xC70];
	v4 =	vadd.f32 v24, v4;
	v1 =	vadd.f32 v32, v1  }
0x15d: {  	v11 =	vadd.f32 v22, v11;
	v3 =	vadd.f32 v26, v3;
	v26 =	vld [tilespmem:$0xC460]  }
0x15e: {  	v4 =	vadd.f32 v27, v4;
	[tilespmem:$0xC400] =	vst v1;
	v1 =	vadd.f32 v20, v12;
	v12 =	vld [tilespmem:$0xC470]  }
0x15f: {  	[tilespmem:$0xC410] =	vst v3;
	v3 =	vadd.f32 v21, v7;
	v7 =	vadd.f32 v62, v11;
	v11 =	vld [tilespmem:$0xC480]  }
0x160: {  	v16 =	vadd.f32 v17, v16;
	[tilespmem:$0xC420] =	vst v4;
	v4 =	vmul.f32 v23, v25;
	v1 =	vadd.f32 v15, v1;
	v15 =	vld [tilespmem:$0xC490]  }
0x161: {  	[tilespmem:$0xC430] =	vst v7;
	v7 =	vadd.f32 v31, v9;
	v9 =	vmul.f32 v18, v25;
	v3 =	vadd.f32 v63, v3;
	v18 =	vld [tilespmem:$0xC4A0]  }
0x162: {  	v4 =	vadd.f32 v4, v10;
	v10 =	vmul.f32 v24, v25;
	[tilespmem:$0xC440] =	vst v1;
	v1 =	vadd.f32 v26, v16;
	v16 =	vld [tilespmem:$0xC4B0]  }
0x163: {  	v9 =	vadd.f32 v9, v13;
	v13 =	vmul.f32 v22, v25;
	[tilespmem:$0xC450] =	vst v3;
	v3 =	vadd.f32 v12, v7;
	v7 =	vld [tilespmem:$0xC4C0]  }
0x164: {  	v10 =	vadd.f32 v10, v14;
	v12 =	vmul.f32 v20, v25;
	[tilespmem:$0xC460] =	vst v1;
	v1 =	vadd.f32 v11, v4;
	v4 =	vld [tilespmem:$0xC4D0]  }
0x165: {  	v6 =	vadd.f32 v13, v6;
	v11 =	vmul.f32 v21, v25;
	[tilespmem:$0xC470] =	vst v3;
	v3 =	vadd.f32 v15, v9;
	v9 =	vld [tilespmem:$0xC4E0]  }
0x166: {  	v8 =	vadd.f32 v12, v8;
	v12 =	vmul.f32 v17, v25;
	[tilespmem:$0xC480] =	vst v1;
	v1 =	vadd.f32 v18, v10;
	v10 =	vld [tilespmem:$0xC4F0]  }
0x167: {  	v13 =	vmul.f32 v31, v25;
	v11 =	vadd.f32 v11, v19;
	[tilespmem:$0xC490] =	vst v3;
	v3 =	vadd.f32 v16, v6  }
0x168: {  	s25 =	sadd.s32 $0x0, s15;
	v5 =	vadd.f32 v12, v5;
	[tilespmem:$0xC4A0] =	vst v1;
	v1 =	vadd.f32 v7, v8  }
0x169: {  	v2 =	vadd.f32 v13, v2;
	[tilespmem:$0xC4B0] =	vst v3;
	v3 =	vadd.f32 v4, v11;
	v4 =	vmov s25  }
0x16a: {  	s26 =	simm.s32 $0x0;
	[tilespmem:$0xC4C0] =	vst v1;
	v1 =	vadd.f32 v9, v5  }
0x16b: {  	s17 =	smul.u32 $0x6000, s26;
	[tilespmem:$0xC4D0] =	vst v3;
	v2 =	vadd.f32 v10, v2  }
0x16c: {  	s28 =	simm.s32 $0x0;
	[tilespmem:$0xC4E0] =	vst v1  }
0x16d: {  	s18 =	sand.u32 $0x380, s28;
	s17 =	sshra.s32 s17, $0x2;
	[tilespmem:$0xC4F0] =	vst v2  }
0x16e: {  	s18 =	sor.u32 s18, s17;
	v15 =	vld.idx.msk [tilespmem:v4+s11+$0x0], $0xffff  }
0x16f: {  	v1 =	vld [tilespmem:s18+$0x1070]  }
0x170: {  	v2 =	vld [tilespmem:s18+$0x1000]  }
0x171: {  	v4 =	vld [tilespmem:s18+$0x1010]  }
0x172: {  	s29 =	sadd.s32 $0x1, s15;
	v5 =	vld [tilespmem:s18+$0x1020]  }
0x173: {  	v6 =	vmov s29;
	v7 =	vld [tilespmem:s18+$0x1030]  }
0x174: {  	s30 =	simm.s32 $0x0;
	v19 =	vimm.f32 $0.0e+00;
	v8 =	vimm.f32 $0.0e+00;
	v17 =	vld [tilespmem:s18+$0x1040]  }
0x175: {  	s31 =	smul.u32 $0x6000, s30;
	v18 =	vld [tilespmem:s18+$0x1050];
	v10 =	vmul.f32 v1, v15;
	v9 =	vadd.f32 v1, v8;
	v1 =	vadd.f32 v2, v8  }
0x176: {  	s17 =	simm.s32 $0x80;
	v11 =	vmul.f32 v2, v15;
	v3 =	vadd.f32 v4, v8;
	v12 =	vmul.f32 v4, v15  }
0x177: {  	s19 =	sshra.s32 s31, $0x2;
	s20 =	sand.u32 $0x380, s17;
	v16 =	vld [tilespmem:s18+$0x1060];
	v4 =	vadd.f32 v5, v8;
	v14 =	vmul.f32 v5, v15;
	v2 =	vadd.f32 v10, v8  }
0x178: {  	s18 =	sor.u32 s20, s19;
	v5 =	vld.idx.msk [tilespmem:v6+s11+$0x0], $0xffff;
	v6 =	vmul.f32 v7, v15;
	v10 =	vadd.f32 v11, v8;
	v13 =	vadd.f32 v12, v8  }
0x179: {  	v20 =	vld [tilespmem:s18+$0x1070];
	v23 =	vmul.f32 v17, v15;
	v11 =	vadd.f32 v7, v8;
	v14 =	vadd.f32 v14, v8  }
0x17a: {  	v21 =	vld [tilespmem:s18+$0x1000];
	v24 =	vmul.f32 v18, v15;
	v12 =	vadd.f32 v17, v8;
	v6 =	vadd.f32 v6, v8  }
0x17b: {  	s21 =	sadd.s32 $0x2, s15;
	s19 =	simm.s32 $0x2;
	s20 =	simm.s32 $0x3;
	v22 =	vld [tilespmem:s18+$0x1010];
	v7 =	vadd.f32 v18, v8;
	v18 =	vimm.f32 $0.0e+00;
	v17 =	vimm.f32 $0.0e+00  }
.LBB2_11:
0x17c: {  	p0 =	sne.s32 s20, $0x3F;
	v25 =	vmov s21;
	v26 =	vld [tilespmem:s18+$0x1020];
	v8 =	vadd.f32 v23, v8;
	v27 =	vmul.f32 v16, v15  }
0x17d: {  	s21 =	sshrl.u32 s19, $0x3;
	v18 =	vadd.f32 v16, v18;
	s19 =	smov.u32 s20;
	v23 =	vld [tilespmem:s18+$0x1030];
	v19 =	vadd.f32 v24, v19  }
0x17e: {  	s21 =	smul.u32 $0x6000, s21;
	v15 =	vmovc v5;
	v24 =	vld [tilespmem:s18+$0x1040];
	v9 =	vadd.f32 v20, v9;
	v20 =	vmul.f32 v20, v5;
	v17 =	vadd.f32 v27, v17  }
0x17f: {  	s17 =	sadd.s32 $0x80, s17;
	v1 =	vadd.f32 v21, v1;
	v21 =	vmul.f32 v21, v15;
	v27 =	vld [tilespmem:s18+$0x1050]  }
.Ltmp4:
0x180: {  	s22 =	sand.u32 $0x380, s17;
	s21 =	sshra.s32 s21, $0x2;
	v3 =	vadd.f32 v22, v3;
	v22 =	vmul.f32 v22, v15;
	v16 =	vld [tilespmem:s18+$0x1060];
	v2 =	vadd.f32 v20, v2;
	(pc) =	sbr.rel @p0 .LBB2_11-.Ltmp4, $4  }
0x181: {  	s18 =	sor.u32 s22, s21;
	v5 =	vld.idx.msk [tilespmem:v25+s11+$0x0], $0xffff;
	v10 =	vadd.f32 v21, v10;
	v4 =	vadd.f32 v26, v4;
	v25 =	vmul.f32 v26, v15  }
0x182: {  	v20 =	vld [tilespmem:s18+$0x1070];
	v13 =	vadd.f32 v22, v13;
	v11 =	vadd.f32 v23, v11;
	v26 =	vmul.f32 v23, v15  }
0x183: {  	v21 =	vld [tilespmem:s18+$0x1000];
	v14 =	vadd.f32 v25, v14;
	v12 =	vadd.f32 v24, v12;
	v23 =	vmul.f32 v24, v15  }
0x184: {  	s20 =	sadd.s32 $0x1, s20;
	s21 =	sadd.s32 s19, s15;
	v22 =	vld [tilespmem:s18+$0x1010];
	v6 =	vadd.f32 v26, v6;
	v7 =	vadd.f32 v27, v7;
	v24 =	vmul.f32 v27, v15  }
0x185: {  	v26 =	vld [tilespmem:s18+$0x1020]  }
0x186: {  	v27 =	vld [tilespmem:s18+$0x1030]  }
0x187: {  	v28 =	vld [tilespmem:s18+$0x1040]  }
0x188: {  	v25 =	vmov s21;
	v29 =	vld [tilespmem:s18+$0x1050]  }
0x189: {  	s19 =	sshrl.u32 s19, $0x3;
	v30 =	vld [tilespmem:s18+$0x1060]  }
0x18a: {  	v32 =	vld [tilespmem:$0xC500];
	s19 =	smul.u32 $0x6000, s19  }
0x18b: {  	s17 =	sadd.s32 $0x80, s17;
	v62 =	vld [tilespmem:$0xC530]  }
0x18c: {  	v63 =	vld [tilespmem:$0xC550];
	s17 =	sand.u32 $0x380, s17;
	s19 =	sshra.s32 s19, $0x2  }
0x18d: {  	v8 =	vadd.f32 v23, v8;
	v15 =	vmul.f32 v16, v15;
	v16 =	vadd.f32 v16, v18;
	s17 =	sor.u32 s17, s19;
	v25 =	vld.idx.msk [tilespmem:v25+s11+$0x0], $0xffff  }
0x18e: {  	v19 =	vadd.f32 v24, v19;
	v9 =	vadd.f32 v20, v9;
	v20 =	vmul.f32 v20, v5;
	v23 =	vld [tilespmem:s17+$0x1000]  }
0x18f: {  	v15 =	vadd.f32 v15, v17;
	v17 =	vmul.f32 v21, v5;
	v1 =	vadd.f32 v21, v1;
	v18 =	vld [tilespmem:s17+$0x1010]  }
0x190: {  	v3 =	vadd.f32 v22, v3;
	v21 =	vmul.f32 v22, v5;
	v2 =	vadd.f32 v20, v2;
	v24 =	vld [tilespmem:s17+$0x1020]  }
0x191: {  	v22 =	vld [tilespmem:s17+$0x1030];
	v10 =	vadd.f32 v17, v10;
	v17 =	vmul.f32 v26, v5;
	v4 =	vadd.f32 v26, v4  }
0x192: {  	v20 =	vld [tilespmem:s17+$0x1040];
	v11 =	vadd.f32 v27, v11;
	v26 =	vmul.f32 v27, v5;
	v12 =	vadd.f32 v28, v12  }
0x193: {  	v27 =	vmul.f32 v28, v5;
	v7 =	vadd.f32 v29, v7;
	v13 =	vadd.f32 v21, v13;
	v21 =	vld [tilespmem:s17+$0x1050]  }
0x194: {  	v61 =	vmul.f32 v29, v5;
	v16 =	vadd.f32 v30, v16;
	v6 =	vadd.f32 v26, v6;
	v26 =	vld [tilespmem:$0xC510]  }
0x195: {  	v5 =	vmul.f32 v30, v5;
	v14 =	vadd.f32 v17, v14;
	v8 =	vadd.f32 v27, v8;
	v27 =	vld [tilespmem:$0xC520]  }
0x196: {  	v17 =	vld [tilespmem:s17+$0x1060];
	v19 =	vadd.f32 v61, v19;
	v1 =	vadd.f32 v23, v1  }
0x197: {  	v5 =	vadd.f32 v5, v15;
	v15 =	vld [tilespmem:$0xC540];
	v3 =	vadd.f32 v18, v3  }
0x198: {  	v31 =	vld [tilespmem:s17+$0x1070];
	v4 =	vadd.f32 v24, v4;
	v1 =	vadd.f32 v32, v1  }
0x199: {  	v11 =	vadd.f32 v22, v11;
	v3 =	vadd.f32 v26, v3;
	v26 =	vld [tilespmem:$0xC560]  }
0x19a: {  	v4 =	vadd.f32 v27, v4;
	[tilespmem:$0xC500] =	vst v1;
	v1 =	vadd.f32 v20, v12;
	v12 =	vld [tilespmem:$0xC570]  }
0x19b: {  	[tilespmem:$0xC510] =	vst v3;
	v3 =	vadd.f32 v21, v7;
	v7 =	vadd.f32 v62, v11;
	v11 =	vld [tilespmem:$0xC580]  }
0x19c: {  	v16 =	vadd.f32 v17, v16;
	[tilespmem:$0xC520] =	vst v4;
	v4 =	vmul.f32 v23, v25;
	v1 =	vadd.f32 v15, v1;
	v15 =	vld [tilespmem:$0xC590]  }
0x19d: {  	[tilespmem:$0xC530] =	vst v7;
	v7 =	vadd.f32 v31, v9;
	v9 =	vmul.f32 v18, v25;
	v3 =	vadd.f32 v63, v3;
	v18 =	vld [tilespmem:$0xC5A0]  }
0x19e: {  	v4 =	vadd.f32 v4, v10;
	v10 =	vmul.f32 v24, v25;
	[tilespmem:$0xC540] =	vst v1;
	v1 =	vadd.f32 v26, v16;
	v16 =	vld [tilespmem:$0xC5B0]  }
0x19f: {  	v9 =	vadd.f32 v9, v13;
	v13 =	vmul.f32 v22, v25;
	[tilespmem:$0xC550] =	vst v3;
	v3 =	vadd.f32 v12, v7;
	v7 =	vld [tilespmem:$0xC5C0]  }
0x1a0: {  	v10 =	vadd.f32 v10, v14;
	v12 =	vmul.f32 v20, v25;
	[tilespmem:$0xC560] =	vst v1;
	v1 =	vadd.f32 v11, v4;
	v4 =	vld [tilespmem:$0xC5D0]  }
0x1a1: {  	v6 =	vadd.f32 v13, v6;
	v11 =	vmul.f32 v21, v25;
	[tilespmem:$0xC570] =	vst v3;
	v3 =	vadd.f32 v15, v9;
	v9 =	vld [tilespmem:$0xC5E0]  }
0x1a2: {  	v8 =	vadd.f32 v12, v8;
	v12 =	vmul.f32 v17, v25;
	[tilespmem:$0xC580] =	vst v1;
	v1 =	vadd.f32 v18, v10;
	v10 =	vld [tilespmem:$0xC5F0]  }
0x1a3: {  	v13 =	vmul.f32 v31, v25;
	v11 =	vadd.f32 v11, v19;
	[tilespmem:$0xC590] =	vst v3;
	v3 =	vadd.f32 v16, v6  }
0x1a4: {  	s25 =	sadd.s32 $0x0, s15;
	v5 =	vadd.f32 v12, v5;
	[tilespmem:$0xC5A0] =	vst v1;
	v1 =	vadd.f32 v7, v8  }
0x1a5: {  	v2 =	vadd.f32 v13, v2;
	[tilespmem:$0xC5B0] =	vst v3;
	v3 =	vadd.f32 v4, v11;
	v4 =	vmov s25  }
0x1a6: {  	s26 =	simm.s32 $0x0;
	[tilespmem:$0xC5C0] =	vst v1;
	v1 =	vadd.f32 v9, v5  }
0x1a7: {  	s17 =	smul.u32 $0x6000, s26;
	[tilespmem:$0xC5D0] =	vst v3;
	v2 =	vadd.f32 v10, v2  }
0x1a8: {  	s28 =	simm.s32 $0x0;
	[tilespmem:$0xC5E0] =	vst v1  }
0x1a9: {  	s18 =	sand.u32 $0x380, s28;
	s17 =	sshra.s32 s17, $0x2;
	[tilespmem:$0xC5F0] =	vst v2  }
0x1aa: {  	s18 =	sor.u32 s18, s17;
	v15 =	vld.idx.msk [tilespmem:v4+s11+$0x0], $0xffff  }
0x1ab: {  	v1 =	vld [tilespmem:s18+$0x1470]  }
0x1ac: {  	v2 =	vld [tilespmem:s18+$0x1400]  }
0x1ad: {  	v4 =	vld [tilespmem:s18+$0x1410]  }
0x1ae: {  	s29 =	sadd.s32 $0x1, s15;
	v5 =	vld [tilespmem:s18+$0x1420]  }
0x1af: {  	v6 =	vmov s29;
	v7 =	vld [tilespmem:s18+$0x1430]  }
0x1b0: {  	s30 =	simm.s32 $0x0;
	v19 =	vimm.f32 $0.0e+00;
	v8 =	vimm.f32 $0.0e+00;
	v17 =	vld [tilespmem:s18+$0x1440]  }
0x1b1: {  	s31 =	smul.u32 $0x6000, s30;
	v18 =	vld [tilespmem:s18+$0x1450];
	v10 =	vmul.f32 v1, v15;
	v9 =	vadd.f32 v1, v8;
	v1 =	vadd.f32 v2, v8  }
0x1b2: {  	s17 =	simm.s32 $0x80;
	v11 =	vmul.f32 v2, v15;
	v3 =	vadd.f32 v4, v8;
	v12 =	vmul.f32 v4, v15  }
0x1b3: {  	s19 =	sshra.s32 s31, $0x2;
	s20 =	sand.u32 $0x380, s17;
	v16 =	vld [tilespmem:s18+$0x1460];
	v4 =	vadd.f32 v5, v8;
	v14 =	vmul.f32 v5, v15;
	v2 =	vadd.f32 v10, v8  }
0x1b4: {  	s18 =	sor.u32 s20, s19;
	v5 =	vld.idx.msk [tilespmem:v6+s11+$0x0], $0xffff;
	v6 =	vmul.f32 v7, v15;
	v10 =	vadd.f32 v11, v8;
	v13 =	vadd.f32 v12, v8  }
0x1b5: {  	v20 =	vld [tilespmem:s18+$0x1470];
	v23 =	vmul.f32 v17, v15;
	v11 =	vadd.f32 v7, v8;
	v14 =	vadd.f32 v14, v8  }
0x1b6: {  	v21 =	vld [tilespmem:s18+$0x1400];
	v24 =	vmul.f32 v18, v15;
	v12 =	vadd.f32 v17, v8;
	v6 =	vadd.f32 v6, v8  }
0x1b7: {  	s21 =	sadd.s32 $0x2, s15;
	s19 =	simm.s32 $0x2;
	s20 =	simm.s32 $0x3;
	v22 =	vld [tilespmem:s18+$0x1410];
	v7 =	vadd.f32 v18, v8;
	v18 =	vimm.f32 $0.0e+00;
	v17 =	vimm.f32 $0.0e+00  }
.LBB2_13:
0x1b8: {  	p0 =	sne.s32 s20, $0x3F;
	v25 =	vmov s21;
	v26 =	vld [tilespmem:s18+$0x1420];
	v8 =	vadd.f32 v23, v8;
	v27 =	vmul.f32 v16, v15  }
0x1b9: {  	s21 =	sshrl.u32 s19, $0x3;
	v18 =	vadd.f32 v16, v18;
	s19 =	smov.u32 s20;
	v23 =	vld [tilespmem:s18+$0x1430];
	v19 =	vadd.f32 v24, v19  }
0x1ba: {  	s21 =	smul.u32 $0x6000, s21;
	v15 =	vmovc v5;
	v24 =	vld [tilespmem:s18+$0x1440];
	v9 =	vadd.f32 v20, v9;
	v20 =	vmul.f32 v20, v5;
	v17 =	vadd.f32 v27, v17  }
0x1bb: {  	s17 =	sadd.s32 $0x80, s17;
	v1 =	vadd.f32 v21, v1;
	v21 =	vmul.f32 v21, v15;
	v27 =	vld [tilespmem:s18+$0x1450]  }
.Ltmp5:
0x1bc: {  	s22 =	sand.u32 $0x380, s17;
	s21 =	sshra.s32 s21, $0x2;
	v3 =	vadd.f32 v22, v3;
	v22 =	vmul.f32 v22, v15;
	v16 =	vld [tilespmem:s18+$0x1460];
	v2 =	vadd.f32 v20, v2;
	(pc) =	sbr.rel @p0 .LBB2_13-.Ltmp5, $4  }
0x1bd: {  	s18 =	sor.u32 s22, s21;
	v5 =	vld.idx.msk [tilespmem:v25+s11+$0x0], $0xffff;
	v10 =	vadd.f32 v21, v10;
	v4 =	vadd.f32 v26, v4;
	v25 =	vmul.f32 v26, v15  }
0x1be: {  	v20 =	vld [tilespmem:s18+$0x1470];
	v13 =	vadd.f32 v22, v13;
	v11 =	vadd.f32 v23, v11;
	v26 =	vmul.f32 v23, v15  }
0x1bf: {  	v21 =	vld [tilespmem:s18+$0x1400];
	v14 =	vadd.f32 v25, v14;
	v12 =	vadd.f32 v24, v12;
	v23 =	vmul.f32 v24, v15  }
0x1c0: {  	s20 =	sadd.s32 $0x1, s20;
	s21 =	sadd.s32 s19, s15;
	v22 =	vld [tilespmem:s18+$0x1410];
	v6 =	vadd.f32 v26, v6;
	v7 =	vadd.f32 v27, v7;
	v24 =	vmul.f32 v27, v15  }
0x1c1: {  	v26 =	vld [tilespmem:s18+$0x1420]  }
0x1c2: {  	v27 =	vld [tilespmem:s18+$0x1430]  }
0x1c3: {  	v28 =	vld [tilespmem:s18+$0x1440]  }
0x1c4: {  	v29 =	vld [tilespmem:s18+$0x1450]  }
0x1c5: {  	v30 =	vld [tilespmem:s18+$0x1460]  }
0x1c6: {  	v25 =	vmov s21;
	v32 =	vld [tilespmem:$0xC600]  }
0x1c7: {  	s19 =	sshrl.u32 s19, $0x3;
	v38 =	vld [tilespmem:$0xC610]  }
0x1c8: {  	v8 =	vadd.f32 v23, v8;
	v15 =	vmul.f32 v16, v15;
	v52 =	vadd.f32 v16, v18;
	v40 =	vld [tilespmem:$0xC620];
	s19 =	smul.u32 $0x6000, s19  }
0x1c9: {  	s17 =	sadd.s32 $0x80, s17;
	v41 =	vld [tilespmem:$0xC630];
	v19 =	vadd.f32 v24, v19;
	v9 =	vadd.f32 v20, v9  }
0x1ca: {  	v42 =	vld [tilespmem:$0xC640];
	s17 =	sand.u32 $0x380, s17;
	v54 =	vmul.f32 v20, v5;
	v15 =	vadd.f32 v15, v17;
	s19 =	sshra.s32 s19, $0x2;
	v55 =	vmul.f32 v21, v5  }
0x1cb: {  	v1 =	vadd.f32 v21, v1;
	s17 =	sor.u32 s17, s19;
	v3 =	vadd.f32 v22, v3;
	v57 =	vmul.f32 v22, v5;
	v25 =	vld.idx.msk [tilespmem:v25+s11+$0x0], $0xffff  }
0x1cc: {  	v2 =	vadd.f32 v54, v2;
	v51 =	vld [tilespmem:s17+$0x1400];
	v10 =	vadd.f32 v55, v10;
	v59 =	vmul.f32 v26, v5  }
0x1cd: {  	v53 =	vld [tilespmem:s17+$0x1410];
	v4 =	vadd.f32 v26, v4;
	v11 =	vadd.f32 v27, v11;
	v62 =	vmul.f32 v27, v5  }
0x1ce: {  	v56 =	vld [tilespmem:s17+$0x1420];
	v12 =	vadd.f32 v28, v12;
	v36 =	vmul.f32 v28, v5;
	v7 =	vadd.f32 v29, v7  }
0x1cf: {  	v58 =	vld [tilespmem:s17+$0x1430];
	v37 =	vmul.f32 v29, v5;
	v16 =	vadd.f32 v30, v52;
	v13 =	vadd.f32 v57, v13  }
0x1d0: {  	v63 =	vld [tilespmem:s17+$0x1460];
	v39 =	vmul.f32 v30, v5;
	v14 =	vadd.f32 v59, v14;
	v6 =	vadd.f32 v62, v6  }
0x1d1: {  	v60 =	vld [tilespmem:s17+$0x1440];
	v8 =	vadd.f32 v36, v8;
	v19 =	vadd.f32 v37, v19  }
0x1d2: {  	v61 =	vld [tilespmem:s17+$0x1450];
	v5 =	vadd.f32 v39, v15;
	v1 =	vadd.f32 v51, v1  }
0x1d3: {  	v31 =	vld [tilespmem:s17+$0x1470];
	v3 =	vadd.f32 v53, v3;
	v4 =	vadd.f32 v56, v4  }
0x1d4: {  	v43 =	vld [tilespmem:$0xC650];
	v11 =	vadd.f32 v58, v11;
	v1 =	vadd.f32 v32, v1  }
0x1d5: {  	v44 =	vld [tilespmem:$0xC660];
	v16 =	vadd.f32 v63, v16;
	v3 =	vadd.f32 v38, v3  }
0x1d6: {  	v45 =	vld [tilespmem:$0xC670];
	v4 =	vadd.f32 v40, v4;
	[tilespmem:$0xC600] =	vst v1;
	v1 =	vadd.f32 v60, v12  }
0x1d7: {  	v62 =	vld [tilespmem:$0xC6F0];
	v59 =	vmul.f32 v61, v25;
	v46 =	vadd.f32 v41, v11;
	[tilespmem:$0xC610] =	vst v3;
	v3 =	vadd.f32 v61, v7  }
0x1d8: {  	v47 =	vld [tilespmem:$0xC680];
	[tilespmem:$0xC620] =	vst v4;
	v61 =	vmul.f32 v63, v25;
	v63 =	vmul.f32 v31, v25;
	v1 =	vadd.f32 v42, v1  }
0x1d9: {  	v49 =	vld [tilespmem:$0xC690];
	v48 =	vmul.f32 v51, v25;
	v50 =	vadd.f32 v31, v9;
	[tilespmem:$0xC630] =	vst v46;
	v3 =	vadd.f32 v43, v3  }
0x1da: {  	v52 =	vld [tilespmem:$0xC6A0];
	v51 =	vmul.f32 v53, v25;
	v2 =	vadd.f32 v63, v2;
	[tilespmem:$0xC640] =	vst v1;
	v1 =	vadd.f32 v44, v16  }
0x1db: {  	v54 =	vld [tilespmem:$0xC6B0];
	v53 =	vmul.f32 v56, v25;
	v4 =	vadd.f32 v48, v10;
	[tilespmem:$0xC650] =	vst v3;
	v3 =	vadd.f32 v45, v50  }
0x1dc: {  	v55 =	vmul.f32 v58, v25;
	v56 =	vld [tilespmem:$0xC6C0];
	v9 =	vadd.f32 v51, v13;
	v2 =	vadd.f32 v62, v2;
	[tilespmem:$0xC660] =	vst v1  }
0x1dd: {  	v57 =	vmul.f32 v60, v25;
	v58 =	vld [tilespmem:$0xC6D0];
	v10 =	vadd.f32 v53, v14;
	v1 =	vadd.f32 v47, v4;
	[tilespmem:$0xC670] =	vst v3  }
0x1de: {  	v6 =	vadd.f32 v55, v6;
	v60 =	vld [tilespmem:$0xC6E0];
	v3 =	vadd.f32 v49, v9;
	[tilespmem:$0xC6F0] =	vst v2  }
0x1df: {  	s16 =	sadd.s32 $0x1, s16;
	v8 =	vadd.f32 v57, v8;
	[tilespmem:$0xC680] =	vst v1;
	v1 =	vadd.f32 v52, v10  }
0x1e0: {  	p0 =	sne.s32 s16, $0x4;
	v11 =	vadd.f32 v59, v19;
	[tilespmem:$0xC690] =	vst v3;
	v3 =	vadd.f32 v54, v6  }
.Ltmp6:
0x1e1: {  	v5 =	vadd.f32 v61, v5;
	[tilespmem:$0xC6A0] =	vst v1;
	v1 =	vadd.f32 v56, v8;
	(pc) =	sbr.rel @p0 .LBB2_2-.Ltmp6, $4  }
0x1e2: {  	[tilespmem:$0xC6B0] =	vst v3;
	v3 =	vadd.f32 v58, v11  }
0x1e3: {  	[tilespmem:$0xC6C0] =	vst v1;
	v1 =	vadd.f32 v60, v5  }
0x1e4: {  	[tilespmem:$0xC6D0] =	vst v3  }
0x1e5: {  	s15 =	sadd.s32 $0x40, s15;
	[tilespmem:$0xC6E0] =	vst v1  }
0x1e6: {  	s14 =	sadd.s32 $0x1, s14  }
0x1e7: {  	p0 =	sne.s32 s14, s8  }
.Ltmp7:
0x1e8: {  	_ = 	snop;
	(pc) =	sbr.rel @p0 .LBB2_1-.Ltmp7, $4  }
0x1e9: {  	[hbm4b:s7+s3] =	stream.linear.scatter [tilespmem:s13], [sflag:$0x1], $0x600, $0x38;
	[tilespmem:$0xC700] =	vst v63  }
0x1ea: {  	_ =	swait.ge [sflag:s12], $0x600  }
0x1eb: {  	[sflag:s12] =	ssyncset.done $0x0  }
0x1ec: {  	[sflag:s12] =	ssyncadd.s32 $0xFFFFFA00  }
0x1ed: {  	_ =	sfence.sel $0x180000  }
0x1ee: {  	[bflag:$0x0] =	sbarrier.arrive $0xFFFF  }
0x1ef: {  	p0 =	sne.s32 s1, $0x0;
	_ =	strace $0x90000047  }
0x1f0: {  	s0 =	sadd.s32 @!p0 $0x100000, s0;
	[bflag:$0x2] =	sbarrier.arrive $0xFFFF  }
0x1f1: {  	[sflag:s0] =	ssyncadd.tile.s32 @!p0 $0x1;
	_ =	shalt  }
.Lfunc_end2:
_tile_overlayer_lowered:
.L_overlay_start_2:
0x1f2: {  	(tag) =	ssettag $0x2  }
0x1f3: {  	s0 =	rddreg [dreg:$0x0];
	s2 =	stileid.u32  }
0x1f4: {  	s1 =	rddreg [dreg:$0x1];
	p0 =	sne.s32 s2, $0x0  }
0x1f5: {  	s3 =	rddreg [dreg:$0x2];
	[bflag:$0x3] =	sbarrier.arrive $0xFFFF;
	s2 =	simm.s32 @!p0 $0x1C01  }
0x1f6: {  	[timem:s3], [sflag:s2] =	dma.local @!p0 [hbm:s0], s1  }
0x1f7: {  	s0 =	simm.s32 @!p0 $0x1  }
0x1f8: {  	_ =	swait.ge @!p0 [sflag:s0], s1  }
0x1f9: {  	s1 =	ssub.s32 @!p0 $0x0, s1;
	[sflag:s0] =	ssyncset.done @!p0 $0x0  }
0x1fa: {  	[sflag:s0] =	ssyncadd.s32 @!p0 s1  }
0x1fb: {  	[bflag:$0x3] =	sbarrier.arrive $0xFFFF  }
0x1fc: {  	_ =	shalt  }

</sc_bundles>
